<compile_context>
chip_gen: v7x
topology: tpu7x:2x2x1
jax: 0.10.2.dev20260603
libtpu: 0.0.44.dev20260713+nightly
codegen_flags: <defaults>
</compile_context>

<pallas_src>
import functools
import jax
import jax.numpy as jnp
from jax import lax
from jax.experimental import pallas as pl
from jax.experimental.pallas import tpu as pltpu
from jax.experimental.pallas import tpu_sc as plsc

N_NODES = 100000
NUM_GRAPHS = 512
D_FEAT = 128
TRASH = NUM_GRAPHS

NC = 2
NS = 16
NW = NC * NS
CHUNK = 128
NCHUNK = 25
NBUF = 7
AHEAD = 3
ZROWS = NUM_GRAPHS // NS


def _start(w, j):
    return 3125 * w + 125 * j - lax.rem(5 * w + 5 * j, 8)


def _sc_body(nodes_hbm, ids_hbm, ones_hbm, zrow_hbm, zcnt_hbm,
             part_hbm, cnt_hbm,
             idx_v, ones_v, zc_v, zbuf, bufs, acc_sh, cnt_sh,
             ld_sems, st_sems, cnt_sem, idx_sem):
    c = lax.axis_index("c")
    s = lax.axis_index("s")
    wid = s * NC + c

    starts = [pl.multiple_of(_start(wid, j), 8) for j in range(NCHUNK)]

    idx_h = [
        pltpu.async_copy(ids_hbm.at[pl.ds(starts[j], CHUNK)], idx_v.at[j],
                         idx_sem)
        for j in range(NCHUNK)
    ]
    ones_h = pltpu.async_copy(ones_hbm, ones_v, idx_sem)
    ld_h = [None] * NCHUNK
    st_h = [None] * NCHUNK
    for j in range(min(AHEAD, NCHUNK)):
        ld_h[j] = pltpu.async_copy(
            nodes_hbm.at[pl.ds(starts[j], CHUNK)], bufs.at[j % NBUF],
            ld_sems.at[j % NBUF])

    pltpu.sync_copy(zrow_hbm, zbuf)
    pltpu.sync_copy(zbuf, acc_sh.at[pl.ds(s * ZROWS, ZROWS)])

    @pl.when(s == 0)
    def _init():
        pltpu.sync_copy(zcnt_hbm, zc_v)
        pltpu.sync_copy(zc_v, cnt_sh.at[pl.ds(0, NUM_GRAPHS)])

    plsc.subcore_barrier()

    ones_h.wait()
    for h in idx_h:
        h.wait()

    lane = lax.iota(jnp.int32, 16)
    for j in range(NCHUNK):
        if j > 0:
            prev = _start(wid, j - 1)
        else:
            prev = jnp.where(wid == 0, starts[0] - CHUNK,
                             _start(wid - 1, NCHUNK - 1))
        ndup = prev + CHUNK - starts[j]
        v = idx_v[j, pl.ds(0, 16)]
        idx_v[j, pl.ds(0, 16)] = jnp.where(lane < ndup, TRASH, v)

    cnt_h = [
        pltpu.async_copy(ones_v.at[0], cnt_sh.at[idx_v.at[j]], cnt_sem,
                         add=True)
        for j in range(NCHUNK)
    ]

    for j in range(NCHUNK):
        b = j % NBUF
        ld_h[j].wait()
        st_h[j] = pltpu.async_copy(bufs.at[b], acc_sh.at[idx_v.at[j]],
                                   st_sems.at[b], add=True)
        nxt = j + AHEAD
        if nxt < NCHUNK:
            if nxt >= NBUF:
                st_h[nxt - NBUF].wait()
            ld_h[nxt] = pltpu.async_copy(
                nodes_hbm.at[pl.ds(starts[nxt], CHUNK)], bufs.at[nxt % NBUF],
                ld_sems.at[nxt % NBUF])
    for j in range(max(NCHUNK - NBUF, 0), NCHUNK):
        st_h[j].wait()
    for h in cnt_h:
        h.wait()

    plsc.subcore_barrier()

    pltpu.sync_copy(acc_sh.at[pl.ds(s * ZROWS, ZROWS)],
                    part_hbm.at[c, pl.ds(s * ZROWS, ZROWS)])

    @pl.when(s == 0)
    def _flush():
        pltpu.sync_copy(cnt_sh.at[pl.ds(0, NUM_GRAPHS)], cnt_hbm.at[c])


def _segment_partials(node_states, ids, ones2, zrow, zcnt):
    mesh = plsc.VectorSubcoreMesh(core_axis_name="c", subcore_axis_name="s")
    f = functools.partial(
        pl.kernel,
        mesh=mesh,
        out_type=[
            jax.ShapeDtypeStruct((NC, NUM_GRAPHS, D_FEAT), jnp.float32),
            jax.ShapeDtypeStruct((NC, NUM_GRAPHS), jnp.float32),
        ],
        scratch_types=[
            pltpu.VMEM((NCHUNK, CHUNK), jnp.int32),
            pltpu.VMEM((1, CHUNK), jnp.float32),
            pltpu.VMEM((NUM_GRAPHS,), jnp.float32),
            pltpu.VMEM((ZROWS, D_FEAT), jnp.float32),
            pltpu.VMEM((NBUF, CHUNK, D_FEAT), jnp.float32),
            pltpu.VMEM_SHARED((NUM_GRAPHS + 8, D_FEAT), jnp.float32),
            pltpu.VMEM_SHARED((NUM_GRAPHS + 8,), jnp.float32),
            pltpu.SemaphoreType.DMA((NBUF,)),
            pltpu.SemaphoreType.DMA((NBUF,)),
            pltpu.SemaphoreType.DMA,
            pltpu.SemaphoreType.DMA,
        ],
    )(_sc_body)
    return f(node_states, ids, ones2, zrow, zcnt)


def _tc_finish_body(part_ref, cnt_ref, ctx_ref, w_ref, b_ref, out_ref):
    summed = part_ref[0] + part_ref[1]
    total = cnt_ref[0] + cnt_ref[1]
    r = (1.0 / jnp.maximum(total, 1.0))[:, None]
    pooled = summed * r
    w_top = w_ref[0:D_FEAT, :]
    w_bot = w_ref[D_FEAT:2 * D_FEAT, :]
    z = lax.dot_general(ctx_ref[...], w_top, (((1,), (0,)), ((), ())),
                        preferred_element_type=jnp.float32)
    z += lax.dot_general(pooled, w_bot, (((1,), (0,)), ((), ())),
                         preferred_element_type=jnp.float32)
    out_ref[...] = jnp.maximum(z + b_ref[...], 0.0)


def _tc_finish(part, cnt, context_state, W, b2):
    return pl.pallas_call(
        _tc_finish_body,
        out_shape=jax.ShapeDtypeStruct((NUM_GRAPHS, D_FEAT), jnp.float32),
    )(part, cnt, context_state, W, b2)


def kernel(node_states, context_state, node_graph_ids, W, b):
    ids = node_graph_ids.astype(jnp.int32)
    ones2 = jnp.ones((1, CHUNK), jnp.float32)
    zrow = jnp.zeros((ZROWS, D_FEAT), jnp.float32)
    zcnt = jnp.zeros((NUM_GRAPHS,), jnp.float32)

    part, cnt = _segment_partials(node_states, ids, ones2, zrow, zcnt)
    b2 = b.reshape(1, D_FEAT)
    return _tc_finish(part, cnt, context_state, W, b2)

# --- scband reference (transcript-rebuilt; emitter-appended) ---
"""Pipeline reference for scband-context-update-56186762167007 (READ-ONLY COPY).

The authoritative reference and input builder live on the scoring server;
editing this copy changes nothing except your own understanding.
"""

import jax, jax.numpy as jnp
import numpy as np

NUM_GRAPHS = 128 * 4  # 512 components in the batched GraphTensor
N_NODES = 100000
D_FEAT = 128


def setup_inputs(seed: int = 0) -> dict:
    key = jax.random.key(seed)
    k1, k2, k3, k4 = jax.random.split(key, 4)
    node_states = jax.random.normal(k1, (N_NODES, D_FEAT), dtype=jnp.float32)
    context_state = jax.random.normal(k2, (NUM_GRAPHS, D_FEAT), dtype=jnp.float32)
    node_graph_ids = jnp.sort(jax.random.randint(k3, (N_NODES,), 0, NUM_GRAPHS, dtype=jnp.int64))
    W = jax.random.normal(k4, (2 * D_FEAT, D_FEAT), dtype=jnp.float32) * (1.0 / np.sqrt(2 * D_FEAT))
    b = jnp.zeros((D_FEAT,), dtype=jnp.float32)
    return {"node_states": node_states, "context_state": context_state,
            "node_graph_ids": node_graph_ids, "W": W, "b": b}


def reference(node_states, context_state, node_graph_ids, W, b):
    # NodesToContextPooling with reduce_type="mean": segment mean of node
    # states over graph components (tfgnn.pool_nodes_to_context).
    summed = jax.ops.segment_sum(node_states, node_graph_ids, num_segments=NUM_GRAPHS)
    counts = jax.ops.segment_sum(jnp.ones((node_states.shape[0],), dtype=node_states.dtype),
                                 node_graph_ids, num_segments=NUM_GRAPHS)
    pooled = summed / jnp.maximum(counts, 1.0)[:, None]
    # next_state: NextStateFromConcat(Dense(128, relu)) applied to
    # (context_input_feature, {node_set: pooled}, {}) -> concat along features.
    concat = jnp.concatenate([context_state, pooled], axis=-1)
    new_context = jax.nn.relu(concat @ W + b)
    return new_context

if __name__ == "__main__":
    import jax
    _d = setup_inputs()
    print(jax.jit(kernel)(*tuple(_d.values())))

</pallas_src>

<mosaic_0001>
#map = affine_map<(d0, d1) -> (0, 0)>
#map1 = affine_map<(d0, d1) -> (0)>
#map2 = affine_map<(d0, d1) -> (0, 0, 0)>
module attributes {stable_mosaic.version = 14 : i64} {
  func.func @_sc_body(%arg0: i32, %arg1: i32, %arg2: memref<100000x128xf32, #tpu.memory_space<hbm>>, %arg3: memref<100000xi32, #tpu.memory_space<hbm>>, %arg4: memref<1x128xf32, #tpu.memory_space<hbm>>, %arg5: memref<32x128xf32, #tpu.memory_space<hbm>>, %arg6: memref<512xf32, #tpu.memory_space<hbm>>, %arg7: memref<2x512x128xf32, #tpu.memory_space<hbm>>, %arg8: memref<2x512xf32, #tpu.memory_space<hbm>>, %arg9: memref<25x128xi32, #tpu.memory_space<vmem>>, %arg10: memref<1x128xf32, #tpu.memory_space<vmem>>, %arg11: memref<512xf32, #tpu.memory_space<vmem>>, %arg12: memref<32x128xf32, #tpu.memory_space<vmem>>, %arg13: memref<7x128x128xf32, #tpu.memory_space<vmem>>, %arg14: memref<520x128xf32, #tpu.memory_space<vmem_shared>>, %arg15: memref<520xf32, #tpu.memory_space<vmem_shared>>, %arg16: memref<7x!tpu.dma_semaphore, #tpu.memory_space<semaphore_mem>>, %arg17: memref<7x!tpu.dma_semaphore, #tpu.memory_space<semaphore_mem>>, %arg18: memref<!tpu.dma_semaphore, #tpu.memory_space<semaphore_mem>>, %arg19: memref<!tpu.dma_semaphore, #tpu.memory_space<semaphore_mem>>) attributes {dimension_semantics = [#tpu.dimension_semantics<core_parallel>, #tpu.dimension_semantics<subcore_parallel>], iteration_bounds = array<i64: 2, 16>, scalar_prefetch = 0 : i64, scratch_operands = 11 : i64, tpu.core_type = #tpu.core_type<sc_vector_subcore>, window_params = [{transform_indices = #map}, {transform_indices = #map1}, {transform_indices = #map}, {transform_indices = #map}, {transform_indices = #map1}, {transform_indices = #map2}, {transform_indices = #map}]} {
    %mul3A = arith.constant 2 : i32
    %mul3A_0 = arith.muli %arg1, %mul3A : i32
    %add3A = arith.addi %mul3A_0, %arg0 : i32
    %mul3A_1 = arith.constant 3125 : i32
    %mul3A_2 = arith.muli %mul3A_1, %add3A : i32
    %add3A_3 = arith.constant 0 : i32
    %add3A_4 = arith.addi %mul3A_2, %add3A_3 : i32
    %mul3A_5 = arith.constant 5 : i32
    %mul3A_6 = arith.muli %mul3A_5, %add3A : i32
    %add3A_7 = arith.constant 0 : i32
    %add3A_8 = arith.addi %mul3A_6, %add3A_7 : i32
    %rem3A = arith.constant 8 : i32
    %rem3A_9 = arith.remsi %add3A_8, %rem3A : i32
    %sub3A = arith.subi %add3A_4, %rem3A_9 : i32
    %multiple_of3A = tpu.assume_multiple %sub3A, 8 : i32
    %mul3A_10 = arith.constant 3125 : i32
    %mul3A_11 = arith.muli %mul3A_10, %add3A : i32
    %add3A_12 = arith.constant 125 : i32
    %add3A_13 = arith.addi %mul3A_11, %add3A_12 : i32
    %mul3A_14 = arith.constant 5 : i32
    %mul3A_15 = arith.muli %mul3A_14, %add3A : i32
    %add3A_16 = arith.constant 5 : i32
    %add3A_17 = arith.addi %mul3A_15, %add3A_16 : i32
    %rem3A_18 = arith.constant 8 : i32
    %rem3A_19 = arith.remsi %add3A_17, %rem3A_18 : i32
    %sub3A_20 = arith.subi %add3A_13, %rem3A_19 : i32
    %multiple_of3A_21 = tpu.assume_multiple %sub3A_20, 8 : i32
    %mul3A_22 = arith.constant 3125 : i32
    %mul3A_23 = arith.muli %mul3A_22, %add3A : i32
    %add3A_24 = arith.constant 250 : i32
    %add3A_25 = arith.addi %mul3A_23, %add3A_24 : i32
    %mul3A_26 = arith.constant 5 : i32
    %mul3A_27 = arith.muli %mul3A_26, %add3A : i32
    %add3A_28 = arith.constant 10 : i32
    %add3A_29 = arith.addi %mul3A_27, %add3A_28 : i32
    %rem3A_30 = arith.constant 8 : i32
    %rem3A_31 = arith.remsi %add3A_29, %rem3A_30 : i32
    %sub3A_32 = arith.subi %add3A_25, %rem3A_31 : i32
    %multiple_of3A_33 = tpu.assume_multiple %sub3A_32, 8 : i32
    %mul3A_34 = arith.constant 3125 : i32
    %mul3A_35 = arith.muli %mul3A_34, %add3A : i32
    %add3A_36 = arith.constant 375 : i32
    %add3A_37 = arith.addi %mul3A_35, %add3A_36 : i32
    %mul3A_38 = arith.constant 5 : i32
    %mul3A_39 = arith.muli %mul3A_38, %add3A : i32
    %add3A_40 = arith.constant 15 : i32
    %add3A_41 = arith.addi %mul3A_39, %add3A_40 : i32
    %rem3A_42 = arith.constant 8 : i32
    %rem3A_43 = arith.remsi %add3A_41, %rem3A_42 : i32
    %sub3A_44 = arith.subi %add3A_37, %rem3A_43 : i32
    %multiple_of3A_45 = tpu.assume_multiple %sub3A_44, 8 : i32
    %mul3A_46 = arith.constant 3125 : i32
    %mul3A_47 = arith.muli %mul3A_46, %add3A : i32
    %add3A_48 = arith.constant 500 : i32
    %add3A_49 = arith.addi %mul3A_47, %add3A_48 : i32
    %mul3A_50 = arith.constant 5 : i32
    %mul3A_51 = arith.muli %mul3A_50, %add3A : i32
    %add3A_52 = arith.constant 20 : i32
    %add3A_53 = arith.addi %mul3A_51, %add3A_52 : i32
    %rem3A_54 = arith.constant 8 : i32
    %rem3A_55 = arith.remsi %add3A_53, %rem3A_54 : i32
    %sub3A_56 = arith.subi %add3A_49, %rem3A_55 : i32
    %multiple_of3A_57 = tpu.assume_multiple %sub3A_56, 8 : i32
    %mul3A_58 = arith.constant 3125 : i32
    %mul3A_59 = arith.muli %mul3A_58, %add3A : i32
    %add3A_60 = arith.constant 625 : i32
    %add3A_61 = arith.addi %mul3A_59, %add3A_60 : i32
    %mul3A_62 = arith.constant 5 : i32
    %mul3A_63 = arith.muli %mul3A_62, %add3A : i32
    %add3A_64 = arith.constant 25 : i32
    %add3A_65 = arith.addi %mul3A_63, %add3A_64 : i32
    %rem3A_66 = arith.constant 8 : i32
    %rem3A_67 = arith.remsi %add3A_65, %rem3A_66 : i32
    %sub3A_68 = arith.subi %add3A_61, %rem3A_67 : i32
    %multiple_of3A_69 = tpu.assume_multiple %sub3A_68, 8 : i32
    %mul3A_70 = arith.constant 3125 : i32
    %mul3A_71 = arith.muli %mul3A_70, %add3A : i32
    %add3A_72 = arith.constant 750 : i32
    %add3A_73 = arith.addi %mul3A_71, %add3A_72 : i32
    %mul3A_74 = arith.constant 5 : i32
    %mul3A_75 = arith.muli %mul3A_74, %add3A : i32
    %add3A_76 = arith.constant 30 : i32
    %add3A_77 = arith.addi %mul3A_75, %add3A_76 : i32
    %rem3A_78 = arith.constant 8 : i32
    %rem3A_79 = arith.remsi %add3A_77, %rem3A_78 : i32
    %sub3A_80 = arith.subi %add3A_73, %rem3A_79 : i32
    %multiple_of3A_81 = tpu.assume_multiple %sub3A_80, 8 : i32
    %mul3A_82 = arith.constant 3125 : i32
    %mul3A_83 = arith.muli %mul3A_82, %add3A : i32
    %add3A_84 = arith.constant 875 : i32
    %add3A_85 = arith.addi %mul3A_83, %add3A_84 : i32
    %mul3A_86 = arith.constant 5 : i32
    %mul3A_87 = arith.muli %mul3A_86, %add3A : i32
    %add3A_88 = arith.constant 35 : i32
    %add3A_89 = arith.addi %mul3A_87, %add3A_88 : i32
    %rem3A_90 = arith.constant 8 : i32
    %rem3A_91 = arith.remsi %add3A_89, %rem3A_90 : i32
    %sub3A_92 = arith.subi %add3A_85, %rem3A_91 : i32
    %multiple_of3A_93 = tpu.assume_multiple %sub3A_92, 8 : i32
    %mul3A_94 = arith.constant 3125 : i32
    %mul3A_95 = arith.muli %mul3A_94, %add3A : i32
    %add3A_96 = arith.constant 1000 : i32
    %add3A_97 = arith.addi %mul3A_95, %add3A_96 : i32
    %mul3A_98 = arith.constant 5 : i32
    %mul3A_99 = arith.muli %mul3A_98, %add3A : i32
    %add3A_100 = arith.constant 40 : i32
    %add3A_101 = arith.addi %mul3A_99, %add3A_100 : i32
    %rem3A_102 = arith.constant 8 : i32
    %rem3A_103 = arith.remsi %add3A_101, %rem3A_102 : i32
    %sub3A_104 = arith.subi %add3A_97, %rem3A_103 : i32
    %multiple_of3A_105 = tpu.assume_multiple %sub3A_104, 8 : i32
    %mul3A_106 = arith.constant 3125 : i32
    %mul3A_107 = arith.muli %mul3A_106, %add3A : i32
    %add3A_108 = arith.constant 1125 : i32
    %add3A_109 = arith.addi %mul3A_107, %add3A_108 : i32
    %mul3A_110 = arith.constant 5 : i32
    %mul3A_111 = arith.muli %mul3A_110, %add3A : i32
    %add3A_112 = arith.constant 45 : i32
    %add3A_113 = arith.addi %mul3A_111, %add3A_112 : i32
    %rem3A_114 = arith.constant 8 : i32
    %rem3A_115 = arith.remsi %add3A_113, %rem3A_114 : i32
    %sub3A_116 = arith.subi %add3A_109, %rem3A_115 : i32
    %multiple_of3A_117 = tpu.assume_multiple %sub3A_116, 8 : i32
    %mul3A_118 = arith.constant 3125 : i32
    %mul3A_119 = arith.muli %mul3A_118, %add3A : i32
    %add3A_120 = arith.constant 1250 : i32
    %add3A_121 = arith.addi %mul3A_119, %add3A_120 : i32
    %mul3A_122 = arith.constant 5 : i32
    %mul3A_123 = arith.muli %mul3A_122, %add3A : i32
    %add3A_124 = arith.constant 50 : i32
    %add3A_125 = arith.addi %mul3A_123, %add3A_124 : i32
    %rem3A_126 = arith.constant 8 : i32
    %rem3A_127 = arith.remsi %add3A_125, %rem3A_126 : i32
    %sub3A_128 = arith.subi %add3A_121, %rem3A_127 : i32
    %multiple_of3A_129 = tpu.assume_multiple %sub3A_128, 8 : i32
    %mul3A_130 = arith.constant 3125 : i32
    %mul3A_131 = arith.muli %mul3A_130, %add3A : i32
    %add3A_132 = arith.constant 1375 : i32
    %add3A_133 = arith.addi %mul3A_131, %add3A_132 : i32
    %mul3A_134 = arith.constant 5 : i32
    %mul3A_135 = arith.muli %mul3A_134, %add3A : i32
    %add3A_136 = arith.constant 55 : i32
    %add3A_137 = arith.addi %mul3A_135, %add3A_136 : i32
    %rem3A_138 = arith.constant 8 : i32
    %rem3A_139 = arith.remsi %add3A_137, %rem3A_138 : i32
    %sub3A_140 = arith.subi %add3A_133, %rem3A_139 : i32
    %multiple_of3A_141 = tpu.assume_multiple %sub3A_140, 8 : i32
    %mul3A_142 = arith.constant 3125 : i32
    %mul3A_143 = arith.muli %mul3A_142, %add3A : i32
    %add3A_144 = arith.constant 1500 : i32
    %add3A_145 = arith.addi %mul3A_143, %add3A_144 : i32
    %mul3A_146 = arith.constant 5 : i32
    %mul3A_147 = arith.muli %mul3A_146, %add3A : i32
    %add3A_148 = arith.constant 60 : i32
    %add3A_149 = arith.addi %mul3A_147, %add3A_148 : i32
    %rem3A_150 = arith.constant 8 : i32
    %rem3A_151 = arith.remsi %add3A_149, %rem3A_150 : i32
    %sub3A_152 = arith.subi %add3A_145, %rem3A_151 : i32
    %multiple_of3A_153 = tpu.assume_multiple %sub3A_152, 8 : i32
    %mul3A_154 = arith.constant 3125 : i32
    %mul3A_155 = arith.muli %mul3A_154, %add3A : i32
    %add3A_156 = arith.constant 1625 : i32
    %add3A_157 = arith.addi %mul3A_155, %add3A_156 : i32
    %mul3A_158 = arith.constant 5 : i32
    %mul3A_159 = arith.muli %mul3A_158, %add3A : i32
    %add3A_160 = arith.constant 65 : i32
    %add3A_161 = arith.addi %mul3A_159, %add3A_160 : i32
    %rem3A_162 = arith.constant 8 : i32
    %rem3A_163 = arith.remsi %add3A_161, %rem3A_162 : i32
    %sub3A_164 = arith.subi %add3A_157, %rem3A_163 : i32
    %multiple_of3A_165 = tpu.assume_multiple %sub3A_164, 8 : i32
    %mul3A_166 = arith.constant 3125 : i32
    %mul3A_167 = arith.muli %mul3A_166, %add3A : i32
    %add3A_168 = arith.constant 1750 : i32
    %add3A_169 = arith.addi %mul3A_167, %add3A_168 : i32
    %mul3A_170 = arith.constant 5 : i32
    %mul3A_171 = arith.muli %mul3A_170, %add3A : i32
    %add3A_172 = arith.constant 70 : i32
    %add3A_173 = arith.addi %mul3A_171, %add3A_172 : i32
    %rem3A_174 = arith.constant 8 : i32
    %rem3A_175 = arith.remsi %add3A_173, %rem3A_174 : i32
    %sub3A_176 = arith.subi %add3A_169, %rem3A_175 : i32
    %multiple_of3A_177 = tpu.assume_multiple %sub3A_176, 8 : i32
    %mul3A_178 = arith.constant 3125 : i32
    %mul3A_179 = arith.muli %mul3A_178, %add3A : i32
    %add3A_180 = arith.constant 1875 : i32
    %add3A_181 = arith.addi %mul3A_179, %add3A_180 : i32
    %mul3A_182 = arith.constant 5 : i32
    %mul3A_183 = arith.muli %mul3A_182, %add3A : i32
    %add3A_184 = arith.constant 75 : i32
    %add3A_185 = arith.addi %mul3A_183, %add3A_184 : i32
    %rem3A_186 = arith.constant 8 : i32
    %rem3A_187 = arith.remsi %add3A_185, %rem3A_186 : i32
    %sub3A_188 = arith.subi %add3A_181, %rem3A_187 : i32
    %multiple_of3A_189 = tpu.assume_multiple %sub3A_188, 8 : i32
    %mul3A_190 = arith.constant 3125 : i32
    %mul3A_191 = arith.muli %mul3A_190, %add3A : i32
    %add3A_192 = arith.constant 2000 : i32
    %add3A_193 = arith.addi %mul3A_191, %add3A_192 : i32
    %mul3A_194 = arith.constant 5 : i32
    %mul3A_195 = arith.muli %mul3A_194, %add3A : i32
    %add3A_196 = arith.constant 80 : i32
    %add3A_197 = arith.addi %mul3A_195, %add3A_196 : i32
    %rem3A_198 = arith.constant 8 : i32
    %rem3A_199 = arith.remsi %add3A_197, %rem3A_198 : i32
    %sub3A_200 = arith.subi %add3A_193, %rem3A_199 : i32
    %multiple_of3A_201 = tpu.assume_multiple %sub3A_200, 8 : i32
    %mul3A_202 = arith.constant 3125 : i32
    %mul3A_203 = arith.muli %mul3A_202, %add3A : i32
    %add3A_204 = arith.constant 2125 : i32
    %add3A_205 = arith.addi %mul3A_203, %add3A_204 : i32
    %mul3A_206 = arith.constant 5 : i32
    %mul3A_207 = arith.muli %mul3A_206, %add3A : i32
    %add3A_208 = arith.constant 85 : i32
    %add3A_209 = arith.addi %mul3A_207, %add3A_208 : i32
    %rem3A_210 = arith.constant 8 : i32
    %rem3A_211 = arith.remsi %add3A_209, %rem3A_210 : i32
    %sub3A_212 = arith.subi %add3A_205, %rem3A_211 : i32
    %multiple_of3A_213 = tpu.assume_multiple %sub3A_212, 8 : i32
    %mul3A_214 = arith.constant 3125 : i32
    %mul3A_215 = arith.muli %mul3A_214, %add3A : i32
    %add3A_216 = arith.constant 2250 : i32
    %add3A_217 = arith.addi %mul3A_215, %add3A_216 : i32
    %mul3A_218 = arith.constant 5 : i32
    %mul3A_219 = arith.muli %mul3A_218, %add3A : i32
    %add3A_220 = arith.constant 90 : i32
    %add3A_221 = arith.addi %mul3A_219, %add3A_220 : i32
    %rem3A_222 = arith.constant 8 : i32
    %rem3A_223 = arith.remsi %add3A_221, %rem3A_222 : i32
    %sub3A_224 = arith.subi %add3A_217, %rem3A_223 : i32
    %multiple_of3A_225 = tpu.assume_multiple %sub3A_224, 8 : i32
    %mul3A_226 = arith.constant 3125 : i32
    %mul3A_227 = arith.muli %mul3A_226, %add3A : i32
    %add3A_228 = arith.constant 2375 : i32
    %add3A_229 = arith.addi %mul3A_227, %add3A_228 : i32
    %mul3A_230 = arith.constant 5 : i32
    %mul3A_231 = arith.muli %mul3A_230, %add3A : i32
    %add3A_232 = arith.constant 95 : i32
    %add3A_233 = arith.addi %mul3A_231, %add3A_232 : i32
    %rem3A_234 = arith.constant 8 : i32
    %rem3A_235 = arith.remsi %add3A_233, %rem3A_234 : i32
    %sub3A_236 = arith.subi %add3A_229, %rem3A_235 : i32
    %multiple_of3A_237 = tpu.assume_multiple %sub3A_236, 8 : i32
    %mul3A_238 = arith.constant 3125 : i32
    %mul3A_239 = arith.muli %mul3A_238, %add3A : i32
    %add3A_240 = arith.constant 2500 : i32
    %add3A_241 = arith.addi %mul3A_239, %add3A_240 : i32
    %mul3A_242 = arith.constant 5 : i32
    %mul3A_243 = arith.muli %mul3A_242, %add3A : i32
    %add3A_244 = arith.constant 100 : i32
    %add3A_245 = arith.addi %mul3A_243, %add3A_244 : i32
    %rem3A_246 = arith.constant 8 : i32
    %rem3A_247 = arith.remsi %add3A_245, %rem3A_246 : i32
    %sub3A_248 = arith.subi %add3A_241, %rem3A_247 : i32
    %multiple_of3A_249 = tpu.assume_multiple %sub3A_248, 8 : i32
    %mul3A_250 = arith.constant 3125 : i32
    %mul3A_251 = arith.muli %mul3A_250, %add3A : i32
    %add3A_252 = arith.constant 2625 : i32
    %add3A_253 = arith.addi %mul3A_251, %add3A_252 : i32
    %mul3A_254 = arith.constant 5 : i32
    %mul3A_255 = arith.muli %mul3A_254, %add3A : i32
    %add3A_256 = arith.constant 105 : i32
    %add3A_257 = arith.addi %mul3A_255, %add3A_256 : i32
    %rem3A_258 = arith.constant 8 : i32
    %rem3A_259 = arith.remsi %add3A_257, %rem3A_258 : i32
    %sub3A_260 = arith.subi %add3A_253, %rem3A_259 : i32
    %multiple_of3A_261 = tpu.assume_multiple %sub3A_260, 8 : i32
    %mul3A_262 = arith.constant 3125 : i32
    %mul3A_263 = arith.muli %mul3A_262, %add3A : i32
    %add3A_264 = arith.constant 2750 : i32
    %add3A_265 = arith.addi %mul3A_263, %add3A_264 : i32
    %mul3A_266 = arith.constant 5 : i32
    %mul3A_267 = arith.muli %mul3A_266, %add3A : i32
    %add3A_268 = arith.constant 110 : i32
    %add3A_269 = arith.addi %mul3A_267, %add3A_268 : i32
    %rem3A_270 = arith.constant 8 : i32
    %rem3A_271 = arith.remsi %add3A_269, %rem3A_270 : i32
    %sub3A_272 = arith.subi %add3A_265, %rem3A_271 : i32
    %multiple_of3A_273 = tpu.assume_multiple %sub3A_272, 8 : i32
    %mul3A_274 = arith.constant 3125 : i32
    %mul3A_275 = arith.muli %mul3A_274, %add3A : i32
    %add3A_276 = arith.constant 2875 : i32
    %add3A_277 = arith.addi %mul3A_275, %add3A_276 : i32
    %mul3A_278 = arith.constant 5 : i32
    %mul3A_279 = arith.muli %mul3A_278, %add3A : i32
    %add3A_280 = arith.constant 115 : i32
    %add3A_281 = arith.addi %mul3A_279, %add3A_280 : i32
    %rem3A_282 = arith.constant 8 : i32
    %rem3A_283 = arith.remsi %add3A_281, %rem3A_282 : i32
    %sub3A_284 = arith.subi %add3A_277, %rem3A_283 : i32
    %multiple_of3A_285 = tpu.assume_multiple %sub3A_284, 8 : i32
    %mul3A_286 = arith.constant 3125 : i32
    %mul3A_287 = arith.muli %mul3A_286, %add3A : i32
    %add3A_288 = arith.constant 3000 : i32
    %add3A_289 = arith.addi %mul3A_287, %add3A_288 : i32
    %mul3A_290 = arith.constant 5 : i32
    %mul3A_291 = arith.muli %mul3A_290, %add3A : i32
    %add3A_292 = arith.constant 120 : i32
    %add3A_293 = arith.addi %mul3A_291, %add3A_292 : i32
    %rem3A_294 = arith.constant 8 : i32
    %rem3A_295 = arith.remsi %add3A_293, %rem3A_294 : i32
    %sub3A_296 = arith.subi %add3A_289, %rem3A_295 : i32
    %multiple_of3A_297 = tpu.assume_multiple %sub3A_296, 8 : i32
    %dma_start3A = arith.constant 0 : i32
    %dma_start3A_298 = arith.constant 0 : i32
    %dma_start3A_299 = tpu.memref_slice %arg9[%dma_start3A, %dma_start3A_298] : memref<25x128xi32, #tpu.memory_space<vmem>> -> memref<1x128xi32, #tpu.memory_space<vmem>>
    %dma_start3A_300 = tpu.memref_squeeze %dma_start3A_299 : memref<1x128xi32, #tpu.memory_space<vmem>> -> memref<128xi32, #tpu.memory_space<vmem>>
    %dma_start3A_301 = tpu.memref_slice %arg3[%multiple_of3A] : memref<100000xi32, #tpu.memory_space<hbm>> -> memref<128xi32, #tpu.memory_space<hbm>>
    %dma_start3A_302 = arith.constant 0 : i32
    %dma_start3A_303 = tpu.memref_slice %arg9[%dma_start3A, %dma_start3A_302] : memref<25x128xi32, #tpu.memory_space<vmem>> -> memref<1x128xi32, #tpu.memory_space<vmem>>
    %dma_start3A_304 = tpu.memref_squeeze %dma_start3A_303 : memref<1x128xi32, #tpu.memory_space<vmem>> -> memref<128xi32, #tpu.memory_space<vmem>>
    %dma_start3A_305 = tpu.memref_slice %arg3[%multiple_of3A] : memref<100000xi32, #tpu.memory_space<hbm>> -> memref<128xi32, #tpu.memory_space<hbm>>
    tpu.enqueue_dma source(%dma_start3A_305 : memref<128xi32, #tpu.memory_space<hbm>>) target(%dma_start3A_304 : memref<128xi32, #tpu.memory_space<vmem>>) target_semaphore(%arg19 : memref<!tpu.dma_semaphore, #tpu.memory_space<semaphore_mem>>)
    %dma_start3A_306 = arith.constant 1 : i32
    %dma_start3A_307 = arith.constant 0 : i32
    %dma_start3A_308 = tpu.memref_slice %arg9[%dma_start3A_306, %dma_start3A_307] : memref<25x128xi32, #tpu.memory_space<vmem>> -> memref<1x128xi32, #tpu.memory_space<vmem>>
    %dma_start3A_309 = tpu.memref_squeeze %dma_start3A_308 : memref<1x128xi32, #tpu.memory_space<vmem>> -> memref<128xi32, #tpu.memory_space<vmem>>
    %dma_start3A_310 = tpu.memref_slice %arg3[%multiple_of3A_21] : memref<100000xi32, #tpu.memory_space<hbm>> -> memref<128xi32, #tpu.memory_space<hbm>>
    %dma_start3A_311 = arith.constant 0 : i32
    %dma_start3A_312 = tpu.memref_slice %arg9[%dma_start3A_306, %dma_start3A_311] : memref<25x128xi32, #tpu.memory_space<vmem>> -> memref<1x128xi32, #tpu.memory_space<vmem>>
    %dma_start3A_313 = tpu.memref_squeeze %dma_start3A_312 : memref<1x128xi32, #tpu.memory_space<vmem>> -> memref<128xi32, #tpu.memory_space<vmem>>
    %dma_start3A_314 = tpu.memref_slice %arg3[%multiple_of3A_21] : memref<100000xi32, #tpu.memory_space<hbm>> -> memref<128xi32, #tpu.memory_space<hbm>>
    tpu.enqueue_dma source(%dma_start3A_314 : memref<128xi32, #tpu.memory_space<hbm>>) target(%dma_start3A_313 : memref<128xi32, #tpu.memory_space<vmem>>) target_semaphore(%arg19 : memref<!tpu.dma_semaphore, #tpu.memory_space<semaphore_mem>>)
    %dma_start3A_315 = arith.constant 2 : i32
    %dma_start3A_316 = arith.constant 0 : i32
    %dma_start3A_317 = tpu.memref_slice %arg9[%dma_start3A_315, %dma_start3A_316] : memref<25x128xi32, #tpu.memory_space<vmem>> -> memref<1x128xi32, #tpu.memory_space<vmem>>
    %dma_start3A_318 = tpu.memref_squeeze %dma_start3A_317 : memref<1x128xi32, #tpu.memory_space<vmem>> -> memref<128xi32, #tpu.memory_space<vmem>>
    %dma_start3A_319 = tpu.memref_slice %arg3[%multiple_of3A_33] : memref<100000xi32, #tpu.memory_space<hbm>> -> memref<128xi32, #tpu.memory_space<hbm>>
    %dma_start3A_320 = arith.constant 0 : i32
    %dma_start3A_321 = tpu.memref_slice %arg9[%dma_start3A_315, %dma_start3A_320] : memref<25x128xi32, #tpu.memory_space<vmem>> -> memref<1x128xi32, #tpu.memory_space<vmem>>
    %dma_start3A_322 = tpu.memref_squeeze %dma_start3A_321 : memref<1x128xi32, #tpu.memory_space<vmem>> -> memref<128xi32, #tpu.memory_space<vmem>>
    %dma_start3A_323 = tpu.memref_slice %arg3[%multiple_of3A_33] : memref<100000xi32, #tpu.memory_space<hbm>> -> memref<128xi32, #tpu.memory_space<hbm>>
    tpu.enqueue_dma source(%dma_start3A_323 : memref<128xi32, #tpu.memory_space<hbm>>) target(%dma_start3A_322 : memref<128xi32, #tpu.memory_space<vmem>>) target_semaphore(%arg19 : memref<!tpu.dma_semaphore, #tpu.memory_space<semaphore_mem>>)
    %dma_start3A_324 = arith.constant 3 : i32
    %dma_start3A_325 = arith.constant 0 : i32
    %dma_start3A_326 = tpu.memref_slice %arg9[%dma_start3A_324, %dma_start3A_325] : memref<25x128xi32, #tpu.memory_space<vmem>> -> memref<1x128xi32, #tpu.memory_space<vmem>>
    %dma_start3A_327 = tpu.memref_squeeze %dma_start3A_326 : memref<1x128xi32, #tpu.memory_space<vmem>> -> memref<128xi32, #tpu.memory_space<vmem>>
    %dma_start3A_328 = tpu.memref_slice %arg3[%multiple_of3A_45] : memref<100000xi32, #tpu.memory_space<hbm>> -> memref<128xi32, #tpu.memory_space<hbm>>
    %dma_start3A_329 = arith.constant 0 : i32
    %dma_start3A_330 = tpu.memref_slice %arg9[%dma_start3A_324, %dma_start3A_329] : memref<25x128xi32, #tpu.memory_space<vmem>> -> memref<1x128xi32, #tpu.memory_space<vmem>>
    %dma_start3A_331 = tpu.memref_squeeze %dma_start3A_330 : memref<1x128xi32, #tpu.memory_space<vmem>> -> memref<128xi32, #tpu.memory_space<vmem>>
    %dma_start3A_332 = tpu.memref_slice %arg3[%multiple_of3A_45] : memref<100000xi32, #tpu.memory_space<hbm>> -> memref<128xi32, #tpu.memory_space<hbm>>
    tpu.enqueue_dma source(%dma_start3A_332 : memref<128xi32, #tpu.memory_space<hbm>>) target(%dma_start3A_331 : memref<128xi32, #tpu.memory_space<vmem>>) target_semaphore(%arg19 : memref<!tpu.dma_semaphore, #tpu.memory_space<semaphore_mem>>)
    %dma_start3A_333 = arith.constant 4 : i32
    %dma_start3A_334 = arith.constant 0 : i32
    %dma_start3A_335 = tpu.memref_slice %arg9[%dma_start3A_333, %dma_start3A_334] : memref<25x128xi32, #tpu.memory_space<vmem>> -> memref<1x128xi32, #tpu.memory_space<vmem>>
    %dma_start3A_336 = tpu.memref_squeeze %dma_start3A_335 : memref<1x128xi32, #tpu.memory_space<vmem>> -> memref<128xi32, #tpu.memory_space<vmem>>
    %dma_start3A_337 = tpu.memref_slice %arg3[%multiple_of3A_57] : memref<100000xi32, #tpu.memory_space<hbm>> -> memref<128xi32, #tpu.memory_space<hbm>>
    %dma_start3A_338 = arith.constant 0 : i32
    %dma_start3A_339 = tpu.memref_slice %arg9[%dma_start3A_333, %dma_start3A_338] : memref<25x128xi32, #tpu.memory_space<vmem>> -> memref<1x128xi32, #tpu.memory_space<vmem>>
    %dma_start3A_340 = tpu.memref_squeeze %dma_start3A_339 : memref<1x128xi32, #tpu.memory_space<vmem>> -> memref<128xi32, #tpu.memory_space<vmem>>
    %dma_start3A_341 = tpu.memref_slice %arg3[%multiple_of3A_57] : memref<100000xi32, #tpu.memory_space<hbm>> -> memref<128xi32, #tpu.memory_space<hbm>>
    tpu.enqueue_dma source(%dma_start3A_341 : memref<128xi32, #tpu.memory_space<hbm>>) target(%dma_start3A_340 : memref<128xi32, #tpu.memory_space<vmem>>) target_semaphore(%arg19 : memref<!tpu.dma_semaphore, #tpu.memory_space<semaphore_mem>>)
    %dma_start3A_342 = arith.constant 5 : i32
    %dma_start3A_343 = arith.constant 0 : i32
    %dma_start3A_344 = tpu.memref_slice %arg9[%dma_start3A_342, %dma_start3A_343] : memref<25x128xi32, #tpu.memory_space<vmem>> -> memref<1x128xi32, #tpu.memory_space<vmem>>
    %dma_start3A_345 = tpu.memref_squeeze %dma_start3A_344 : memref<1x128xi32, #tpu.memory_space<vmem>> -> memref<128xi32, #tpu.memory_space<vmem>>
    %dma_start3A_346 = tpu.memref_slice %arg3[%multiple_of3A_69] : memref<100000xi32, #tpu.memory_space<hbm>> -> memref<128xi32, #tpu.memory_space<hbm>>
    %dma_start3A_347 = arith.constant 0 : i32
    %dma_start3A_348 = tpu.memref_slice %arg9[%dma_start3A_342, %dma_start3A_347] : memref<25x128xi32, #tpu.memory_space<vmem>> -> memref<1x128xi32, #tpu.memory_space<vmem>>
    %dma_start3A_349 = tpu.memref_squeeze %dma_start3A_348 : memref<1x128xi32, #tpu.memory_space<vmem>> -> memref<128xi32, #tpu.memory_space<vmem>>
    %dma_start3A_350 = tpu.memref_slice %arg3[%multiple_of3A_69] : memref<100000xi32, #tpu.memory_space<hbm>> -> memref<128xi32, #tpu.memory_space<hbm>>
    tpu.enqueue_dma source(%dma_start3A_350 : memref<128xi32, #tpu.memory_space<hbm>>) target(%dma_start3A_349 : memref<128xi32, #tpu.memory_space<vmem>>) target_semaphore(%arg19 : memref<!tpu.dma_semaphore, #tpu.memory_space<semaphore_mem>>)
    %dma_start3A_351 = arith.constant 6 : i32
    %dma_start3A_352 = arith.constant 0 : i32
    %dma_start3A_353 = tpu.memref_slice %arg9[%dma_start3A_351, %dma_start3A_352] : memref<25x128xi32, #tpu.memory_space<vmem>> -> memref<1x128xi32, #tpu.memory_space<vmem>>
    %dma_start3A_354 = tpu.memref_squeeze %dma_start3A_353 : memref<1x128xi32, #tpu.memory_space<vmem>> -> memref<128xi32, #tpu.memory_space<vmem>>
    %dma_start3A_355 = tpu.memref_slice %arg3[%multiple_of3A_81] : memref<100000xi32, #tpu.memory_space<hbm>> -> memref<128xi32, #tpu.memory_space<hbm>>
    %dma_start3A_356 = arith.constant 0 : i32
    %dma_start3A_357 = tpu.memref_slice %arg9[%dma_start3A_351, %dma_start3A_356] : memref<25x128xi32, #tpu.memory_space<vmem>> -> memref<1x128xi32, #tpu.memory_space<vmem>>
    %dma_start3A_358 = tpu.memref_squeeze %dma_start3A_357 : memref<1x128xi32, #tpu.memory_space<vmem>> -> memref<128xi32, #tpu.memory_space<vmem>>
    %dma_start3A_359 = tpu.memref_slice %arg3[%multiple_of3A_81] : memref<100000xi32, #tpu.memory_space<hbm>> -> memref<128xi32, #tpu.memory_space<hbm>>
    tpu.enqueue_dma source(%dma_start3A_359 : memref<128xi32, #tpu.memory_space<hbm>>) target(%dma_start3A_358 : memref<128xi32, #tpu.memory_space<vmem>>) target_semaphore(%arg19 : memref<!tpu.dma_semaphore, #tpu.memory_space<semaphore_mem>>)
    %dma_start3A_360 = arith.constant 7 : i32
    %dma_start3A_361 = arith.constant 0 : i32
    %dma_start3A_362 = tpu.memref_slice %arg9[%dma_start3A_360, %dma_start3A_361] : memref<25x128xi32, #tpu.memory_space<vmem>> -> memref<1x128xi32, #tpu.memory_space<vmem>>
    %dma_start3A_363 = tpu.memref_squeeze %dma_start3A_362 : memref<1x128xi32, #tpu.memory_space<vmem>> -> memref<128xi32, #tpu.memory_space<vmem>>
    %dma_start3A_364 = tpu.memref_slice %arg3[%multiple_of3A_93] : memref<100000xi32, #tpu.memory_space<hbm>> -> memref<128xi32, #tpu.memory_space<hbm>>
    %dma_start3A_365 = arith.constant 0 : i32
    %dma_start3A_366 = tpu.memref_slice %arg9[%dma_start3A_360, %dma_start3A_365] : memref<25x128xi32, #tpu.memory_space<vmem>> -> memref<1x128xi32, #tpu.memory_space<vmem>>
    %dma_start3A_367 = tpu.memref_squeeze %dma_start3A_366 : memref<1x128xi32, #tpu.memory_space<vmem>> -> memref<128xi32, #tpu.memory_space<vmem>>
    %dma_start3A_368 = tpu.memref_slice %arg3[%multiple_of3A_93] : memref<100000xi32, #tpu.memory_space<hbm>> -> memref<128xi32, #tpu.memory_space<hbm>>
    tpu.enqueue_dma source(%dma_start3A_368 : memref<128xi32, #tpu.memory_space<hbm>>) target(%dma_start3A_367 : memref<128xi32, #tpu.memory_space<vmem>>) target_semaphore(%arg19 : memref<!tpu.dma_semaphore, #tpu.memory_space<semaphore_mem>>)
    %dma_start3A_369 = arith.constant 8 : i32
    %dma_start3A_370 = arith.constant 0 : i32
    %dma_start3A_371 = tpu.memref_slice %arg9[%dma_start3A_369, %dma_start3A_370] : memref<25x128xi32, #tpu.memory_space<vmem>> -> memref<1x128xi32, #tpu.memory_space<vmem>>
    %dma_start3A_372 = tpu.memref_squeeze %dma_start3A_371 : memref<1x128xi32, #tpu.memory_space<vmem>> -> memref<128xi32, #tpu.memory_space<vmem>>
    %dma_start3A_373 = tpu.memref_slice %arg3[%multiple_of3A_105] : memref<100000xi32, #tpu.memory_space<hbm>> -> memref<128xi32, #tpu.memory_space<hbm>>
    %dma_start3A_374 = arith.constant 0 : i32
    %dma_start3A_375 = tpu.memref_slice %arg9[%dma_start3A_369, %dma_start3A_374] : memref<25x128xi32, #tpu.memory_space<vmem>> -> memref<1x128xi32, #tpu.memory_space<vmem>>
    %dma_start3A_376 = tpu.memref_squeeze %dma_start3A_375 : memref<1x128xi32, #tpu.memory_space<vmem>> -> memref<128xi32, #tpu.memory_space<vmem>>
    %dma_start3A_377 = tpu.memref_slice %arg3[%multiple_of3A_105] : memref<100000xi32, #tpu.memory_space<hbm>> -> memref<128xi32, #tpu.memory_space<hbm>>
    tpu.enqueue_dma source(%dma_start3A_377 : memref<128xi32, #tpu.memory_space<hbm>>) target(%dma_start3A_376 : memref<128xi32, #tpu.memory_space<vmem>>) target_semaphore(%arg19 : memref<!tpu.dma_semaphore, #tpu.memory_space<semaphore_mem>>)
    %dma_start3A_378 = arith.constant 9 : i32
    %dma_start3A_379 = arith.constant 0 : i32
    %dma_start3A_380 = tpu.memref_slice %arg9[%dma_start3A_378, %dma_start3A_379] : memref<25x128xi32, #tpu.memory_space<vmem>> -> memref<1x128xi32, #tpu.memory_space<vmem>>
    %dma_start3A_381 = tpu.memref_squeeze %dma_start3A_380 : memref<1x128xi32, #tpu.memory_space<vmem>> -> memref<128xi32, #tpu.memory_space<vmem>>
    %dma_start3A_382 = tpu.memref_slice %arg3[%multiple_of3A_117] : memref<100000xi32, #tpu.memory_space<hbm>> -> memref<128xi32, #tpu.memory_space<hbm>>
    %dma_start3A_383 = arith.constant 0 : i32
    %dma_start3A_384 = tpu.memref_slice %arg9[%dma_start3A_378, %dma_start3A_383] : memref<25x128xi32, #tpu.memory_space<vmem>> -> memref<1x128xi32, #tpu.memory_space<vmem>>
    %dma_start3A_385 = tpu.memref_squeeze %dma_start3A_384 : memref<1x128xi32, #tpu.memory_space<vmem>> -> memref<128xi32, #tpu.memory_space<vmem>>
    %dma_start3A_386 = tpu.memref_slice %arg3[%multiple_of3A_117] : memref<100000xi32, #tpu.memory_space<hbm>> -> memref<128xi32, #tpu.memory_space<hbm>>
    tpu.enqueue_dma source(%dma_start3A_386 : memref<128xi32, #tpu.memory_space<hbm>>) target(%dma_start3A_385 : memref<128xi32, #tpu.memory_space<vmem>>) target_semaphore(%arg19 : memref<!tpu.dma_semaphore, #tpu.memory_space<semaphore_mem>>)
    %dma_start3A_387 = arith.constant 10 : i32
    %dma_start3A_388 = arith.constant 0 : i32
    %dma_start3A_389 = tpu.memref_slice %arg9[%dma_start3A_387, %dma_start3A_388] : memref<25x128xi32, #tpu.memory_space<vmem>> -> memref<1x128xi32, #tpu.memory_space<vmem>>
    %dma_start3A_390 = tpu.memref_squeeze %dma_start3A_389 : memref<1x128xi32, #tpu.memory_space<vmem>> -> memref<128xi32, #tpu.memory_space<vmem>>
    %dma_start3A_391 = tpu.memref_slice %arg3[%multiple_of3A_129] : memref<100000xi32, #tpu.memory_space<hbm>> -> memref<128xi32, #tpu.memory_space<hbm>>
    %dma_start3A_392 = arith.constant 0 : i32
    %dma_start3A_393 = tpu.memref_slice %arg9[%dma_start3A_387, %dma_start3A_392] : memref<25x128xi32, #tpu.memory_space<vmem>> -> memref<1x128xi32, #tpu.memory_space<vmem>>
    %dma_start3A_394 = tpu.memref_squeeze %dma_start3A_393 : memref<1x128xi32, #tpu.memory_space<vmem>> -> memref<128xi32, #tpu.memory_space<vmem>>
    %dma_start3A_395 = tpu.memref_slice %arg3[%multiple_of3A_129] : memref<100000xi32, #tpu.memory_space<hbm>> -> memref<128xi32, #tpu.memory_space<hbm>>
    tpu.enqueue_dma source(%dma_start3A_395 : memref<128xi32, #tpu.memory_space<hbm>>) target(%dma_start3A_394 : memref<128xi32, #tpu.memory_space<vmem>>) target_semaphore(%arg19 : memref<!tpu.dma_semaphore, #tpu.memory_space<semaphore_mem>>)
    %dma_start3A_396 = arith.constant 11 : i32
    %dma_start3A_397 = arith.constant 0 : i32
    %dma_start3A_398 = tpu.memref_slice %arg9[%dma_start3A_396, %dma_start3A_397] : memref<25x128xi32, #tpu.memory_space<vmem>> -> memref<1x128xi32, #tpu.memory_space<vmem>>
    %dma_start3A_399 = tpu.memref_squeeze %dma_start3A_398 : memref<1x128xi32, #tpu.memory_space<vmem>> -> memref<128xi32, #tpu.memory_space<vmem>>
    %dma_start3A_400 = tpu.memref_slice %arg3[%multiple_of3A_141] : memref<100000xi32, #tpu.memory_space<hbm>> -> memref<128xi32, #tpu.memory_space<hbm>>
    %dma_start3A_401 = arith.constant 0 : i32
    %dma_start3A_402 = tpu.memref_slice %arg9[%dma_start3A_396, %dma_start3A_401] : memref<25x128xi32, #tpu.memory_space<vmem>> -> memref<1x128xi32, #tpu.memory_space<vmem>>
    %dma_start3A_403 = tpu.memref_squeeze %dma_start3A_402 : memref<1x128xi32, #tpu.memory_space<vmem>> -> memref<128xi32, #tpu.memory_space<vmem>>
    %dma_start3A_404 = tpu.memref_slice %arg3[%multiple_of3A_141] : memref<100000xi32, #tpu.memory_space<hbm>> -> memref<128xi32, #tpu.memory_space<hbm>>
    tpu.enqueue_dma source(%dma_start3A_404 : memref<128xi32, #tpu.memory_space<hbm>>) target(%dma_start3A_403 : memref<128xi32, #tpu.memory_space<vmem>>) target_semaphore(%arg19 : memref<!tpu.dma_semaphore, #tpu.memory_space<semaphore_mem>>)
    %dma_start3A_405 = arith.constant 12 : i32
    %dma_start3A_406 = arith.constant 0 : i32
    %dma_start3A_407 = tpu.memref_slice %arg9[%dma_start3A_405, %dma_start3A_406] : memref<25x128xi32, #tpu.memory_space<vmem>> -> memref<1x128xi32, #tpu.memory_space<vmem>>
    %dma_start3A_408 = tpu.memref_squeeze %dma_start3A_407 : memref<1x128xi32, #tpu.memory_space<vmem>> -> memref<128xi32, #tpu.memory_space<vmem>>
    %dma_start3A_409 = tpu.memref_slice %arg3[%multiple_of3A_153] : memref<100000xi32, #tpu.memory_space<hbm>> -> memref<128xi32, #tpu.memory_space<hbm>>
    %dma_start3A_410 = arith.constant 0 : i32
    %dma_start3A_411 = tpu.memref_slice %arg9[%dma_start3A_405, %dma_start3A_410] : memref<25x128xi32, #tpu.memory_space<vmem>> -> memref<1x128xi32, #tpu.memory_space<vmem>>
    %dma_start3A_412 = tpu.memref_squeeze %dma_start3A_411 : memref<1x128xi32, #tpu.memory_space<vmem>> -> memref<128xi32, #tpu.memory_space<vmem>>
    %dma_start3A_413 = tpu.memref_slice %arg3[%multiple_of3A_153] : memref<100000xi32, #tpu.memory_space<hbm>> -> memref<128xi32, #tpu.memory_space<hbm>>
    tpu.enqueue_dma source(%dma_start3A_413 : memref<128xi32, #tpu.memory_space<hbm>>) target(%dma_start3A_412 : memref<128xi32, #tpu.memory_space<vmem>>) target_semaphore(%arg19 : memref<!tpu.dma_semaphore, #tpu.memory_space<semaphore_mem>>)
    %dma_start3A_414 = arith.constant 13 : i32
    %dma_start3A_415 = arith.constant 0 : i32
    %dma_start3A_416 = tpu.memref_slice %arg9[%dma_start3A_414, %dma_start3A_415] : memref<25x128xi32, #tpu.memory_space<vmem>> -> memref<1x128xi32, #tpu.memory_space<vmem>>
    %dma_start3A_417 = tpu.memref_squeeze %dma_start3A_416 : memref<1x128xi32, #tpu.memory_space<vmem>> -> memref<128xi32, #tpu.memory_space<vmem>>
    %dma_start3A_418 = tpu.memref_slice %arg3[%multiple_of3A_165] : memref<100000xi32, #tpu.memory_space<hbm>> -> memref<128xi32, #tpu.memory_space<hbm>>
    %dma_start3A_419 = arith.constant 0 : i32
    %dma_start3A_420 = tpu.memref_slice %arg9[%dma_start3A_414, %dma_start3A_419] : memref<25x128xi32, #tpu.memory_space<vmem>> -> memref<1x128xi32, #tpu.memory_space<vmem>>
    %dma_start3A_421 = tpu.memref_squeeze %dma_start3A_420 : memref<1x128xi32, #tpu.memory_space<vmem>> -> memref<128xi32, #tpu.memory_space<vmem>>
    %dma_start3A_422 = tpu.memref_slice %arg3[%multiple_of3A_165] : memref<100000xi32, #tpu.memory_space<hbm>> -> memref<128xi32, #tpu.memory_space<hbm>>
    tpu.enqueue_dma source(%dma_start3A_422 : memref<128xi32, #tpu.memory_space<hbm>>) target(%dma_start3A_421 : memref<128xi32, #tpu.memory_space<vmem>>) target_semaphore(%arg19 : memref<!tpu.dma_semaphore, #tpu.memory_space<semaphore_mem>>)
    %dma_start3A_423 = arith.constant 14 : i32
    %dma_start3A_424 = arith.constant 0 : i32
    %dma_start3A_425 = tpu.memref_slice %arg9[%dma_start3A_423, %dma_start3A_424] : memref<25x128xi32, #tpu.memory_space<vmem>> -> memref<1x128xi32, #tpu.memory_space<vmem>>
    %dma_start3A_426 = tpu.memref_squeeze %dma_start3A_425 : memref<1x128xi32, #tpu.memory_space<vmem>> -> memref<128xi32, #tpu.memory_space<vmem>>
    %dma_start3A_427 = tpu.memref_slice %arg3[%multiple_of3A_177] : memref<100000xi32, #tpu.memory_space<hbm>> -> memref<128xi32, #tpu.memory_space<hbm>>
    %dma_start3A_428 = arith.constant 0 : i32
    %dma_start3A_429 = tpu.memref_slice %arg9[%dma_start3A_423, %dma_start3A_428] : memref<25x128xi32, #tpu.memory_space<vmem>> -> memref<1x128xi32, #tpu.memory_space<vmem>>
    %dma_start3A_430 = tpu.memref_squeeze %dma_start3A_429 : memref<1x128xi32, #tpu.memory_space<vmem>> -> memref<128xi32, #tpu.memory_space<vmem>>
    %dma_start3A_431 = tpu.memref_slice %arg3[%multiple_of3A_177] : memref<100000xi32, #tpu.memory_space<hbm>> -> memref<128xi32, #tpu.memory_space<hbm>>
    tpu.enqueue_dma source(%dma_start3A_431 : memref<128xi32, #tpu.memory_space<hbm>>) target(%dma_start3A_430 : memref<128xi32, #tpu.memory_space<vmem>>) target_semaphore(%arg19 : memref<!tpu.dma_semaphore, #tpu.memory_space<semaphore_mem>>)
    %dma_start3A_432 = arith.constant 15 : i32
    %dma_start3A_433 = arith.constant 0 : i32
    %dma_start3A_434 = tpu.memref_slice %arg9[%dma_start3A_432, %dma_start3A_433] : memref<25x128xi32, #tpu.memory_space<vmem>> -> memref<1x128xi32, #tpu.memory_space<vmem>>
    %dma_start3A_435 = tpu.memref_squeeze %dma_start3A_434 : memref<1x128xi32, #tpu.memory_space<vmem>> -> memref<128xi32, #tpu.memory_space<vmem>>
    %dma_start3A_436 = tpu.memref_slice %arg3[%multiple_of3A_189] : memref<100000xi32, #tpu.memory_space<hbm>> -> memref<128xi32, #tpu.memory_space<hbm>>
    %dma_start3A_437 = arith.constant 0 : i32
    %dma_start3A_438 = tpu.memref_slice %arg9[%dma_start3A_432, %dma_start3A_437] : memref<25x128xi32, #tpu.memory_space<vmem>> -> memref<1x128xi32, #tpu.memory_space<vmem>>
    %dma_start3A_439 = tpu.memref_squeeze %dma_start3A_438 : memref<1x128xi32, #tpu.memory_space<vmem>> -> memref<128xi32, #tpu.memory_space<vmem>>
    %dma_start3A_440 = tpu.memref_slice %arg3[%multiple_of3A_189] : memref<100000xi32, #tpu.memory_space<hbm>> -> memref<128xi32, #tpu.memory_space<hbm>>
    tpu.enqueue_dma source(%dma_start3A_440 : memref<128xi32, #tpu.memory_space<hbm>>) target(%dma_start3A_439 : memref<128xi32, #tpu.memory_space<vmem>>) target_semaphore(%arg19 : memref<!tpu.dma_semaphore, #tpu.memory_space<semaphore_mem>>)
    %dma_start3A_441 = arith.constant 16 : i32
    %dma_start3A_442 = arith.constant 0 : i32
    %dma_start3A_443 = tpu.memref_slice %arg9[%dma_start3A_441, %dma_start3A_442] : memref<25x128xi32, #tpu.memory_space<vmem>> -> memref<1x128xi32, #tpu.memory_space<vmem>>
    %dma_start3A_444 = tpu.memref_squeeze %dma_start3A_443 : memref<1x128xi32, #tpu.memory_space<vmem>> -> memref<128xi32, #tpu.memory_space<vmem>>
    %dma_start3A_445 = tpu.memref_slice %arg3[%multiple_of3A_201] : memref<100000xi32, #tpu.memory_space<hbm>> -> memref<128xi32, #tpu.memory_space<hbm>>
    %dma_start3A_446 = arith.constant 0 : i32
    %dma_start3A_447 = tpu.memref_slice %arg9[%dma_start3A_441, %dma_start3A_446] : memref<25x128xi32, #tpu.memory_space<vmem>> -> memref<1x128xi32, #tpu.memory_space<vmem>>
    %dma_start3A_448 = tpu.memref_squeeze %dma_start3A_447 : memref<1x128xi32, #tpu.memory_space<vmem>> -> memref<128xi32, #tpu.memory_space<vmem>>
    %dma_start3A_449 = tpu.memref_slice %arg3[%multiple_of3A_201] : memref<100000xi32, #tpu.memory_space<hbm>> -> memref<128xi32, #tpu.memory_space<hbm>>
    tpu.enqueue_dma source(%dma_start3A_449 : memref<128xi32, #tpu.memory_space<hbm>>) target(%dma_start3A_448 : memref<128xi32, #tpu.memory_space<vmem>>) target_semaphore(%arg19 : memref<!tpu.dma_semaphore, #tpu.memory_space<semaphore_mem>>)
    %dma_start3A_450 = arith.constant 17 : i32
    %dma_start3A_451 = arith.constant 0 : i32
    %dma_start3A_452 = tpu.memref_slice %arg9[%dma_start3A_450, %dma_start3A_451] : memref<25x128xi32, #tpu.memory_space<vmem>> -> memref<1x128xi32, #tpu.memory_space<vmem>>
    %dma_start3A_453 = tpu.memref_squeeze %dma_start3A_452 : memref<1x128xi32, #tpu.memory_space<vmem>> -> memref<128xi32, #tpu.memory_space<vmem>>
    %dma_start3A_454 = tpu.memref_slice %arg3[%multiple_of3A_213] : memref<100000xi32, #tpu.memory_space<hbm>> -> memref<128xi32, #tpu.memory_space<hbm>>
    %dma_start3A_455 = arith.constant 0 : i32
    %dma_start3A_456 = tpu.memref_slice %arg9[%dma_start3A_450, %dma_start3A_455] : memref<25x128xi32, #tpu.memory_space<vmem>> -> memref<1x128xi32, #tpu.memory_space<vmem>>
    %dma_start3A_457 = tpu.memref_squeeze %dma_start3A_456 : memref<1x128xi32, #tpu.memory_space<vmem>> -> memref<128xi32, #tpu.memory_space<vmem>>
    %dma_start3A_458 = tpu.memref_slice %arg3[%multiple_of3A_213] : memref<100000xi32, #tpu.memory_space<hbm>> -> memref<128xi32, #tpu.memory_space<hbm>>
    tpu.enqueue_dma source(%dma_start3A_458 : memref<128xi32, #tpu.memory_space<hbm>>) target(%dma_start3A_457 : memref<128xi32, #tpu.memory_space<vmem>>) target_semaphore(%arg19 : memref<!tpu.dma_semaphore, #tpu.memory_space<semaphore_mem>>)
    %dma_start3A_459 = arith.constant 18 : i32
    %dma_start3A_460 = arith.constant 0 : i32
    %dma_start3A_461 = tpu.memref_slice %arg9[%dma_start3A_459, %dma_start3A_460] : memref<25x128xi32, #tpu.memory_space<vmem>> -> memref<1x128xi32, #tpu.memory_space<vmem>>
    %dma_start3A_462 = tpu.memref_squeeze %dma_start3A_461 : memref<1x128xi32, #tpu.memory_space<vmem>> -> memref<128xi32, #tpu.memory_space<vmem>>
    %dma_start3A_463 = tpu.memref_slice %arg3[%multiple_of3A_225] : memref<100000xi32, #tpu.memory_space<hbm>> -> memref<128xi32, #tpu.memory_space<hbm>>
    %dma_start3A_464 = arith.constant 0 : i32
    %dma_start3A_465 = tpu.memref_slice %arg9[%dma_start3A_459, %dma_start3A_464] : memref<25x128xi32, #tpu.memory_space<vmem>> -> memref<1x128xi32, #tpu.memory_space<vmem>>
    %dma_start3A_466 = tpu.memref_squeeze %dma_start3A_465 : memref<1x128xi32, #tpu.memory_space<vmem>> -> memref<128xi32, #tpu.memory_space<vmem>>
    %dma_start3A_467 = tpu.memref_slice %arg3[%multiple_of3A_225] : memref<100000xi32, #tpu.memory_space<hbm>> -> memref<128xi32, #tpu.memory_space<hbm>>
    tpu.enqueue_dma source(%dma_start3A_467 : memref<128xi32, #tpu.memory_space<hbm>>) target(%dma_start3A_466 : memref<128xi32, #tpu.memory_space<vmem>>) target_semaphore(%arg19 : memref<!tpu.dma_semaphore, #tpu.memory_space<semaphore_mem>>)
    %dma_start3A_468 = arith.constant 19 : i32
    %dma_start3A_469 = arith.constant 0 : i32
    %dma_start3A_470 = tpu.memref_slice %arg9[%dma_start3A_468, %dma_start3A_469] : memref<25x128xi32, #tpu.memory_space<vmem>> -> memref<1x128xi32, #tpu.memory_space<vmem>>
    %dma_start3A_471 = tpu.memref_squeeze %dma_start3A_470 : memref<1x128xi32, #tpu.memory_space<vmem>> -> memref<128xi32, #tpu.memory_space<vmem>>
    %dma_start3A_472 = tpu.memref_slice %arg3[%multiple_of3A_237] : memref<100000xi32, #tpu.memory_space<hbm>> -> memref<128xi32, #tpu.memory_space<hbm>>
    %dma_start3A_473 = arith.constant 0 : i32
    %dma_start3A_474 = tpu.memref_slice %arg9[%dma_start3A_468, %dma_start3A_473] : memref<25x128xi32, #tpu.memory_space<vmem>> -> memref<1x128xi32, #tpu.memory_space<vmem>>
    %dma_start3A_475 = tpu.memref_squeeze %dma_start3A_474 : memref<1x128xi32, #tpu.memory_space<vmem>> -> memref<128xi32, #tpu.memory_space<vmem>>
    %dma_start3A_476 = tpu.memref_slice %arg3[%multiple_of3A_237] : memref<100000xi32, #tpu.memory_space<hbm>> -> memref<128xi32, #tpu.memory_space<hbm>>
    tpu.enqueue_dma source(%dma_start3A_476 : memref<128xi32, #tpu.memory_space<hbm>>) target(%dma_start3A_475 : memref<128xi32, #tpu.memory_space<vmem>>) target_semaphore(%arg19 : memref<!tpu.dma_semaphore, #tpu.memory_space<semaphore_mem>>)
    %dma_start3A_477 = arith.constant 20 : i32
    %dma_start3A_478 = arith.constant 0 : i32
    %dma_start3A_479 = tpu.memref_slice %arg9[%dma_start3A_477, %dma_start3A_478] : memref<25x128xi32, #tpu.memory_space<vmem>> -> memref<1x128xi32, #tpu.memory_space<vmem>>
    %dma_start3A_480 = tpu.memref_squeeze %dma_start3A_479 : memref<1x128xi32, #tpu.memory_space<vmem>> -> memref<128xi32, #tpu.memory_space<vmem>>
    %dma_start3A_481 = tpu.memref_slice %arg3[%multiple_of3A_249] : memref<100000xi32, #tpu.memory_space<hbm>> -> memref<128xi32, #tpu.memory_space<hbm>>
    %dma_start3A_482 = arith.constant 0 : i32
    %dma_start3A_483 = tpu.memref_slice %arg9[%dma_start3A_477, %dma_start3A_482] : memref<25x128xi32, #tpu.memory_space<vmem>> -> memref<1x128xi32, #tpu.memory_space<vmem>>
    %dma_start3A_484 = tpu.memref_squeeze %dma_start3A_483 : memref<1x128xi32, #tpu.memory_space<vmem>> -> memref<128xi32, #tpu.memory_space<vmem>>
    %dma_start3A_485 = tpu.memref_slice %arg3[%multiple_of3A_249] : memref<100000xi32, #tpu.memory_space<hbm>> -> memref<128xi32, #tpu.memory_space<hbm>>
    tpu.enqueue_dma source(%dma_start3A_485 : memref<128xi32, #tpu.memory_space<hbm>>) target(%dma_start3A_484 : memref<128xi32, #tpu.memory_space<vmem>>) target_semaphore(%arg19 : memref<!tpu.dma_semaphore, #tpu.memory_space<semaphore_mem>>)
    %dma_start3A_486 = arith.constant 21 : i32
    %dma_start3A_487 = arith.constant 0 : i32
    %dma_start3A_488 = tpu.memref_slice %arg9[%dma_start3A_486, %dma_start3A_487] : memref<25x128xi32, #tpu.memory_space<vmem>> -> memref<1x128xi32, #tpu.memory_space<vmem>>
    %dma_start3A_489 = tpu.memref_squeeze %dma_start3A_488 : memref<1x128xi32, #tpu.memory_space<vmem>> -> memref<128xi32, #tpu.memory_space<vmem>>
    %dma_start3A_490 = tpu.memref_slice %arg3[%multiple_of3A_261] : memref<100000xi32, #tpu.memory_space<hbm>> -> memref<128xi32, #tpu.memory_space<hbm>>
    %dma_start3A_491 = arith.constant 0 : i32
    %dma_start3A_492 = tpu.memref_slice %arg9[%dma_start3A_486, %dma_start3A_491] : memref<25x128xi32, #tpu.memory_space<vmem>> -> memref<1x128xi32, #tpu.memory_space<vmem>>
    %dma_start3A_493 = tpu.memref_squeeze %dma_start3A_492 : memref<1x128xi32, #tpu.memory_space<vmem>> -> memref<128xi32, #tpu.memory_space<vmem>>
    %dma_start3A_494 = tpu.memref_slice %arg3[%multiple_of3A_261] : memref<100000xi32, #tpu.memory_space<hbm>> -> memref<128xi32, #tpu.memory_space<hbm>>
    tpu.enqueue_dma source(%dma_start3A_494 : memref<128xi32, #tpu.memory_space<hbm>>) target(%dma_start3A_493 : memref<128xi32, #tpu.memory_space<vmem>>) target_semaphore(%arg19 : memref<!tpu.dma_semaphore, #tpu.memory_space<semaphore_mem>>)
    %dma_start3A_495 = arith.constant 22 : i32
    %dma_start3A_496 = arith.constant 0 : i32
    %dma_start3A_497 = tpu.memref_slice %arg9[%dma_start3A_495, %dma_start3A_496] : memref<25x128xi32, #tpu.memory_space<vmem>> -> memref<1x128xi32, #tpu.memory_space<vmem>>
    %dma_start3A_498 = tpu.memref_squeeze %dma_start3A_497 : memref<1x128xi32, #tpu.memory_space<vmem>> -> memref<128xi32, #tpu.memory_space<vmem>>
    %dma_start3A_499 = tpu.memref_slice %arg3[%multiple_of3A_273] : memref<100000xi32, #tpu.memory_space<hbm>> -> memref<128xi32, #tpu.memory_space<hbm>>
    %dma_start3A_500 = arith.constant 0 : i32
    %dma_start3A_501 = tpu.memref_slice %arg9[%dma_start3A_495, %dma_start3A_500] : memref<25x128xi32, #tpu.memory_space<vmem>> -> memref<1x128xi32, #tpu.memory_space<vmem>>
    %dma_start3A_502 = tpu.memref_squeeze %dma_start3A_501 : memref<1x128xi32, #tpu.memory_space<vmem>> -> memref<128xi32, #tpu.memory_space<vmem>>
    %dma_start3A_503 = tpu.memref_slice %arg3[%multiple_of3A_273] : memref<100000xi32, #tpu.memory_space<hbm>> -> memref<128xi32, #tpu.memory_space<hbm>>
    tpu.enqueue_dma source(%dma_start3A_503 : memref<128xi32, #tpu.memory_space<hbm>>) target(%dma_start3A_502 : memref<128xi32, #tpu.memory_space<vmem>>) target_semaphore(%arg19 : memref<!tpu.dma_semaphore, #tpu.memory_space<semaphore_mem>>)
    %dma_start3A_504 = arith.constant 23 : i32
    %dma_start3A_505 = arith.constant 0 : i32
    %dma_start3A_506 = tpu.memref_slice %arg9[%dma_start3A_504, %dma_start3A_505] : memref<25x128xi32, #tpu.memory_space<vmem>> -> memref<1x128xi32, #tpu.memory_space<vmem>>
    %dma_start3A_507 = tpu.memref_squeeze %dma_start3A_506 : memref<1x128xi32, #tpu.memory_space<vmem>> -> memref<128xi32, #tpu.memory_space<vmem>>
    %dma_start3A_508 = tpu.memref_slice %arg3[%multiple_of3A_285] : memref<100000xi32, #tpu.memory_space<hbm>> -> memref<128xi32, #tpu.memory_space<hbm>>
    %dma_start3A_509 = arith.constant 0 : i32
    %dma_start3A_510 = tpu.memref_slice %arg9[%dma_start3A_504, %dma_start3A_509] : memref<25x128xi32, #tpu.memory_space<vmem>> -> memref<1x128xi32, #tpu.memory_space<vmem>>
    %dma_start3A_511 = tpu.memref_squeeze %dma_start3A_510 : memref<1x128xi32, #tpu.memory_space<vmem>> -> memref<128xi32, #tpu.memory_space<vmem>>
    %dma_start3A_512 = tpu.memref_slice %arg3[%multiple_of3A_285] : memref<100000xi32, #tpu.memory_space<hbm>> -> memref<128xi32, #tpu.memory_space<hbm>>
    tpu.enqueue_dma source(%dma_start3A_512 : memref<128xi32, #tpu.memory_space<hbm>>) target(%dma_start3A_511 : memref<128xi32, #tpu.memory_space<vmem>>) target_semaphore(%arg19 : memref<!tpu.dma_semaphore, #tpu.memory_space<semaphore_mem>>)
    %dma_start3A_513 = arith.constant 24 : i32
    %dma_start3A_514 = arith.constant 0 : i32
    %dma_start3A_515 = tpu.memref_slice %arg9[%dma_start3A_513, %dma_start3A_514] : memref<25x128xi32, #tpu.memory_space<vmem>> -> memref<1x128xi32, #tpu.memory_space<vmem>>
    %dma_start3A_516 = tpu.memref_squeeze %dma_start3A_515 : memref<1x128xi32, #tpu.memory_space<vmem>> -> memref<128xi32, #tpu.memory_space<vmem>>
    %dma_start3A_517 = tpu.memref_slice %arg3[%multiple_of3A_297] : memref<100000xi32, #tpu.memory_space<hbm>> -> memref<128xi32, #tpu.memory_space<hbm>>
    %dma_start3A_518 = arith.constant 0 : i32
    %dma_start3A_519 = tpu.memref_slice %arg9[%dma_start3A_513, %dma_start3A_518] : memref<25x128xi32, #tpu.memory_space<vmem>> -> memref<1x128xi32, #tpu.memory_space<vmem>>
    %dma_start3A_520 = tpu.memref_squeeze %dma_start3A_519 : memref<1x128xi32, #tpu.memory_space<vmem>> -> memref<128xi32, #tpu.memory_space<vmem>>
    %dma_start3A_521 = tpu.memref_slice %arg3[%multiple_of3A_297] : memref<100000xi32, #tpu.memory_space<hbm>> -> memref<128xi32, #tpu.memory_space<hbm>>
    tpu.enqueue_dma source(%dma_start3A_521 : memref<128xi32, #tpu.memory_space<hbm>>) target(%dma_start3A_520 : memref<128xi32, #tpu.memory_space<vmem>>) target_semaphore(%arg19 : memref<!tpu.dma_semaphore, #tpu.memory_space<semaphore_mem>>)
    tpu.enqueue_dma source(%arg4 : memref<1x128xf32, #tpu.memory_space<hbm>>) target(%arg10 : memref<1x128xf32, #tpu.memory_space<vmem>>) target_semaphore(%arg19 : memref<!tpu.dma_semaphore, #tpu.memory_space<semaphore_mem>>)
    %dma_start3A_522 = arith.constant 0 : i32
    %dma_start3A_523 = arith.constant 0 : i32
    %dma_start3A_524 = arith.constant 0 : i32
    %dma_start3A_525 = arith.constant 0 : i32
    %dma_start3A_526 = tpu.memref_slice %arg13[%dma_start3A_522, %dma_start3A_524, %dma_start3A_525] : memref<7x128x128xf32, #tpu.memory_space<vmem>> -> memref<1x128x128xf32, #tpu.memory_space<vmem>>
    %dma_start3A_527 = tpu.memref_squeeze %dma_start3A_526 : memref<1x128x128xf32, #tpu.memory_space<vmem>> -> memref<128x128xf32, #tpu.memory_space<vmem>>
    %dma_start3A_528 = arith.constant 0 : i32
    %dma_start3A_529 = tpu.memref_slice %arg2[%multiple_of3A, %dma_start3A_528] : memref<100000x128xf32, #tpu.memory_space<hbm>> -> memref<128x128xf32, #tpu.memory_space<hbm>>
    %dma_start3A_530 = tpu.memref_slice %arg16[%dma_start3A_523] : memref<7x!tpu.dma_semaphore, #tpu.memory_space<semaphore_mem>> -> memref<1x!tpu.dma_semaphore, #tpu.memory_space<semaphore_mem>>
    %dma_start3A_531 = tpu.memref_squeeze %dma_start3A_530 : memref<1x!tpu.dma_semaphore, #tpu.memory_space<semaphore_mem>> -> memref<!tpu.dma_semaphore, #tpu.memory_space<semaphore_mem>>
    %dma_start3A_532 = arith.constant 0 : i32
    %dma_start3A_533 = arith.constant 0 : i32
    %dma_start3A_534 = tpu.memref_slice %arg13[%dma_start3A_522, %dma_start3A_532, %dma_start3A_533] : memref<7x128x128xf32, #tpu.memory_space<vmem>> -> memref<1x128x128xf32, #tpu.memory_space<vmem>>
    %dma_start3A_535 = tpu.memref_squeeze %dma_start3A_534 : memref<1x128x128xf32, #tpu.memory_space<vmem>> -> memref<128x128xf32, #tpu.memory_space<vmem>>
    %dma_start3A_536 = arith.constant 0 : i32
    %dma_start3A_537 = tpu.memref_slice %arg2[%multiple_of3A, %dma_start3A_536] : memref<100000x128xf32, #tpu.memory_space<hbm>> -> memref<128x128xf32, #tpu.memory_space<hbm>>
    tpu.enqueue_dma source(%dma_start3A_537 : memref<128x128xf32, #tpu.memory_space<hbm>>) target(%dma_start3A_535 : memref<128x128xf32, #tpu.memory_space<vmem>>) target_semaphore(%dma_start3A_531 : memref<!tpu.dma_semaphore, #tpu.memory_space<semaphore_mem>>)
    %dma_start3A_538 = arith.constant 1 : i32
    %dma_start3A_539 = arith.constant 1 : i32
    %dma_start3A_540 = arith.constant 0 : i32
    %dma_start3A_541 = arith.constant 0 : i32
    %dma_start3A_542 = tpu.memref_slice %arg13[%dma_start3A_538, %dma_start3A_540, %dma_start3A_541] : memref<7x128x128xf32, #tpu.memory_space<vmem>> -> memref<1x128x128xf32, #tpu.memory_space<vmem>>
    %dma_start3A_543 = tpu.memref_squeeze %dma_start3A_542 : memref<1x128x128xf32, #tpu.memory_space<vmem>> -> memref<128x128xf32, #tpu.memory_space<vmem>>
    %dma_start3A_544 = arith.constant 0 : i32
    %dma_start3A_545 = tpu.memref_slice %arg2[%multiple_of3A_21, %dma_start3A_544] : memref<100000x128xf32, #tpu.memory_space<hbm>> -> memref<128x128xf32, #tpu.memory_space<hbm>>
    %dma_start3A_546 = tpu.memref_slice %arg16[%dma_start3A_539] : memref<7x!tpu.dma_semaphore, #tpu.memory_space<semaphore_mem>> -> memref<1x!tpu.dma_semaphore, #tpu.memory_space<semaphore_mem>>
    %dma_start3A_547 = tpu.memref_squeeze %dma_start3A_546 : memref<1x!tpu.dma_semaphore, #tpu.memory_space<semaphore_mem>> -> memref<!tpu.dma_semaphore, #tpu.memory_space<semaphore_mem>>
    %dma_start3A_548 = arith.constant 0 : i32
    %dma_start3A_549 = arith.constant 0 : i32
    %dma_start3A_550 = tpu.memref_slice %arg13[%dma_start3A_538, %dma_start3A_548, %dma_start3A_549] : memref<7x128x128xf32, #tpu.memory_space<vmem>> -> memref<1x128x128xf32, #tpu.memory_space<vmem>>
    %dma_start3A_551 = tpu.memref_squeeze %dma_start3A_550 : memref<1x128x128xf32, #tpu.memory_space<vmem>> -> memref<128x128xf32, #tpu.memory_space<vmem>>
    %dma_start3A_552 = arith.constant 0 : i32
    %dma_start3A_553 = tpu.memref_slice %arg2[%multiple_of3A_21, %dma_start3A_552] : memref<100000x128xf32, #tpu.memory_space<hbm>> -> memref<128x128xf32, #tpu.memory_space<hbm>>
    tpu.enqueue_dma source(%dma_start3A_553 : memref<128x128xf32, #tpu.memory_space<hbm>>) target(%dma_start3A_551 : memref<128x128xf32, #tpu.memory_space<vmem>>) target_semaphore(%dma_start3A_547 : memref<!tpu.dma_semaphore, #tpu.memory_space<semaphore_mem>>)
    %dma_start3A_554 = arith.constant 2 : i32
    %dma_start3A_555 = arith.constant 2 : i32
    %dma_start3A_556 = arith.constant 0 : i32
    %dma_start3A_557 = arith.constant 0 : i32
    %dma_start3A_558 = tpu.memref_slice %arg13[%dma_start3A_554, %dma_start3A_556, %dma_start3A_557] : memref<7x128x128xf32, #tpu.memory_space<vmem>> -> memref<1x128x128xf32, #tpu.memory_space<vmem>>
    %dma_start3A_559 = tpu.memref_squeeze %dma_start3A_558 : memref<1x128x128xf32, #tpu.memory_space<vmem>> -> memref<128x128xf32, #tpu.memory_space<vmem>>
    %dma_start3A_560 = arith.constant 0 : i32
    %dma_start3A_561 = tpu.memref_slice %arg2[%multiple_of3A_33, %dma_start3A_560] : memref<100000x128xf32, #tpu.memory_space<hbm>> -> memref<128x128xf32, #tpu.memory_space<hbm>>
    %dma_start3A_562 = tpu.memref_slice %arg16[%dma_start3A_555] : memref<7x!tpu.dma_semaphore, #tpu.memory_space<semaphore_mem>> -> memref<1x!tpu.dma_semaphore, #tpu.memory_space<semaphore_mem>>
    %dma_start3A_563 = tpu.memref_squeeze %dma_start3A_562 : memref<1x!tpu.dma_semaphore, #tpu.memory_space<semaphore_mem>> -> memref<!tpu.dma_semaphore, #tpu.memory_space<semaphore_mem>>
    %dma_start3A_564 = arith.constant 0 : i32
    %dma_start3A_565 = arith.constant 0 : i32
    %dma_start3A_566 = tpu.memref_slice %arg13[%dma_start3A_554, %dma_start3A_564, %dma_start3A_565] : memref<7x128x128xf32, #tpu.memory_space<vmem>> -> memref<1x128x128xf32, #tpu.memory_space<vmem>>
    %dma_start3A_567 = tpu.memref_squeeze %dma_start3A_566 : memref<1x128x128xf32, #tpu.memory_space<vmem>> -> memref<128x128xf32, #tpu.memory_space<vmem>>
    %dma_start3A_568 = arith.constant 0 : i32
    %dma_start3A_569 = tpu.memref_slice %arg2[%multiple_of3A_33, %dma_start3A_568] : memref<100000x128xf32, #tpu.memory_space<hbm>> -> memref<128x128xf32, #tpu.memory_space<hbm>>
    tpu.enqueue_dma source(%dma_start3A_569 : memref<128x128xf32, #tpu.memory_space<hbm>>) target(%dma_start3A_567 : memref<128x128xf32, #tpu.memory_space<vmem>>) target_semaphore(%dma_start3A_563 : memref<!tpu.dma_semaphore, #tpu.memory_space<semaphore_mem>>)
    "tpu.region"() ({
      %run_scoped3A = tpu.sem_alloc : memref<!tpu.dma_semaphore, #tpu.memory_space<semaphore_mem>>
      tpu.enqueue_dma source(%arg5 : memref<32x128xf32, #tpu.memory_space<hbm>>) target(%arg12 : memref<32x128xf32, #tpu.memory_space<vmem>>) target_semaphore(%run_scoped3A : memref<!tpu.dma_semaphore, #tpu.memory_space<semaphore_mem>>)
      tpu.wait_dma2 semaphore(%run_scoped3A : memref<!tpu.dma_semaphore, #tpu.memory_space<semaphore_mem>>) src(%arg5 : memref<32x128xf32, #tpu.memory_space<hbm>>) dst(%arg12 : memref<32x128xf32, #tpu.memory_space<vmem>>)
      tpu.yield
    }) : () -> ()
    %mul3A_570 = arith.constant 32 : i32
    %mul3A_571 = arith.muli %arg1, %mul3A_570 : i32
    "tpu.region"() ({
      %run_scoped3A = tpu.sem_alloc : memref<!tpu.dma_semaphore, #tpu.memory_space<semaphore_mem>>
      %dma_start3A_3561 = arith.constant 0 : i32
      %dma_start3A_3562 = tpu.memref_slice %arg14[%mul3A_571, %dma_start3A_3561] : memref<520x128xf32, #tpu.memory_space<vmem_shared>> -> memref<32x128xf32, #tpu.memory_space<vmem_shared>>
      %dma_start3A_3563 = arith.constant 0 : i32
      %dma_start3A_3564 = tpu.memref_slice %arg14[%mul3A_571, %dma_start3A_3563] : memref<520x128xf32, #tpu.memory_space<vmem_shared>> -> memref<32x128xf32, #tpu.memory_space<vmem_shared>>
      tpu.enqueue_dma source(%arg12 : memref<32x128xf32, #tpu.memory_space<vmem>>) target(%dma_start3A_3564 : memref<32x128xf32, #tpu.memory_space<vmem_shared>>) target_semaphore(%run_scoped3A : memref<!tpu.dma_semaphore, #tpu.memory_space<semaphore_mem>>)
      %dma_wait3A_3565 = arith.constant 0 : i32
      %dma_wait3A_3566 = tpu.memref_slice %arg14[%mul3A_571, %dma_wait3A_3565] : memref<520x128xf32, #tpu.memory_space<vmem_shared>> -> memref<32x128xf32, #tpu.memory_space<vmem_shared>>
      %dma_wait3A_3567 = arith.constant 0 : i32
      %dma_wait3A_3568 = tpu.memref_slice %arg14[%mul3A_571, %dma_wait3A_3567] : memref<520x128xf32, #tpu.memory_space<vmem_shared>> -> memref<32x128xf32, #tpu.memory_space<vmem_shared>>
      tpu.wait_dma2 semaphore(%run_scoped3A : memref<!tpu.dma_semaphore, #tpu.memory_space<semaphore_mem>>) src(%arg12 : memref<32x128xf32, #tpu.memory_space<vmem>>) dst(%dma_wait3A_3568 : memref<32x128xf32, #tpu.memory_space<vmem_shared>>)
      tpu.yield
    }) : () -> ()
    %eq3A = arith.constant 0 : i32
    %eq3A_572 = arith.cmpi eq, %arg1, %eq3A : i32
    %convert_element_type3A = arith.extui %eq3A_572 : i1 to i32
    %cond3A = arith.constant 0 : i32
    %cond3A_573 = arith.cmpi ne, %convert_element_type3A, %cond3A : i32
    scf.if %cond3A_573 {
      "tpu.region"() ({
        %run_scoped3A = tpu.sem_alloc : memref<!tpu.dma_semaphore, #tpu.memory_space<semaphore_mem>>
        tpu.enqueue_dma source(%arg6 : memref<512xf32, #tpu.memory_space<hbm>>) target(%arg11 : memref<512xf32, #tpu.memory_space<vmem>>) target_semaphore(%run_scoped3A : memref<!tpu.dma_semaphore, #tpu.memory_space<semaphore_mem>>)
        tpu.wait_dma2 semaphore(%run_scoped3A : memref<!tpu.dma_semaphore, #tpu.memory_space<semaphore_mem>>) src(%arg6 : memref<512xf32, #tpu.memory_space<hbm>>) dst(%arg11 : memref<512xf32, #tpu.memory_space<vmem>>)
        tpu.yield
      }) : () -> ()
      "tpu.region"() ({
        %run_scoped3A = tpu.sem_alloc : memref<!tpu.dma_semaphore, #tpu.memory_space<semaphore_mem>>
        %dma_start3A_3561 = arith.constant 0 : i32
        %dma_start3A_3562 = tpu.memref_slice %arg15[%dma_start3A_3561] : memref<520xf32, #tpu.memory_space<vmem_shared>> -> memref<512xf32, #tpu.memory_space<vmem_shared>>
        %dma_start3A_3563 = arith.constant 0 : i32
        %dma_start3A_3564 = tpu.memref_slice %arg15[%dma_start3A_3563] : memref<520xf32, #tpu.memory_space<vmem_shared>> -> memref<512xf32, #tpu.memory_space<vmem_shared>>
        tpu.enqueue_dma source(%arg11 : memref<512xf32, #tpu.memory_space<vmem>>) target(%dma_start3A_3564 : memref<512xf32, #tpu.memory_space<vmem_shared>>) target_semaphore(%run_scoped3A : memref<!tpu.dma_semaphore, #tpu.memory_space<semaphore_mem>>)
        %dma_wait3A_3565 = arith.constant 0 : i32
        %dma_wait3A_3566 = tpu.memref_slice %arg15[%dma_wait3A_3565] : memref<520xf32, #tpu.memory_space<vmem_shared>> -> memref<512xf32, #tpu.memory_space<vmem_shared>>
        %dma_wait3A_3567 = arith.constant 0 : i32
        %dma_wait3A_3568 = tpu.memref_slice %arg15[%dma_wait3A_3567] : memref<520xf32, #tpu.memory_space<vmem_shared>> -> memref<512xf32, #tpu.memory_space<vmem_shared>>
        tpu.wait_dma2 semaphore(%run_scoped3A : memref<!tpu.dma_semaphore, #tpu.memory_space<semaphore_mem>>) src(%arg11 : memref<512xf32, #tpu.memory_space<vmem>>) dst(%dma_wait3A_3568 : memref<512xf32, #tpu.memory_space<vmem_shared>>)
        tpu.yield
      }) : () -> ()
    } else {
    }
    %barrier3A = arith.constant 0 : index
    tpu.barrier barrier_id(%barrier3A)
    tpu.wait_dma2 semaphore(%arg19 : memref<!tpu.dma_semaphore, #tpu.memory_space<semaphore_mem>>) src(%arg4 : memref<1x128xf32, #tpu.memory_space<hbm>>) dst(%arg10 : memref<1x128xf32, #tpu.memory_space<vmem>>)
    %dma_wait3A = arith.constant 0 : i32
    %dma_wait3A_574 = arith.constant 0 : i32
    %dma_wait3A_575 = tpu.memref_slice %arg9[%dma_wait3A, %dma_wait3A_574] : memref<25x128xi32, #tpu.memory_space<vmem>> -> memref<1x128xi32, #tpu.memory_space<vmem>>
    %dma_wait3A_576 = tpu.memref_squeeze %dma_wait3A_575 : memref<1x128xi32, #tpu.memory_space<vmem>> -> memref<128xi32, #tpu.memory_space<vmem>>
    %dma_wait3A_577 = tpu.memref_slice %arg3[%multiple_of3A] : memref<100000xi32, #tpu.memory_space<hbm>> -> memref<128xi32, #tpu.memory_space<hbm>>
    %dma_wait3A_578 = arith.constant 0 : i32
    %dma_wait3A_579 = tpu.memref_slice %arg9[%dma_wait3A, %dma_wait3A_578] : memref<25x128xi32, #tpu.memory_space<vmem>> -> memref<1x128xi32, #tpu.memory_space<vmem>>
    %dma_wait3A_580 = tpu.memref_squeeze %dma_wait3A_579 : memref<1x128xi32, #tpu.memory_space<vmem>> -> memref<128xi32, #tpu.memory_space<vmem>>
    %dma_wait3A_581 = tpu.memref_slice %arg3[%multiple_of3A] : memref<100000xi32, #tpu.memory_space<hbm>> -> memref<128xi32, #tpu.memory_space<hbm>>
    tpu.wait_dma2 semaphore(%arg19 : memref<!tpu.dma_semaphore, #tpu.memory_space<semaphore_mem>>) src(%dma_wait3A_581 : memref<128xi32, #tpu.memory_space<hbm>>) dst(%dma_wait3A_580 : memref<128xi32, #tpu.memory_space<vmem>>)
    %dma_wait3A_582 = arith.constant 1 : i32
    %dma_wait3A_583 = arith.constant 0 : i32
    %dma_wait3A_584 = tpu.memref_slice %arg9[%dma_wait3A_582, %dma_wait3A_583] : memref<25x128xi32, #tpu.memory_space<vmem>> -> memref<1x128xi32, #tpu.memory_space<vmem>>
    %dma_wait3A_585 = tpu.memref_squeeze %dma_wait3A_584 : memref<1x128xi32, #tpu.memory_space<vmem>> -> memref<128xi32, #tpu.memory_space<vmem>>
    %dma_wait3A_586 = tpu.memref_slice %arg3[%multiple_of3A_21] : memref<100000xi32, #tpu.memory_space<hbm>> -> memref<128xi32, #tpu.memory_space<hbm>>
    %dma_wait3A_587 = arith.constant 0 : i32
    %dma_wait3A_588 = tpu.memref_slice %arg9[%dma_wait3A_582, %dma_wait3A_587] : memref<25x128xi32, #tpu.memory_space<vmem>> -> memref<1x128xi32, #tpu.memory_space<vmem>>
    %dma_wait3A_589 = tpu.memref_squeeze %dma_wait3A_588 : memref<1x128xi32, #tpu.memory_space<vmem>> -> memref<128xi32, #tpu.memory_space<vmem>>
    %dma_wait3A_590 = tpu.memref_slice %arg3[%multiple_of3A_21] : memref<100000xi32, #tpu.memory_space<hbm>> -> memref<128xi32, #tpu.memory_space<hbm>>
    tpu.wait_dma2 semaphore(%arg19 : memref<!tpu.dma_semaphore, #tpu.memory_space<semaphore_mem>>) src(%dma_wait3A_590 : memref<128xi32, #tpu.memory_space<hbm>>) dst(%dma_wait3A_589 : memref<128xi32, #tpu.memory_space<vmem>>)
    %dma_wait3A_591 = arith.constant 2 : i32
    %dma_wait3A_592 = arith.constant 0 : i32
    %dma_wait3A_593 = tpu.memref_slice %arg9[%dma_wait3A_591, %dma_wait3A_592] : memref<25x128xi32, #tpu.memory_space<vmem>> -> memref<1x128xi32, #tpu.memory_space<vmem>>
    %dma_wait3A_594 = tpu.memref_squeeze %dma_wait3A_593 : memref<1x128xi32, #tpu.memory_space<vmem>> -> memref<128xi32, #tpu.memory_space<vmem>>
    %dma_wait3A_595 = tpu.memref_slice %arg3[%multiple_of3A_33] : memref<100000xi32, #tpu.memory_space<hbm>> -> memref<128xi32, #tpu.memory_space<hbm>>
    %dma_wait3A_596 = arith.constant 0 : i32
    %dma_wait3A_597 = tpu.memref_slice %arg9[%dma_wait3A_591, %dma_wait3A_596] : memref<25x128xi32, #tpu.memory_space<vmem>> -> memref<1x128xi32, #tpu.memory_space<vmem>>
    %dma_wait3A_598 = tpu.memref_squeeze %dma_wait3A_597 : memref<1x128xi32, #tpu.memory_space<vmem>> -> memref<128xi32, #tpu.memory_space<vmem>>
    %dma_wait3A_599 = tpu.memref_slice %arg3[%multiple_of3A_33] : memref<100000xi32, #tpu.memory_space<hbm>> -> memref<128xi32, #tpu.memory_space<hbm>>
    tpu.wait_dma2 semaphore(%arg19 : memref<!tpu.dma_semaphore, #tpu.memory_space<semaphore_mem>>) src(%dma_wait3A_599 : memref<128xi32, #tpu.memory_space<hbm>>) dst(%dma_wait3A_598 : memref<128xi32, #tpu.memory_space<vmem>>)
    %dma_wait3A_600 = arith.constant 3 : i32
    %dma_wait3A_601 = arith.constant 0 : i32
    %dma_wait3A_602 = tpu.memref_slice %arg9[%dma_wait3A_600, %dma_wait3A_601] : memref<25x128xi32, #tpu.memory_space<vmem>> -> memref<1x128xi32, #tpu.memory_space<vmem>>
    %dma_wait3A_603 = tpu.memref_squeeze %dma_wait3A_602 : memref<1x128xi32, #tpu.memory_space<vmem>> -> memref<128xi32, #tpu.memory_space<vmem>>
    %dma_wait3A_604 = tpu.memref_slice %arg3[%multiple_of3A_45] : memref<100000xi32, #tpu.memory_space<hbm>> -> memref<128xi32, #tpu.memory_space<hbm>>
    %dma_wait3A_605 = arith.constant 0 : i32
    %dma_wait3A_606 = tpu.memref_slice %arg9[%dma_wait3A_600, %dma_wait3A_605] : memref<25x128xi32, #tpu.memory_space<vmem>> -> memref<1x128xi32, #tpu.memory_space<vmem>>
    %dma_wait3A_607 = tpu.memref_squeeze %dma_wait3A_606 : memref<1x128xi32, #tpu.memory_space<vmem>> -> memref<128xi32, #tpu.memory_space<vmem>>
    %dma_wait3A_608 = tpu.memref_slice %arg3[%multiple_of3A_45] : memref<100000xi32, #tpu.memory_space<hbm>> -> memref<128xi32, #tpu.memory_space<hbm>>
    tpu.wait_dma2 semaphore(%arg19 : memref<!tpu.dma_semaphore, #tpu.memory_space<semaphore_mem>>) src(%dma_wait3A_608 : memref<128xi32, #tpu.memory_space<hbm>>) dst(%dma_wait3A_607 : memref<128xi32, #tpu.memory_space<vmem>>)
    %dma_wait3A_609 = arith.constant 4 : i32
    %dma_wait3A_610 = arith.constant 0 : i32
    %dma_wait3A_611 = tpu.memref_slice %arg9[%dma_wait3A_609, %dma_wait3A_610] : memref<25x128xi32, #tpu.memory_space<vmem>> -> memref<1x128xi32, #tpu.memory_space<vmem>>
    %dma_wait3A_612 = tpu.memref_squeeze %dma_wait3A_611 : memref<1x128xi32, #tpu.memory_space<vmem>> -> memref<128xi32, #tpu.memory_space<vmem>>
    %dma_wait3A_613 = tpu.memref_slice %arg3[%multiple_of3A_57] : memref<100000xi32, #tpu.memory_space<hbm>> -> memref<128xi32, #tpu.memory_space<hbm>>
    %dma_wait3A_614 = arith.constant 0 : i32
    %dma_wait3A_615 = tpu.memref_slice %arg9[%dma_wait3A_609, %dma_wait3A_614] : memref<25x128xi32, #tpu.memory_space<vmem>> -> memref<1x128xi32, #tpu.memory_space<vmem>>
    %dma_wait3A_616 = tpu.memref_squeeze %dma_wait3A_615 : memref<1x128xi32, #tpu.memory_space<vmem>> -> memref<128xi32, #tpu.memory_space<vmem>>
    %dma_wait3A_617 = tpu.memref_slice %arg3[%multiple_of3A_57] : memref<100000xi32, #tpu.memory_space<hbm>> -> memref<128xi32, #tpu.memory_space<hbm>>
    tpu.wait_dma2 semaphore(%arg19 : memref<!tpu.dma_semaphore, #tpu.memory_space<semaphore_mem>>) src(%dma_wait3A_617 : memref<128xi32, #tpu.memory_space<hbm>>) dst(%dma_wait3A_616 : memref<128xi32, #tpu.memory_space<vmem>>)
    %dma_wait3A_618 = arith.constant 5 : i32
    %dma_wait3A_619 = arith.constant 0 : i32
    %dma_wait3A_620 = tpu.memref_slice %arg9[%dma_wait3A_618, %dma_wait3A_619] : memref<25x128xi32, #tpu.memory_space<vmem>> -> memref<1x128xi32, #tpu.memory_space<vmem>>
    %dma_wait3A_621 = tpu.memref_squeeze %dma_wait3A_620 : memref<1x128xi32, #tpu.memory_space<vmem>> -> memref<128xi32, #tpu.memory_space<vmem>>
    %dma_wait3A_622 = tpu.memref_slice %arg3[%multiple_of3A_69] : memref<100000xi32, #tpu.memory_space<hbm>> -> memref<128xi32, #tpu.memory_space<hbm>>
    %dma_wait3A_623 = arith.constant 0 : i32
    %dma_wait3A_624 = tpu.memref_slice %arg9[%dma_wait3A_618, %dma_wait3A_623] : memref<25x128xi32, #tpu.memory_space<vmem>> -> memref<1x128xi32, #tpu.memory_space<vmem>>
    %dma_wait3A_625 = tpu.memref_squeeze %dma_wait3A_624 : memref<1x128xi32, #tpu.memory_space<vmem>> -> memref<128xi32, #tpu.memory_space<vmem>>
    %dma_wait3A_626 = tpu.memref_slice %arg3[%multiple_of3A_69] : memref<100000xi32, #tpu.memory_space<hbm>> -> memref<128xi32, #tpu.memory_space<hbm>>
    tpu.wait_dma2 semaphore(%arg19 : memref<!tpu.dma_semaphore, #tpu.memory_space<semaphore_mem>>) src(%dma_wait3A_626 : memref<128xi32, #tpu.memory_space<hbm>>) dst(%dma_wait3A_625 : memref<128xi32, #tpu.memory_space<vmem>>)
    %dma_wait3A_627 = arith.constant 6 : i32
    %dma_wait3A_628 = arith.constant 0 : i32
    %dma_wait3A_629 = tpu.memref_slice %arg9[%dma_wait3A_627, %dma_wait3A_628] : memref<25x128xi32, #tpu.memory_space<vmem>> -> memref<1x128xi32, #tpu.memory_space<vmem>>
    %dma_wait3A_630 = tpu.memref_squeeze %dma_wait3A_629 : memref<1x128xi32, #tpu.memory_space<vmem>> -> memref<128xi32, #tpu.memory_space<vmem>>
    %dma_wait3A_631 = tpu.memref_slice %arg3[%multiple_of3A_81] : memref<100000xi32, #tpu.memory_space<hbm>> -> memref<128xi32, #tpu.memory_space<hbm>>
    %dma_wait3A_632 = arith.constant 0 : i32
    %dma_wait3A_633 = tpu.memref_slice %arg9[%dma_wait3A_627, %dma_wait3A_632] : memref<25x128xi32, #tpu.memory_space<vmem>> -> memref<1x128xi32, #tpu.memory_space<vmem>>
    %dma_wait3A_634 = tpu.memref_squeeze %dma_wait3A_633 : memref<1x128xi32, #tpu.memory_space<vmem>> -> memref<128xi32, #tpu.memory_space<vmem>>
    %dma_wait3A_635 = tpu.memref_slice %arg3[%multiple_of3A_81] : memref<100000xi32, #tpu.memory_space<hbm>> -> memref<128xi32, #tpu.memory_space<hbm>>
    tpu.wait_dma2 semaphore(%arg19 : memref<!tpu.dma_semaphore, #tpu.memory_space<semaphore_mem>>) src(%dma_wait3A_635 : memref<128xi32, #tpu.memory_space<hbm>>) dst(%dma_wait3A_634 : memref<128xi32, #tpu.memory_space<vmem>>)
    %dma_wait3A_636 = arith.constant 7 : i32
    %dma_wait3A_637 = arith.constant 0 : i32
    %dma_wait3A_638 = tpu.memref_slice %arg9[%dma_wait3A_636, %dma_wait3A_637] : memref<25x128xi32, #tpu.memory_space<vmem>> -> memref<1x128xi32, #tpu.memory_space<vmem>>
    %dma_wait3A_639 = tpu.memref_squeeze %dma_wait3A_638 : memref<1x128xi32, #tpu.memory_space<vmem>> -> memref<128xi32, #tpu.memory_space<vmem>>
    %dma_wait3A_640 = tpu.memref_slice %arg3[%multiple_of3A_93] : memref<100000xi32, #tpu.memory_space<hbm>> -> memref<128xi32, #tpu.memory_space<hbm>>
    %dma_wait3A_641 = arith.constant 0 : i32
    %dma_wait3A_642 = tpu.memref_slice %arg9[%dma_wait3A_636, %dma_wait3A_641] : memref<25x128xi32, #tpu.memory_space<vmem>> -> memref<1x128xi32, #tpu.memory_space<vmem>>
    %dma_wait3A_643 = tpu.memref_squeeze %dma_wait3A_642 : memref<1x128xi32, #tpu.memory_space<vmem>> -> memref<128xi32, #tpu.memory_space<vmem>>
    %dma_wait3A_644 = tpu.memref_slice %arg3[%multiple_of3A_93] : memref<100000xi32, #tpu.memory_space<hbm>> -> memref<128xi32, #tpu.memory_space<hbm>>
    tpu.wait_dma2 semaphore(%arg19 : memref<!tpu.dma_semaphore, #tpu.memory_space<semaphore_mem>>) src(%dma_wait3A_644 : memref<128xi32, #tpu.memory_space<hbm>>) dst(%dma_wait3A_643 : memref<128xi32, #tpu.memory_space<vmem>>)
    %dma_wait3A_645 = arith.constant 8 : i32
    %dma_wait3A_646 = arith.constant 0 : i32
    %dma_wait3A_647 = tpu.memref_slice %arg9[%dma_wait3A_645, %dma_wait3A_646] : memref<25x128xi32, #tpu.memory_space<vmem>> -> memref<1x128xi32, #tpu.memory_space<vmem>>
    %dma_wait3A_648 = tpu.memref_squeeze %dma_wait3A_647 : memref<1x128xi32, #tpu.memory_space<vmem>> -> memref<128xi32, #tpu.memory_space<vmem>>
    %dma_wait3A_649 = tpu.memref_slice %arg3[%multiple_of3A_105] : memref<100000xi32, #tpu.memory_space<hbm>> -> memref<128xi32, #tpu.memory_space<hbm>>
    %dma_wait3A_650 = arith.constant 0 : i32
    %dma_wait3A_651 = tpu.memref_slice %arg9[%dma_wait3A_645, %dma_wait3A_650] : memref<25x128xi32, #tpu.memory_space<vmem>> -> memref<1x128xi32, #tpu.memory_space<vmem>>
    %dma_wait3A_652 = tpu.memref_squeeze %dma_wait3A_651 : memref<1x128xi32, #tpu.memory_space<vmem>> -> memref<128xi32, #tpu.memory_space<vmem>>
    %dma_wait3A_653 = tpu.memref_slice %arg3[%multiple_of3A_105] : memref<100000xi32, #tpu.memory_space<hbm>> -> memref<128xi32, #tpu.memory_space<hbm>>
    tpu.wait_dma2 semaphore(%arg19 : memref<!tpu.dma_semaphore, #tpu.memory_space<semaphore_mem>>) src(%dma_wait3A_653 : memref<128xi32, #tpu.memory_space<hbm>>) dst(%dma_wait3A_652 : memref<128xi32, #tpu.memory_space<vmem>>)
    %dma_wait3A_654 = arith.constant 9 : i32
    %dma_wait3A_655 = arith.constant 0 : i32
    %dma_wait3A_656 = tpu.memref_slice %arg9[%dma_wait3A_654, %dma_wait3A_655] : memref<25x128xi32, #tpu.memory_space<vmem>> -> memref<1x128xi32, #tpu.memory_space<vmem>>
    %dma_wait3A_657 = tpu.memref_squeeze %dma_wait3A_656 : memref<1x128xi32, #tpu.memory_space<vmem>> -> memref<128xi32, #tpu.memory_space<vmem>>
    %dma_wait3A_658 = tpu.memref_slice %arg3[%multiple_of3A_117] : memref<100000xi32, #tpu.memory_space<hbm>> -> memref<128xi32, #tpu.memory_space<hbm>>
    %dma_wait3A_659 = arith.constant 0 : i32
    %dma_wait3A_660 = tpu.memref_slice %arg9[%dma_wait3A_654, %dma_wait3A_659] : memref<25x128xi32, #tpu.memory_space<vmem>> -> memref<1x128xi32, #tpu.memory_space<vmem>>
    %dma_wait3A_661 = tpu.memref_squeeze %dma_wait3A_660 : memref<1x128xi32, #tpu.memory_space<vmem>> -> memref<128xi32, #tpu.memory_space<vmem>>
    %dma_wait3A_662 = tpu.memref_slice %arg3[%multiple_of3A_117] : memref<100000xi32, #tpu.memory_space<hbm>> -> memref<128xi32, #tpu.memory_space<hbm>>
    tpu.wait_dma2 semaphore(%arg19 : memref<!tpu.dma_semaphore, #tpu.memory_space<semaphore_mem>>) src(%dma_wait3A_662 : memref<128xi32, #tpu.memory_space<hbm>>) dst(%dma_wait3A_661 : memref<128xi32, #tpu.memory_space<vmem>>)
    %dma_wait3A_663 = arith.constant 10 : i32
    %dma_wait3A_664 = arith.constant 0 : i32
    %dma_wait3A_665 = tpu.memref_slice %arg9[%dma_wait3A_663, %dma_wait3A_664] : memref<25x128xi32, #tpu.memory_space<vmem>> -> memref<1x128xi32, #tpu.memory_space<vmem>>
    %dma_wait3A_666 = tpu.memref_squeeze %dma_wait3A_665 : memref<1x128xi32, #tpu.memory_space<vmem>> -> memref<128xi32, #tpu.memory_space<vmem>>
    %dma_wait3A_667 = tpu.memref_slice %arg3[%multiple_of3A_129] : memref<100000xi32, #tpu.memory_space<hbm>> -> memref<128xi32, #tpu.memory_space<hbm>>
    %dma_wait3A_668 = arith.constant 0 : i32
    %dma_wait3A_669 = tpu.memref_slice %arg9[%dma_wait3A_663, %dma_wait3A_668] : memref<25x128xi32, #tpu.memory_space<vmem>> -> memref<1x128xi32, #tpu.memory_space<vmem>>
    %dma_wait3A_670 = tpu.memref_squeeze %dma_wait3A_669 : memref<1x128xi32, #tpu.memory_space<vmem>> -> memref<128xi32, #tpu.memory_space<vmem>>
    %dma_wait3A_671 = tpu.memref_slice %arg3[%multiple_of3A_129] : memref<100000xi32, #tpu.memory_space<hbm>> -> memref<128xi32, #tpu.memory_space<hbm>>
    tpu.wait_dma2 semaphore(%arg19 : memref<!tpu.dma_semaphore, #tpu.memory_space<semaphore_mem>>) src(%dma_wait3A_671 : memref<128xi32, #tpu.memory_space<hbm>>) dst(%dma_wait3A_670 : memref<128xi32, #tpu.memory_space<vmem>>)
    %dma_wait3A_672 = arith.constant 11 : i32
    %dma_wait3A_673 = arith.constant 0 : i32
    %dma_wait3A_674 = tpu.memref_slice %arg9[%dma_wait3A_672, %dma_wait3A_673] : memref<25x128xi32, #tpu.memory_space<vmem>> -> memref<1x128xi32, #tpu.memory_space<vmem>>
    %dma_wait3A_675 = tpu.memref_squeeze %dma_wait3A_674 : memref<1x128xi32, #tpu.memory_space<vmem>> -> memref<128xi32, #tpu.memory_space<vmem>>
    %dma_wait3A_676 = tpu.memref_slice %arg3[%multiple_of3A_141] : memref<100000xi32, #tpu.memory_space<hbm>> -> memref<128xi32, #tpu.memory_space<hbm>>
    %dma_wait3A_677 = arith.constant 0 : i32
    %dma_wait3A_678 = tpu.memref_slice %arg9[%dma_wait3A_672, %dma_wait3A_677] : memref<25x128xi32, #tpu.memory_space<vmem>> -> memref<1x128xi32, #tpu.memory_space<vmem>>
    %dma_wait3A_679 = tpu.memref_squeeze %dma_wait3A_678 : memref<1x128xi32, #tpu.memory_space<vmem>> -> memref<128xi32, #tpu.memory_space<vmem>>
    %dma_wait3A_680 = tpu.memref_slice %arg3[%multiple_of3A_141] : memref<100000xi32, #tpu.memory_space<hbm>> -> memref<128xi32, #tpu.memory_space<hbm>>
    tpu.wait_dma2 semaphore(%arg19 : memref<!tpu.dma_semaphore, #tpu.memory_space<semaphore_mem>>) src(%dma_wait3A_680 : memref<128xi32, #tpu.memory_space<hbm>>) dst(%dma_wait3A_679 : memref<128xi32, #tpu.memory_space<vmem>>)
    %dma_wait3A_681 = arith.constant 12 : i32
    %dma_wait3A_682 = arith.constant 0 : i32
    %dma_wait3A_683 = tpu.memref_slice %arg9[%dma_wait3A_681, %dma_wait3A_682] : memref<25x128xi32, #tpu.memory_space<vmem>> -> memref<1x128xi32, #tpu.memory_space<vmem>>
    %dma_wait3A_684 = tpu.memref_squeeze %dma_wait3A_683 : memref<1x128xi32, #tpu.memory_space<vmem>> -> memref<128xi32, #tpu.memory_space<vmem>>
    %dma_wait3A_685 = tpu.memref_slice %arg3[%multiple_of3A_153] : memref<100000xi32, #tpu.memory_space<hbm>> -> memref<128xi32, #tpu.memory_space<hbm>>
    %dma_wait3A_686 = arith.constant 0 : i32
    %dma_wait3A_687 = tpu.memref_slice %arg9[%dma_wait3A_681, %dma_wait3A_686] : memref<25x128xi32, #tpu.memory_space<vmem>> -> memref<1x128xi32, #tpu.memory_space<vmem>>
    %dma_wait3A_688 = tpu.memref_squeeze %dma_wait3A_687 : memref<1x128xi32, #tpu.memory_space<vmem>> -> memref<128xi32, #tpu.memory_space<vmem>>
    %dma_wait3A_689 = tpu.memref_slice %arg3[%multiple_of3A_153] : memref<100000xi32, #tpu.memory_space<hbm>> -> memref<128xi32, #tpu.memory_space<hbm>>
    tpu.wait_dma2 semaphore(%arg19 : memref<!tpu.dma_semaphore, #tpu.memory_space<semaphore_mem>>) src(%dma_wait3A_689 : memref<128xi32, #tpu.memory_space<hbm>>) dst(%dma_wait3A_688 : memref<128xi32, #tpu.memory_space<vmem>>)
    %dma_wait3A_690 = arith.constant 13 : i32
    %dma_wait3A_691 = arith.constant 0 : i32
    %dma_wait3A_692 = tpu.memref_slice %arg9[%dma_wait3A_690, %dma_wait3A_691] : memref<25x128xi32, #tpu.memory_space<vmem>> -> memref<1x128xi32, #tpu.memory_space<vmem>>
    %dma_wait3A_693 = tpu.memref_squeeze %dma_wait3A_692 : memref<1x128xi32, #tpu.memory_space<vmem>> -> memref<128xi32, #tpu.memory_space<vmem>>
    %dma_wait3A_694 = tpu.memref_slice %arg3[%multiple_of3A_165] : memref<100000xi32, #tpu.memory_space<hbm>> -> memref<128xi32, #tpu.memory_space<hbm>>
    %dma_wait3A_695 = arith.constant 0 : i32
    %dma_wait3A_696 = tpu.memref_slice %arg9[%dma_wait3A_690, %dma_wait3A_695] : memref<25x128xi32, #tpu.memory_space<vmem>> -> memref<1x128xi32, #tpu.memory_space<vmem>>
    %dma_wait3A_697 = tpu.memref_squeeze %dma_wait3A_696 : memref<1x128xi32, #tpu.memory_space<vmem>> -> memref<128xi32, #tpu.memory_space<vmem>>
    %dma_wait3A_698 = tpu.memref_slice %arg3[%multiple_of3A_165] : memref<100000xi32, #tpu.memory_space<hbm>> -> memref<128xi32, #tpu.memory_space<hbm>>
    tpu.wait_dma2 semaphore(%arg19 : memref<!tpu.dma_semaphore, #tpu.memory_space<semaphore_mem>>) src(%dma_wait3A_698 : memref<128xi32, #tpu.memory_space<hbm>>) dst(%dma_wait3A_697 : memref<128xi32, #tpu.memory_space<vmem>>)
    %dma_wait3A_699 = arith.constant 14 : i32
    %dma_wait3A_700 = arith.constant 0 : i32
    %dma_wait3A_701 = tpu.memref_slice %arg9[%dma_wait3A_699, %dma_wait3A_700] : memref<25x128xi32, #tpu.memory_space<vmem>> -> memref<1x128xi32, #tpu.memory_space<vmem>>
    %dma_wait3A_702 = tpu.memref_squeeze %dma_wait3A_701 : memref<1x128xi32, #tpu.memory_space<vmem>> -> memref<128xi32, #tpu.memory_space<vmem>>
    %dma_wait3A_703 = tpu.memref_slice %arg3[%multiple_of3A_177] : memref<100000xi32, #tpu.memory_space<hbm>> -> memref<128xi32, #tpu.memory_space<hbm>>
    %dma_wait3A_704 = arith.constant 0 : i32
    %dma_wait3A_705 = tpu.memref_slice %arg9[%dma_wait3A_699, %dma_wait3A_704] : memref<25x128xi32, #tpu.memory_space<vmem>> -> memref<1x128xi32, #tpu.memory_space<vmem>>
    %dma_wait3A_706 = tpu.memref_squeeze %dma_wait3A_705 : memref<1x128xi32, #tpu.memory_space<vmem>> -> memref<128xi32, #tpu.memory_space<vmem>>
    %dma_wait3A_707 = tpu.memref_slice %arg3[%multiple_of3A_177] : memref<100000xi32, #tpu.memory_space<hbm>> -> memref<128xi32, #tpu.memory_space<hbm>>
    tpu.wait_dma2 semaphore(%arg19 : memref<!tpu.dma_semaphore, #tpu.memory_space<semaphore_mem>>) src(%dma_wait3A_707 : memref<128xi32, #tpu.memory_space<hbm>>) dst(%dma_wait3A_706 : memref<128xi32, #tpu.memory_space<vmem>>)
    %dma_wait3A_708 = arith.constant 15 : i32
    %dma_wait3A_709 = arith.constant 0 : i32
    %dma_wait3A_710 = tpu.memref_slice %arg9[%dma_wait3A_708, %dma_wait3A_709] : memref<25x128xi32, #tpu.memory_space<vmem>> -> memref<1x128xi32, #tpu.memory_space<vmem>>
    %dma_wait3A_711 = tpu.memref_squeeze %dma_wait3A_710 : memref<1x128xi32, #tpu.memory_space<vmem>> -> memref<128xi32, #tpu.memory_space<vmem>>
    %dma_wait3A_712 = tpu.memref_slice %arg3[%multiple_of3A_189] : memref<100000xi32, #tpu.memory_space<hbm>> -> memref<128xi32, #tpu.memory_space<hbm>>
    %dma_wait3A_713 = arith.constant 0 : i32
    %dma_wait3A_714 = tpu.memref_slice %arg9[%dma_wait3A_708, %dma_wait3A_713] : memref<25x128xi32, #tpu.memory_space<vmem>> -> memref<1x128xi32, #tpu.memory_space<vmem>>
    %dma_wait3A_715 = tpu.memref_squeeze %dma_wait3A_714 : memref<1x128xi32, #tpu.memory_space<vmem>> -> memref<128xi32, #tpu.memory_space<vmem>>
    %dma_wait3A_716 = tpu.memref_slice %arg3[%multiple_of3A_189] : memref<100000xi32, #tpu.memory_space<hbm>> -> memref<128xi32, #tpu.memory_space<hbm>>
    tpu.wait_dma2 semaphore(%arg19 : memref<!tpu.dma_semaphore, #tpu.memory_space<semaphore_mem>>) src(%dma_wait3A_716 : memref<128xi32, #tpu.memory_space<hbm>>) dst(%dma_wait3A_715 : memref<128xi32, #tpu.memory_space<vmem>>)
    %dma_wait3A_717 = arith.constant 16 : i32
    %dma_wait3A_718 = arith.constant 0 : i32
    %dma_wait3A_719 = tpu.memref_slice %arg9[%dma_wait3A_717, %dma_wait3A_718] : memref<25x128xi32, #tpu.memory_space<vmem>> -> memref<1x128xi32, #tpu.memory_space<vmem>>
    %dma_wait3A_720 = tpu.memref_squeeze %dma_wait3A_719 : memref<1x128xi32, #tpu.memory_space<vmem>> -> memref<128xi32, #tpu.memory_space<vmem>>
    %dma_wait3A_721 = tpu.memref_slice %arg3[%multiple_of3A_201] : memref<100000xi32, #tpu.memory_space<hbm>> -> memref<128xi32, #tpu.memory_space<hbm>>
    %dma_wait3A_722 = arith.constant 0 : i32
    %dma_wait3A_723 = tpu.memref_slice %arg9[%dma_wait3A_717, %dma_wait3A_722] : memref<25x128xi32, #tpu.memory_space<vmem>> -> memref<1x128xi32, #tpu.memory_space<vmem>>
    %dma_wait3A_724 = tpu.memref_squeeze %dma_wait3A_723 : memref<1x128xi32, #tpu.memory_space<vmem>> -> memref<128xi32, #tpu.memory_space<vmem>>
    %dma_wait3A_725 = tpu.memref_slice %arg3[%multiple_of3A_201] : memref<100000xi32, #tpu.memory_space<hbm>> -> memref<128xi32, #tpu.memory_space<hbm>>
    tpu.wait_dma2 semaphore(%arg19 : memref<!tpu.dma_semaphore, #tpu.memory_space<semaphore_mem>>) src(%dma_wait3A_725 : memref<128xi32, #tpu.memory_space<hbm>>) dst(%dma_wait3A_724 : memref<128xi32, #tpu.memory_space<vmem>>)
    %dma_wait3A_726 = arith.constant 17 : i32
    %dma_wait3A_727 = arith.constant 0 : i32
    %dma_wait3A_728 = tpu.memref_slice %arg9[%dma_wait3A_726, %dma_wait3A_727] : memref<25x128xi32, #tpu.memory_space<vmem>> -> memref<1x128xi32, #tpu.memory_space<vmem>>
    %dma_wait3A_729 = tpu.memref_squeeze %dma_wait3A_728 : memref<1x128xi32, #tpu.memory_space<vmem>> -> memref<128xi32, #tpu.memory_space<vmem>>
    %dma_wait3A_730 = tpu.memref_slice %arg3[%multiple_of3A_213] : memref<100000xi32, #tpu.memory_space<hbm>> -> memref<128xi32, #tpu.memory_space<hbm>>
    %dma_wait3A_731 = arith.constant 0 : i32
    %dma_wait3A_732 = tpu.memref_slice %arg9[%dma_wait3A_726, %dma_wait3A_731] : memref<25x128xi32, #tpu.memory_space<vmem>> -> memref<1x128xi32, #tpu.memory_space<vmem>>
    %dma_wait3A_733 = tpu.memref_squeeze %dma_wait3A_732 : memref<1x128xi32, #tpu.memory_space<vmem>> -> memref<128xi32, #tpu.memory_space<vmem>>
    %dma_wait3A_734 = tpu.memref_slice %arg3[%multiple_of3A_213] : memref<100000xi32, #tpu.memory_space<hbm>> -> memref<128xi32, #tpu.memory_space<hbm>>
    tpu.wait_dma2 semaphore(%arg19 : memref<!tpu.dma_semaphore, #tpu.memory_space<semaphore_mem>>) src(%dma_wait3A_734 : memref<128xi32, #tpu.memory_space<hbm>>) dst(%dma_wait3A_733 : memref<128xi32, #tpu.memory_space<vmem>>)
    %dma_wait3A_735 = arith.constant 18 : i32
    %dma_wait3A_736 = arith.constant 0 : i32
    %dma_wait3A_737 = tpu.memref_slice %arg9[%dma_wait3A_735, %dma_wait3A_736] : memref<25x128xi32, #tpu.memory_space<vmem>> -> memref<1x128xi32, #tpu.memory_space<vmem>>
    %dma_wait3A_738 = tpu.memref_squeeze %dma_wait3A_737 : memref<1x128xi32, #tpu.memory_space<vmem>> -> memref<128xi32, #tpu.memory_space<vmem>>
    %dma_wait3A_739 = tpu.memref_slice %arg3[%multiple_of3A_225] : memref<100000xi32, #tpu.memory_space<hbm>> -> memref<128xi32, #tpu.memory_space<hbm>>
    %dma_wait3A_740 = arith.constant 0 : i32
    %dma_wait3A_741 = tpu.memref_slice %arg9[%dma_wait3A_735, %dma_wait3A_740] : memref<25x128xi32, #tpu.memory_space<vmem>> -> memref<1x128xi32, #tpu.memory_space<vmem>>
    %dma_wait3A_742 = tpu.memref_squeeze %dma_wait3A_741 : memref<1x128xi32, #tpu.memory_space<vmem>> -> memref<128xi32, #tpu.memory_space<vmem>>
    %dma_wait3A_743 = tpu.memref_slice %arg3[%multiple_of3A_225] : memref<100000xi32, #tpu.memory_space<hbm>> -> memref<128xi32, #tpu.memory_space<hbm>>
    tpu.wait_dma2 semaphore(%arg19 : memref<!tpu.dma_semaphore, #tpu.memory_space<semaphore_mem>>) src(%dma_wait3A_743 : memref<128xi32, #tpu.memory_space<hbm>>) dst(%dma_wait3A_742 : memref<128xi32, #tpu.memory_space<vmem>>)
    %dma_wait3A_744 = arith.constant 19 : i32
    %dma_wait3A_745 = arith.constant 0 : i32
    %dma_wait3A_746 = tpu.memref_slice %arg9[%dma_wait3A_744, %dma_wait3A_745] : memref<25x128xi32, #tpu.memory_space<vmem>> -> memref<1x128xi32, #tpu.memory_space<vmem>>
    %dma_wait3A_747 = tpu.memref_squeeze %dma_wait3A_746 : memref<1x128xi32, #tpu.memory_space<vmem>> -> memref<128xi32, #tpu.memory_space<vmem>>
    %dma_wait3A_748 = tpu.memref_slice %arg3[%multiple_of3A_237] : memref<100000xi32, #tpu.memory_space<hbm>> -> memref<128xi32, #tpu.memory_space<hbm>>
    %dma_wait3A_749 = arith.constant 0 : i32
    %dma_wait3A_750 = tpu.memref_slice %arg9[%dma_wait3A_744, %dma_wait3A_749] : memref<25x128xi32, #tpu.memory_space<vmem>> -> memref<1x128xi32, #tpu.memory_space<vmem>>
    %dma_wait3A_751 = tpu.memref_squeeze %dma_wait3A_750 : memref<1x128xi32, #tpu.memory_space<vmem>> -> memref<128xi32, #tpu.memory_space<vmem>>
    %dma_wait3A_752 = tpu.memref_slice %arg3[%multiple_of3A_237] : memref<100000xi32, #tpu.memory_space<hbm>> -> memref<128xi32, #tpu.memory_space<hbm>>
    tpu.wait_dma2 semaphore(%arg19 : memref<!tpu.dma_semaphore, #tpu.memory_space<semaphore_mem>>) src(%dma_wait3A_752 : memref<128xi32, #tpu.memory_space<hbm>>) dst(%dma_wait3A_751 : memref<128xi32, #tpu.memory_space<vmem>>)
    %dma_wait3A_753 = arith.constant 20 : i32
    %dma_wait3A_754 = arith.constant 0 : i32
    %dma_wait3A_755 = tpu.memref_slice %arg9[%dma_wait3A_753, %dma_wait3A_754] : memref<25x128xi32, #tpu.memory_space<vmem>> -> memref<1x128xi32, #tpu.memory_space<vmem>>
    %dma_wait3A_756 = tpu.memref_squeeze %dma_wait3A_755 : memref<1x128xi32, #tpu.memory_space<vmem>> -> memref<128xi32, #tpu.memory_space<vmem>>
    %dma_wait3A_757 = tpu.memref_slice %arg3[%multiple_of3A_249] : memref<100000xi32, #tpu.memory_space<hbm>> -> memref<128xi32, #tpu.memory_space<hbm>>
    %dma_wait3A_758 = arith.constant 0 : i32
    %dma_wait3A_759 = tpu.memref_slice %arg9[%dma_wait3A_753, %dma_wait3A_758] : memref<25x128xi32, #tpu.memory_space<vmem>> -> memref<1x128xi32, #tpu.memory_space<vmem>>
    %dma_wait3A_760 = tpu.memref_squeeze %dma_wait3A_759 : memref<1x128xi32, #tpu.memory_space<vmem>> -> memref<128xi32, #tpu.memory_space<vmem>>
    %dma_wait3A_761 = tpu.memref_slice %arg3[%multiple_of3A_249] : memref<100000xi32, #tpu.memory_space<hbm>> -> memref<128xi32, #tpu.memory_space<hbm>>
    tpu.wait_dma2 semaphore(%arg19 : memref<!tpu.dma_semaphore, #tpu.memory_space<semaphore_mem>>) src(%dma_wait3A_761 : memref<128xi32, #tpu.memory_space<hbm>>) dst(%dma_wait3A_760 : memref<128xi32, #tpu.memory_space<vmem>>)
    %dma_wait3A_762 = arith.constant 21 : i32
    %dma_wait3A_763 = arith.constant 0 : i32
    %dma_wait3A_764 = tpu.memref_slice %arg9[%dma_wait3A_762, %dma_wait3A_763] : memref<25x128xi32, #tpu.memory_space<vmem>> -> memref<1x128xi32, #tpu.memory_space<vmem>>
    %dma_wait3A_765 = tpu.memref_squeeze %dma_wait3A_764 : memref<1x128xi32, #tpu.memory_space<vmem>> -> memref<128xi32, #tpu.memory_space<vmem>>
    %dma_wait3A_766 = tpu.memref_slice %arg3[%multiple_of3A_261] : memref<100000xi32, #tpu.memory_space<hbm>> -> memref<128xi32, #tpu.memory_space<hbm>>
    %dma_wait3A_767 = arith.constant 0 : i32
    %dma_wait3A_768 = tpu.memref_slice %arg9[%dma_wait3A_762, %dma_wait3A_767] : memref<25x128xi32, #tpu.memory_space<vmem>> -> memref<1x128xi32, #tpu.memory_space<vmem>>
    %dma_wait3A_769 = tpu.memref_squeeze %dma_wait3A_768 : memref<1x128xi32, #tpu.memory_space<vmem>> -> memref<128xi32, #tpu.memory_space<vmem>>
    %dma_wait3A_770 = tpu.memref_slice %arg3[%multiple_of3A_261] : memref<100000xi32, #tpu.memory_space<hbm>> -> memref<128xi32, #tpu.memory_space<hbm>>
    tpu.wait_dma2 semaphore(%arg19 : memref<!tpu.dma_semaphore, #tpu.memory_space<semaphore_mem>>) src(%dma_wait3A_770 : memref<128xi32, #tpu.memory_space<hbm>>) dst(%dma_wait3A_769 : memref<128xi32, #tpu.memory_space<vmem>>)
    %dma_wait3A_771 = arith.constant 22 : i32
    %dma_wait3A_772 = arith.constant 0 : i32
    %dma_wait3A_773 = tpu.memref_slice %arg9[%dma_wait3A_771, %dma_wait3A_772] : memref<25x128xi32, #tpu.memory_space<vmem>> -> memref<1x128xi32, #tpu.memory_space<vmem>>
    %dma_wait3A_774 = tpu.memref_squeeze %dma_wait3A_773 : memref<1x128xi32, #tpu.memory_space<vmem>> -> memref<128xi32, #tpu.memory_space<vmem>>
    %dma_wait3A_775 = tpu.memref_slice %arg3[%multiple_of3A_273] : memref<100000xi32, #tpu.memory_space<hbm>> -> memref<128xi32, #tpu.memory_space<hbm>>
    %dma_wait3A_776 = arith.constant 0 : i32
    %dma_wait3A_777 = tpu.memref_slice %arg9[%dma_wait3A_771, %dma_wait3A_776] : memref<25x128xi32, #tpu.memory_space<vmem>> -> memref<1x128xi32, #tpu.memory_space<vmem>>
    %dma_wait3A_778 = tpu.memref_squeeze %dma_wait3A_777 : memref<1x128xi32, #tpu.memory_space<vmem>> -> memref<128xi32, #tpu.memory_space<vmem>>
    %dma_wait3A_779 = tpu.memref_slice %arg3[%multiple_of3A_273] : memref<100000xi32, #tpu.memory_space<hbm>> -> memref<128xi32, #tpu.memory_space<hbm>>
    tpu.wait_dma2 semaphore(%arg19 : memref<!tpu.dma_semaphore, #tpu.memory_space<semaphore_mem>>) src(%dma_wait3A_779 : memref<128xi32, #tpu.memory_space<hbm>>) dst(%dma_wait3A_778 : memref<128xi32, #tpu.memory_space<vmem>>)
    %dma_wait3A_780 = arith.constant 23 : i32
    %dma_wait3A_781 = arith.constant 0 : i32
    %dma_wait3A_782 = tpu.memref_slice %arg9[%dma_wait3A_780, %dma_wait3A_781] : memref<25x128xi32, #tpu.memory_space<vmem>> -> memref<1x128xi32, #tpu.memory_space<vmem>>
    %dma_wait3A_783 = tpu.memref_squeeze %dma_wait3A_782 : memref<1x128xi32, #tpu.memory_space<vmem>> -> memref<128xi32, #tpu.memory_space<vmem>>
    %dma_wait3A_784 = tpu.memref_slice %arg3[%multiple_of3A_285] : memref<100000xi32, #tpu.memory_space<hbm>> -> memref<128xi32, #tpu.memory_space<hbm>>
    %dma_wait3A_785 = arith.constant 0 : i32
    %dma_wait3A_786 = tpu.memref_slice %arg9[%dma_wait3A_780, %dma_wait3A_785] : memref<25x128xi32, #tpu.memory_space<vmem>> -> memref<1x128xi32, #tpu.memory_space<vmem>>
    %dma_wait3A_787 = tpu.memref_squeeze %dma_wait3A_786 : memref<1x128xi32, #tpu.memory_space<vmem>> -> memref<128xi32, #tpu.memory_space<vmem>>
    %dma_wait3A_788 = tpu.memref_slice %arg3[%multiple_of3A_285] : memref<100000xi32, #tpu.memory_space<hbm>> -> memref<128xi32, #tpu.memory_space<hbm>>
    tpu.wait_dma2 semaphore(%arg19 : memref<!tpu.dma_semaphore, #tpu.memory_space<semaphore_mem>>) src(%dma_wait3A_788 : memref<128xi32, #tpu.memory_space<hbm>>) dst(%dma_wait3A_787 : memref<128xi32, #tpu.memory_space<vmem>>)
    %dma_wait3A_789 = arith.constant 24 : i32
    %dma_wait3A_790 = arith.constant 0 : i32
    %dma_wait3A_791 = tpu.memref_slice %arg9[%dma_wait3A_789, %dma_wait3A_790] : memref<25x128xi32, #tpu.memory_space<vmem>> -> memref<1x128xi32, #tpu.memory_space<vmem>>
    %dma_wait3A_792 = tpu.memref_squeeze %dma_wait3A_791 : memref<1x128xi32, #tpu.memory_space<vmem>> -> memref<128xi32, #tpu.memory_space<vmem>>
    %dma_wait3A_793 = tpu.memref_slice %arg3[%multiple_of3A_297] : memref<100000xi32, #tpu.memory_space<hbm>> -> memref<128xi32, #tpu.memory_space<hbm>>
    %dma_wait3A_794 = arith.constant 0 : i32
    %dma_wait3A_795 = tpu.memref_slice %arg9[%dma_wait3A_789, %dma_wait3A_794] : memref<25x128xi32, #tpu.memory_space<vmem>> -> memref<1x128xi32, #tpu.memory_space<vmem>>
    %dma_wait3A_796 = tpu.memref_squeeze %dma_wait3A_795 : memref<1x128xi32, #tpu.memory_space<vmem>> -> memref<128xi32, #tpu.memory_space<vmem>>
    %dma_wait3A_797 = tpu.memref_slice %arg3[%multiple_of3A_297] : memref<100000xi32, #tpu.memory_space<hbm>> -> memref<128xi32, #tpu.memory_space<hbm>>
    tpu.wait_dma2 semaphore(%arg19 : memref<!tpu.dma_semaphore, #tpu.memory_space<semaphore_mem>>) src(%dma_wait3A_797 : memref<128xi32, #tpu.memory_space<hbm>>) dst(%dma_wait3A_796 : memref<128xi32, #tpu.memory_space<vmem>>)
    %iota3A = tpu.iota {dimensions = array<i32: 0>} : vector<16xi32>
    %eq3A_798 = arith.constant 0 : i32
    %eq3A_799 = arith.cmpi eq, %add3A, %eq3A_798 : i32
    %sub3A_800 = arith.constant 128 : i32
    %sub3A_801 = arith.subi %multiple_of3A, %sub3A_800 : i32
    %sub3A_802 = arith.constant 1 : i32
    %sub3A_803 = arith.subi %add3A, %sub3A_802 : i32
    %mul3A_804 = arith.constant 3125 : i32
    %mul3A_805 = arith.muli %mul3A_804, %sub3A_803 : i32
    %add3A_806 = arith.constant 3000 : i32
    %add3A_807 = arith.addi %mul3A_805, %add3A_806 : i32
    %mul3A_808 = arith.constant 5 : i32
    %mul3A_809 = arith.muli %mul3A_808, %sub3A_803 : i32
    %add3A_810 = arith.constant 120 : i32
    %add3A_811 = arith.addi %mul3A_809, %add3A_810 : i32
    %rem3A_812 = arith.constant 8 : i32
    %rem3A_813 = arith.remsi %add3A_811, %rem3A_812 : i32
    %sub3A_814 = arith.subi %add3A_807, %rem3A_813 : i32
    %select_n3A = arith.select %eq3A_799, %sub3A_801, %sub3A_814 : i32
    %add3A_815 = arith.constant 128 : i32
    %add3A_816 = arith.addi %select_n3A, %add3A_815 : i32
    %sub3A_817 = arith.subi %add3A_816, %multiple_of3A : i32
    %get3A = arith.constant 0 : i32
    %get3A_818 = arith.index_cast %get3A : i32 to index
    %get3A_819 = arith.constant 0 : index
    %get3A_820 = tpu.vector_load %arg9[%get3A_818, %get3A_819] {strides = array<i32>} : memref<25x128xi32, #tpu.memory_space<vmem>>, vector<1x16xi32>,
    %get3A_821 = vector.shape_cast %get3A_820 : vector<1x16xi32> to vector<16xi32>
    %lt3A = vector.broadcast %sub3A_817 : i32 to vector<16xi32>
    %lt3A_822 = arith.cmpi slt, %iota3A, %lt3A : vector<16xi32>
    %jit3A = arith.constant 512 : i32
    %broadcast_in_dim3A = vector.broadcast %jit3A : i32 to vector<16xi32>
    %select_n3A_823 = arith.select %lt3A_822, %broadcast_in_dim3A, %get3A_821 : vector<16xi1>, vector<16xi32>
    %swap3A = arith.constant 0 : i32
    %swap3A_824 = arith.index_cast %swap3A : i32 to index
    %swap3A_825 = arith.constant 0 : index
    %swap3A_826 = tpu.vector_load %arg9[%swap3A_824, %swap3A_825] {strides = array<i32>} : memref<25x128xi32, #tpu.memory_space<vmem>>, vector<1x16xi32>,
    %swap3A_827 = vector.shape_cast %swap3A_826 : vector<1x16xi32> to vector<16xi32>
    %swap3A_828 = vector.shape_cast %select_n3A_823 : vector<16xi32> to vector<1x16xi32>
    tpu.vector_store %arg9[%swap3A_824, %swap3A_825], %swap3A_828 {strides = array<i32>} : memref<25x128xi32, #tpu.memory_space<vmem>>, vector<1x16xi32>,
    %mul3A_829 = arith.constant 3125 : i32
    %mul3A_830 = arith.muli %mul3A_829, %add3A : i32
    %add3A_831 = arith.constant 0 : i32
    %add3A_832 = arith.addi %mul3A_830, %add3A_831 : i32
    %mul3A_833 = arith.constant 5 : i32
    %mul3A_834 = arith.muli %mul3A_833, %add3A : i32
    %add3A_835 = arith.constant 0 : i32
    %add3A_836 = arith.addi %mul3A_834, %add3A_835 : i32
    %rem3A_837 = arith.constant 8 : i32
    %rem3A_838 = arith.remsi %add3A_836, %rem3A_837 : i32
    %sub3A_839 = arith.subi %add3A_832, %rem3A_838 : i32
    %add3A_840 = arith.constant 128 : i32
    %add3A_841 = arith.addi %sub3A_839, %add3A_840 : i32
    %sub3A_842 = arith.subi %add3A_841, %multiple_of3A_21 : i32
    %get3A_843 = arith.constant 1 : i32
    %get3A_844 = arith.index_cast %get3A_843 : i32 to index
    %get3A_845 = arith.constant 0 : index
    %get3A_846 = tpu.vector_load %arg9[%get3A_844, %get3A_845] {strides = array<i32>} : memref<25x128xi32, #tpu.memory_space<vmem>>, vector<1x16xi32>,
    %get3A_847 = vector.shape_cast %get3A_846 : vector<1x16xi32> to vector<16xi32>
    %lt3A_848 = vector.broadcast %sub3A_842 : i32 to vector<16xi32>
    %lt3A_849 = arith.cmpi slt, %iota3A, %lt3A_848 : vector<16xi32>
    %jit3A_850 = arith.constant 512 : i32
    %broadcast_in_dim3A_851 = vector.broadcast %jit3A_850 : i32 to vector<16xi32>
    %select_n3A_852 = arith.select %lt3A_849, %broadcast_in_dim3A_851, %get3A_847 : vector<16xi1>, vector<16xi32>
    %swap3A_853 = arith.constant 1 : i32
    %swap3A_854 = arith.index_cast %swap3A_853 : i32 to index
    %swap3A_855 = arith.constant 0 : index
    %swap3A_856 = tpu.vector_load %arg9[%swap3A_854, %swap3A_855] {strides = array<i32>} : memref<25x128xi32, #tpu.memory_space<vmem>>, vector<1x16xi32>,
    %swap3A_857 = vector.shape_cast %swap3A_856 : vector<1x16xi32> to vector<16xi32>
    %swap3A_858 = vector.shape_cast %select_n3A_852 : vector<16xi32> to vector<1x16xi32>
    tpu.vector_store %arg9[%swap3A_854, %swap3A_855], %swap3A_858 {strides = array<i32>} : memref<25x128xi32, #tpu.memory_space<vmem>>, vector<1x16xi32>,
    %mul3A_859 = arith.constant 3125 : i32
    %mul3A_860 = arith.muli %mul3A_859, %add3A : i32
    %add3A_861 = arith.constant 125 : i32
    %add3A_862 = arith.addi %mul3A_860, %add3A_861 : i32
    %mul3A_863 = arith.constant 5 : i32
    %mul3A_864 = arith.muli %mul3A_863, %add3A : i32
    %add3A_865 = arith.constant 5 : i32
    %add3A_866 = arith.addi %mul3A_864, %add3A_865 : i32
    %rem3A_867 = arith.constant 8 : i32
    %rem3A_868 = arith.remsi %add3A_866, %rem3A_867 : i32
    %sub3A_869 = arith.subi %add3A_862, %rem3A_868 : i32
    %add3A_870 = arith.constant 128 : i32
    %add3A_871 = arith.addi %sub3A_869, %add3A_870 : i32
    %sub3A_872 = arith.subi %add3A_871, %multiple_of3A_33 : i32
    %get3A_873 = arith.constant 2 : i32
    %get3A_874 = arith.index_cast %get3A_873 : i32 to index
    %get3A_875 = arith.constant 0 : index
    %get3A_876 = tpu.vector_load %arg9[%get3A_874, %get3A_875] {strides = array<i32>} : memref<25x128xi32, #tpu.memory_space<vmem>>, vector<1x16xi32>,
    %get3A_877 = vector.shape_cast %get3A_876 : vector<1x16xi32> to vector<16xi32>
    %lt3A_878 = vector.broadcast %sub3A_872 : i32 to vector<16xi32>
    %lt3A_879 = arith.cmpi slt, %iota3A, %lt3A_878 : vector<16xi32>
    %jit3A_880 = arith.constant 512 : i32
    %broadcast_in_dim3A_881 = vector.broadcast %jit3A_880 : i32 to vector<16xi32>
    %select_n3A_882 = arith.select %lt3A_879, %broadcast_in_dim3A_881, %get3A_877 : vector<16xi1>, vector<16xi32>
    %swap3A_883 = arith.constant 2 : i32
    %swap3A_884 = arith.index_cast %swap3A_883 : i32 to index
    %swap3A_885 = arith.constant 0 : index
    %swap3A_886 = tpu.vector_load %arg9[%swap3A_884, %swap3A_885] {strides = array<i32>} : memref<25x128xi32, #tpu.memory_space<vmem>>, vector<1x16xi32>,
    %swap3A_887 = vector.shape_cast %swap3A_886 : vector<1x16xi32> to vector<16xi32>
    %swap3A_888 = vector.shape_cast %select_n3A_882 : vector<16xi32> to vector<1x16xi32>
    tpu.vector_store %arg9[%swap3A_884, %swap3A_885], %swap3A_888 {strides = array<i32>} : memref<25x128xi32, #tpu.memory_space<vmem>>, vector<1x16xi32>,
    %mul3A_889 = arith.constant 3125 : i32
    %mul3A_890 = arith.muli %mul3A_889, %add3A : i32
    %add3A_891 = arith.constant 250 : i32
    %add3A_892 = arith.addi %mul3A_890, %add3A_891 : i32
    %mul3A_893 = arith.constant 5 : i32
    %mul3A_894 = arith.muli %mul3A_893, %add3A : i32
    %add3A_895 = arith.constant 10 : i32
    %add3A_896 = arith.addi %mul3A_894, %add3A_895 : i32
    %rem3A_897 = arith.constant 8 : i32
    %rem3A_898 = arith.remsi %add3A_896, %rem3A_897 : i32
    %sub3A_899 = arith.subi %add3A_892, %rem3A_898 : i32
    %add3A_900 = arith.constant 128 : i32
    %add3A_901 = arith.addi %sub3A_899, %add3A_900 : i32
    %sub3A_902 = arith.subi %add3A_901, %multiple_of3A_45 : i32
    %get3A_903 = arith.constant 3 : i32
    %get3A_904 = arith.index_cast %get3A_903 : i32 to index
    %get3A_905 = arith.constant 0 : index
    %get3A_906 = tpu.vector_load %arg9[%get3A_904, %get3A_905] {strides = array<i32>} : memref<25x128xi32, #tpu.memory_space<vmem>>, vector<1x16xi32>,
    %get3A_907 = vector.shape_cast %get3A_906 : vector<1x16xi32> to vector<16xi32>
    %lt3A_908 = vector.broadcast %sub3A_902 : i32 to vector<16xi32>
    %lt3A_909 = arith.cmpi slt, %iota3A, %lt3A_908 : vector<16xi32>
    %jit3A_910 = arith.constant 512 : i32
    %broadcast_in_dim3A_911 = vector.broadcast %jit3A_910 : i32 to vector<16xi32>
    %select_n3A_912 = arith.select %lt3A_909, %broadcast_in_dim3A_911, %get3A_907 : vector<16xi1>, vector<16xi32>
    %swap3A_913 = arith.constant 3 : i32
    %swap3A_914 = arith.index_cast %swap3A_913 : i32 to index
    %swap3A_915 = arith.constant 0 : index
    %swap3A_916 = tpu.vector_load %arg9[%swap3A_914, %swap3A_915] {strides = array<i32>} : memref<25x128xi32, #tpu.memory_space<vmem>>, vector<1x16xi32>,
    %swap3A_917 = vector.shape_cast %swap3A_916 : vector<1x16xi32> to vector<16xi32>
    %swap3A_918 = vector.shape_cast %select_n3A_912 : vector<16xi32> to vector<1x16xi32>
    tpu.vector_store %arg9[%swap3A_914, %swap3A_915], %swap3A_918 {strides = array<i32>} : memref<25x128xi32, #tpu.memory_space<vmem>>, vector<1x16xi32>,
    %mul3A_919 = arith.constant 3125 : i32
    %mul3A_920 = arith.muli %mul3A_919, %add3A : i32
    %add3A_921 = arith.constant 375 : i32
    %add3A_922 = arith.addi %mul3A_920, %add3A_921 : i32
    %mul3A_923 = arith.constant 5 : i32
    %mul3A_924 = arith.muli %mul3A_923, %add3A : i32
    %add3A_925 = arith.constant 15 : i32
    %add3A_926 = arith.addi %mul3A_924, %add3A_925 : i32
    %rem3A_927 = arith.constant 8 : i32
    %rem3A_928 = arith.remsi %add3A_926, %rem3A_927 : i32
    %sub3A_929 = arith.subi %add3A_922, %rem3A_928 : i32
    %add3A_930 = arith.constant 128 : i32
    %add3A_931 = arith.addi %sub3A_929, %add3A_930 : i32
    %sub3A_932 = arith.subi %add3A_931, %multiple_of3A_57 : i32
    %get3A_933 = arith.constant 4 : i32
    %get3A_934 = arith.index_cast %get3A_933 : i32 to index
    %get3A_935 = arith.constant 0 : index
    %get3A_936 = tpu.vector_load %arg9[%get3A_934, %get3A_935] {strides = array<i32>} : memref<25x128xi32, #tpu.memory_space<vmem>>, vector<1x16xi32>,
    %get3A_937 = vector.shape_cast %get3A_936 : vector<1x16xi32> to vector<16xi32>
    %lt3A_938 = vector.broadcast %sub3A_932 : i32 to vector<16xi32>
    %lt3A_939 = arith.cmpi slt, %iota3A, %lt3A_938 : vector<16xi32>
    %jit3A_940 = arith.constant 512 : i32
    %broadcast_in_dim3A_941 = vector.broadcast %jit3A_940 : i32 to vector<16xi32>
    %select_n3A_942 = arith.select %lt3A_939, %broadcast_in_dim3A_941, %get3A_937 : vector<16xi1>, vector<16xi32>
    %swap3A_943 = arith.constant 4 : i32
    %swap3A_944 = arith.index_cast %swap3A_943 : i32 to index
    %swap3A_945 = arith.constant 0 : index
    %swap3A_946 = tpu.vector_load %arg9[%swap3A_944, %swap3A_945] {strides = array<i32>} : memref<25x128xi32, #tpu.memory_space<vmem>>, vector<1x16xi32>,
    %swap3A_947 = vector.shape_cast %swap3A_946 : vector<1x16xi32> to vector<16xi32>
    %swap3A_948 = vector.shape_cast %select_n3A_942 : vector<16xi32> to vector<1x16xi32>
    tpu.vector_store %arg9[%swap3A_944, %swap3A_945], %swap3A_948 {strides = array<i32>} : memref<25x128xi32, #tpu.memory_space<vmem>>, vector<1x16xi32>,
    %mul3A_949 = arith.constant 3125 : i32
    %mul3A_950 = arith.muli %mul3A_949, %add3A : i32
    %add3A_951 = arith.constant 500 : i32
    %add3A_952 = arith.addi %mul3A_950, %add3A_951 : i32
    %mul3A_953 = arith.constant 5 : i32
    %mul3A_954 = arith.muli %mul3A_953, %add3A : i32
    %add3A_955 = arith.constant 20 : i32
    %add3A_956 = arith.addi %mul3A_954, %add3A_955 : i32
    %rem3A_957 = arith.constant 8 : i32
    %rem3A_958 = arith.remsi %add3A_956, %rem3A_957 : i32
    %sub3A_959 = arith.subi %add3A_952, %rem3A_958 : i32
    %add3A_960 = arith.constant 128 : i32
    %add3A_961 = arith.addi %sub3A_959, %add3A_960 : i32
    %sub3A_962 = arith.subi %add3A_961, %multiple_of3A_69 : i32
    %get3A_963 = arith.constant 5 : i32
    %get3A_964 = arith.index_cast %get3A_963 : i32 to index
    %get3A_965 = arith.constant 0 : index
    %get3A_966 = tpu.vector_load %arg9[%get3A_964, %get3A_965] {strides = array<i32>} : memref<25x128xi32, #tpu.memory_space<vmem>>, vector<1x16xi32>,
    %get3A_967 = vector.shape_cast %get3A_966 : vector<1x16xi32> to vector<16xi32>
    %lt3A_968 = vector.broadcast %sub3A_962 : i32 to vector<16xi32>
    %lt3A_969 = arith.cmpi slt, %iota3A, %lt3A_968 : vector<16xi32>
    %jit3A_970 = arith.constant 512 : i32
    %broadcast_in_dim3A_971 = vector.broadcast %jit3A_970 : i32 to vector<16xi32>
    %select_n3A_972 = arith.select %lt3A_969, %broadcast_in_dim3A_971, %get3A_967 : vector<16xi1>, vector<16xi32>
    %swap3A_973 = arith.constant 5 : i32
    %swap3A_974 = arith.index_cast %swap3A_973 : i32 to index
    %swap3A_975 = arith.constant 0 : index
    %swap3A_976 = tpu.vector_load %arg9[%swap3A_974, %swap3A_975] {strides = array<i32>} : memref<25x128xi32, #tpu.memory_space<vmem>>, vector<1x16xi32>,
    %swap3A_977 = vector.shape_cast %swap3A_976 : vector<1x16xi32> to vector<16xi32>
    %swap3A_978 = vector.shape_cast %select_n3A_972 : vector<16xi32> to vector<1x16xi32>
    tpu.vector_store %arg9[%swap3A_974, %swap3A_975], %swap3A_978 {strides = array<i32>} : memref<25x128xi32, #tpu.memory_space<vmem>>, vector<1x16xi32>,
    %mul3A_979 = arith.constant 3125 : i32
    %mul3A_980 = arith.muli %mul3A_979, %add3A : i32
    %add3A_981 = arith.constant 625 : i32
    %add3A_982 = arith.addi %mul3A_980, %add3A_981 : i32
    %mul3A_983 = arith.constant 5 : i32
    %mul3A_984 = arith.muli %mul3A_983, %add3A : i32
    %add3A_985 = arith.constant 25 : i32
    %add3A_986 = arith.addi %mul3A_984, %add3A_985 : i32
    %rem3A_987 = arith.constant 8 : i32
    %rem3A_988 = arith.remsi %add3A_986, %rem3A_987 : i32
    %sub3A_989 = arith.subi %add3A_982, %rem3A_988 : i32
    %add3A_990 = arith.constant 128 : i32
    %add3A_991 = arith.addi %sub3A_989, %add3A_990 : i32
    %sub3A_992 = arith.subi %add3A_991, %multiple_of3A_81 : i32
    %get3A_993 = arith.constant 6 : i32
    %get3A_994 = arith.index_cast %get3A_993 : i32 to index
    %get3A_995 = arith.constant 0 : index
    %get3A_996 = tpu.vector_load %arg9[%get3A_994, %get3A_995] {strides = array<i32>} : memref<25x128xi32, #tpu.memory_space<vmem>>, vector<1x16xi32>,
    %get3A_997 = vector.shape_cast %get3A_996 : vector<1x16xi32> to vector<16xi32>
    %lt3A_998 = vector.broadcast %sub3A_992 : i32 to vector<16xi32>
    %lt3A_999 = arith.cmpi slt, %iota3A, %lt3A_998 : vector<16xi32>
    %jit3A_1000 = arith.constant 512 : i32
    %broadcast_in_dim3A_1001 = vector.broadcast %jit3A_1000 : i32 to vector<16xi32>
    %select_n3A_1002 = arith.select %lt3A_999, %broadcast_in_dim3A_1001, %get3A_997 : vector<16xi1>, vector<16xi32>
    %swap3A_1003 = arith.constant 6 : i32
    %swap3A_1004 = arith.index_cast %swap3A_1003 : i32 to index
    %swap3A_1005 = arith.constant 0 : index
    %swap3A_1006 = tpu.vector_load %arg9[%swap3A_1004, %swap3A_1005] {strides = array<i32>} : memref<25x128xi32, #tpu.memory_space<vmem>>, vector<1x16xi32>,
    %swap3A_1007 = vector.shape_cast %swap3A_1006 : vector<1x16xi32> to vector<16xi32>
    %swap3A_1008 = vector.shape_cast %select_n3A_1002 : vector<16xi32> to vector<1x16xi32>
    tpu.vector_store %arg9[%swap3A_1004, %swap3A_1005], %swap3A_1008 {strides = array<i32>} : memref<25x128xi32, #tpu.memory_space<vmem>>, vector<1x16xi32>,
    %mul3A_1009 = arith.constant 3125 : i32
    %mul3A_1010 = arith.muli %mul3A_1009, %add3A : i32
    %add3A_1011 = arith.constant 750 : i32
    %add3A_1012 = arith.addi %mul3A_1010, %add3A_1011 : i32
    %mul3A_1013 = arith.constant 5 : i32
    %mul3A_1014 = arith.muli %mul3A_1013, %add3A : i32
    %add3A_1015 = arith.constant 30 : i32
    %add3A_1016 = arith.addi %mul3A_1014, %add3A_1015 : i32
    %rem3A_1017 = arith.constant 8 : i32
    %rem3A_1018 = arith.remsi %add3A_1016, %rem3A_1017 : i32
    %sub3A_1019 = arith.subi %add3A_1012, %rem3A_1018 : i32
    %add3A_1020 = arith.constant 128 : i32
    %add3A_1021 = arith.addi %sub3A_1019, %add3A_1020 : i32
    %sub3A_1022 = arith.subi %add3A_1021, %multiple_of3A_93 : i32
    %get3A_1023 = arith.constant 7 : i32
    %get3A_1024 = arith.index_cast %get3A_1023 : i32 to index
    %get3A_1025 = arith.constant 0 : index
    %get3A_1026 = tpu.vector_load %arg9[%get3A_1024, %get3A_1025] {strides = array<i32>} : memref<25x128xi32, #tpu.memory_space<vmem>>, vector<1x16xi32>,
    %get3A_1027 = vector.shape_cast %get3A_1026 : vector<1x16xi32> to vector<16xi32>
    %lt3A_1028 = vector.broadcast %sub3A_1022 : i32 to vector<16xi32>
    %lt3A_1029 = arith.cmpi slt, %iota3A, %lt3A_1028 : vector<16xi32>
    %jit3A_1030 = arith.constant 512 : i32
    %broadcast_in_dim3A_1031 = vector.broadcast %jit3A_1030 : i32 to vector<16xi32>
    %select_n3A_1032 = arith.select %lt3A_1029, %broadcast_in_dim3A_1031, %get3A_1027 : vector<16xi1>, vector<16xi32>
    %swap3A_1033 = arith.constant 7 : i32
    %swap3A_1034 = arith.index_cast %swap3A_1033 : i32 to index
    %swap3A_1035 = arith.constant 0 : index
    %swap3A_1036 = tpu.vector_load %arg9[%swap3A_1034, %swap3A_1035] {strides = array<i32>} : memref<25x128xi32, #tpu.memory_space<vmem>>, vector<1x16xi32>,
    %swap3A_1037 = vector.shape_cast %swap3A_1036 : vector<1x16xi32> to vector<16xi32>
    %swap3A_1038 = vector.shape_cast %select_n3A_1032 : vector<16xi32> to vector<1x16xi32>
    tpu.vector_store %arg9[%swap3A_1034, %swap3A_1035], %swap3A_1038 {strides = array<i32>} : memref<25x128xi32, #tpu.memory_space<vmem>>, vector<1x16xi32>,
    %mul3A_1039 = arith.constant 3125 : i32
    %mul3A_1040 = arith.muli %mul3A_1039, %add3A : i32
    %add3A_1041 = arith.constant 875 : i32
    %add3A_1042 = arith.addi %mul3A_1040, %add3A_1041 : i32
    %mul3A_1043 = arith.constant 5 : i32
    %mul3A_1044 = arith.muli %mul3A_1043, %add3A : i32
    %add3A_1045 = arith.constant 35 : i32
    %add3A_1046 = arith.addi %mul3A_1044, %add3A_1045 : i32
    %rem3A_1047 = arith.constant 8 : i32
    %rem3A_1048 = arith.remsi %add3A_1046, %rem3A_1047 : i32
    %sub3A_1049 = arith.subi %add3A_1042, %rem3A_1048 : i32
    %add3A_1050 = arith.constant 128 : i32
    %add3A_1051 = arith.addi %sub3A_1049, %add3A_1050 : i32
    %sub3A_1052 = arith.subi %add3A_1051, %multiple_of3A_105 : i32
    %get3A_1053 = arith.constant 8 : i32
    %get3A_1054 = arith.index_cast %get3A_1053 : i32 to index
    %get3A_1055 = arith.constant 0 : index
    %get3A_1056 = tpu.vector_load %arg9[%get3A_1054, %get3A_1055] {strides = array<i32>} : memref<25x128xi32, #tpu.memory_space<vmem>>, vector<1x16xi32>,
    %get3A_1057 = vector.shape_cast %get3A_1056 : vector<1x16xi32> to vector<16xi32>
    %lt3A_1058 = vector.broadcast %sub3A_1052 : i32 to vector<16xi32>
    %lt3A_1059 = arith.cmpi slt, %iota3A, %lt3A_1058 : vector<16xi32>
    %jit3A_1060 = arith.constant 512 : i32
    %broadcast_in_dim3A_1061 = vector.broadcast %jit3A_1060 : i32 to vector<16xi32>
    %select_n3A_1062 = arith.select %lt3A_1059, %broadcast_in_dim3A_1061, %get3A_1057 : vector<16xi1>, vector<16xi32>
    %swap3A_1063 = arith.constant 8 : i32
    %swap3A_1064 = arith.index_cast %swap3A_1063 : i32 to index
    %swap3A_1065 = arith.constant 0 : index
    %swap3A_1066 = tpu.vector_load %arg9[%swap3A_1064, %swap3A_1065] {strides = array<i32>} : memref<25x128xi32, #tpu.memory_space<vmem>>, vector<1x16xi32>,
    %swap3A_1067 = vector.shape_cast %swap3A_1066 : vector<1x16xi32> to vector<16xi32>
    %swap3A_1068 = vector.shape_cast %select_n3A_1062 : vector<16xi32> to vector<1x16xi32>
    tpu.vector_store %arg9[%swap3A_1064, %swap3A_1065], %swap3A_1068 {strides = array<i32>} : memref<25x128xi32, #tpu.memory_space<vmem>>, vector<1x16xi32>,
    %mul3A_1069 = arith.constant 3125 : i32
    %mul3A_1070 = arith.muli %mul3A_1069, %add3A : i32
    %add3A_1071 = arith.constant 1000 : i32
    %add3A_1072 = arith.addi %mul3A_1070, %add3A_1071 : i32
    %mul3A_1073 = arith.constant 5 : i32
    %mul3A_1074 = arith.muli %mul3A_1073, %add3A : i32
    %add3A_1075 = arith.constant 40 : i32
    %add3A_1076 = arith.addi %mul3A_1074, %add3A_1075 : i32
    %rem3A_1077 = arith.constant 8 : i32
    %rem3A_1078 = arith.remsi %add3A_1076, %rem3A_1077 : i32
    %sub3A_1079 = arith.subi %add3A_1072, %rem3A_1078 : i32
    %add3A_1080 = arith.constant 128 : i32
    %add3A_1081 = arith.addi %sub3A_1079, %add3A_1080 : i32
    %sub3A_1082 = arith.subi %add3A_1081, %multiple_of3A_117 : i32
    %get3A_1083 = arith.constant 9 : i32
    %get3A_1084 = arith.index_cast %get3A_1083 : i32 to index
    %get3A_1085 = arith.constant 0 : index
    %get3A_1086 = tpu.vector_load %arg9[%get3A_1084, %get3A_1085] {strides = array<i32>} : memref<25x128xi32, #tpu.memory_space<vmem>>, vector<1x16xi32>,
    %get3A_1087 = vector.shape_cast %get3A_1086 : vector<1x16xi32> to vector<16xi32>
    %lt3A_1088 = vector.broadcast %sub3A_1082 : i32 to vector<16xi32>
    %lt3A_1089 = arith.cmpi slt, %iota3A, %lt3A_1088 : vector<16xi32>
    %jit3A_1090 = arith.constant 512 : i32
    %broadcast_in_dim3A_1091 = vector.broadcast %jit3A_1090 : i32 to vector<16xi32>
    %select_n3A_1092 = arith.select %lt3A_1089, %broadcast_in_dim3A_1091, %get3A_1087 : vector<16xi1>, vector<16xi32>
    %swap3A_1093 = arith.constant 9 : i32
    %swap3A_1094 = arith.index_cast %swap3A_1093 : i32 to index
    %swap3A_1095 = arith.constant 0 : index
    %swap3A_1096 = tpu.vector_load %arg9[%swap3A_1094, %swap3A_1095] {strides = array<i32>} : memref<25x128xi32, #tpu.memory_space<vmem>>, vector<1x16xi32>,
    %swap3A_1097 = vector.shape_cast %swap3A_1096 : vector<1x16xi32> to vector<16xi32>
    %swap3A_1098 = vector.shape_cast %select_n3A_1092 : vector<16xi32> to vector<1x16xi32>
    tpu.vector_store %arg9[%swap3A_1094, %swap3A_1095], %swap3A_1098 {strides = array<i32>} : memref<25x128xi32, #tpu.memory_space<vmem>>, vector<1x16xi32>,
    %mul3A_1099 = arith.constant 3125 : i32
    %mul3A_1100 = arith.muli %mul3A_1099, %add3A : i32
    %add3A_1101 = arith.constant 1125 : i32
    %add3A_1102 = arith.addi %mul3A_1100, %add3A_1101 : i32
    %mul3A_1103 = arith.constant 5 : i32
    %mul3A_1104 = arith.muli %mul3A_1103, %add3A : i32
    %add3A_1105 = arith.constant 45 : i32
    %add3A_1106 = arith.addi %mul3A_1104, %add3A_1105 : i32
    %rem3A_1107 = arith.constant 8 : i32
    %rem3A_1108 = arith.remsi %add3A_1106, %rem3A_1107 : i32
    %sub3A_1109 = arith.subi %add3A_1102, %rem3A_1108 : i32
    %add3A_1110 = arith.constant 128 : i32
    %add3A_1111 = arith.addi %sub3A_1109, %add3A_1110 : i32
    %sub3A_1112 = arith.subi %add3A_1111, %multiple_of3A_129 : i32
    %get3A_1113 = arith.constant 10 : i32
    %get3A_1114 = arith.index_cast %get3A_1113 : i32 to index
    %get3A_1115 = arith.constant 0 : index
    %get3A_1116 = tpu.vector_load %arg9[%get3A_1114, %get3A_1115] {strides = array<i32>} : memref<25x128xi32, #tpu.memory_space<vmem>>, vector<1x16xi32>,
    %get3A_1117 = vector.shape_cast %get3A_1116 : vector<1x16xi32> to vector<16xi32>
    %lt3A_1118 = vector.broadcast %sub3A_1112 : i32 to vector<16xi32>
    %lt3A_1119 = arith.cmpi slt, %iota3A, %lt3A_1118 : vector<16xi32>
    %jit3A_1120 = arith.constant 512 : i32
    %broadcast_in_dim3A_1121 = vector.broadcast %jit3A_1120 : i32 to vector<16xi32>
    %select_n3A_1122 = arith.select %lt3A_1119, %broadcast_in_dim3A_1121, %get3A_1117 : vector<16xi1>, vector<16xi32>
    %swap3A_1123 = arith.constant 10 : i32
    %swap3A_1124 = arith.index_cast %swap3A_1123 : i32 to index
    %swap3A_1125 = arith.constant 0 : index
    %swap3A_1126 = tpu.vector_load %arg9[%swap3A_1124, %swap3A_1125] {strides = array<i32>} : memref<25x128xi32, #tpu.memory_space<vmem>>, vector<1x16xi32>,
    %swap3A_1127 = vector.shape_cast %swap3A_1126 : vector<1x16xi32> to vector<16xi32>
    %swap3A_1128 = vector.shape_cast %select_n3A_1122 : vector<16xi32> to vector<1x16xi32>
    tpu.vector_store %arg9[%swap3A_1124, %swap3A_1125], %swap3A_1128 {strides = array<i32>} : memref<25x128xi32, #tpu.memory_space<vmem>>, vector<1x16xi32>,
    %mul3A_1129 = arith.constant 3125 : i32
    %mul3A_1130 = arith.muli %mul3A_1129, %add3A : i32
    %add3A_1131 = arith.constant 1250 : i32
    %add3A_1132 = arith.addi %mul3A_1130, %add3A_1131 : i32
    %mul3A_1133 = arith.constant 5 : i32
    %mul3A_1134 = arith.muli %mul3A_1133, %add3A : i32
    %add3A_1135 = arith.constant 50 : i32
    %add3A_1136 = arith.addi %mul3A_1134, %add3A_1135 : i32
    %rem3A_1137 = arith.constant 8 : i32
    %rem3A_1138 = arith.remsi %add3A_1136, %rem3A_1137 : i32
    %sub3A_1139 = arith.subi %add3A_1132, %rem3A_1138 : i32
    %add3A_1140 = arith.constant 128 : i32
    %add3A_1141 = arith.addi %sub3A_1139, %add3A_1140 : i32
    %sub3A_1142 = arith.subi %add3A_1141, %multiple_of3A_141 : i32
    %get3A_1143 = arith.constant 11 : i32
    %get3A_1144 = arith.index_cast %get3A_1143 : i32 to index
    %get3A_1145 = arith.constant 0 : index
    %get3A_1146 = tpu.vector_load %arg9[%get3A_1144, %get3A_1145] {strides = array<i32>} : memref<25x128xi32, #tpu.memory_space<vmem>>, vector<1x16xi32>,
    %get3A_1147 = vector.shape_cast %get3A_1146 : vector<1x16xi32> to vector<16xi32>
    %lt3A_1148 = vector.broadcast %sub3A_1142 : i32 to vector<16xi32>
    %lt3A_1149 = arith.cmpi slt, %iota3A, %lt3A_1148 : vector<16xi32>
    %jit3A_1150 = arith.constant 512 : i32
    %broadcast_in_dim3A_1151 = vector.broadcast %jit3A_1150 : i32 to vector<16xi32>
    %select_n3A_1152 = arith.select %lt3A_1149, %broadcast_in_dim3A_1151, %get3A_1147 : vector<16xi1>, vector<16xi32>
    %swap3A_1153 = arith.constant 11 : i32
    %swap3A_1154 = arith.index_cast %swap3A_1153 : i32 to index
    %swap3A_1155 = arith.constant 0 : index
    %swap3A_1156 = tpu.vector_load %arg9[%swap3A_1154, %swap3A_1155] {strides = array<i32>} : memref<25x128xi32, #tpu.memory_space<vmem>>, vector<1x16xi32>,
    %swap3A_1157 = vector.shape_cast %swap3A_1156 : vector<1x16xi32> to vector<16xi32>
    %swap3A_1158 = vector.shape_cast %select_n3A_1152 : vector<16xi32> to vector<1x16xi32>
    tpu.vector_store %arg9[%swap3A_1154, %swap3A_1155], %swap3A_1158 {strides = array<i32>} : memref<25x128xi32, #tpu.memory_space<vmem>>, vector<1x16xi32>,
    %mul3A_1159 = arith.constant 3125 : i32
    %mul3A_1160 = arith.muli %mul3A_1159, %add3A : i32
    %add3A_1161 = arith.constant 1375 : i32
    %add3A_1162 = arith.addi %mul3A_1160, %add3A_1161 : i32
    %mul3A_1163 = arith.constant 5 : i32
    %mul3A_1164 = arith.muli %mul3A_1163, %add3A : i32
    %add3A_1165 = arith.constant 55 : i32
    %add3A_1166 = arith.addi %mul3A_1164, %add3A_1165 : i32
    %rem3A_1167 = arith.constant 8 : i32
    %rem3A_1168 = arith.remsi %add3A_1166, %rem3A_1167 : i32
    %sub3A_1169 = arith.subi %add3A_1162, %rem3A_1168 : i32
    %add3A_1170 = arith.constant 128 : i32
    %add3A_1171 = arith.addi %sub3A_1169, %add3A_1170 : i32
    %sub3A_1172 = arith.subi %add3A_1171, %multiple_of3A_153 : i32
    %get3A_1173 = arith.constant 12 : i32
    %get3A_1174 = arith.index_cast %get3A_1173 : i32 to index
    %get3A_1175 = arith.constant 0 : index
    %get3A_1176 = tpu.vector_load %arg9[%get3A_1174, %get3A_1175] {strides = array<i32>} : memref<25x128xi32, #tpu.memory_space<vmem>>, vector<1x16xi32>,
    %get3A_1177 = vector.shape_cast %get3A_1176 : vector<1x16xi32> to vector<16xi32>
    %lt3A_1178 = vector.broadcast %sub3A_1172 : i32 to vector<16xi32>
    %lt3A_1179 = arith.cmpi slt, %iota3A, %lt3A_1178 : vector<16xi32>
    %jit3A_1180 = arith.constant 512 : i32
    %broadcast_in_dim3A_1181 = vector.broadcast %jit3A_1180 : i32 to vector<16xi32>
    %select_n3A_1182 = arith.select %lt3A_1179, %broadcast_in_dim3A_1181, %get3A_1177 : vector<16xi1>, vector<16xi32>
    %swap3A_1183 = arith.constant 12 : i32
    %swap3A_1184 = arith.index_cast %swap3A_1183 : i32 to index
    %swap3A_1185 = arith.constant 0 : index
    %swap3A_1186 = tpu.vector_load %arg9[%swap3A_1184, %swap3A_1185] {strides = array<i32>} : memref<25x128xi32, #tpu.memory_space<vmem>>, vector<1x16xi32>,
    %swap3A_1187 = vector.shape_cast %swap3A_1186 : vector<1x16xi32> to vector<16xi32>
    %swap3A_1188 = vector.shape_cast %select_n3A_1182 : vector<16xi32> to vector<1x16xi32>
    tpu.vector_store %arg9[%swap3A_1184, %swap3A_1185], %swap3A_1188 {strides = array<i32>} : memref<25x128xi32, #tpu.memory_space<vmem>>, vector<1x16xi32>,
    %mul3A_1189 = arith.constant 3125 : i32
    %mul3A_1190 = arith.muli %mul3A_1189, %add3A : i32
    %add3A_1191 = arith.constant 1500 : i32
    %add3A_1192 = arith.addi %mul3A_1190, %add3A_1191 : i32
    %mul3A_1193 = arith.constant 5 : i32
    %mul3A_1194 = arith.muli %mul3A_1193, %add3A : i32
    %add3A_1195 = arith.constant 60 : i32
    %add3A_1196 = arith.addi %mul3A_1194, %add3A_1195 : i32
    %rem3A_1197 = arith.constant 8 : i32
    %rem3A_1198 = arith.remsi %add3A_1196, %rem3A_1197 : i32
    %sub3A_1199 = arith.subi %add3A_1192, %rem3A_1198 : i32
    %add3A_1200 = arith.constant 128 : i32
    %add3A_1201 = arith.addi %sub3A_1199, %add3A_1200 : i32
    %sub3A_1202 = arith.subi %add3A_1201, %multiple_of3A_165 : i32
    %get3A_1203 = arith.constant 13 : i32
    %get3A_1204 = arith.index_cast %get3A_1203 : i32 to index
    %get3A_1205 = arith.constant 0 : index
    %get3A_1206 = tpu.vector_load %arg9[%get3A_1204, %get3A_1205] {strides = array<i32>} : memref<25x128xi32, #tpu.memory_space<vmem>>, vector<1x16xi32>,
    %get3A_1207 = vector.shape_cast %get3A_1206 : vector<1x16xi32> to vector<16xi32>
    %lt3A_1208 = vector.broadcast %sub3A_1202 : i32 to vector<16xi32>
    %lt3A_1209 = arith.cmpi slt, %iota3A, %lt3A_1208 : vector<16xi32>
    %jit3A_1210 = arith.constant 512 : i32
    %broadcast_in_dim3A_1211 = vector.broadcast %jit3A_1210 : i32 to vector<16xi32>
    %select_n3A_1212 = arith.select %lt3A_1209, %broadcast_in_dim3A_1211, %get3A_1207 : vector<16xi1>, vector<16xi32>
    %swap3A_1213 = arith.constant 13 : i32
    %swap3A_1214 = arith.index_cast %swap3A_1213 : i32 to index
    %swap3A_1215 = arith.constant 0 : index
    %swap3A_1216 = tpu.vector_load %arg9[%swap3A_1214, %swap3A_1215] {strides = array<i32>} : memref<25x128xi32, #tpu.memory_space<vmem>>, vector<1x16xi32>,
    %swap3A_1217 = vector.shape_cast %swap3A_1216 : vector<1x16xi32> to vector<16xi32>
    %swap3A_1218 = vector.shape_cast %select_n3A_1212 : vector<16xi32> to vector<1x16xi32>
    tpu.vector_store %arg9[%swap3A_1214, %swap3A_1215], %swap3A_1218 {strides = array<i32>} : memref<25x128xi32, #tpu.memory_space<vmem>>, vector<1x16xi32>,
    %mul3A_1219 = arith.constant 3125 : i32
    %mul3A_1220 = arith.muli %mul3A_1219, %add3A : i32
    %add3A_1221 = arith.constant 1625 : i32
    %add3A_1222 = arith.addi %mul3A_1220, %add3A_1221 : i32
    %mul3A_1223 = arith.constant 5 : i32
    %mul3A_1224 = arith.muli %mul3A_1223, %add3A : i32
    %add3A_1225 = arith.constant 65 : i32
    %add3A_1226 = arith.addi %mul3A_1224, %add3A_1225 : i32
    %rem3A_1227 = arith.constant 8 : i32
    %rem3A_1228 = arith.remsi %add3A_1226, %rem3A_1227 : i32
    %sub3A_1229 = arith.subi %add3A_1222, %rem3A_1228 : i32
    %add3A_1230 = arith.constant 128 : i32
    %add3A_1231 = arith.addi %sub3A_1229, %add3A_1230 : i32
    %sub3A_1232 = arith.subi %add3A_1231, %multiple_of3A_177 : i32
    %get3A_1233 = arith.constant 14 : i32
    %get3A_1234 = arith.index_cast %get3A_1233 : i32 to index
    %get3A_1235 = arith.constant 0 : index
    %get3A_1236 = tpu.vector_load %arg9[%get3A_1234, %get3A_1235] {strides = array<i32>} : memref<25x128xi32, #tpu.memory_space<vmem>>, vector<1x16xi32>,
    %get3A_1237 = vector.shape_cast %get3A_1236 : vector<1x16xi32> to vector<16xi32>
    %lt3A_1238 = vector.broadcast %sub3A_1232 : i32 to vector<16xi32>
    %lt3A_1239 = arith.cmpi slt, %iota3A, %lt3A_1238 : vector<16xi32>
    %jit3A_1240 = arith.constant 512 : i32
    %broadcast_in_dim3A_1241 = vector.broadcast %jit3A_1240 : i32 to vector<16xi32>
    %select_n3A_1242 = arith.select %lt3A_1239, %broadcast_in_dim3A_1241, %get3A_1237 : vector<16xi1>, vector<16xi32>
    %swap3A_1243 = arith.constant 14 : i32
    %swap3A_1244 = arith.index_cast %swap3A_1243 : i32 to index
    %swap3A_1245 = arith.constant 0 : index
    %swap3A_1246 = tpu.vector_load %arg9[%swap3A_1244, %swap3A_1245] {strides = array<i32>} : memref<25x128xi32, #tpu.memory_space<vmem>>, vector<1x16xi32>,
    %swap3A_1247 = vector.shape_cast %swap3A_1246 : vector<1x16xi32> to vector<16xi32>
    %swap3A_1248 = vector.shape_cast %select_n3A_1242 : vector<16xi32> to vector<1x16xi32>
    tpu.vector_store %arg9[%swap3A_1244, %swap3A_1245], %swap3A_1248 {strides = array<i32>} : memref<25x128xi32, #tpu.memory_space<vmem>>, vector<1x16xi32>,
    %mul3A_1249 = arith.constant 3125 : i32
    %mul3A_1250 = arith.muli %mul3A_1249, %add3A : i32
    %add3A_1251 = arith.constant 1750 : i32
    %add3A_1252 = arith.addi %mul3A_1250, %add3A_1251 : i32
    %mul3A_1253 = arith.constant 5 : i32
    %mul3A_1254 = arith.muli %mul3A_1253, %add3A : i32
    %add3A_1255 = arith.constant 70 : i32
    %add3A_1256 = arith.addi %mul3A_1254, %add3A_1255 : i32
    %rem3A_1257 = arith.constant 8 : i32
    %rem3A_1258 = arith.remsi %add3A_1256, %rem3A_1257 : i32
    %sub3A_1259 = arith.subi %add3A_1252, %rem3A_1258 : i32
    %add3A_1260 = arith.constant 128 : i32
    %add3A_1261 = arith.addi %sub3A_1259, %add3A_1260 : i32
    %sub3A_1262 = arith.subi %add3A_1261, %multiple_of3A_189 : i32
    %get3A_1263 = arith.constant 15 : i32
    %get3A_1264 = arith.index_cast %get3A_1263 : i32 to index
    %get3A_1265 = arith.constant 0 : index
    %get3A_1266 = tpu.vector_load %arg9[%get3A_1264, %get3A_1265] {strides = array<i32>} : memref<25x128xi32, #tpu.memory_space<vmem>>, vector<1x16xi32>,
    %get3A_1267 = vector.shape_cast %get3A_1266 : vector<1x16xi32> to vector<16xi32>
    %lt3A_1268 = vector.broadcast %sub3A_1262 : i32 to vector<16xi32>
    %lt3A_1269 = arith.cmpi slt, %iota3A, %lt3A_1268 : vector<16xi32>
    %jit3A_1270 = arith.constant 512 : i32
    %broadcast_in_dim3A_1271 = vector.broadcast %jit3A_1270 : i32 to vector<16xi32>
    %select_n3A_1272 = arith.select %lt3A_1269, %broadcast_in_dim3A_1271, %get3A_1267 : vector<16xi1>, vector<16xi32>
    %swap3A_1273 = arith.constant 15 : i32
    %swap3A_1274 = arith.index_cast %swap3A_1273 : i32 to index
    %swap3A_1275 = arith.constant 0 : index
    %swap3A_1276 = tpu.vector_load %arg9[%swap3A_1274, %swap3A_1275] {strides = array<i32>} : memref<25x128xi32, #tpu.memory_space<vmem>>, vector<1x16xi32>,
    %swap3A_1277 = vector.shape_cast %swap3A_1276 : vector<1x16xi32> to vector<16xi32>
    %swap3A_1278 = vector.shape_cast %select_n3A_1272 : vector<16xi32> to vector<1x16xi32>
    tpu.vector_store %arg9[%swap3A_1274, %swap3A_1275], %swap3A_1278 {strides = array<i32>} : memref<25x128xi32, #tpu.memory_space<vmem>>, vector<1x16xi32>,
    %mul3A_1279 = arith.constant 3125 : i32
    %mul3A_1280 = arith.muli %mul3A_1279, %add3A : i32
    %add3A_1281 = arith.constant 1875 : i32
    %add3A_1282 = arith.addi %mul3A_1280, %add3A_1281 : i32
    %mul3A_1283 = arith.constant 5 : i32
    %mul3A_1284 = arith.muli %mul3A_1283, %add3A : i32
    %add3A_1285 = arith.constant 75 : i32
    %add3A_1286 = arith.addi %mul3A_1284, %add3A_1285 : i32
    %rem3A_1287 = arith.constant 8 : i32
    %rem3A_1288 = arith.remsi %add3A_1286, %rem3A_1287 : i32
    %sub3A_1289 = arith.subi %add3A_1282, %rem3A_1288 : i32
    %add3A_1290 = arith.constant 128 : i32
    %add3A_1291 = arith.addi %sub3A_1289, %add3A_1290 : i32
    %sub3A_1292 = arith.subi %add3A_1291, %multiple_of3A_201 : i32
    %get3A_1293 = arith.constant 16 : i32
    %get3A_1294 = arith.index_cast %get3A_1293 : i32 to index
    %get3A_1295 = arith.constant 0 : index
    %get3A_1296 = tpu.vector_load %arg9[%get3A_1294, %get3A_1295] {strides = array<i32>} : memref<25x128xi32, #tpu.memory_space<vmem>>, vector<1x16xi32>,
    %get3A_1297 = vector.shape_cast %get3A_1296 : vector<1x16xi32> to vector<16xi32>
    %lt3A_1298 = vector.broadcast %sub3A_1292 : i32 to vector<16xi32>
    %lt3A_1299 = arith.cmpi slt, %iota3A, %lt3A_1298 : vector<16xi32>
    %jit3A_1300 = arith.constant 512 : i32
    %broadcast_in_dim3A_1301 = vector.broadcast %jit3A_1300 : i32 to vector<16xi32>
    %select_n3A_1302 = arith.select %lt3A_1299, %broadcast_in_dim3A_1301, %get3A_1297 : vector<16xi1>, vector<16xi32>
    %swap3A_1303 = arith.constant 16 : i32
    %swap3A_1304 = arith.index_cast %swap3A_1303 : i32 to index
    %swap3A_1305 = arith.constant 0 : index
    %swap3A_1306 = tpu.vector_load %arg9[%swap3A_1304, %swap3A_1305] {strides = array<i32>} : memref<25x128xi32, #tpu.memory_space<vmem>>, vector<1x16xi32>,
    %swap3A_1307 = vector.shape_cast %swap3A_1306 : vector<1x16xi32> to vector<16xi32>
    %swap3A_1308 = vector.shape_cast %select_n3A_1302 : vector<16xi32> to vector<1x16xi32>
    tpu.vector_store %arg9[%swap3A_1304, %swap3A_1305], %swap3A_1308 {strides = array<i32>} : memref<25x128xi32, #tpu.memory_space<vmem>>, vector<1x16xi32>,
    %mul3A_1309 = arith.constant 3125 : i32
    %mul3A_1310 = arith.muli %mul3A_1309, %add3A : i32
    %add3A_1311 = arith.constant 2000 : i32
    %add3A_1312 = arith.addi %mul3A_1310, %add3A_1311 : i32
    %mul3A_1313 = arith.constant 5 : i32
    %mul3A_1314 = arith.muli %mul3A_1313, %add3A : i32
    %add3A_1315 = arith.constant 80 : i32
    %add3A_1316 = arith.addi %mul3A_1314, %add3A_1315 : i32
    %rem3A_1317 = arith.constant 8 : i32
    %rem3A_1318 = arith.remsi %add3A_1316, %rem3A_1317 : i32
    %sub3A_1319 = arith.subi %add3A_1312, %rem3A_1318 : i32
    %add3A_1320 = arith.constant 128 : i32
    %add3A_1321 = arith.addi %sub3A_1319, %add3A_1320 : i32
    %sub3A_1322 = arith.subi %add3A_1321, %multiple_of3A_213 : i32
    %get3A_1323 = arith.constant 17 : i32
    %get3A_1324 = arith.index_cast %get3A_1323 : i32 to index
    %get3A_1325 = arith.constant 0 : index
    %get3A_1326 = tpu.vector_load %arg9[%get3A_1324, %get3A_1325] {strides = array<i32>} : memref<25x128xi32, #tpu.memory_space<vmem>>, vector<1x16xi32>,
    %get3A_1327 = vector.shape_cast %get3A_1326 : vector<1x16xi32> to vector<16xi32>
    %lt3A_1328 = vector.broadcast %sub3A_1322 : i32 to vector<16xi32>
    %lt3A_1329 = arith.cmpi slt, %iota3A, %lt3A_1328 : vector<16xi32>
    %jit3A_1330 = arith.constant 512 : i32
    %broadcast_in_dim3A_1331 = vector.broadcast %jit3A_1330 : i32 to vector<16xi32>
    %select_n3A_1332 = arith.select %lt3A_1329, %broadcast_in_dim3A_1331, %get3A_1327 : vector<16xi1>, vector<16xi32>
    %swap3A_1333 = arith.constant 17 : i32
    %swap3A_1334 = arith.index_cast %swap3A_1333 : i32 to index
    %swap3A_1335 = arith.constant 0 : index
    %swap3A_1336 = tpu.vector_load %arg9[%swap3A_1334, %swap3A_1335] {strides = array<i32>} : memref<25x128xi32, #tpu.memory_space<vmem>>, vector<1x16xi32>,
    %swap3A_1337 = vector.shape_cast %swap3A_1336 : vector<1x16xi32> to vector<16xi32>
    %swap3A_1338 = vector.shape_cast %select_n3A_1332 : vector<16xi32> to vector<1x16xi32>
    tpu.vector_store %arg9[%swap3A_1334, %swap3A_1335], %swap3A_1338 {strides = array<i32>} : memref<25x128xi32, #tpu.memory_space<vmem>>, vector<1x16xi32>,
    %mul3A_1339 = arith.constant 3125 : i32
    %mul3A_1340 = arith.muli %mul3A_1339, %add3A : i32
    %add3A_1341 = arith.constant 2125 : i32
    %add3A_1342 = arith.addi %mul3A_1340, %add3A_1341 : i32
    %mul3A_1343 = arith.constant 5 : i32
    %mul3A_1344 = arith.muli %mul3A_1343, %add3A : i32
    %add3A_1345 = arith.constant 85 : i32
    %add3A_1346 = arith.addi %mul3A_1344, %add3A_1345 : i32
    %rem3A_1347 = arith.constant 8 : i32
    %rem3A_1348 = arith.remsi %add3A_1346, %rem3A_1347 : i32
    %sub3A_1349 = arith.subi %add3A_1342, %rem3A_1348 : i32
    %add3A_1350 = arith.constant 128 : i32
    %add3A_1351 = arith.addi %sub3A_1349, %add3A_1350 : i32
    %sub3A_1352 = arith.subi %add3A_1351, %multiple_of3A_225 : i32
    %get3A_1353 = arith.constant 18 : i32
    %get3A_1354 = arith.index_cast %get3A_1353 : i32 to index
    %get3A_1355 = arith.constant 0 : index
    %get3A_1356 = tpu.vector_load %arg9[%get3A_1354, %get3A_1355] {strides = array<i32>} : memref<25x128xi32, #tpu.memory_space<vmem>>, vector<1x16xi32>,
    %get3A_1357 = vector.shape_cast %get3A_1356 : vector<1x16xi32> to vector<16xi32>
    %lt3A_1358 = vector.broadcast %sub3A_1352 : i32 to vector<16xi32>
    %lt3A_1359 = arith.cmpi slt, %iota3A, %lt3A_1358 : vector<16xi32>
    %jit3A_1360 = arith.constant 512 : i32
    %broadcast_in_dim3A_1361 = vector.broadcast %jit3A_1360 : i32 to vector<16xi32>
    %select_n3A_1362 = arith.select %lt3A_1359, %broadcast_in_dim3A_1361, %get3A_1357 : vector<16xi1>, vector<16xi32>
    %swap3A_1363 = arith.constant 18 : i32
    %swap3A_1364 = arith.index_cast %swap3A_1363 : i32 to index
    %swap3A_1365 = arith.constant 0 : index
    %swap3A_1366 = tpu.vector_load %arg9[%swap3A_1364, %swap3A_1365] {strides = array<i32>} : memref<25x128xi32, #tpu.memory_space<vmem>>, vector<1x16xi32>,
    %swap3A_1367 = vector.shape_cast %swap3A_1366 : vector<1x16xi32> to vector<16xi32>
    %swap3A_1368 = vector.shape_cast %select_n3A_1362 : vector<16xi32> to vector<1x16xi32>
    tpu.vector_store %arg9[%swap3A_1364, %swap3A_1365], %swap3A_1368 {strides = array<i32>} : memref<25x128xi32, #tpu.memory_space<vmem>>, vector<1x16xi32>,
    %mul3A_1369 = arith.constant 3125 : i32
    %mul3A_1370 = arith.muli %mul3A_1369, %add3A : i32
    %add3A_1371 = arith.constant 2250 : i32
    %add3A_1372 = arith.addi %mul3A_1370, %add3A_1371 : i32
    %mul3A_1373 = arith.constant 5 : i32
    %mul3A_1374 = arith.muli %mul3A_1373, %add3A : i32
    %add3A_1375 = arith.constant 90 : i32
    %add3A_1376 = arith.addi %mul3A_1374, %add3A_1375 : i32
    %rem3A_1377 = arith.constant 8 : i32
    %rem3A_1378 = arith.remsi %add3A_1376, %rem3A_1377 : i32
    %sub3A_1379 = arith.subi %add3A_1372, %rem3A_1378 : i32
    %add3A_1380 = arith.constant 128 : i32
    %add3A_1381 = arith.addi %sub3A_1379, %add3A_1380 : i32
    %sub3A_1382 = arith.subi %add3A_1381, %multiple_of3A_237 : i32
    %get3A_1383 = arith.constant 19 : i32
    %get3A_1384 = arith.index_cast %get3A_1383 : i32 to index
    %get3A_1385 = arith.constant 0 : index
    %get3A_1386 = tpu.vector_load %arg9[%get3A_1384, %get3A_1385] {strides = array<i32>} : memref<25x128xi32, #tpu.memory_space<vmem>>, vector<1x16xi32>,
    %get3A_1387 = vector.shape_cast %get3A_1386 : vector<1x16xi32> to vector<16xi32>
    %lt3A_1388 = vector.broadcast %sub3A_1382 : i32 to vector<16xi32>
    %lt3A_1389 = arith.cmpi slt, %iota3A, %lt3A_1388 : vector<16xi32>
    %jit3A_1390 = arith.constant 512 : i32
    %broadcast_in_dim3A_1391 = vector.broadcast %jit3A_1390 : i32 to vector<16xi32>
    %select_n3A_1392 = arith.select %lt3A_1389, %broadcast_in_dim3A_1391, %get3A_1387 : vector<16xi1>, vector<16xi32>
    %swap3A_1393 = arith.constant 19 : i32
    %swap3A_1394 = arith.index_cast %swap3A_1393 : i32 to index
    %swap3A_1395 = arith.constant 0 : index
    %swap3A_1396 = tpu.vector_load %arg9[%swap3A_1394, %swap3A_1395] {strides = array<i32>} : memref<25x128xi32, #tpu.memory_space<vmem>>, vector<1x16xi32>,
    %swap3A_1397 = vector.shape_cast %swap3A_1396 : vector<1x16xi32> to vector<16xi32>
    %swap3A_1398 = vector.shape_cast %select_n3A_1392 : vector<16xi32> to vector<1x16xi32>
    tpu.vector_store %arg9[%swap3A_1394, %swap3A_1395], %swap3A_1398 {strides = array<i32>} : memref<25x128xi32, #tpu.memory_space<vmem>>, vector<1x16xi32>,
    %mul3A_1399 = arith.constant 3125 : i32
    %mul3A_1400 = arith.muli %mul3A_1399, %add3A : i32
    %add3A_1401 = arith.constant 2375 : i32
    %add3A_1402 = arith.addi %mul3A_1400, %add3A_1401 : i32
    %mul3A_1403 = arith.constant 5 : i32
    %mul3A_1404 = arith.muli %mul3A_1403, %add3A : i32
    %add3A_1405 = arith.constant 95 : i32
    %add3A_1406 = arith.addi %mul3A_1404, %add3A_1405 : i32
    %rem3A_1407 = arith.constant 8 : i32
    %rem3A_1408 = arith.remsi %add3A_1406, %rem3A_1407 : i32
    %sub3A_1409 = arith.subi %add3A_1402, %rem3A_1408 : i32
    %add3A_1410 = arith.constant 128 : i32
    %add3A_1411 = arith.addi %sub3A_1409, %add3A_1410 : i32
    %sub3A_1412 = arith.subi %add3A_1411, %multiple_of3A_249 : i32
    %get3A_1413 = arith.constant 20 : i32
    %get3A_1414 = arith.index_cast %get3A_1413 : i32 to index
    %get3A_1415 = arith.constant 0 : index
    %get3A_1416 = tpu.vector_load %arg9[%get3A_1414, %get3A_1415] {strides = array<i32>} : memref<25x128xi32, #tpu.memory_space<vmem>>, vector<1x16xi32>,
    %get3A_1417 = vector.shape_cast %get3A_1416 : vector<1x16xi32> to vector<16xi32>
    %lt3A_1418 = vector.broadcast %sub3A_1412 : i32 to vector<16xi32>
    %lt3A_1419 = arith.cmpi slt, %iota3A, %lt3A_1418 : vector<16xi32>
    %jit3A_1420 = arith.constant 512 : i32
    %broadcast_in_dim3A_1421 = vector.broadcast %jit3A_1420 : i32 to vector<16xi32>
    %select_n3A_1422 = arith.select %lt3A_1419, %broadcast_in_dim3A_1421, %get3A_1417 : vector<16xi1>, vector<16xi32>
    %swap3A_1423 = arith.constant 20 : i32
    %swap3A_1424 = arith.index_cast %swap3A_1423 : i32 to index
    %swap3A_1425 = arith.constant 0 : index
    %swap3A_1426 = tpu.vector_load %arg9[%swap3A_1424, %swap3A_1425] {strides = array<i32>} : memref<25x128xi32, #tpu.memory_space<vmem>>, vector<1x16xi32>,
    %swap3A_1427 = vector.shape_cast %swap3A_1426 : vector<1x16xi32> to vector<16xi32>
    %swap3A_1428 = vector.shape_cast %select_n3A_1422 : vector<16xi32> to vector<1x16xi32>
    tpu.vector_store %arg9[%swap3A_1424, %swap3A_1425], %swap3A_1428 {strides = array<i32>} : memref<25x128xi32, #tpu.memory_space<vmem>>, vector<1x16xi32>,
    %mul3A_1429 = arith.constant 3125 : i32
    %mul3A_1430 = arith.muli %mul3A_1429, %add3A : i32
    %add3A_1431 = arith.constant 2500 : i32
    %add3A_1432 = arith.addi %mul3A_1430, %add3A_1431 : i32
    %mul3A_1433 = arith.constant 5 : i32
    %mul3A_1434 = arith.muli %mul3A_1433, %add3A : i32
    %add3A_1435 = arith.constant 100 : i32
    %add3A_1436 = arith.addi %mul3A_1434, %add3A_1435 : i32
    %rem3A_1437 = arith.constant 8 : i32
    %rem3A_1438 = arith.remsi %add3A_1436, %rem3A_1437 : i32
    %sub3A_1439 = arith.subi %add3A_1432, %rem3A_1438 : i32
    %add3A_1440 = arith.constant 128 : i32
    %add3A_1441 = arith.addi %sub3A_1439, %add3A_1440 : i32
    %sub3A_1442 = arith.subi %add3A_1441, %multiple_of3A_261 : i32
    %get3A_1443 = arith.constant 21 : i32
    %get3A_1444 = arith.index_cast %get3A_1443 : i32 to index
    %get3A_1445 = arith.constant 0 : index
    %get3A_1446 = tpu.vector_load %arg9[%get3A_1444, %get3A_1445] {strides = array<i32>} : memref<25x128xi32, #tpu.memory_space<vmem>>, vector<1x16xi32>,
    %get3A_1447 = vector.shape_cast %get3A_1446 : vector<1x16xi32> to vector<16xi32>
    %lt3A_1448 = vector.broadcast %sub3A_1442 : i32 to vector<16xi32>
    %lt3A_1449 = arith.cmpi slt, %iota3A, %lt3A_1448 : vector<16xi32>
    %jit3A_1450 = arith.constant 512 : i32
    %broadcast_in_dim3A_1451 = vector.broadcast %jit3A_1450 : i32 to vector<16xi32>
    %select_n3A_1452 = arith.select %lt3A_1449, %broadcast_in_dim3A_1451, %get3A_1447 : vector<16xi1>, vector<16xi32>
    %swap3A_1453 = arith.constant 21 : i32
    %swap3A_1454 = arith.index_cast %swap3A_1453 : i32 to index
    %swap3A_1455 = arith.constant 0 : index
    %swap3A_1456 = tpu.vector_load %arg9[%swap3A_1454, %swap3A_1455] {strides = array<i32>} : memref<25x128xi32, #tpu.memory_space<vmem>>, vector<1x16xi32>,
    %swap3A_1457 = vector.shape_cast %swap3A_1456 : vector<1x16xi32> to vector<16xi32>
    %swap3A_1458 = vector.shape_cast %select_n3A_1452 : vector<16xi32> to vector<1x16xi32>
    tpu.vector_store %arg9[%swap3A_1454, %swap3A_1455], %swap3A_1458 {strides = array<i32>} : memref<25x128xi32, #tpu.memory_space<vmem>>, vector<1x16xi32>,
    %mul3A_1459 = arith.constant 3125 : i32
    %mul3A_1460 = arith.muli %mul3A_1459, %add3A : i32
    %add3A_1461 = arith.constant 2625 : i32
    %add3A_1462 = arith.addi %mul3A_1460, %add3A_1461 : i32
    %mul3A_1463 = arith.constant 5 : i32
    %mul3A_1464 = arith.muli %mul3A_1463, %add3A : i32
    %add3A_1465 = arith.constant 105 : i32
    %add3A_1466 = arith.addi %mul3A_1464, %add3A_1465 : i32
    %rem3A_1467 = arith.constant 8 : i32
    %rem3A_1468 = arith.remsi %add3A_1466, %rem3A_1467 : i32
    %sub3A_1469 = arith.subi %add3A_1462, %rem3A_1468 : i32
    %add3A_1470 = arith.constant 128 : i32
    %add3A_1471 = arith.addi %sub3A_1469, %add3A_1470 : i32
    %sub3A_1472 = arith.subi %add3A_1471, %multiple_of3A_273 : i32
    %get3A_1473 = arith.constant 22 : i32
    %get3A_1474 = arith.index_cast %get3A_1473 : i32 to index
    %get3A_1475 = arith.constant 0 : index
    %get3A_1476 = tpu.vector_load %arg9[%get3A_1474, %get3A_1475] {strides = array<i32>} : memref<25x128xi32, #tpu.memory_space<vmem>>, vector<1x16xi32>,
    %get3A_1477 = vector.shape_cast %get3A_1476 : vector<1x16xi32> to vector<16xi32>
    %lt3A_1478 = vector.broadcast %sub3A_1472 : i32 to vector<16xi32>
    %lt3A_1479 = arith.cmpi slt, %iota3A, %lt3A_1478 : vector<16xi32>
    %jit3A_1480 = arith.constant 512 : i32
    %broadcast_in_dim3A_1481 = vector.broadcast %jit3A_1480 : i32 to vector<16xi32>
    %select_n3A_1482 = arith.select %lt3A_1479, %broadcast_in_dim3A_1481, %get3A_1477 : vector<16xi1>, vector<16xi32>
    %swap3A_1483 = arith.constant 22 : i32
    %swap3A_1484 = arith.index_cast %swap3A_1483 : i32 to index
    %swap3A_1485 = arith.constant 0 : index
    %swap3A_1486 = tpu.vector_load %arg9[%swap3A_1484, %swap3A_1485] {strides = array<i32>} : memref<25x128xi32, #tpu.memory_space<vmem>>, vector<1x16xi32>,
    %swap3A_1487 = vector.shape_cast %swap3A_1486 : vector<1x16xi32> to vector<16xi32>
    %swap3A_1488 = vector.shape_cast %select_n3A_1482 : vector<16xi32> to vector<1x16xi32>
    tpu.vector_store %arg9[%swap3A_1484, %swap3A_1485], %swap3A_1488 {strides = array<i32>} : memref<25x128xi32, #tpu.memory_space<vmem>>, vector<1x16xi32>,
    %mul3A_1489 = arith.constant 3125 : i32
    %mul3A_1490 = arith.muli %mul3A_1489, %add3A : i32
    %add3A_1491 = arith.constant 2750 : i32
    %add3A_1492 = arith.addi %mul3A_1490, %add3A_1491 : i32
    %mul3A_1493 = arith.constant 5 : i32
    %mul3A_1494 = arith.muli %mul3A_1493, %add3A : i32
    %add3A_1495 = arith.constant 110 : i32
    %add3A_1496 = arith.addi %mul3A_1494, %add3A_1495 : i32
    %rem3A_1497 = arith.constant 8 : i32
    %rem3A_1498 = arith.remsi %add3A_1496, %rem3A_1497 : i32
    %sub3A_1499 = arith.subi %add3A_1492, %rem3A_1498 : i32
    %add3A_1500 = arith.constant 128 : i32
    %add3A_1501 = arith.addi %sub3A_1499, %add3A_1500 : i32
    %sub3A_1502 = arith.subi %add3A_1501, %multiple_of3A_285 : i32
    %get3A_1503 = arith.constant 23 : i32
    %get3A_1504 = arith.index_cast %get3A_1503 : i32 to index
    %get3A_1505 = arith.constant 0 : index
    %get3A_1506 = tpu.vector_load %arg9[%get3A_1504, %get3A_1505] {strides = array<i32>} : memref<25x128xi32, #tpu.memory_space<vmem>>, vector<1x16xi32>,
    %get3A_1507 = vector.shape_cast %get3A_1506 : vector<1x16xi32> to vector<16xi32>
    %lt3A_1508 = vector.broadcast %sub3A_1502 : i32 to vector<16xi32>
    %lt3A_1509 = arith.cmpi slt, %iota3A, %lt3A_1508 : vector<16xi32>
    %jit3A_1510 = arith.constant 512 : i32
    %broadcast_in_dim3A_1511 = vector.broadcast %jit3A_1510 : i32 to vector<16xi32>
    %select_n3A_1512 = arith.select %lt3A_1509, %broadcast_in_dim3A_1511, %get3A_1507 : vector<16xi1>, vector<16xi32>
    %swap3A_1513 = arith.constant 23 : i32
    %swap3A_1514 = arith.index_cast %swap3A_1513 : i32 to index
    %swap3A_1515 = arith.constant 0 : index
    %swap3A_1516 = tpu.vector_load %arg9[%swap3A_1514, %swap3A_1515] {strides = array<i32>} : memref<25x128xi32, #tpu.memory_space<vmem>>, vector<1x16xi32>,
    %swap3A_1517 = vector.shape_cast %swap3A_1516 : vector<1x16xi32> to vector<16xi32>
    %swap3A_1518 = vector.shape_cast %select_n3A_1512 : vector<16xi32> to vector<1x16xi32>
    tpu.vector_store %arg9[%swap3A_1514, %swap3A_1515], %swap3A_1518 {strides = array<i32>} : memref<25x128xi32, #tpu.memory_space<vmem>>, vector<1x16xi32>,
    %mul3A_1519 = arith.constant 3125 : i32
    %mul3A_1520 = arith.muli %mul3A_1519, %add3A : i32
    %add3A_1521 = arith.constant 2875 : i32
    %add3A_1522 = arith.addi %mul3A_1520, %add3A_1521 : i32
    %mul3A_1523 = arith.constant 5 : i32
    %mul3A_1524 = arith.muli %mul3A_1523, %add3A : i32
    %add3A_1525 = arith.constant 115 : i32
    %add3A_1526 = arith.addi %mul3A_1524, %add3A_1525 : i32
    %rem3A_1527 = arith.constant 8 : i32
    %rem3A_1528 = arith.remsi %add3A_1526, %rem3A_1527 : i32
    %sub3A_1529 = arith.subi %add3A_1522, %rem3A_1528 : i32
    %add3A_1530 = arith.constant 128 : i32
    %add3A_1531 = arith.addi %sub3A_1529, %add3A_1530 : i32
    %sub3A_1532 = arith.subi %add3A_1531, %multiple_of3A_297 : i32
    %get3A_1533 = arith.constant 24 : i32
    %get3A_1534 = arith.index_cast %get3A_1533 : i32 to index
    %get3A_1535 = arith.constant 0 : index
    %get3A_1536 = tpu.vector_load %arg9[%get3A_1534, %get3A_1535] {strides = array<i32>} : memref<25x128xi32, #tpu.memory_space<vmem>>, vector<1x16xi32>,
    %get3A_1537 = vector.shape_cast %get3A_1536 : vector<1x16xi32> to vector<16xi32>
    %lt3A_1538 = vector.broadcast %sub3A_1532 : i32 to vector<16xi32>
    %lt3A_1539 = arith.cmpi slt, %iota3A, %lt3A_1538 : vector<16xi32>
    %jit3A_1540 = arith.constant 512 : i32
    %broadcast_in_dim3A_1541 = vector.broadcast %jit3A_1540 : i32 to vector<16xi32>
    %select_n3A_1542 = arith.select %lt3A_1539, %broadcast_in_dim3A_1541, %get3A_1537 : vector<16xi1>, vector<16xi32>
    %swap3A_1543 = arith.constant 24 : i32
    %swap3A_1544 = arith.index_cast %swap3A_1543 : i32 to index
    %swap3A_1545 = arith.constant 0 : index
    %swap3A_1546 = tpu.vector_load %arg9[%swap3A_1544, %swap3A_1545] {strides = array<i32>} : memref<25x128xi32, #tpu.memory_space<vmem>>, vector<1x16xi32>,
    %swap3A_1547 = vector.shape_cast %swap3A_1546 : vector<1x16xi32> to vector<16xi32>
    %swap3A_1548 = vector.shape_cast %select_n3A_1542 : vector<16xi32> to vector<1x16xi32>
    tpu.vector_store %arg9[%swap3A_1544, %swap3A_1545], %swap3A_1548 {strides = array<i32>} : memref<25x128xi32, #tpu.memory_space<vmem>>, vector<1x16xi32>,
    %dma_start3A_1549 = arith.constant 0 : i32
    %dma_start3A_1550 = arith.constant 0 : i32
    %dma_start3A_1551 = arith.constant 0 : i32
    %dma_start3A_1552 = tpu.memref_slice %arg10[%dma_start3A_1549, %dma_start3A_1551] : memref<1x128xf32, #tpu.memory_space<vmem>> -> memref<1x128xf32, #tpu.memory_space<vmem>>
    %dma_start3A_1553 = tpu.memref_squeeze %dma_start3A_1552 : memref<1x128xf32, #tpu.memory_space<vmem>> -> memref<128xf32, #tpu.memory_space<vmem>>
    %dma_start3A_1554 = arith.constant 0 : i32
    %dma_start3A_1555 = tpu.memref_slice %arg9[%dma_start3A_1550, %dma_start3A_1554] : memref<25x128xi32, #tpu.memory_space<vmem>> -> memref<1x128xi32, #tpu.memory_space<vmem>>
    %dma_start3A_1556 = tpu.memref_squeeze %dma_start3A_1555 : memref<1x128xi32, #tpu.memory_space<vmem>> -> memref<128xi32, #tpu.memory_space<vmem>>
    %dma_start3A_1557 = arith.constant 0 : i32
    %dma_start3A_1558 = tpu.memref_slice %arg15[%dma_start3A_1557] : memref<520xf32, #tpu.memory_space<vmem_shared>> -> memref<520xf32, #tpu.memory_space<vmem_shared>>
    tpu.enqueue_indirect_dma source(%dma_start3A_1553 : memref<128xf32, #tpu.memory_space<vmem>>) target(%dma_start3A_1558 : memref<520xf32, #tpu.memory_space<vmem_shared>>) offsets(%dma_start3A_1556 : memref<128xi32, #tpu.memory_space<vmem>>) semaphore(%arg18 : memref<!tpu.dma_semaphore, #tpu.memory_space<semaphore_mem>>) {add = true}
    %dma_start3A_1559 = arith.constant 0 : i32
    %dma_start3A_1560 = arith.constant 1 : i32
    %dma_start3A_1561 = arith.constant 0 : i32
    %dma_start3A_1562 = tpu.memref_slice %arg10[%dma_start3A_1559, %dma_start3A_1561] : memref<1x128xf32, #tpu.memory_space<vmem>> -> memref<1x128xf32, #tpu.memory_space<vmem>>
    %dma_start3A_1563 = tpu.memref_squeeze %dma_start3A_1562 : memref<1x128xf32, #tpu.memory_space<vmem>> -> memref<128xf32, #tpu.memory_space<vmem>>
    %dma_start3A_1564 = arith.constant 0 : i32
    %dma_start3A_1565 = tpu.memref_slice %arg9[%dma_start3A_1560, %dma_start3A_1564] : memref<25x128xi32, #tpu.memory_space<vmem>> -> memref<1x128xi32, #tpu.memory_space<vmem>>
    %dma_start3A_1566 = tpu.memref_squeeze %dma_start3A_1565 : memref<1x128xi32, #tpu.memory_space<vmem>> -> memref<128xi32, #tpu.memory_space<vmem>>
    %dma_start3A_1567 = arith.constant 0 : i32
    %dma_start3A_1568 = tpu.memref_slice %arg15[%dma_start3A_1567] : memref<520xf32, #tpu.memory_space<vmem_shared>> -> memref<520xf32, #tpu.memory_space<vmem_shared>>
    tpu.enqueue_indirect_dma source(%dma_start3A_1563 : memref<128xf32, #tpu.memory_space<vmem>>) target(%dma_start3A_1568 : memref<520xf32, #tpu.memory_space<vmem_shared>>) offsets(%dma_start3A_1566 : memref<128xi32, #tpu.memory_space<vmem>>) semaphore(%arg18 : memref<!tpu.dma_semaphore, #tpu.memory_space<semaphore_mem>>) {add = true}
    %dma_start3A_1569 = arith.constant 0 : i32
    %dma_start3A_1570 = arith.constant 2 : i32
    %dma_start3A_1571 = arith.constant 0 : i32
    %dma_start3A_1572 = tpu.memref_slice %arg10[%dma_start3A_1569, %dma_start3A_1571] : memref<1x128xf32, #tpu.memory_space<vmem>> -> memref<1x128xf32, #tpu.memory_space<vmem>>
    %dma_start3A_1573 = tpu.memref_squeeze %dma_start3A_1572 : memref<1x128xf32, #tpu.memory_space<vmem>> -> memref<128xf32, #tpu.memory_space<vmem>>
    %dma_start3A_1574 = arith.constant 0 : i32
    %dma_start3A_1575 = tpu.memref_slice %arg9[%dma_start3A_1570, %dma_start3A_1574] : memref<25x128xi32, #tpu.memory_space<vmem>> -> memref<1x128xi32, #tpu.memory_space<vmem>>
    %dma_start3A_1576 = tpu.memref_squeeze %dma_start3A_1575 : memref<1x128xi32, #tpu.memory_space<vmem>> -> memref<128xi32, #tpu.memory_space<vmem>>
    %dma_start3A_1577 = arith.constant 0 : i32
    %dma_start3A_1578 = tpu.memref_slice %arg15[%dma_start3A_1577] : memref<520xf32, #tpu.memory_space<vmem_shared>> -> memref<520xf32, #tpu.memory_space<vmem_shared>>
    tpu.enqueue_indirect_dma source(%dma_start3A_1573 : memref<128xf32, #tpu.memory_space<vmem>>) target(%dma_start3A_1578 : memref<520xf32, #tpu.memory_space<vmem_shared>>) offsets(%dma_start3A_1576 : memref<128xi32, #tpu.memory_space<vmem>>) semaphore(%arg18 : memref<!tpu.dma_semaphore, #tpu.memory_space<semaphore_mem>>) {add = true}
    %dma_start3A_1579 = arith.constant 0 : i32
    %dma_start3A_1580 = arith.constant 3 : i32
    %dma_start3A_1581 = arith.constant 0 : i32
    %dma_start3A_1582 = tpu.memref_slice %arg10[%dma_start3A_1579, %dma_start3A_1581] : memref<1x128xf32, #tpu.memory_space<vmem>> -> memref<1x128xf32, #tpu.memory_space<vmem>>
    %dma_start3A_1583 = tpu.memref_squeeze %dma_start3A_1582 : memref<1x128xf32, #tpu.memory_space<vmem>> -> memref<128xf32, #tpu.memory_space<vmem>>
    %dma_start3A_1584 = arith.constant 0 : i32
    %dma_start3A_1585 = tpu.memref_slice %arg9[%dma_start3A_1580, %dma_start3A_1584] : memref<25x128xi32, #tpu.memory_space<vmem>> -> memref<1x128xi32, #tpu.memory_space<vmem>>
    %dma_start3A_1586 = tpu.memref_squeeze %dma_start3A_1585 : memref<1x128xi32, #tpu.memory_space<vmem>> -> memref<128xi32, #tpu.memory_space<vmem>>
    %dma_start3A_1587 = arith.constant 0 : i32
    %dma_start3A_1588 = tpu.memref_slice %arg15[%dma_start3A_1587] : memref<520xf32, #tpu.memory_space<vmem_shared>> -> memref<520xf32, #tpu.memory_space<vmem_shared>>
    tpu.enqueue_indirect_dma source(%dma_start3A_1583 : memref<128xf32, #tpu.memory_space<vmem>>) target(%dma_start3A_1588 : memref<520xf32, #tpu.memory_space<vmem_shared>>) offsets(%dma_start3A_1586 : memref<128xi32, #tpu.memory_space<vmem>>) semaphore(%arg18 : memref<!tpu.dma_semaphore, #tpu.memory_space<semaphore_mem>>) {add = true}
    %dma_start3A_1589 = arith.constant 0 : i32
    %dma_start3A_1590 = arith.constant 4 : i32
    %dma_start3A_1591 = arith.constant 0 : i32
    %dma_start3A_1592 = tpu.memref_slice %arg10[%dma_start3A_1589, %dma_start3A_1591] : memref<1x128xf32, #tpu.memory_space<vmem>> -> memref<1x128xf32, #tpu.memory_space<vmem>>
    %dma_start3A_1593 = tpu.memref_squeeze %dma_start3A_1592 : memref<1x128xf32, #tpu.memory_space<vmem>> -> memref<128xf32, #tpu.memory_space<vmem>>
    %dma_start3A_1594 = arith.constant 0 : i32
    %dma_start3A_1595 = tpu.memref_slice %arg9[%dma_start3A_1590, %dma_start3A_1594] : memref<25x128xi32, #tpu.memory_space<vmem>> -> memref<1x128xi32, #tpu.memory_space<vmem>>
    %dma_start3A_1596 = tpu.memref_squeeze %dma_start3A_1595 : memref<1x128xi32, #tpu.memory_space<vmem>> -> memref<128xi32, #tpu.memory_space<vmem>>
    %dma_start3A_1597 = arith.constant 0 : i32
    %dma_start3A_1598 = tpu.memref_slice %arg15[%dma_start3A_1597] : memref<520xf32, #tpu.memory_space<vmem_shared>> -> memref<520xf32, #tpu.memory_space<vmem_shared>>
    tpu.enqueue_indirect_dma source(%dma_start3A_1593 : memref<128xf32, #tpu.memory_space<vmem>>) target(%dma_start3A_1598 : memref<520xf32, #tpu.memory_space<vmem_shared>>) offsets(%dma_start3A_1596 : memref<128xi32, #tpu.memory_space<vmem>>) semaphore(%arg18 : memref<!tpu.dma_semaphore, #tpu.memory_space<semaphore_mem>>) {add = true}
    %dma_start3A_1599 = arith.constant 0 : i32
    %dma_start3A_1600 = arith.constant 5 : i32
    %dma_start3A_1601 = arith.constant 0 : i32
    %dma_start3A_1602 = tpu.memref_slice %arg10[%dma_start3A_1599, %dma_start3A_1601] : memref<1x128xf32, #tpu.memory_space<vmem>> -> memref<1x128xf32, #tpu.memory_space<vmem>>
    %dma_start3A_1603 = tpu.memref_squeeze %dma_start3A_1602 : memref<1x128xf32, #tpu.memory_space<vmem>> -> memref<128xf32, #tpu.memory_space<vmem>>
    %dma_start3A_1604 = arith.constant 0 : i32
    %dma_start3A_1605 = tpu.memref_slice %arg9[%dma_start3A_1600, %dma_start3A_1604] : memref<25x128xi32, #tpu.memory_space<vmem>> -> memref<1x128xi32, #tpu.memory_space<vmem>>
    %dma_start3A_1606 = tpu.memref_squeeze %dma_start3A_1605 : memref<1x128xi32, #tpu.memory_space<vmem>> -> memref<128xi32, #tpu.memory_space<vmem>>
    %dma_start3A_1607 = arith.constant 0 : i32
    %dma_start3A_1608 = tpu.memref_slice %arg15[%dma_start3A_1607] : memref<520xf32, #tpu.memory_space<vmem_shared>> -> memref<520xf32, #tpu.memory_space<vmem_shared>>
    tpu.enqueue_indirect_dma source(%dma_start3A_1603 : memref<128xf32, #tpu.memory_space<vmem>>) target(%dma_start3A_1608 : memref<520xf32, #tpu.memory_space<vmem_shared>>) offsets(%dma_start3A_1606 : memref<128xi32, #tpu.memory_space<vmem>>) semaphore(%arg18 : memref<!tpu.dma_semaphore, #tpu.memory_space<semaphore_mem>>) {add = true}
    %dma_start3A_1609 = arith.constant 0 : i32
    %dma_start3A_1610 = arith.constant 6 : i32
    %dma_start3A_1611 = arith.constant 0 : i32
    %dma_start3A_1612 = tpu.memref_slice %arg10[%dma_start3A_1609, %dma_start3A_1611] : memref<1x128xf32, #tpu.memory_space<vmem>> -> memref<1x128xf32, #tpu.memory_space<vmem>>
    %dma_start3A_1613 = tpu.memref_squeeze %dma_start3A_1612 : memref<1x128xf32, #tpu.memory_space<vmem>> -> memref<128xf32, #tpu.memory_space<vmem>>
    %dma_start3A_1614 = arith.constant 0 : i32
    %dma_start3A_1615 = tpu.memref_slice %arg9[%dma_start3A_1610, %dma_start3A_1614] : memref<25x128xi32, #tpu.memory_space<vmem>> -> memref<1x128xi32, #tpu.memory_space<vmem>>
    %dma_start3A_1616 = tpu.memref_squeeze %dma_start3A_1615 : memref<1x128xi32, #tpu.memory_space<vmem>> -> memref<128xi32, #tpu.memory_space<vmem>>
    %dma_start3A_1617 = arith.constant 0 : i32
    %dma_start3A_1618 = tpu.memref_slice %arg15[%dma_start3A_1617] : memref<520xf32, #tpu.memory_space<vmem_shared>> -> memref<520xf32, #tpu.memory_space<vmem_shared>>
    tpu.enqueue_indirect_dma source(%dma_start3A_1613 : memref<128xf32, #tpu.memory_space<vmem>>) target(%dma_start3A_1618 : memref<520xf32, #tpu.memory_space<vmem_shared>>) offsets(%dma_start3A_1616 : memref<128xi32, #tpu.memory_space<vmem>>) semaphore(%arg18 : memref<!tpu.dma_semaphore, #tpu.memory_space<semaphore_mem>>) {add = true}
    %dma_start3A_1619 = arith.constant 0 : i32
    %dma_start3A_1620 = arith.constant 7 : i32
    %dma_start3A_1621 = arith.constant 0 : i32
    %dma_start3A_1622 = tpu.memref_slice %arg10[%dma_start3A_1619, %dma_start3A_1621] : memref<1x128xf32, #tpu.memory_space<vmem>> -> memref<1x128xf32, #tpu.memory_space<vmem>>
    %dma_start3A_1623 = tpu.memref_squeeze %dma_start3A_1622 : memref<1x128xf32, #tpu.memory_space<vmem>> -> memref<128xf32, #tpu.memory_space<vmem>>
    %dma_start3A_1624 = arith.constant 0 : i32
    %dma_start3A_1625 = tpu.memref_slice %arg9[%dma_start3A_1620, %dma_start3A_1624] : memref<25x128xi32, #tpu.memory_space<vmem>> -> memref<1x128xi32, #tpu.memory_space<vmem>>
    %dma_start3A_1626 = tpu.memref_squeeze %dma_start3A_1625 : memref<1x128xi32, #tpu.memory_space<vmem>> -> memref<128xi32, #tpu.memory_space<vmem>>
    %dma_start3A_1627 = arith.constant 0 : i32
    %dma_start3A_1628 = tpu.memref_slice %arg15[%dma_start3A_1627] : memref<520xf32, #tpu.memory_space<vmem_shared>> -> memref<520xf32, #tpu.memory_space<vmem_shared>>
    tpu.enqueue_indirect_dma source(%dma_start3A_1623 : memref<128xf32, #tpu.memory_space<vmem>>) target(%dma_start3A_1628 : memref<520xf32, #tpu.memory_space<vmem_shared>>) offsets(%dma_start3A_1626 : memref<128xi32, #tpu.memory_space<vmem>>) semaphore(%arg18 : memref<!tpu.dma_semaphore, #tpu.memory_space<semaphore_mem>>) {add = true}
    %dma_start3A_1629 = arith.constant 0 : i32
    %dma_start3A_1630 = arith.constant 8 : i32
    %dma_start3A_1631 = arith.constant 0 : i32
    %dma_start3A_1632 = tpu.memref_slice %arg10[%dma_start3A_1629, %dma_start3A_1631] : memref<1x128xf32, #tpu.memory_space<vmem>> -> memref<1x128xf32, #tpu.memory_space<vmem>>
    %dma_start3A_1633 = tpu.memref_squeeze %dma_start3A_1632 : memref<1x128xf32, #tpu.memory_space<vmem>> -> memref<128xf32, #tpu.memory_space<vmem>>
    %dma_start3A_1634 = arith.constant 0 : i32
    %dma_start3A_1635 = tpu.memref_slice %arg9[%dma_start3A_1630, %dma_start3A_1634] : memref<25x128xi32, #tpu.memory_space<vmem>> -> memref<1x128xi32, #tpu.memory_space<vmem>>
    %dma_start3A_1636 = tpu.memref_squeeze %dma_start3A_1635 : memref<1x128xi32, #tpu.memory_space<vmem>> -> memref<128xi32, #tpu.memory_space<vmem>>
    %dma_start3A_1637 = arith.constant 0 : i32
    %dma_start3A_1638 = tpu.memref_slice %arg15[%dma_start3A_1637] : memref<520xf32, #tpu.memory_space<vmem_shared>> -> memref<520xf32, #tpu.memory_space<vmem_shared>>
    tpu.enqueue_indirect_dma source(%dma_start3A_1633 : memref<128xf32, #tpu.memory_space<vmem>>) target(%dma_start3A_1638 : memref<520xf32, #tpu.memory_space<vmem_shared>>) offsets(%dma_start3A_1636 : memref<128xi32, #tpu.memory_space<vmem>>) semaphore(%arg18 : memref<!tpu.dma_semaphore, #tpu.memory_space<semaphore_mem>>) {add = true}
    %dma_start3A_1639 = arith.constant 0 : i32
    %dma_start3A_1640 = arith.constant 9 : i32
    %dma_start3A_1641 = arith.constant 0 : i32
    %dma_start3A_1642 = tpu.memref_slice %arg10[%dma_start3A_1639, %dma_start3A_1641] : memref<1x128xf32, #tpu.memory_space<vmem>> -> memref<1x128xf32, #tpu.memory_space<vmem>>
    %dma_start3A_1643 = tpu.memref_squeeze %dma_start3A_1642 : memref<1x128xf32, #tpu.memory_space<vmem>> -> memref<128xf32, #tpu.memory_space<vmem>>
    %dma_start3A_1644 = arith.constant 0 : i32
    %dma_start3A_1645 = tpu.memref_slice %arg9[%dma_start3A_1640, %dma_start3A_1644] : memref<25x128xi32, #tpu.memory_space<vmem>> -> memref<1x128xi32, #tpu.memory_space<vmem>>
    %dma_start3A_1646 = tpu.memref_squeeze %dma_start3A_1645 : memref<1x128xi32, #tpu.memory_space<vmem>> -> memref<128xi32, #tpu.memory_space<vmem>>
    %dma_start3A_1647 = arith.constant 0 : i32
    %dma_start3A_1648 = tpu.memref_slice %arg15[%dma_start3A_1647] : memref<520xf32, #tpu.memory_space<vmem_shared>> -> memref<520xf32, #tpu.memory_space<vmem_shared>>
    tpu.enqueue_indirect_dma source(%dma_start3A_1643 : memref<128xf32, #tpu.memory_space<vmem>>) target(%dma_start3A_1648 : memref<520xf32, #tpu.memory_space<vmem_shared>>) offsets(%dma_start3A_1646 : memref<128xi32, #tpu.memory_space<vmem>>) semaphore(%arg18 : memref<!tpu.dma_semaphore, #tpu.memory_space<semaphore_mem>>) {add = true}
    %dma_start3A_1649 = arith.constant 0 : i32
    %dma_start3A_1650 = arith.constant 10 : i32
    %dma_start3A_1651 = arith.constant 0 : i32
    %dma_start3A_1652 = tpu.memref_slice %arg10[%dma_start3A_1649, %dma_start3A_1651] : memref<1x128xf32, #tpu.memory_space<vmem>> -> memref<1x128xf32, #tpu.memory_space<vmem>>
    %dma_start3A_1653 = tpu.memref_squeeze %dma_start3A_1652 : memref<1x128xf32, #tpu.memory_space<vmem>> -> memref<128xf32, #tpu.memory_space<vmem>>
    %dma_start3A_1654 = arith.constant 0 : i32
    %dma_start3A_1655 = tpu.memref_slice %arg9[%dma_start3A_1650, %dma_start3A_1654] : memref<25x128xi32, #tpu.memory_space<vmem>> -> memref<1x128xi32, #tpu.memory_space<vmem>>
    %dma_start3A_1656 = tpu.memref_squeeze %dma_start3A_1655 : memref<1x128xi32, #tpu.memory_space<vmem>> -> memref<128xi32, #tpu.memory_space<vmem>>
    %dma_start3A_1657 = arith.constant 0 : i32
    %dma_start3A_1658 = tpu.memref_slice %arg15[%dma_start3A_1657] : memref<520xf32, #tpu.memory_space<vmem_shared>> -> memref<520xf32, #tpu.memory_space<vmem_shared>>
    tpu.enqueue_indirect_dma source(%dma_start3A_1653 : memref<128xf32, #tpu.memory_space<vmem>>) target(%dma_start3A_1658 : memref<520xf32, #tpu.memory_space<vmem_shared>>) offsets(%dma_start3A_1656 : memref<128xi32, #tpu.memory_space<vmem>>) semaphore(%arg18 : memref<!tpu.dma_semaphore, #tpu.memory_space<semaphore_mem>>) {add = true}
    %dma_start3A_1659 = arith.constant 0 : i32
    %dma_start3A_1660 = arith.constant 11 : i32
    %dma_start3A_1661 = arith.constant 0 : i32
    %dma_start3A_1662 = tpu.memref_slice %arg10[%dma_start3A_1659, %dma_start3A_1661] : memref<1x128xf32, #tpu.memory_space<vmem>> -> memref<1x128xf32, #tpu.memory_space<vmem>>
    %dma_start3A_1663 = tpu.memref_squeeze %dma_start3A_1662 : memref<1x128xf32, #tpu.memory_space<vmem>> -> memref<128xf32, #tpu.memory_space<vmem>>
    %dma_start3A_1664 = arith.constant 0 : i32
    %dma_start3A_1665 = tpu.memref_slice %arg9[%dma_start3A_1660, %dma_start3A_1664] : memref<25x128xi32, #tpu.memory_space<vmem>> -> memref<1x128xi32, #tpu.memory_space<vmem>>
    %dma_start3A_1666 = tpu.memref_squeeze %dma_start3A_1665 : memref<1x128xi32, #tpu.memory_space<vmem>> -> memref<128xi32, #tpu.memory_space<vmem>>
    %dma_start3A_1667 = arith.constant 0 : i32
    %dma_start3A_1668 = tpu.memref_slice %arg15[%dma_start3A_1667] : memref<520xf32, #tpu.memory_space<vmem_shared>> -> memref<520xf32, #tpu.memory_space<vmem_shared>>
    tpu.enqueue_indirect_dma source(%dma_start3A_1663 : memref<128xf32, #tpu.memory_space<vmem>>) target(%dma_start3A_1668 : memref<520xf32, #tpu.memory_space<vmem_shared>>) offsets(%dma_start3A_1666 : memref<128xi32, #tpu.memory_space<vmem>>) semaphore(%arg18 : memref<!tpu.dma_semaphore, #tpu.memory_space<semaphore_mem>>) {add = true}
    %dma_start3A_1669 = arith.constant 0 : i32
    %dma_start3A_1670 = arith.constant 12 : i32
    %dma_start3A_1671 = arith.constant 0 : i32
    %dma_start3A_1672 = tpu.memref_slice %arg10[%dma_start3A_1669, %dma_start3A_1671] : memref<1x128xf32, #tpu.memory_space<vmem>> -> memref<1x128xf32, #tpu.memory_space<vmem>>
    %dma_start3A_1673 = tpu.memref_squeeze %dma_start3A_1672 : memref<1x128xf32, #tpu.memory_space<vmem>> -> memref<128xf32, #tpu.memory_space<vmem>>
    %dma_start3A_1674 = arith.constant 0 : i32
    %dma_start3A_1675 = tpu.memref_slice %arg9[%dma_start3A_1670, %dma_start3A_1674] : memref<25x128xi32, #tpu.memory_space<vmem>> -> memref<1x128xi32, #tpu.memory_space<vmem>>
    %dma_start3A_1676 = tpu.memref_squeeze %dma_start3A_1675 : memref<1x128xi32, #tpu.memory_space<vmem>> -> memref<128xi32, #tpu.memory_space<vmem>>
    %dma_start3A_1677 = arith.constant 0 : i32
    %dma_start3A_1678 = tpu.memref_slice %arg15[%dma_start3A_1677] : memref<520xf32, #tpu.memory_space<vmem_shared>> -> memref<520xf32, #tpu.memory_space<vmem_shared>>
    tpu.enqueue_indirect_dma source(%dma_start3A_1673 : memref<128xf32, #tpu.memory_space<vmem>>) target(%dma_start3A_1678 : memref<520xf32, #tpu.memory_space<vmem_shared>>) offsets(%dma_start3A_1676 : memref<128xi32, #tpu.memory_space<vmem>>) semaphore(%arg18 : memref<!tpu.dma_semaphore, #tpu.memory_space<semaphore_mem>>) {add = true}
    %dma_start3A_1679 = arith.constant 0 : i32
    %dma_start3A_1680 = arith.constant 13 : i32
    %dma_start3A_1681 = arith.constant 0 : i32
    %dma_start3A_1682 = tpu.memref_slice %arg10[%dma_start3A_1679, %dma_start3A_1681] : memref<1x128xf32, #tpu.memory_space<vmem>> -> memref<1x128xf32, #tpu.memory_space<vmem>>
    %dma_start3A_1683 = tpu.memref_squeeze %dma_start3A_1682 : memref<1x128xf32, #tpu.memory_space<vmem>> -> memref<128xf32, #tpu.memory_space<vmem>>
    %dma_start3A_1684 = arith.constant 0 : i32
    %dma_start3A_1685 = tpu.memref_slice %arg9[%dma_start3A_1680, %dma_start3A_1684] : memref<25x128xi32, #tpu.memory_space<vmem>> -> memref<1x128xi32, #tpu.memory_space<vmem>>
    %dma_start3A_1686 = tpu.memref_squeeze %dma_start3A_1685 : memref<1x128xi32, #tpu.memory_space<vmem>> -> memref<128xi32, #tpu.memory_space<vmem>>
    %dma_start3A_1687 = arith.constant 0 : i32
    %dma_start3A_1688 = tpu.memref_slice %arg15[%dma_start3A_1687] : memref<520xf32, #tpu.memory_space<vmem_shared>> -> memref<520xf32, #tpu.memory_space<vmem_shared>>
    tpu.enqueue_indirect_dma source(%dma_start3A_1683 : memref<128xf32, #tpu.memory_space<vmem>>) target(%dma_start3A_1688 : memref<520xf32, #tpu.memory_space<vmem_shared>>) offsets(%dma_start3A_1686 : memref<128xi32, #tpu.memory_space<vmem>>) semaphore(%arg18 : memref<!tpu.dma_semaphore, #tpu.memory_space<semaphore_mem>>) {add = true}
    %dma_start3A_1689 = arith.constant 0 : i32
    %dma_start3A_1690 = arith.constant 14 : i32
    %dma_start3A_1691 = arith.constant 0 : i32
    %dma_start3A_1692 = tpu.memref_slice %arg10[%dma_start3A_1689, %dma_start3A_1691] : memref<1x128xf32, #tpu.memory_space<vmem>> -> memref<1x128xf32, #tpu.memory_space<vmem>>
    %dma_start3A_1693 = tpu.memref_squeeze %dma_start3A_1692 : memref<1x128xf32, #tpu.memory_space<vmem>> -> memref<128xf32, #tpu.memory_space<vmem>>
    %dma_start3A_1694 = arith.constant 0 : i32
    %dma_start3A_1695 = tpu.memref_slice %arg9[%dma_start3A_1690, %dma_start3A_1694] : memref<25x128xi32, #tpu.memory_space<vmem>> -> memref<1x128xi32, #tpu.memory_space<vmem>>
    %dma_start3A_1696 = tpu.memref_squeeze %dma_start3A_1695 : memref<1x128xi32, #tpu.memory_space<vmem>> -> memref<128xi32, #tpu.memory_space<vmem>>
    %dma_start3A_1697 = arith.constant 0 : i32
    %dma_start3A_1698 = tpu.memref_slice %arg15[%dma_start3A_1697] : memref<520xf32, #tpu.memory_space<vmem_shared>> -> memref<520xf32, #tpu.memory_space<vmem_shared>>
    tpu.enqueue_indirect_dma source(%dma_start3A_1693 : memref<128xf32, #tpu.memory_space<vmem>>) target(%dma_start3A_1698 : memref<520xf32, #tpu.memory_space<vmem_shared>>) offsets(%dma_start3A_1696 : memref<128xi32, #tpu.memory_space<vmem>>) semaphore(%arg18 : memref<!tpu.dma_semaphore, #tpu.memory_space<semaphore_mem>>) {add = true}
    %dma_start3A_1699 = arith.constant 0 : i32
    %dma_start3A_1700 = arith.constant 15 : i32
    %dma_start3A_1701 = arith.constant 0 : i32
    %dma_start3A_1702 = tpu.memref_slice %arg10[%dma_start3A_1699, %dma_start3A_1701] : memref<1x128xf32, #tpu.memory_space<vmem>> -> memref<1x128xf32, #tpu.memory_space<vmem>>
    %dma_start3A_1703 = tpu.memref_squeeze %dma_start3A_1702 : memref<1x128xf32, #tpu.memory_space<vmem>> -> memref<128xf32, #tpu.memory_space<vmem>>
    %dma_start3A_1704 = arith.constant 0 : i32
    %dma_start3A_1705 = tpu.memref_slice %arg9[%dma_start3A_1700, %dma_start3A_1704] : memref<25x128xi32, #tpu.memory_space<vmem>> -> memref<1x128xi32, #tpu.memory_space<vmem>>
    %dma_start3A_1706 = tpu.memref_squeeze %dma_start3A_1705 : memref<1x128xi32, #tpu.memory_space<vmem>> -> memref<128xi32, #tpu.memory_space<vmem>>
    %dma_start3A_1707 = arith.constant 0 : i32
    %dma_start3A_1708 = tpu.memref_slice %arg15[%dma_start3A_1707] : memref<520xf32, #tpu.memory_space<vmem_shared>> -> memref<520xf32, #tpu.memory_space<vmem_shared>>
    tpu.enqueue_indirect_dma source(%dma_start3A_1703 : memref<128xf32, #tpu.memory_space<vmem>>) target(%dma_start3A_1708 : memref<520xf32, #tpu.memory_space<vmem_shared>>) offsets(%dma_start3A_1706 : memref<128xi32, #tpu.memory_space<vmem>>) semaphore(%arg18 : memref<!tpu.dma_semaphore, #tpu.memory_space<semaphore_mem>>) {add = true}
    %dma_start3A_1709 = arith.constant 0 : i32
    %dma_start3A_1710 = arith.constant 16 : i32
    %dma_start3A_1711 = arith.constant 0 : i32
    %dma_start3A_1712 = tpu.memref_slice %arg10[%dma_start3A_1709, %dma_start3A_1711] : memref<1x128xf32, #tpu.memory_space<vmem>> -> memref<1x128xf32, #tpu.memory_space<vmem>>
    %dma_start3A_1713 = tpu.memref_squeeze %dma_start3A_1712 : memref<1x128xf32, #tpu.memory_space<vmem>> -> memref<128xf32, #tpu.memory_space<vmem>>
    %dma_start3A_1714 = arith.constant 0 : i32
    %dma_start3A_1715 = tpu.memref_slice %arg9[%dma_start3A_1710, %dma_start3A_1714] : memref<25x128xi32, #tpu.memory_space<vmem>> -> memref<1x128xi32, #tpu.memory_space<vmem>>
    %dma_start3A_1716 = tpu.memref_squeeze %dma_start3A_1715 : memref<1x128xi32, #tpu.memory_space<vmem>> -> memref<128xi32, #tpu.memory_space<vmem>>
    %dma_start3A_1717 = arith.constant 0 : i32
    %dma_start3A_1718 = tpu.memref_slice %arg15[%dma_start3A_1717] : memref<520xf32, #tpu.memory_space<vmem_shared>> -> memref<520xf32, #tpu.memory_space<vmem_shared>>
    tpu.enqueue_indirect_dma source(%dma_start3A_1713 : memref<128xf32, #tpu.memory_space<vmem>>) target(%dma_start3A_1718 : memref<520xf32, #tpu.memory_space<vmem_shared>>) offsets(%dma_start3A_1716 : memref<128xi32, #tpu.memory_space<vmem>>) semaphore(%arg18 : memref<!tpu.dma_semaphore, #tpu.memory_space<semaphore_mem>>) {add = true}
    %dma_start3A_1719 = arith.constant 0 : i32
    %dma_start3A_1720 = arith.constant 17 : i32
    %dma_start3A_1721 = arith.constant 0 : i32
    %dma_start3A_1722 = tpu.memref_slice %arg10[%dma_start3A_1719, %dma_start3A_1721] : memref<1x128xf32, #tpu.memory_space<vmem>> -> memref<1x128xf32, #tpu.memory_space<vmem>>
    %dma_start3A_1723 = tpu.memref_squeeze %dma_start3A_1722 : memref<1x128xf32, #tpu.memory_space<vmem>> -> memref<128xf32, #tpu.memory_space<vmem>>
    %dma_start3A_1724 = arith.constant 0 : i32
    %dma_start3A_1725 = tpu.memref_slice %arg9[%dma_start3A_1720, %dma_start3A_1724] : memref<25x128xi32, #tpu.memory_space<vmem>> -> memref<1x128xi32, #tpu.memory_space<vmem>>
    %dma_start3A_1726 = tpu.memref_squeeze %dma_start3A_1725 : memref<1x128xi32, #tpu.memory_space<vmem>> -> memref<128xi32, #tpu.memory_space<vmem>>
    %dma_start3A_1727 = arith.constant 0 : i32
    %dma_start3A_1728 = tpu.memref_slice %arg15[%dma_start3A_1727] : memref<520xf32, #tpu.memory_space<vmem_shared>> -> memref<520xf32, #tpu.memory_space<vmem_shared>>
    tpu.enqueue_indirect_dma source(%dma_start3A_1723 : memref<128xf32, #tpu.memory_space<vmem>>) target(%dma_start3A_1728 : memref<520xf32, #tpu.memory_space<vmem_shared>>) offsets(%dma_start3A_1726 : memref<128xi32, #tpu.memory_space<vmem>>) semaphore(%arg18 : memref<!tpu.dma_semaphore, #tpu.memory_space<semaphore_mem>>) {add = true}
    %dma_start3A_1729 = arith.constant 0 : i32
    %dma_start3A_1730 = arith.constant 18 : i32
    %dma_start3A_1731 = arith.constant 0 : i32
    %dma_start3A_1732 = tpu.memref_slice %arg10[%dma_start3A_1729, %dma_start3A_1731] : memref<1x128xf32, #tpu.memory_space<vmem>> -> memref<1x128xf32, #tpu.memory_space<vmem>>
    %dma_start3A_1733 = tpu.memref_squeeze %dma_start3A_1732 : memref<1x128xf32, #tpu.memory_space<vmem>> -> memref<128xf32, #tpu.memory_space<vmem>>
    %dma_start3A_1734 = arith.constant 0 : i32
    %dma_start3A_1735 = tpu.memref_slice %arg9[%dma_start3A_1730, %dma_start3A_1734] : memref<25x128xi32, #tpu.memory_space<vmem>> -> memref<1x128xi32, #tpu.memory_space<vmem>>
    %dma_start3A_1736 = tpu.memref_squeeze %dma_start3A_1735 : memref<1x128xi32, #tpu.memory_space<vmem>> -> memref<128xi32, #tpu.memory_space<vmem>>
    %dma_start3A_1737 = arith.constant 0 : i32
    %dma_start3A_1738 = tpu.memref_slice %arg15[%dma_start3A_1737] : memref<520xf32, #tpu.memory_space<vmem_shared>> -> memref<520xf32, #tpu.memory_space<vmem_shared>>
    tpu.enqueue_indirect_dma source(%dma_start3A_1733 : memref<128xf32, #tpu.memory_space<vmem>>) target(%dma_start3A_1738 : memref<520xf32, #tpu.memory_space<vmem_shared>>) offsets(%dma_start3A_1736 : memref<128xi32, #tpu.memory_space<vmem>>) semaphore(%arg18 : memref<!tpu.dma_semaphore, #tpu.memory_space<semaphore_mem>>) {add = true}
    %dma_start3A_1739 = arith.constant 0 : i32
    %dma_start3A_1740 = arith.constant 19 : i32
    %dma_start3A_1741 = arith.constant 0 : i32
    %dma_start3A_1742 = tpu.memref_slice %arg10[%dma_start3A_1739, %dma_start3A_1741] : memref<1x128xf32, #tpu.memory_space<vmem>> -> memref<1x128xf32, #tpu.memory_space<vmem>>
    %dma_start3A_1743 = tpu.memref_squeeze %dma_start3A_1742 : memref<1x128xf32, #tpu.memory_space<vmem>> -> memref<128xf32, #tpu.memory_space<vmem>>
    %dma_start3A_1744 = arith.constant 0 : i32
    %dma_start3A_1745 = tpu.memref_slice %arg9[%dma_start3A_1740, %dma_start3A_1744] : memref<25x128xi32, #tpu.memory_space<vmem>> -> memref<1x128xi32, #tpu.memory_space<vmem>>
    %dma_start3A_1746 = tpu.memref_squeeze %dma_start3A_1745 : memref<1x128xi32, #tpu.memory_space<vmem>> -> memref<128xi32, #tpu.memory_space<vmem>>
    %dma_start3A_1747 = arith.constant 0 : i32
    %dma_start3A_1748 = tpu.memref_slice %arg15[%dma_start3A_1747] : memref<520xf32, #tpu.memory_space<vmem_shared>> -> memref<520xf32, #tpu.memory_space<vmem_shared>>
    tpu.enqueue_indirect_dma source(%dma_start3A_1743 : memref<128xf32, #tpu.memory_space<vmem>>) target(%dma_start3A_1748 : memref<520xf32, #tpu.memory_space<vmem_shared>>) offsets(%dma_start3A_1746 : memref<128xi32, #tpu.memory_space<vmem>>) semaphore(%arg18 : memref<!tpu.dma_semaphore, #tpu.memory_space<semaphore_mem>>) {add = true}
    %dma_start3A_1749 = arith.constant 0 : i32
    %dma_start3A_1750 = arith.constant 20 : i32
    %dma_start3A_1751 = arith.constant 0 : i32
    %dma_start3A_1752 = tpu.memref_slice %arg10[%dma_start3A_1749, %dma_start3A_1751] : memref<1x128xf32, #tpu.memory_space<vmem>> -> memref<1x128xf32, #tpu.memory_space<vmem>>
    %dma_start3A_1753 = tpu.memref_squeeze %dma_start3A_1752 : memref<1x128xf32, #tpu.memory_space<vmem>> -> memref<128xf32, #tpu.memory_space<vmem>>
    %dma_start3A_1754 = arith.constant 0 : i32
    %dma_start3A_1755 = tpu.memref_slice %arg9[%dma_start3A_1750, %dma_start3A_1754] : memref<25x128xi32, #tpu.memory_space<vmem>> -> memref<1x128xi32, #tpu.memory_space<vmem>>
    %dma_start3A_1756 = tpu.memref_squeeze %dma_start3A_1755 : memref<1x128xi32, #tpu.memory_space<vmem>> -> memref<128xi32, #tpu.memory_space<vmem>>
    %dma_start3A_1757 = arith.constant 0 : i32
    %dma_start3A_1758 = tpu.memref_slice %arg15[%dma_start3A_1757] : memref<520xf32, #tpu.memory_space<vmem_shared>> -> memref<520xf32, #tpu.memory_space<vmem_shared>>
    tpu.enqueue_indirect_dma source(%dma_start3A_1753 : memref<128xf32, #tpu.memory_space<vmem>>) target(%dma_start3A_1758 : memref<520xf32, #tpu.memory_space<vmem_shared>>) offsets(%dma_start3A_1756 : memref<128xi32, #tpu.memory_space<vmem>>) semaphore(%arg18 : memref<!tpu.dma_semaphore, #tpu.memory_space<semaphore_mem>>) {add = true}
    %dma_start3A_1759 = arith.constant 0 : i32
    %dma_start3A_1760 = arith.constant 21 : i32
    %dma_start3A_1761 = arith.constant 0 : i32
    %dma_start3A_1762 = tpu.memref_slice %arg10[%dma_start3A_1759, %dma_start3A_1761] : memref<1x128xf32, #tpu.memory_space<vmem>> -> memref<1x128xf32, #tpu.memory_space<vmem>>
    %dma_start3A_1763 = tpu.memref_squeeze %dma_start3A_1762 : memref<1x128xf32, #tpu.memory_space<vmem>> -> memref<128xf32, #tpu.memory_space<vmem>>
    %dma_start3A_1764 = arith.constant 0 : i32
    %dma_start3A_1765 = tpu.memref_slice %arg9[%dma_start3A_1760, %dma_start3A_1764] : memref<25x128xi32, #tpu.memory_space<vmem>> -> memref<1x128xi32, #tpu.memory_space<vmem>>
    %dma_start3A_1766 = tpu.memref_squeeze %dma_start3A_1765 : memref<1x128xi32, #tpu.memory_space<vmem>> -> memref<128xi32, #tpu.memory_space<vmem>>
    %dma_start3A_1767 = arith.constant 0 : i32
    %dma_start3A_1768 = tpu.memref_slice %arg15[%dma_start3A_1767] : memref<520xf32, #tpu.memory_space<vmem_shared>> -> memref<520xf32, #tpu.memory_space<vmem_shared>>
    tpu.enqueue_indirect_dma source(%dma_start3A_1763 : memref<128xf32, #tpu.memory_space<vmem>>) target(%dma_start3A_1768 : memref<520xf32, #tpu.memory_space<vmem_shared>>) offsets(%dma_start3A_1766 : memref<128xi32, #tpu.memory_space<vmem>>) semaphore(%arg18 : memref<!tpu.dma_semaphore, #tpu.memory_space<semaphore_mem>>) {add = true}
    %dma_start3A_1769 = arith.constant 0 : i32
    %dma_start3A_1770 = arith.constant 22 : i32
    %dma_start3A_1771 = arith.constant 0 : i32
    %dma_start3A_1772 = tpu.memref_slice %arg10[%dma_start3A_1769, %dma_start3A_1771] : memref<1x128xf32, #tpu.memory_space<vmem>> -> memref<1x128xf32, #tpu.memory_space<vmem>>
    %dma_start3A_1773 = tpu.memref_squeeze %dma_start3A_1772 : memref<1x128xf32, #tpu.memory_space<vmem>> -> memref<128xf32, #tpu.memory_space<vmem>>
    %dma_start3A_1774 = arith.constant 0 : i32
    %dma_start3A_1775 = tpu.memref_slice %arg9[%dma_start3A_1770, %dma_start3A_1774] : memref<25x128xi32, #tpu.memory_space<vmem>> -> memref<1x128xi32, #tpu.memory_space<vmem>>
    %dma_start3A_1776 = tpu.memref_squeeze %dma_start3A_1775 : memref<1x128xi32, #tpu.memory_space<vmem>> -> memref<128xi32, #tpu.memory_space<vmem>>
    %dma_start3A_1777 = arith.constant 0 : i32
    %dma_start3A_1778 = tpu.memref_slice %arg15[%dma_start3A_1777] : memref<520xf32, #tpu.memory_space<vmem_shared>> -> memref<520xf32, #tpu.memory_space<vmem_shared>>
    tpu.enqueue_indirect_dma source(%dma_start3A_1773 : memref<128xf32, #tpu.memory_space<vmem>>) target(%dma_start3A_1778 : memref<520xf32, #tpu.memory_space<vmem_shared>>) offsets(%dma_start3A_1776 : memref<128xi32, #tpu.memory_space<vmem>>) semaphore(%arg18 : memref<!tpu.dma_semaphore, #tpu.memory_space<semaphore_mem>>) {add = true}
    %dma_start3A_1779 = arith.constant 0 : i32
    %dma_start3A_1780 = arith.constant 23 : i32
    %dma_start3A_1781 = arith.constant 0 : i32
    %dma_start3A_1782 = tpu.memref_slice %arg10[%dma_start3A_1779, %dma_start3A_1781] : memref<1x128xf32, #tpu.memory_space<vmem>> -> memref<1x128xf32, #tpu.memory_space<vmem>>
    %dma_start3A_1783 = tpu.memref_squeeze %dma_start3A_1782 : memref<1x128xf32, #tpu.memory_space<vmem>> -> memref<128xf32, #tpu.memory_space<vmem>>
    %dma_start3A_1784 = arith.constant 0 : i32
    %dma_start3A_1785 = tpu.memref_slice %arg9[%dma_start3A_1780, %dma_start3A_1784] : memref<25x128xi32, #tpu.memory_space<vmem>> -> memref<1x128xi32, #tpu.memory_space<vmem>>
    %dma_start3A_1786 = tpu.memref_squeeze %dma_start3A_1785 : memref<1x128xi32, #tpu.memory_space<vmem>> -> memref<128xi32, #tpu.memory_space<vmem>>
    %dma_start3A_1787 = arith.constant 0 : i32
    %dma_start3A_1788 = tpu.memref_slice %arg15[%dma_start3A_1787] : memref<520xf32, #tpu.memory_space<vmem_shared>> -> memref<520xf32, #tpu.memory_space<vmem_shared>>
    tpu.enqueue_indirect_dma source(%dma_start3A_1783 : memref<128xf32, #tpu.memory_space<vmem>>) target(%dma_start3A_1788 : memref<520xf32, #tpu.memory_space<vmem_shared>>) offsets(%dma_start3A_1786 : memref<128xi32, #tpu.memory_space<vmem>>) semaphore(%arg18 : memref<!tpu.dma_semaphore, #tpu.memory_space<semaphore_mem>>) {add = true}
    %dma_start3A_1789 = arith.constant 0 : i32
    %dma_start3A_1790 = arith.constant 24 : i32
    %dma_start3A_1791 = arith.constant 0 : i32
    %dma_start3A_1792 = tpu.memref_slice %arg10[%dma_start3A_1789, %dma_start3A_1791] : memref<1x128xf32, #tpu.memory_space<vmem>> -> memref<1x128xf32, #tpu.memory_space<vmem>>
    %dma_start3A_1793 = tpu.memref_squeeze %dma_start3A_1792 : memref<1x128xf32, #tpu.memory_space<vmem>> -> memref<128xf32, #tpu.memory_space<vmem>>
    %dma_start3A_1794 = arith.constant 0 : i32
    %dma_start3A_1795 = tpu.memref_slice %arg9[%dma_start3A_1790, %dma_start3A_1794] : memref<25x128xi32, #tpu.memory_space<vmem>> -> memref<1x128xi32, #tpu.memory_space<vmem>>
    %dma_start3A_1796 = tpu.memref_squeeze %dma_start3A_1795 : memref<1x128xi32, #tpu.memory_space<vmem>> -> memref<128xi32, #tpu.memory_space<vmem>>
    %dma_start3A_1797 = arith.constant 0 : i32
    %dma_start3A_1798 = tpu.memref_slice %arg15[%dma_start3A_1797] : memref<520xf32, #tpu.memory_space<vmem_shared>> -> memref<520xf32, #tpu.memory_space<vmem_shared>>
    tpu.enqueue_indirect_dma source(%dma_start3A_1793 : memref<128xf32, #tpu.memory_space<vmem>>) target(%dma_start3A_1798 : memref<520xf32, #tpu.memory_space<vmem_shared>>) offsets(%dma_start3A_1796 : memref<128xi32, #tpu.memory_space<vmem>>) semaphore(%arg18 : memref<!tpu.dma_semaphore, #tpu.memory_space<semaphore_mem>>) {add = true}
    %dma_wait3A_1799 = arith.constant 0 : i32
    %dma_wait3A_1800 = arith.constant 0 : i32
    %dma_wait3A_1801 = arith.constant 0 : i32
    %dma_wait3A_1802 = arith.constant 0 : i32
    %dma_wait3A_1803 = tpu.memref_slice %arg13[%dma_wait3A_1799, %dma_wait3A_1801, %dma_wait3A_1802] : memref<7x128x128xf32, #tpu.memory_space<vmem>> -> memref<1x128x128xf32, #tpu.memory_space<vmem>>
    %dma_wait3A_1804 = tpu.memref_squeeze %dma_wait3A_1803 : memref<1x128x128xf32, #tpu.memory_space<vmem>> -> memref<128x128xf32, #tpu.memory_space<vmem>>
    %dma_wait3A_1805 = arith.constant 0 : i32
    %dma_wait3A_1806 = tpu.memref_slice %arg2[%multiple_of3A, %dma_wait3A_1805] : memref<100000x128xf32, #tpu.memory_space<hbm>> -> memref<128x128xf32, #tpu.memory_space<hbm>>
    %dma_wait3A_1807 = tpu.memref_slice %arg16[%dma_wait3A_1800] : memref<7x!tpu.dma_semaphore, #tpu.memory_space<semaphore_mem>> -> memref<1x!tpu.dma_semaphore, #tpu.memory_space<semaphore_mem>>
    %dma_wait3A_1808 = tpu.memref_squeeze %dma_wait3A_1807 : memref<1x!tpu.dma_semaphore, #tpu.memory_space<semaphore_mem>> -> memref<!tpu.dma_semaphore, #tpu.memory_space<semaphore_mem>>
    %dma_wait3A_1809 = arith.constant 0 : i32
    %dma_wait3A_1810 = arith.constant 0 : i32
    %dma_wait3A_1811 = tpu.memref_slice %arg13[%dma_wait3A_1799, %dma_wait3A_1809, %dma_wait3A_1810] : memref<7x128x128xf32, #tpu.memory_space<vmem>> -> memref<1x128x128xf32, #tpu.memory_space<vmem>>
    %dma_wait3A_1812 = tpu.memref_squeeze %dma_wait3A_1811 : memref<1x128x128xf32, #tpu.memory_space<vmem>> -> memref<128x128xf32, #tpu.memory_space<vmem>>
    %dma_wait3A_1813 = arith.constant 0 : i32
    %dma_wait3A_1814 = tpu.memref_slice %arg2[%multiple_of3A, %dma_wait3A_1813] : memref<100000x128xf32, #tpu.memory_space<hbm>> -> memref<128x128xf32, #tpu.memory_space<hbm>>
    tpu.wait_dma2 semaphore(%dma_wait3A_1808 : memref<!tpu.dma_semaphore, #tpu.memory_space<semaphore_mem>>) src(%dma_wait3A_1814 : memref<128x128xf32, #tpu.memory_space<hbm>>) dst(%dma_wait3A_1812 : memref<128x128xf32, #tpu.memory_space<vmem>>)
    %dma_start3A_1815 = arith.constant 0 : i32
    %dma_start3A_1816 = arith.constant 0 : i32
    %dma_start3A_1817 = arith.constant 0 : i32
    %dma_start3A_1818 = arith.constant 0 : i32
    %dma_start3A_1819 = arith.constant 0 : i32
    %dma_start3A_1820 = tpu.memref_slice %arg13[%dma_start3A_1815, %dma_start3A_1818, %dma_start3A_1819] : memref<7x128x128xf32, #tpu.memory_space<vmem>> -> memref<1x128x128xf32, #tpu.memory_space<vmem>>
    %dma_start3A_1821 = tpu.memref_squeeze %dma_start3A_1820 : memref<1x128x128xf32, #tpu.memory_space<vmem>> -> memref<128x128xf32, #tpu.memory_space<vmem>>
    %dma_start3A_1822 = arith.constant 0 : i32
    %dma_start3A_1823 = tpu.memref_slice %arg9[%dma_start3A_1816, %dma_start3A_1822] : memref<25x128xi32, #tpu.memory_space<vmem>> -> memref<1x128xi32, #tpu.memory_space<vmem>>
    %dma_start3A_1824 = tpu.memref_squeeze %dma_start3A_1823 : memref<1x128xi32, #tpu.memory_space<vmem>> -> memref<128xi32, #tpu.memory_space<vmem>>
    %dma_start3A_1825 = arith.constant 0 : i32
    %dma_start3A_1826 = arith.constant 0 : i32
    %dma_start3A_1827 = tpu.memref_slice %arg14[%dma_start3A_1825, %dma_start3A_1826] : memref<520x128xf32, #tpu.memory_space<vmem_shared>> -> memref<520x128xf32, #tpu.memory_space<vmem_shared>>
    %dma_start3A_1828 = tpu.memref_slice %arg17[%dma_start3A_1817] : memref<7x!tpu.dma_semaphore, #tpu.memory_space<semaphore_mem>> -> memref<1x!tpu.dma_semaphore, #tpu.memory_space<semaphore_mem>>
    %dma_start3A_1829 = tpu.memref_squeeze %dma_start3A_1828 : memref<1x!tpu.dma_semaphore, #tpu.memory_space<semaphore_mem>> -> memref<!tpu.dma_semaphore, #tpu.memory_space<semaphore_mem>>
    tpu.enqueue_indirect_dma source(%dma_start3A_1821 : memref<128x128xf32, #tpu.memory_space<vmem>>) target(%dma_start3A_1827 : memref<520x128xf32, #tpu.memory_space<vmem_shared>>) offsets(%dma_start3A_1824 : memref<128xi32, #tpu.memory_space<vmem>>) semaphore(%dma_start3A_1829 : memref<!tpu.dma_semaphore, #tpu.memory_space<semaphore_mem>>) {add = true}
    %dma_start3A_1830 = arith.constant 3 : i32
    %dma_start3A_1831 = arith.constant 3 : i32
    %dma_start3A_1832 = arith.constant 0 : i32
    %dma_start3A_1833 = arith.constant 0 : i32
    %dma_start3A_1834 = tpu.memref_slice %arg13[%dma_start3A_1830, %dma_start3A_1832, %dma_start3A_1833] : memref<7x128x128xf32, #tpu.memory_space<vmem>> -> memref<1x128x128xf32, #tpu.memory_space<vmem>>
    %dma_start3A_1835 = tpu.memref_squeeze %dma_start3A_1834 : memref<1x128x128xf32, #tpu.memory_space<vmem>> -> memref<128x128xf32, #tpu.memory_space<vmem>>
    %dma_start3A_1836 = arith.constant 0 : i32
    %dma_start3A_1837 = tpu.memref_slice %arg2[%multiple_of3A_45, %dma_start3A_1836] : memref<100000x128xf32, #tpu.memory_space<hbm>> -> memref<128x128xf32, #tpu.memory_space<hbm>>
    %dma_start3A_1838 = tpu.memref_slice %arg16[%dma_start3A_1831] : memref<7x!tpu.dma_semaphore, #tpu.memory_space<semaphore_mem>> -> memref<1x!tpu.dma_semaphore, #tpu.memory_space<semaphore_mem>>
    %dma_start3A_1839 = tpu.memref_squeeze %dma_start3A_1838 : memref<1x!tpu.dma_semaphore, #tpu.memory_space<semaphore_mem>> -> memref<!tpu.dma_semaphore, #tpu.memory_space<semaphore_mem>>
    %dma_start3A_1840 = arith.constant 0 : i32
    %dma_start3A_1841 = arith.constant 0 : i32
    %dma_start3A_1842 = tpu.memref_slice %arg13[%dma_start3A_1830, %dma_start3A_1840, %dma_start3A_1841] : memref<7x128x128xf32, #tpu.memory_space<vmem>> -> memref<1x128x128xf32, #tpu.memory_space<vmem>>
    %dma_start3A_1843 = tpu.memref_squeeze %dma_start3A_1842 : memref<1x128x128xf32, #tpu.memory_space<vmem>> -> memref<128x128xf32, #tpu.memory_space<vmem>>
    %dma_start3A_1844 = arith.constant 0 : i32
    %dma_start3A_1845 = tpu.memref_slice %arg2[%multiple_of3A_45, %dma_start3A_1844] : memref<100000x128xf32, #tpu.memory_space<hbm>> -> memref<128x128xf32, #tpu.memory_space<hbm>>
    tpu.enqueue_dma source(%dma_start3A_1845 : memref<128x128xf32, #tpu.memory_space<hbm>>) target(%dma_start3A_1843 : memref<128x128xf32, #tpu.memory_space<vmem>>) target_semaphore(%dma_start3A_1839 : memref<!tpu.dma_semaphore, #tpu.memory_space<semaphore_mem>>)
    %dma_wait3A_1846 = arith.constant 1 : i32
    %dma_wait3A_1847 = arith.constant 1 : i32
    %dma_wait3A_1848 = arith.constant 0 : i32
    %dma_wait3A_1849 = arith.constant 0 : i32
    %dma_wait3A_1850 = tpu.memref_slice %arg13[%dma_wait3A_1846, %dma_wait3A_1848, %dma_wait3A_1849] : memref<7x128x128xf32, #tpu.memory_space<vmem>> -> memref<1x128x128xf32, #tpu.memory_space<vmem>>
    %dma_wait3A_1851 = tpu.memref_squeeze %dma_wait3A_1850 : memref<1x128x128xf32, #tpu.memory_space<vmem>> -> memref<128x128xf32, #tpu.memory_space<vmem>>
    %dma_wait3A_1852 = arith.constant 0 : i32
    %dma_wait3A_1853 = tpu.memref_slice %arg2[%multiple_of3A_21, %dma_wait3A_1852] : memref<100000x128xf32, #tpu.memory_space<hbm>> -> memref<128x128xf32, #tpu.memory_space<hbm>>
    %dma_wait3A_1854 = tpu.memref_slice %arg16[%dma_wait3A_1847] : memref<7x!tpu.dma_semaphore, #tpu.memory_space<semaphore_mem>> -> memref<1x!tpu.dma_semaphore, #tpu.memory_space<semaphore_mem>>
    %dma_wait3A_1855 = tpu.memref_squeeze %dma_wait3A_1854 : memref<1x!tpu.dma_semaphore, #tpu.memory_space<semaphore_mem>> -> memref<!tpu.dma_semaphore, #tpu.memory_space<semaphore_mem>>
    %dma_wait3A_1856 = arith.constant 0 : i32
    %dma_wait3A_1857 = arith.constant 0 : i32
    %dma_wait3A_1858 = tpu.memref_slice %arg13[%dma_wait3A_1846, %dma_wait3A_1856, %dma_wait3A_1857] : memref<7x128x128xf32, #tpu.memory_space<vmem>> -> memref<1x128x128xf32, #tpu.memory_space<vmem>>
    %dma_wait3A_1859 = tpu.memref_squeeze %dma_wait3A_1858 : memref<1x128x128xf32, #tpu.memory_space<vmem>> -> memref<128x128xf32, #tpu.memory_space<vmem>>
    %dma_wait3A_1860 = arith.constant 0 : i32
    %dma_wait3A_1861 = tpu.memref_slice %arg2[%multiple_of3A_21, %dma_wait3A_1860] : memref<100000x128xf32, #tpu.memory_space<hbm>> -> memref<128x128xf32, #tpu.memory_space<hbm>>
    tpu.wait_dma2 semaphore(%dma_wait3A_1855 : memref<!tpu.dma_semaphore, #tpu.memory_space<semaphore_mem>>) src(%dma_wait3A_1861 : memref<128x128xf32, #tpu.memory_space<hbm>>) dst(%dma_wait3A_1859 : memref<128x128xf32, #tpu.memory_space<vmem>>)
    %dma_start3A_1862 = arith.constant 1 : i32
    %dma_start3A_1863 = arith.constant 1 : i32
    %dma_start3A_1864 = arith.constant 1 : i32
    %dma_start3A_1865 = arith.constant 0 : i32
    %dma_start3A_1866 = arith.constant 0 : i32
    %dma_start3A_1867 = tpu.memref_slice %arg13[%dma_start3A_1862, %dma_start3A_1865, %dma_start3A_1866] : memref<7x128x128xf32, #tpu.memory_space<vmem>> -> memref<1x128x128xf32, #tpu.memory_space<vmem>>
    %dma_start3A_1868 = tpu.memref_squeeze %dma_start3A_1867 : memref<1x128x128xf32, #tpu.memory_space<vmem>> -> memref<128x128xf32, #tpu.memory_space<vmem>>
    %dma_start3A_1869 = arith.constant 0 : i32
    %dma_start3A_1870 = tpu.memref_slice %arg9[%dma_start3A_1863, %dma_start3A_1869] : memref<25x128xi32, #tpu.memory_space<vmem>> -> memref<1x128xi32, #tpu.memory_space<vmem>>
    %dma_start3A_1871 = tpu.memref_squeeze %dma_start3A_1870 : memref<1x128xi32, #tpu.memory_space<vmem>> -> memref<128xi32, #tpu.memory_space<vmem>>
    %dma_start3A_1872 = arith.constant 0 : i32
    %dma_start3A_1873 = arith.constant 0 : i32
    %dma_start3A_1874 = tpu.memref_slice %arg14[%dma_start3A_1872, %dma_start3A_1873] : memref<520x128xf32, #tpu.memory_space<vmem_shared>> -> memref<520x128xf32, #tpu.memory_space<vmem_shared>>
    %dma_start3A_1875 = tpu.memref_slice %arg17[%dma_start3A_1864] : memref<7x!tpu.dma_semaphore, #tpu.memory_space<semaphore_mem>> -> memref<1x!tpu.dma_semaphore, #tpu.memory_space<semaphore_mem>>
    %dma_start3A_1876 = tpu.memref_squeeze %dma_start3A_1875 : memref<1x!tpu.dma_semaphore, #tpu.memory_space<semaphore_mem>> -> memref<!tpu.dma_semaphore, #tpu.memory_space<semaphore_mem>>
    tpu.enqueue_indirect_dma source(%dma_start3A_1868 : memref<128x128xf32, #tpu.memory_space<vmem>>) target(%dma_start3A_1874 : memref<520x128xf32, #tpu.memory_space<vmem_shared>>) offsets(%dma_start3A_1871 : memref<128xi32, #tpu.memory_space<vmem>>) semaphore(%dma_start3A_1876 : memref<!tpu.dma_semaphore, #tpu.memory_space<semaphore_mem>>) {add = true}
    %dma_start3A_1877 = arith.constant 4 : i32
    %dma_start3A_1878 = arith.constant 4 : i32
    %dma_start3A_1879 = arith.constant 0 : i32
    %dma_start3A_1880 = arith.constant 0 : i32
    %dma_start3A_1881 = tpu.memref_slice %arg13[%dma_start3A_1877, %dma_start3A_1879, %dma_start3A_1880] : memref<7x128x128xf32, #tpu.memory_space<vmem>> -> memref<1x128x128xf32, #tpu.memory_space<vmem>>
    %dma_start3A_1882 = tpu.memref_squeeze %dma_start3A_1881 : memref<1x128x128xf32, #tpu.memory_space<vmem>> -> memref<128x128xf32, #tpu.memory_space<vmem>>
    %dma_start3A_1883 = arith.constant 0 : i32
    %dma_start3A_1884 = tpu.memref_slice %arg2[%multiple_of3A_57, %dma_start3A_1883] : memref<100000x128xf32, #tpu.memory_space<hbm>> -> memref<128x128xf32, #tpu.memory_space<hbm>>
    %dma_start3A_1885 = tpu.memref_slice %arg16[%dma_start3A_1878] : memref<7x!tpu.dma_semaphore, #tpu.memory_space<semaphore_mem>> -> memref<1x!tpu.dma_semaphore, #tpu.memory_space<semaphore_mem>>
    %dma_start3A_1886 = tpu.memref_squeeze %dma_start3A_1885 : memref<1x!tpu.dma_semaphore, #tpu.memory_space<semaphore_mem>> -> memref<!tpu.dma_semaphore, #tpu.memory_space<semaphore_mem>>
    %dma_start3A_1887 = arith.constant 0 : i32
    %dma_start3A_1888 = arith.constant 0 : i32
    %dma_start3A_1889 = tpu.memref_slice %arg13[%dma_start3A_1877, %dma_start3A_1887, %dma_start3A_1888] : memref<7x128x128xf32, #tpu.memory_space<vmem>> -> memref<1x128x128xf32, #tpu.memory_space<vmem>>
    %dma_start3A_1890 = tpu.memref_squeeze %dma_start3A_1889 : memref<1x128x128xf32, #tpu.memory_space<vmem>> -> memref<128x128xf32, #tpu.memory_space<vmem>>
    %dma_start3A_1891 = arith.constant 0 : i32
    %dma_start3A_1892 = tpu.memref_slice %arg2[%multiple_of3A_57, %dma_start3A_1891] : memref<100000x128xf32, #tpu.memory_space<hbm>> -> memref<128x128xf32, #tpu.memory_space<hbm>>
    tpu.enqueue_dma source(%dma_start3A_1892 : memref<128x128xf32, #tpu.memory_space<hbm>>) target(%dma_start3A_1890 : memref<128x128xf32, #tpu.memory_space<vmem>>) target_semaphore(%dma_start3A_1886 : memref<!tpu.dma_semaphore, #tpu.memory_space<semaphore_mem>>)
    %dma_wait3A_1893 = arith.constant 2 : i32
    %dma_wait3A_1894 = arith.constant 2 : i32
    %dma_wait3A_1895 = arith.constant 0 : i32
    %dma_wait3A_1896 = arith.constant 0 : i32
    %dma_wait3A_1897 = tpu.memref_slice %arg13[%dma_wait3A_1893, %dma_wait3A_1895, %dma_wait3A_1896] : memref<7x128x128xf32, #tpu.memory_space<vmem>> -> memref<1x128x128xf32, #tpu.memory_space<vmem>>
    %dma_wait3A_1898 = tpu.memref_squeeze %dma_wait3A_1897 : memref<1x128x128xf32, #tpu.memory_space<vmem>> -> memref<128x128xf32, #tpu.memory_space<vmem>>
    %dma_wait3A_1899 = arith.constant 0 : i32
    %dma_wait3A_1900 = tpu.memref_slice %arg2[%multiple_of3A_33, %dma_wait3A_1899] : memref<100000x128xf32, #tpu.memory_space<hbm>> -> memref<128x128xf32, #tpu.memory_space<hbm>>
    %dma_wait3A_1901 = tpu.memref_slice %arg16[%dma_wait3A_1894] : memref<7x!tpu.dma_semaphore, #tpu.memory_space<semaphore_mem>> -> memref<1x!tpu.dma_semaphore, #tpu.memory_space<semaphore_mem>>
    %dma_wait3A_1902 = tpu.memref_squeeze %dma_wait3A_1901 : memref<1x!tpu.dma_semaphore, #tpu.memory_space<semaphore_mem>> -> memref<!tpu.dma_semaphore, #tpu.memory_space<semaphore_mem>>
    %dma_wait3A_1903 = arith.constant 0 : i32
    %dma_wait3A_1904 = arith.constant 0 : i32
    %dma_wait3A_1905 = tpu.memref_slice %arg13[%dma_wait3A_1893, %dma_wait3A_1903, %dma_wait3A_1904] : memref<7x128x128xf32, #tpu.memory_space<vmem>> -> memref<1x128x128xf32, #tpu.memory_space<vmem>>
    %dma_wait3A_1906 = tpu.memref_squeeze %dma_wait3A_1905 : memref<1x128x128xf32, #tpu.memory_space<vmem>> -> memref<128x128xf32, #tpu.memory_space<vmem>>
    %dma_wait3A_1907 = arith.constant 0 : i32
    %dma_wait3A_1908 = tpu.memref_slice %arg2[%multiple_of3A_33, %dma_wait3A_1907] : memref<100000x128xf32, #tpu.memory_space<hbm>> -> memref<128x128xf32, #tpu.memory_space<hbm>>
    tpu.wait_dma2 semaphore(%dma_wait3A_1902 : memref<!tpu.dma_semaphore, #tpu.memory_space<semaphore_mem>>) src(%dma_wait3A_1908 : memref<128x128xf32, #tpu.memory_space<hbm>>) dst(%dma_wait3A_1906 : memref<128x128xf32, #tpu.memory_space<vmem>>)
    %dma_start3A_1909 = arith.constant 2 : i32
    %dma_start3A_1910 = arith.constant 2 : i32
    %dma_start3A_1911 = arith.constant 2 : i32
    %dma_start3A_1912 = arith.constant 0 : i32
    %dma_start3A_1913 = arith.constant 0 : i32
    %dma_start3A_1914 = tpu.memref_slice %arg13[%dma_start3A_1909, %dma_start3A_1912, %dma_start3A_1913] : memref<7x128x128xf32, #tpu.memory_space<vmem>> -> memref<1x128x128xf32, #tpu.memory_space<vmem>>
    %dma_start3A_1915 = tpu.memref_squeeze %dma_start3A_1914 : memref<1x128x128xf32, #tpu.memory_space<vmem>> -> memref<128x128xf32, #tpu.memory_space<vmem>>
    %dma_start3A_1916 = arith.constant 0 : i32
    %dma_start3A_1917 = tpu.memref_slice %arg9[%dma_start3A_1910, %dma_start3A_1916] : memref<25x128xi32, #tpu.memory_space<vmem>> -> memref<1x128xi32, #tpu.memory_space<vmem>>
    %dma_start3A_1918 = tpu.memref_squeeze %dma_start3A_1917 : memref<1x128xi32, #tpu.memory_space<vmem>> -> memref<128xi32, #tpu.memory_space<vmem>>
    %dma_start3A_1919 = arith.constant 0 : i32
    %dma_start3A_1920 = arith.constant 0 : i32
    %dma_start3A_1921 = tpu.memref_slice %arg14[%dma_start3A_1919, %dma_start3A_1920] : memref<520x128xf32, #tpu.memory_space<vmem_shared>> -> memref<520x128xf32, #tpu.memory_space<vmem_shared>>
    %dma_start3A_1922 = tpu.memref_slice %arg17[%dma_start3A_1911] : memref<7x!tpu.dma_semaphore, #tpu.memory_space<semaphore_mem>> -> memref<1x!tpu.dma_semaphore, #tpu.memory_space<semaphore_mem>>
    %dma_start3A_1923 = tpu.memref_squeeze %dma_start3A_1922 : memref<1x!tpu.dma_semaphore, #tpu.memory_space<semaphore_mem>> -> memref<!tpu.dma_semaphore, #tpu.memory_space<semaphore_mem>>
    tpu.enqueue_indirect_dma source(%dma_start3A_1915 : memref<128x128xf32, #tpu.memory_space<vmem>>) target(%dma_start3A_1921 : memref<520x128xf32, #tpu.memory_space<vmem_shared>>) offsets(%dma_start3A_1918 : memref<128xi32, #tpu.memory_space<vmem>>) semaphore(%dma_start3A_1923 : memref<!tpu.dma_semaphore, #tpu.memory_space<semaphore_mem>>) {add = true}
    %dma_start3A_1924 = arith.constant 5 : i32
    %dma_start3A_1925 = arith.constant 5 : i32
    %dma_start3A_1926 = arith.constant 0 : i32
    %dma_start3A_1927 = arith.constant 0 : i32
    %dma_start3A_1928 = tpu.memref_slice %arg13[%dma_start3A_1924, %dma_start3A_1926, %dma_start3A_1927] : memref<7x128x128xf32, #tpu.memory_space<vmem>> -> memref<1x128x128xf32, #tpu.memory_space<vmem>>
    %dma_start3A_1929 = tpu.memref_squeeze %dma_start3A_1928 : memref<1x128x128xf32, #tpu.memory_space<vmem>> -> memref<128x128xf32, #tpu.memory_space<vmem>>
    %dma_start3A_1930 = arith.constant 0 : i32
    %dma_start3A_1931 = tpu.memref_slice %arg2[%multiple_of3A_69, %dma_start3A_1930] : memref<100000x128xf32, #tpu.memory_space<hbm>> -> memref<128x128xf32, #tpu.memory_space<hbm>>
    %dma_start3A_1932 = tpu.memref_slice %arg16[%dma_start3A_1925] : memref<7x!tpu.dma_semaphore, #tpu.memory_space<semaphore_mem>> -> memref<1x!tpu.dma_semaphore, #tpu.memory_space<semaphore_mem>>
    %dma_start3A_1933 = tpu.memref_squeeze %dma_start3A_1932 : memref<1x!tpu.dma_semaphore, #tpu.memory_space<semaphore_mem>> -> memref<!tpu.dma_semaphore, #tpu.memory_space<semaphore_mem>>
    %dma_start3A_1934 = arith.constant 0 : i32
    %dma_start3A_1935 = arith.constant 0 : i32
    %dma_start3A_1936 = tpu.memref_slice %arg13[%dma_start3A_1924, %dma_start3A_1934, %dma_start3A_1935] : memref<7x128x128xf32, #tpu.memory_space<vmem>> -> memref<1x128x128xf32, #tpu.memory_space<vmem>>
    %dma_start3A_1937 = tpu.memref_squeeze %dma_start3A_1936 : memref<1x128x128xf32, #tpu.memory_space<vmem>> -> memref<128x128xf32, #tpu.memory_space<vmem>>
    %dma_start3A_1938 = arith.constant 0 : i32
    %dma_start3A_1939 = tpu.memref_slice %arg2[%multiple_of3A_69, %dma_start3A_1938] : memref<100000x128xf32, #tpu.memory_space<hbm>> -> memref<128x128xf32, #tpu.memory_space<hbm>>
    tpu.enqueue_dma source(%dma_start3A_1939 : memref<128x128xf32, #tpu.memory_space<hbm>>) target(%dma_start3A_1937 : memref<128x128xf32, #tpu.memory_space<vmem>>) target_semaphore(%dma_start3A_1933 : memref<!tpu.dma_semaphore, #tpu.memory_space<semaphore_mem>>)
    %dma_wait3A_1940 = arith.constant 3 : i32
    %dma_wait3A_1941 = arith.constant 3 : i32
    %dma_wait3A_1942 = arith.constant 0 : i32
    %dma_wait3A_1943 = arith.constant 0 : i32
    %dma_wait3A_1944 = tpu.memref_slice %arg13[%dma_wait3A_1940, %dma_wait3A_1942, %dma_wait3A_1943] : memref<7x128x128xf32, #tpu.memory_space<vmem>> -> memref<1x128x128xf32, #tpu.memory_space<vmem>>
    %dma_wait3A_1945 = tpu.memref_squeeze %dma_wait3A_1944 : memref<1x128x128xf32, #tpu.memory_space<vmem>> -> memref<128x128xf32, #tpu.memory_space<vmem>>
    %dma_wait3A_1946 = arith.constant 0 : i32
    %dma_wait3A_1947 = tpu.memref_slice %arg2[%multiple_of3A_45, %dma_wait3A_1946] : memref<100000x128xf32, #tpu.memory_space<hbm>> -> memref<128x128xf32, #tpu.memory_space<hbm>>
    %dma_wait3A_1948 = tpu.memref_slice %arg16[%dma_wait3A_1941] : memref<7x!tpu.dma_semaphore, #tpu.memory_space<semaphore_mem>> -> memref<1x!tpu.dma_semaphore, #tpu.memory_space<semaphore_mem>>
    %dma_wait3A_1949 = tpu.memref_squeeze %dma_wait3A_1948 : memref<1x!tpu.dma_semaphore, #tpu.memory_space<semaphore_mem>> -> memref<!tpu.dma_semaphore, #tpu.memory_space<semaphore_mem>>
    %dma_wait3A_1950 = arith.constant 0 : i32
    %dma_wait3A_1951 = arith.constant 0 : i32
    %dma_wait3A_1952 = tpu.memref_slice %arg13[%dma_wait3A_1940, %dma_wait3A_1950, %dma_wait3A_1951] : memref<7x128x128xf32, #tpu.memory_space<vmem>> -> memref<1x128x128xf32, #tpu.memory_space<vmem>>
    %dma_wait3A_1953 = tpu.memref_squeeze %dma_wait3A_1952 : memref<1x128x128xf32, #tpu.memory_space<vmem>> -> memref<128x128xf32, #tpu.memory_space<vmem>>
    %dma_wait3A_1954 = arith.constant 0 : i32
    %dma_wait3A_1955 = tpu.memref_slice %arg2[%multiple_of3A_45, %dma_wait3A_1954] : memref<100000x128xf32, #tpu.memory_space<hbm>> -> memref<128x128xf32, #tpu.memory_space<hbm>>
    tpu.wait_dma2 semaphore(%dma_wait3A_1949 : memref<!tpu.dma_semaphore, #tpu.memory_space<semaphore_mem>>) src(%dma_wait3A_1955 : memref<128x128xf32, #tpu.memory_space<hbm>>) dst(%dma_wait3A_1953 : memref<128x128xf32, #tpu.memory_space<vmem>>)
    %dma_start3A_1956 = arith.constant 3 : i32
    %dma_start3A_1957 = arith.constant 3 : i32
    %dma_start3A_1958 = arith.constant 3 : i32
    %dma_start3A_1959 = arith.constant 0 : i32
    %dma_start3A_1960 = arith.constant 0 : i32
    %dma_start3A_1961 = tpu.memref_slice %arg13[%dma_start3A_1956, %dma_start3A_1959, %dma_start3A_1960] : memref<7x128x128xf32, #tpu.memory_space<vmem>> -> memref<1x128x128xf32, #tpu.memory_space<vmem>>
    %dma_start3A_1962 = tpu.memref_squeeze %dma_start3A_1961 : memref<1x128x128xf32, #tpu.memory_space<vmem>> -> memref<128x128xf32, #tpu.memory_space<vmem>>
    %dma_start3A_1963 = arith.constant 0 : i32
    %dma_start3A_1964 = tpu.memref_slice %arg9[%dma_start3A_1957, %dma_start3A_1963] : memref<25x128xi32, #tpu.memory_space<vmem>> -> memref<1x128xi32, #tpu.memory_space<vmem>>
    %dma_start3A_1965 = tpu.memref_squeeze %dma_start3A_1964 : memref<1x128xi32, #tpu.memory_space<vmem>> -> memref<128xi32, #tpu.memory_space<vmem>>
    %dma_start3A_1966 = arith.constant 0 : i32
    %dma_start3A_1967 = arith.constant 0 : i32
    %dma_start3A_1968 = tpu.memref_slice %arg14[%dma_start3A_1966, %dma_start3A_1967] : memref<520x128xf32, #tpu.memory_space<vmem_shared>> -> memref<520x128xf32, #tpu.memory_space<vmem_shared>>
    %dma_start3A_1969 = tpu.memref_slice %arg17[%dma_start3A_1958] : memref<7x!tpu.dma_semaphore, #tpu.memory_space<semaphore_mem>> -> memref<1x!tpu.dma_semaphore, #tpu.memory_space<semaphore_mem>>
    %dma_start3A_1970 = tpu.memref_squeeze %dma_start3A_1969 : memref<1x!tpu.dma_semaphore, #tpu.memory_space<semaphore_mem>> -> memref<!tpu.dma_semaphore, #tpu.memory_space<semaphore_mem>>
    tpu.enqueue_indirect_dma source(%dma_start3A_1962 : memref<128x128xf32, #tpu.memory_space<vmem>>) target(%dma_start3A_1968 : memref<520x128xf32, #tpu.memory_space<vmem_shared>>) offsets(%dma_start3A_1965 : memref<128xi32, #tpu.memory_space<vmem>>) semaphore(%dma_start3A_1970 : memref<!tpu.dma_semaphore, #tpu.memory_space<semaphore_mem>>) {add = true}
    %dma_start3A_1971 = arith.constant 6 : i32
    %dma_start3A_1972 = arith.constant 6 : i32
    %dma_start3A_1973 = arith.constant 0 : i32
    %dma_start3A_1974 = arith.constant 0 : i32
    %dma_start3A_1975 = tpu.memref_slice %arg13[%dma_start3A_1971, %dma_start3A_1973, %dma_start3A_1974] : memref<7x128x128xf32, #tpu.memory_space<vmem>> -> memref<1x128x128xf32, #tpu.memory_space<vmem>>
    %dma_start3A_1976 = tpu.memref_squeeze %dma_start3A_1975 : memref<1x128x128xf32, #tpu.memory_space<vmem>> -> memref<128x128xf32, #tpu.memory_space<vmem>>
    %dma_start3A_1977 = arith.constant 0 : i32
    %dma_start3A_1978 = tpu.memref_slice %arg2[%multiple_of3A_81, %dma_start3A_1977] : memref<100000x128xf32, #tpu.memory_space<hbm>> -> memref<128x128xf32, #tpu.memory_space<hbm>>
    %dma_start3A_1979 = tpu.memref_slice %arg16[%dma_start3A_1972] : memref<7x!tpu.dma_semaphore, #tpu.memory_space<semaphore_mem>> -> memref<1x!tpu.dma_semaphore, #tpu.memory_space<semaphore_mem>>
    %dma_start3A_1980 = tpu.memref_squeeze %dma_start3A_1979 : memref<1x!tpu.dma_semaphore, #tpu.memory_space<semaphore_mem>> -> memref<!tpu.dma_semaphore, #tpu.memory_space<semaphore_mem>>
    %dma_start3A_1981 = arith.constant 0 : i32
    %dma_start3A_1982 = arith.constant 0 : i32
    %dma_start3A_1983 = tpu.memref_slice %arg13[%dma_start3A_1971, %dma_start3A_1981, %dma_start3A_1982] : memref<7x128x128xf32, #tpu.memory_space<vmem>> -> memref<1x128x128xf32, #tpu.memory_space<vmem>>
    %dma_start3A_1984 = tpu.memref_squeeze %dma_start3A_1983 : memref<1x128x128xf32, #tpu.memory_space<vmem>> -> memref<128x128xf32, #tpu.memory_space<vmem>>
    %dma_start3A_1985 = arith.constant 0 : i32
    %dma_start3A_1986 = tpu.memref_slice %arg2[%multiple_of3A_81, %dma_start3A_1985] : memref<100000x128xf32, #tpu.memory_space<hbm>> -> memref<128x128xf32, #tpu.memory_space<hbm>>
    tpu.enqueue_dma source(%dma_start3A_1986 : memref<128x128xf32, #tpu.memory_space<hbm>>) target(%dma_start3A_1984 : memref<128x128xf32, #tpu.memory_space<vmem>>) target_semaphore(%dma_start3A_1980 : memref<!tpu.dma_semaphore, #tpu.memory_space<semaphore_mem>>)
    %dma_wait3A_1987 = arith.constant 4 : i32
    %dma_wait3A_1988 = arith.constant 4 : i32
    %dma_wait3A_1989 = arith.constant 0 : i32
    %dma_wait3A_1990 = arith.constant 0 : i32
    %dma_wait3A_1991 = tpu.memref_slice %arg13[%dma_wait3A_1987, %dma_wait3A_1989, %dma_wait3A_1990] : memref<7x128x128xf32, #tpu.memory_space<vmem>> -> memref<1x128x128xf32, #tpu.memory_space<vmem>>
    %dma_wait3A_1992 = tpu.memref_squeeze %dma_wait3A_1991 : memref<1x128x128xf32, #tpu.memory_space<vmem>> -> memref<128x128xf32, #tpu.memory_space<vmem>>
    %dma_wait3A_1993 = arith.constant 0 : i32
    %dma_wait3A_1994 = tpu.memref_slice %arg2[%multiple_of3A_57, %dma_wait3A_1993] : memref<100000x128xf32, #tpu.memory_space<hbm>> -> memref<128x128xf32, #tpu.memory_space<hbm>>
    %dma_wait3A_1995 = tpu.memref_slice %arg16[%dma_wait3A_1988] : memref<7x!tpu.dma_semaphore, #tpu.memory_space<semaphore_mem>> -> memref<1x!tpu.dma_semaphore, #tpu.memory_space<semaphore_mem>>
    %dma_wait3A_1996 = tpu.memref_squeeze %dma_wait3A_1995 : memref<1x!tpu.dma_semaphore, #tpu.memory_space<semaphore_mem>> -> memref<!tpu.dma_semaphore, #tpu.memory_space<semaphore_mem>>
    %dma_wait3A_1997 = arith.constant 0 : i32
    %dma_wait3A_1998 = arith.constant 0 : i32
    %dma_wait3A_1999 = tpu.memref_slice %arg13[%dma_wait3A_1987, %dma_wait3A_1997, %dma_wait3A_1998] : memref<7x128x128xf32, #tpu.memory_space<vmem>> -> memref<1x128x128xf32, #tpu.memory_space<vmem>>
    %dma_wait3A_2000 = tpu.memref_squeeze %dma_wait3A_1999 : memref<1x128x128xf32, #tpu.memory_space<vmem>> -> memref<128x128xf32, #tpu.memory_space<vmem>>
    %dma_wait3A_2001 = arith.constant 0 : i32
    %dma_wait3A_2002 = tpu.memref_slice %arg2[%multiple_of3A_57, %dma_wait3A_2001] : memref<100000x128xf32, #tpu.memory_space<hbm>> -> memref<128x128xf32, #tpu.memory_space<hbm>>
    tpu.wait_dma2 semaphore(%dma_wait3A_1996 : memref<!tpu.dma_semaphore, #tpu.memory_space<semaphore_mem>>) src(%dma_wait3A_2002 : memref<128x128xf32, #tpu.memory_space<hbm>>) dst(%dma_wait3A_2000 : memref<128x128xf32, #tpu.memory_space<vmem>>)
    %dma_start3A_2003 = arith.constant 4 : i32
    %dma_start3A_2004 = arith.constant 4 : i32
    %dma_start3A_2005 = arith.constant 4 : i32
    %dma_start3A_2006 = arith.constant 0 : i32
    %dma_start3A_2007 = arith.constant 0 : i32
    %dma_start3A_2008 = tpu.memref_slice %arg13[%dma_start3A_2003, %dma_start3A_2006, %dma_start3A_2007] : memref<7x128x128xf32, #tpu.memory_space<vmem>> -> memref<1x128x128xf32, #tpu.memory_space<vmem>>
    %dma_start3A_2009 = tpu.memref_squeeze %dma_start3A_2008 : memref<1x128x128xf32, #tpu.memory_space<vmem>> -> memref<128x128xf32, #tpu.memory_space<vmem>>
    %dma_start3A_2010 = arith.constant 0 : i32
    %dma_start3A_2011 = tpu.memref_slice %arg9[%dma_start3A_2004, %dma_start3A_2010] : memref<25x128xi32, #tpu.memory_space<vmem>> -> memref<1x128xi32, #tpu.memory_space<vmem>>
    %dma_start3A_2012 = tpu.memref_squeeze %dma_start3A_2011 : memref<1x128xi32, #tpu.memory_space<vmem>> -> memref<128xi32, #tpu.memory_space<vmem>>
    %dma_start3A_2013 = arith.constant 0 : i32
    %dma_start3A_2014 = arith.constant 0 : i32
    %dma_start3A_2015 = tpu.memref_slice %arg14[%dma_start3A_2013, %dma_start3A_2014] : memref<520x128xf32, #tpu.memory_space<vmem_shared>> -> memref<520x128xf32, #tpu.memory_space<vmem_shared>>
    %dma_start3A_2016 = tpu.memref_slice %arg17[%dma_start3A_2005] : memref<7x!tpu.dma_semaphore, #tpu.memory_space<semaphore_mem>> -> memref<1x!tpu.dma_semaphore, #tpu.memory_space<semaphore_mem>>
    %dma_start3A_2017 = tpu.memref_squeeze %dma_start3A_2016 : memref<1x!tpu.dma_semaphore, #tpu.memory_space<semaphore_mem>> -> memref<!tpu.dma_semaphore, #tpu.memory_space<semaphore_mem>>
    tpu.enqueue_indirect_dma source(%dma_start3A_2009 : memref<128x128xf32, #tpu.memory_space<vmem>>) target(%dma_start3A_2015 : memref<520x128xf32, #tpu.memory_space<vmem_shared>>) offsets(%dma_start3A_2012 : memref<128xi32, #tpu.memory_space<vmem>>) semaphore(%dma_start3A_2017 : memref<!tpu.dma_semaphore, #tpu.memory_space<semaphore_mem>>) {add = true}
    %dma_wait3A_2018 = arith.constant 0 : i32
    %dma_wait3A_2019 = arith.constant 0 : i32
    %dma_wait3A_2020 = arith.constant 0 : i32
    %dma_wait3A_2021 = arith.constant 0 : i32
    %dma_wait3A_2022 = arith.constant 0 : i32
    %dma_wait3A_2023 = tpu.memref_slice %arg13[%dma_wait3A_2018, %dma_wait3A_2021, %dma_wait3A_2022] : memref<7x128x128xf32, #tpu.memory_space<vmem>> -> memref<1x128x128xf32, #tpu.memory_space<vmem>>
    %dma_wait3A_2024 = tpu.memref_squeeze %dma_wait3A_2023 : memref<1x128x128xf32, #tpu.memory_space<vmem>> -> memref<128x128xf32, #tpu.memory_space<vmem>>
    %dma_wait3A_2025 = arith.constant 0 : i32
    %dma_wait3A_2026 = tpu.memref_slice %arg9[%dma_wait3A_2019, %dma_wait3A_2025] : memref<25x128xi32, #tpu.memory_space<vmem>> -> memref<1x128xi32, #tpu.memory_space<vmem>>
    %dma_wait3A_2027 = tpu.memref_squeeze %dma_wait3A_2026 : memref<1x128xi32, #tpu.memory_space<vmem>> -> memref<128xi32, #tpu.memory_space<vmem>>
    %dma_wait3A_2028 = arith.constant 0 : i32
    %dma_wait3A_2029 = arith.constant 0 : i32
    %dma_wait3A_2030 = tpu.memref_slice %arg14[%dma_wait3A_2028, %dma_wait3A_2029] : memref<520x128xf32, #tpu.memory_space<vmem_shared>> -> memref<520x128xf32, #tpu.memory_space<vmem_shared>>
    %dma_wait3A_2031 = tpu.memref_slice %arg17[%dma_wait3A_2020] : memref<7x!tpu.dma_semaphore, #tpu.memory_space<semaphore_mem>> -> memref<1x!tpu.dma_semaphore, #tpu.memory_space<semaphore_mem>>
    %dma_wait3A_2032 = tpu.memref_squeeze %dma_wait3A_2031 : memref<1x!tpu.dma_semaphore, #tpu.memory_space<semaphore_mem>> -> memref<!tpu.dma_semaphore, #tpu.memory_space<semaphore_mem>>
    tpu.wait_indirect_dma semaphore(%dma_wait3A_2032 : memref<!tpu.dma_semaphore, #tpu.memory_space<semaphore_mem>>) src(%dma_wait3A_2024 : memref<128x128xf32, #tpu.memory_space<vmem>>) dst(%dma_wait3A_2030 : memref<520x128xf32, #tpu.memory_space<vmem_shared>>)
    %dma_start3A_2033 = arith.constant 0 : i32
    %dma_start3A_2034 = arith.constant 0 : i32
    %dma_start3A_2035 = arith.constant 0 : i32
    %dma_start3A_2036 = arith.constant 0 : i32
    %dma_start3A_2037 = tpu.memref_slice %arg13[%dma_start3A_2033, %dma_start3A_2035, %dma_start3A_2036] : memref<7x128x128xf32, #tpu.memory_space<vmem>> -> memref<1x128x128xf32, #tpu.memory_space<vmem>>
    %dma_start3A_2038 = tpu.memref_squeeze %dma_start3A_2037 : memref<1x128x128xf32, #tpu.memory_space<vmem>> -> memref<128x128xf32, #tpu.memory_space<vmem>>
    %dma_start3A_2039 = arith.constant 0 : i32
    %dma_start3A_2040 = tpu.memref_slice %arg2[%multiple_of3A_93, %dma_start3A_2039] : memref<100000x128xf32, #tpu.memory_space<hbm>> -> memref<128x128xf32, #tpu.memory_space<hbm>>
    %dma_start3A_2041 = tpu.memref_slice %arg16[%dma_start3A_2034] : memref<7x!tpu.dma_semaphore, #tpu.memory_space<semaphore_mem>> -> memref<1x!tpu.dma_semaphore, #tpu.memory_space<semaphore_mem>>
    %dma_start3A_2042 = tpu.memref_squeeze %dma_start3A_2041 : memref<1x!tpu.dma_semaphore, #tpu.memory_space<semaphore_mem>> -> memref<!tpu.dma_semaphore, #tpu.memory_space<semaphore_mem>>
    %dma_start3A_2043 = arith.constant 0 : i32
    %dma_start3A_2044 = arith.constant 0 : i32
    %dma_start3A_2045 = tpu.memref_slice %arg13[%dma_start3A_2033, %dma_start3A_2043, %dma_start3A_2044] : memref<7x128x128xf32, #tpu.memory_space<vmem>> -> memref<1x128x128xf32, #tpu.memory_space<vmem>>
    %dma_start3A_2046 = tpu.memref_squeeze %dma_start3A_2045 : memref<1x128x128xf32, #tpu.memory_space<vmem>> -> memref<128x128xf32, #tpu.memory_space<vmem>>
    %dma_start3A_2047 = arith.constant 0 : i32
    %dma_start3A_2048 = tpu.memref_slice %arg2[%multiple_of3A_93, %dma_start3A_2047] : memref<100000x128xf32, #tpu.memory_space<hbm>> -> memref<128x128xf32, #tpu.memory_space<hbm>>
    tpu.enqueue_dma source(%dma_start3A_2048 : memref<128x128xf32, #tpu.memory_space<hbm>>) target(%dma_start3A_2046 : memref<128x128xf32, #tpu.memory_space<vmem>>) target_semaphore(%dma_start3A_2042 : memref<!tpu.dma_semaphore, #tpu.memory_space<semaphore_mem>>)
    %dma_wait3A_2049 = arith.constant 5 : i32
    %dma_wait3A_2050 = arith.constant 5 : i32
    %dma_wait3A_2051 = arith.constant 0 : i32
    %dma_wait3A_2052 = arith.constant 0 : i32
    %dma_wait3A_2053 = tpu.memref_slice %arg13[%dma_wait3A_2049, %dma_wait3A_2051, %dma_wait3A_2052] : memref<7x128x128xf32, #tpu.memory_space<vmem>> -> memref<1x128x128xf32, #tpu.memory_space<vmem>>
    %dma_wait3A_2054 = tpu.memref_squeeze %dma_wait3A_2053 : memref<1x128x128xf32, #tpu.memory_space<vmem>> -> memref<128x128xf32, #tpu.memory_space<vmem>>
    %dma_wait3A_2055 = arith.constant 0 : i32
    %dma_wait3A_2056 = tpu.memref_slice %arg2[%multiple_of3A_69, %dma_wait3A_2055] : memref<100000x128xf32, #tpu.memory_space<hbm>> -> memref<128x128xf32, #tpu.memory_space<hbm>>
    %dma_wait3A_2057 = tpu.memref_slice %arg16[%dma_wait3A_2050] : memref<7x!tpu.dma_semaphore, #tpu.memory_space<semaphore_mem>> -> memref<1x!tpu.dma_semaphore, #tpu.memory_space<semaphore_mem>>
    %dma_wait3A_2058 = tpu.memref_squeeze %dma_wait3A_2057 : memref<1x!tpu.dma_semaphore, #tpu.memory_space<semaphore_mem>> -> memref<!tpu.dma_semaphore, #tpu.memory_space<semaphore_mem>>
    %dma_wait3A_2059 = arith.constant 0 : i32
    %dma_wait3A_2060 = arith.constant 0 : i32
    %dma_wait3A_2061 = tpu.memref_slice %arg13[%dma_wait3A_2049, %dma_wait3A_2059, %dma_wait3A_2060] : memref<7x128x128xf32, #tpu.memory_space<vmem>> -> memref<1x128x128xf32, #tpu.memory_space<vmem>>
    %dma_wait3A_2062 = tpu.memref_squeeze %dma_wait3A_2061 : memref<1x128x128xf32, #tpu.memory_space<vmem>> -> memref<128x128xf32, #tpu.memory_space<vmem>>
    %dma_wait3A_2063 = arith.constant 0 : i32
    %dma_wait3A_2064 = tpu.memref_slice %arg2[%multiple_of3A_69, %dma_wait3A_2063] : memref<100000x128xf32, #tpu.memory_space<hbm>> -> memref<128x128xf32, #tpu.memory_space<hbm>>
    tpu.wait_dma2 semaphore(%dma_wait3A_2058 : memref<!tpu.dma_semaphore, #tpu.memory_space<semaphore_mem>>) src(%dma_wait3A_2064 : memref<128x128xf32, #tpu.memory_space<hbm>>) dst(%dma_wait3A_2062 : memref<128x128xf32, #tpu.memory_space<vmem>>)
    %dma_start3A_2065 = arith.constant 5 : i32
    %dma_start3A_2066 = arith.constant 5 : i32
    %dma_start3A_2067 = arith.constant 5 : i32
    %dma_start3A_2068 = arith.constant 0 : i32
    %dma_start3A_2069 = arith.constant 0 : i32
    %dma_start3A_2070 = tpu.memref_slice %arg13[%dma_start3A_2065, %dma_start3A_2068, %dma_start3A_2069] : memref<7x128x128xf32, #tpu.memory_space<vmem>> -> memref<1x128x128xf32, #tpu.memory_space<vmem>>
    %dma_start3A_2071 = tpu.memref_squeeze %dma_start3A_2070 : memref<1x128x128xf32, #tpu.memory_space<vmem>> -> memref<128x128xf32, #tpu.memory_space<vmem>>
    %dma_start3A_2072 = arith.constant 0 : i32
    %dma_start3A_2073 = tpu.memref_slice %arg9[%dma_start3A_2066, %dma_start3A_2072] : memref<25x128xi32, #tpu.memory_space<vmem>> -> memref<1x128xi32, #tpu.memory_space<vmem>>
    %dma_start3A_2074 = tpu.memref_squeeze %dma_start3A_2073 : memref<1x128xi32, #tpu.memory_space<vmem>> -> memref<128xi32, #tpu.memory_space<vmem>>
    %dma_start3A_2075 = arith.constant 0 : i32
    %dma_start3A_2076 = arith.constant 0 : i32
    %dma_start3A_2077 = tpu.memref_slice %arg14[%dma_start3A_2075, %dma_start3A_2076] : memref<520x128xf32, #tpu.memory_space<vmem_shared>> -> memref<520x128xf32, #tpu.memory_space<vmem_shared>>
    %dma_start3A_2078 = tpu.memref_slice %arg17[%dma_start3A_2067] : memref<7x!tpu.dma_semaphore, #tpu.memory_space<semaphore_mem>> -> memref<1x!tpu.dma_semaphore, #tpu.memory_space<semaphore_mem>>
    %dma_start3A_2079 = tpu.memref_squeeze %dma_start3A_2078 : memref<1x!tpu.dma_semaphore, #tpu.memory_space<semaphore_mem>> -> memref<!tpu.dma_semaphore, #tpu.memory_space<semaphore_mem>>
    tpu.enqueue_indirect_dma source(%dma_start3A_2071 : memref<128x128xf32, #tpu.memory_space<vmem>>) target(%dma_start3A_2077 : memref<520x128xf32, #tpu.memory_space<vmem_shared>>) offsets(%dma_start3A_2074 : memref<128xi32, #tpu.memory_space<vmem>>) semaphore(%dma_start3A_2079 : memref<!tpu.dma_semaphore, #tpu.memory_space<semaphore_mem>>) {add = true}
    %dma_wait3A_2080 = arith.constant 1 : i32
    %dma_wait3A_2081 = arith.constant 1 : i32
    %dma_wait3A_2082 = arith.constant 1 : i32
    %dma_wait3A_2083 = arith.constant 0 : i32
    %dma_wait3A_2084 = arith.constant 0 : i32
    %dma_wait3A_2085 = tpu.memref_slice %arg13[%dma_wait3A_2080, %dma_wait3A_2083, %dma_wait3A_2084] : memref<7x128x128xf32, #tpu.memory_space<vmem>> -> memref<1x128x128xf32, #tpu.memory_space<vmem>>
    %dma_wait3A_2086 = tpu.memref_squeeze %dma_wait3A_2085 : memref<1x128x128xf32, #tpu.memory_space<vmem>> -> memref<128x128xf32, #tpu.memory_space<vmem>>
    %dma_wait3A_2087 = arith.constant 0 : i32
    %dma_wait3A_2088 = tpu.memref_slice %arg9[%dma_wait3A_2081, %dma_wait3A_2087] : memref<25x128xi32, #tpu.memory_space<vmem>> -> memref<1x128xi32, #tpu.memory_space<vmem>>
    %dma_wait3A_2089 = tpu.memref_squeeze %dma_wait3A_2088 : memref<1x128xi32, #tpu.memory_space<vmem>> -> memref<128xi32, #tpu.memory_space<vmem>>
    %dma_wait3A_2090 = arith.constant 0 : i32
    %dma_wait3A_2091 = arith.constant 0 : i32
    %dma_wait3A_2092 = tpu.memref_slice %arg14[%dma_wait3A_2090, %dma_wait3A_2091] : memref<520x128xf32, #tpu.memory_space<vmem_shared>> -> memref<520x128xf32, #tpu.memory_space<vmem_shared>>
    %dma_wait3A_2093 = tpu.memref_slice %arg17[%dma_wait3A_2082] : memref<7x!tpu.dma_semaphore, #tpu.memory_space<semaphore_mem>> -> memref<1x!tpu.dma_semaphore, #tpu.memory_space<semaphore_mem>>
    %dma_wait3A_2094 = tpu.memref_squeeze %dma_wait3A_2093 : memref<1x!tpu.dma_semaphore, #tpu.memory_space<semaphore_mem>> -> memref<!tpu.dma_semaphore, #tpu.memory_space<semaphore_mem>>
    tpu.wait_indirect_dma semaphore(%dma_wait3A_2094 : memref<!tpu.dma_semaphore, #tpu.memory_space<semaphore_mem>>) src(%dma_wait3A_2086 : memref<128x128xf32, #tpu.memory_space<vmem>>) dst(%dma_wait3A_2092 : memref<520x128xf32, #tpu.memory_space<vmem_shared>>)
    %dma_start3A_2095 = arith.constant 1 : i32
    %dma_start3A_2096 = arith.constant 1 : i32
    %dma_start3A_2097 = arith.constant 0 : i32
    %dma_start3A_2098 = arith.constant 0 : i32
    %dma_start3A_2099 = tpu.memref_slice %arg13[%dma_start3A_2095, %dma_start3A_2097, %dma_start3A_2098] : memref<7x128x128xf32, #tpu.memory_space<vmem>> -> memref<1x128x128xf32, #tpu.memory_space<vmem>>
    %dma_start3A_2100 = tpu.memref_squeeze %dma_start3A_2099 : memref<1x128x128xf32, #tpu.memory_space<vmem>> -> memref<128x128xf32, #tpu.memory_space<vmem>>
    %dma_start3A_2101 = arith.constant 0 : i32
    %dma_start3A_2102 = tpu.memref_slice %arg2[%multiple_of3A_105, %dma_start3A_2101] : memref<100000x128xf32, #tpu.memory_space<hbm>> -> memref<128x128xf32, #tpu.memory_space<hbm>>
    %dma_start3A_2103 = tpu.memref_slice %arg16[%dma_start3A_2096] : memref<7x!tpu.dma_semaphore, #tpu.memory_space<semaphore_mem>> -> memref<1x!tpu.dma_semaphore, #tpu.memory_space<semaphore_mem>>
    %dma_start3A_2104 = tpu.memref_squeeze %dma_start3A_2103 : memref<1x!tpu.dma_semaphore, #tpu.memory_space<semaphore_mem>> -> memref<!tpu.dma_semaphore, #tpu.memory_space<semaphore_mem>>
    %dma_start3A_2105 = arith.constant 0 : i32
    %dma_start3A_2106 = arith.constant 0 : i32
    %dma_start3A_2107 = tpu.memref_slice %arg13[%dma_start3A_2095, %dma_start3A_2105, %dma_start3A_2106] : memref<7x128x128xf32, #tpu.memory_space<vmem>> -> memref<1x128x128xf32, #tpu.memory_space<vmem>>
    %dma_start3A_2108 = tpu.memref_squeeze %dma_start3A_2107 : memref<1x128x128xf32, #tpu.memory_space<vmem>> -> memref<128x128xf32, #tpu.memory_space<vmem>>
    %dma_start3A_2109 = arith.constant 0 : i32
    %dma_start3A_2110 = tpu.memref_slice %arg2[%multiple_of3A_105, %dma_start3A_2109] : memref<100000x128xf32, #tpu.memory_space<hbm>> -> memref<128x128xf32, #tpu.memory_space<hbm>>
    tpu.enqueue_dma source(%dma_start3A_2110 : memref<128x128xf32, #tpu.memory_space<hbm>>) target(%dma_start3A_2108 : memref<128x128xf32, #tpu.memory_space<vmem>>) target_semaphore(%dma_start3A_2104 : memref<!tpu.dma_semaphore, #tpu.memory_space<semaphore_mem>>)
    %dma_wait3A_2111 = arith.constant 6 : i32
    %dma_wait3A_2112 = arith.constant 6 : i32
    %dma_wait3A_2113 = arith.constant 0 : i32
    %dma_wait3A_2114 = arith.constant 0 : i32
    %dma_wait3A_2115 = tpu.memref_slice %arg13[%dma_wait3A_2111, %dma_wait3A_2113, %dma_wait3A_2114] : memref<7x128x128xf32, #tpu.memory_space<vmem>> -> memref<1x128x128xf32, #tpu.memory_space<vmem>>
    %dma_wait3A_2116 = tpu.memref_squeeze %dma_wait3A_2115 : memref<1x128x128xf32, #tpu.memory_space<vmem>> -> memref<128x128xf32, #tpu.memory_space<vmem>>
    %dma_wait3A_2117 = arith.constant 0 : i32
    %dma_wait3A_2118 = tpu.memref_slice %arg2[%multiple_of3A_81, %dma_wait3A_2117] : memref<100000x128xf32, #tpu.memory_space<hbm>> -> memref<128x128xf32, #tpu.memory_space<hbm>>
    %dma_wait3A_2119 = tpu.memref_slice %arg16[%dma_wait3A_2112] : memref<7x!tpu.dma_semaphore, #tpu.memory_space<semaphore_mem>> -> memref<1x!tpu.dma_semaphore, #tpu.memory_space<semaphore_mem>>
    %dma_wait3A_2120 = tpu.memref_squeeze %dma_wait3A_2119 : memref<1x!tpu.dma_semaphore, #tpu.memory_space<semaphore_mem>> -> memref<!tpu.dma_semaphore, #tpu.memory_space<semaphore_mem>>
    %dma_wait3A_2121 = arith.constant 0 : i32
    %dma_wait3A_2122 = arith.constant 0 : i32
    %dma_wait3A_2123 = tpu.memref_slice %arg13[%dma_wait3A_2111, %dma_wait3A_2121, %dma_wait3A_2122] : memref<7x128x128xf32, #tpu.memory_space<vmem>> -> memref<1x128x128xf32, #tpu.memory_space<vmem>>
    %dma_wait3A_2124 = tpu.memref_squeeze %dma_wait3A_2123 : memref<1x128x128xf32, #tpu.memory_space<vmem>> -> memref<128x128xf32, #tpu.memory_space<vmem>>
    %dma_wait3A_2125 = arith.constant 0 : i32
    %dma_wait3A_2126 = tpu.memref_slice %arg2[%multiple_of3A_81, %dma_wait3A_2125] : memref<100000x128xf32, #tpu.memory_space<hbm>> -> memref<128x128xf32, #tpu.memory_space<hbm>>
    tpu.wait_dma2 semaphore(%dma_wait3A_2120 : memref<!tpu.dma_semaphore, #tpu.memory_space<semaphore_mem>>) src(%dma_wait3A_2126 : memref<128x128xf32, #tpu.memory_space<hbm>>) dst(%dma_wait3A_2124 : memref<128x128xf32, #tpu.memory_space<vmem>>)
    %dma_start3A_2127 = arith.constant 6 : i32
    %dma_start3A_2128 = arith.constant 6 : i32
    %dma_start3A_2129 = arith.constant 6 : i32
    %dma_start3A_2130 = arith.constant 0 : i32
    %dma_start3A_2131 = arith.constant 0 : i32
    %dma_start3A_2132 = tpu.memref_slice %arg13[%dma_start3A_2127, %dma_start3A_2130, %dma_start3A_2131] : memref<7x128x128xf32, #tpu.memory_space<vmem>> -> memref<1x128x128xf32, #tpu.memory_space<vmem>>
    %dma_start3A_2133 = tpu.memref_squeeze %dma_start3A_2132 : memref<1x128x128xf32, #tpu.memory_space<vmem>> -> memref<128x128xf32, #tpu.memory_space<vmem>>
    %dma_start3A_2134 = arith.constant 0 : i32
    %dma_start3A_2135 = tpu.memref_slice %arg9[%dma_start3A_2128, %dma_start3A_2134] : memref<25x128xi32, #tpu.memory_space<vmem>> -> memref<1x128xi32, #tpu.memory_space<vmem>>
    %dma_start3A_2136 = tpu.memref_squeeze %dma_start3A_2135 : memref<1x128xi32, #tpu.memory_space<vmem>> -> memref<128xi32, #tpu.memory_space<vmem>>
    %dma_start3A_2137 = arith.constant 0 : i32
    %dma_start3A_2138 = arith.constant 0 : i32
    %dma_start3A_2139 = tpu.memref_slice %arg14[%dma_start3A_2137, %dma_start3A_2138] : memref<520x128xf32, #tpu.memory_space<vmem_shared>> -> memref<520x128xf32, #tpu.memory_space<vmem_shared>>
    %dma_start3A_2140 = tpu.memref_slice %arg17[%dma_start3A_2129] : memref<7x!tpu.dma_semaphore, #tpu.memory_space<semaphore_mem>> -> memref<1x!tpu.dma_semaphore, #tpu.memory_space<semaphore_mem>>
    %dma_start3A_2141 = tpu.memref_squeeze %dma_start3A_2140 : memref<1x!tpu.dma_semaphore, #tpu.memory_space<semaphore_mem>> -> memref<!tpu.dma_semaphore, #tpu.memory_space<semaphore_mem>>
    tpu.enqueue_indirect_dma source(%dma_start3A_2133 : memref<128x128xf32, #tpu.memory_space<vmem>>) target(%dma_start3A_2139 : memref<520x128xf32, #tpu.memory_space<vmem_shared>>) offsets(%dma_start3A_2136 : memref<128xi32, #tpu.memory_space<vmem>>) semaphore(%dma_start3A_2141 : memref<!tpu.dma_semaphore, #tpu.memory_space<semaphore_mem>>) {add = true}
    %dma_wait3A_2142 = arith.constant 2 : i32
    %dma_wait3A_2143 = arith.constant 2 : i32
    %dma_wait3A_2144 = arith.constant 2 : i32
    %dma_wait3A_2145 = arith.constant 0 : i32
    %dma_wait3A_2146 = arith.constant 0 : i32
    %dma_wait3A_2147 = tpu.memref_slice %arg13[%dma_wait3A_2142, %dma_wait3A_2145, %dma_wait3A_2146] : memref<7x128x128xf32, #tpu.memory_space<vmem>> -> memref<1x128x128xf32, #tpu.memory_space<vmem>>
    %dma_wait3A_2148 = tpu.memref_squeeze %dma_wait3A_2147 : memref<1x128x128xf32, #tpu.memory_space<vmem>> -> memref<128x128xf32, #tpu.memory_space<vmem>>
    %dma_wait3A_2149 = arith.constant 0 : i32
    %dma_wait3A_2150 = tpu.memref_slice %arg9[%dma_wait3A_2143, %dma_wait3A_2149] : memref<25x128xi32, #tpu.memory_space<vmem>> -> memref<1x128xi32, #tpu.memory_space<vmem>>
    %dma_wait3A_2151 = tpu.memref_squeeze %dma_wait3A_2150 : memref<1x128xi32, #tpu.memory_space<vmem>> -> memref<128xi32, #tpu.memory_space<vmem>>
    %dma_wait3A_2152 = arith.constant 0 : i32
    %dma_wait3A_2153 = arith.constant 0 : i32
    %dma_wait3A_2154 = tpu.memref_slice %arg14[%dma_wait3A_2152, %dma_wait3A_2153] : memref<520x128xf32, #tpu.memory_space<vmem_shared>> -> memref<520x128xf32, #tpu.memory_space<vmem_shared>>
    %dma_wait3A_2155 = tpu.memref_slice %arg17[%dma_wait3A_2144] : memref<7x!tpu.dma_semaphore, #tpu.memory_space<semaphore_mem>> -> memref<1x!tpu.dma_semaphore, #tpu.memory_space<semaphore_mem>>
    %dma_wait3A_2156 = tpu.memref_squeeze %dma_wait3A_2155 : memref<1x!tpu.dma_semaphore, #tpu.memory_space<semaphore_mem>> -> memref<!tpu.dma_semaphore, #tpu.memory_space<semaphore_mem>>
    tpu.wait_indirect_dma semaphore(%dma_wait3A_2156 : memref<!tpu.dma_semaphore, #tpu.memory_space<semaphore_mem>>) src(%dma_wait3A_2148 : memref<128x128xf32, #tpu.memory_space<vmem>>) dst(%dma_wait3A_2154 : memref<520x128xf32, #tpu.memory_space<vmem_shared>>)
    %dma_start3A_2157 = arith.constant 2 : i32
    %dma_start3A_2158 = arith.constant 2 : i32
    %dma_start3A_2159 = arith.constant 0 : i32
    %dma_start3A_2160 = arith.constant 0 : i32
    %dma_start3A_2161 = tpu.memref_slice %arg13[%dma_start3A_2157, %dma_start3A_2159, %dma_start3A_2160] : memref<7x128x128xf32, #tpu.memory_space<vmem>> -> memref<1x128x128xf32, #tpu.memory_space<vmem>>
    %dma_start3A_2162 = tpu.memref_squeeze %dma_start3A_2161 : memref<1x128x128xf32, #tpu.memory_space<vmem>> -> memref<128x128xf32, #tpu.memory_space<vmem>>
    %dma_start3A_2163 = arith.constant 0 : i32
    %dma_start3A_2164 = tpu.memref_slice %arg2[%multiple_of3A_117, %dma_start3A_2163] : memref<100000x128xf32, #tpu.memory_space<hbm>> -> memref<128x128xf32, #tpu.memory_space<hbm>>
    %dma_start3A_2165 = tpu.memref_slice %arg16[%dma_start3A_2158] : memref<7x!tpu.dma_semaphore, #tpu.memory_space<semaphore_mem>> -> memref<1x!tpu.dma_semaphore, #tpu.memory_space<semaphore_mem>>
    %dma_start3A_2166 = tpu.memref_squeeze %dma_start3A_2165 : memref<1x!tpu.dma_semaphore, #tpu.memory_space<semaphore_mem>> -> memref<!tpu.dma_semaphore, #tpu.memory_space<semaphore_mem>>
    %dma_start3A_2167 = arith.constant 0 : i32
    %dma_start3A_2168 = arith.constant 0 : i32
    %dma_start3A_2169 = tpu.memref_slice %arg13[%dma_start3A_2157, %dma_start3A_2167, %dma_start3A_2168] : memref<7x128x128xf32, #tpu.memory_space<vmem>> -> memref<1x128x128xf32, #tpu.memory_space<vmem>>
    %dma_start3A_2170 = tpu.memref_squeeze %dma_start3A_2169 : memref<1x128x128xf32, #tpu.memory_space<vmem>> -> memref<128x128xf32, #tpu.memory_space<vmem>>
    %dma_start3A_2171 = arith.constant 0 : i32
    %dma_start3A_2172 = tpu.memref_slice %arg2[%multiple_of3A_117, %dma_start3A_2171] : memref<100000x128xf32, #tpu.memory_space<hbm>> -> memref<128x128xf32, #tpu.memory_space<hbm>>
    tpu.enqueue_dma source(%dma_start3A_2172 : memref<128x128xf32, #tpu.memory_space<hbm>>) target(%dma_start3A_2170 : memref<128x128xf32, #tpu.memory_space<vmem>>) target_semaphore(%dma_start3A_2166 : memref<!tpu.dma_semaphore, #tpu.memory_space<semaphore_mem>>)
    %dma_wait3A_2173 = arith.constant 0 : i32
    %dma_wait3A_2174 = arith.constant 0 : i32
    %dma_wait3A_2175 = arith.constant 0 : i32
    %dma_wait3A_2176 = arith.constant 0 : i32
    %dma_wait3A_2177 = tpu.memref_slice %arg13[%dma_wait3A_2173, %dma_wait3A_2175, %dma_wait3A_2176] : memref<7x128x128xf32, #tpu.memory_space<vmem>> -> memref<1x128x128xf32, #tpu.memory_space<vmem>>
    %dma_wait3A_2178 = tpu.memref_squeeze %dma_wait3A_2177 : memref<1x128x128xf32, #tpu.memory_space<vmem>> -> memref<128x128xf32, #tpu.memory_space<vmem>>
    %dma_wait3A_2179 = arith.constant 0 : i32
    %dma_wait3A_2180 = tpu.memref_slice %arg2[%multiple_of3A_93, %dma_wait3A_2179] : memref<100000x128xf32, #tpu.memory_space<hbm>> -> memref<128x128xf32, #tpu.memory_space<hbm>>
    %dma_wait3A_2181 = tpu.memref_slice %arg16[%dma_wait3A_2174] : memref<7x!tpu.dma_semaphore, #tpu.memory_space<semaphore_mem>> -> memref<1x!tpu.dma_semaphore, #tpu.memory_space<semaphore_mem>>
    %dma_wait3A_2182 = tpu.memref_squeeze %dma_wait3A_2181 : memref<1x!tpu.dma_semaphore, #tpu.memory_space<semaphore_mem>> -> memref<!tpu.dma_semaphore, #tpu.memory_space<semaphore_mem>>
    %dma_wait3A_2183 = arith.constant 0 : i32
    %dma_wait3A_2184 = arith.constant 0 : i32
    %dma_wait3A_2185 = tpu.memref_slice %arg13[%dma_wait3A_2173, %dma_wait3A_2183, %dma_wait3A_2184] : memref<7x128x128xf32, #tpu.memory_space<vmem>> -> memref<1x128x128xf32, #tpu.memory_space<vmem>>
    %dma_wait3A_2186 = tpu.memref_squeeze %dma_wait3A_2185 : memref<1x128x128xf32, #tpu.memory_space<vmem>> -> memref<128x128xf32, #tpu.memory_space<vmem>>
    %dma_wait3A_2187 = arith.constant 0 : i32
    %dma_wait3A_2188 = tpu.memref_slice %arg2[%multiple_of3A_93, %dma_wait3A_2187] : memref<100000x128xf32, #tpu.memory_space<hbm>> -> memref<128x128xf32, #tpu.memory_space<hbm>>
    tpu.wait_dma2 semaphore(%dma_wait3A_2182 : memref<!tpu.dma_semaphore, #tpu.memory_space<semaphore_mem>>) src(%dma_wait3A_2188 : memref<128x128xf32, #tpu.memory_space<hbm>>) dst(%dma_wait3A_2186 : memref<128x128xf32, #tpu.memory_space<vmem>>)
    %dma_start3A_2189 = arith.constant 0 : i32
    %dma_start3A_2190 = arith.constant 7 : i32
    %dma_start3A_2191 = arith.constant 0 : i32
    %dma_start3A_2192 = arith.constant 0 : i32
    %dma_start3A_2193 = arith.constant 0 : i32
    %dma_start3A_2194 = tpu.memref_slice %arg13[%dma_start3A_2189, %dma_start3A_2192, %dma_start3A_2193] : memref<7x128x128xf32, #tpu.memory_space<vmem>> -> memref<1x128x128xf32, #tpu.memory_space<vmem>>
    %dma_start3A_2195 = tpu.memref_squeeze %dma_start3A_2194 : memref<1x128x128xf32, #tpu.memory_space<vmem>> -> memref<128x128xf32, #tpu.memory_space<vmem>>
    %dma_start3A_2196 = arith.constant 0 : i32
    %dma_start3A_2197 = tpu.memref_slice %arg9[%dma_start3A_2190, %dma_start3A_2196] : memref<25x128xi32, #tpu.memory_space<vmem>> -> memref<1x128xi32, #tpu.memory_space<vmem>>
    %dma_start3A_2198 = tpu.memref_squeeze %dma_start3A_2197 : memref<1x128xi32, #tpu.memory_space<vmem>> -> memref<128xi32, #tpu.memory_space<vmem>>
    %dma_start3A_2199 = arith.constant 0 : i32
    %dma_start3A_2200 = arith.constant 0 : i32
    %dma_start3A_2201 = tpu.memref_slice %arg14[%dma_start3A_2199, %dma_start3A_2200] : memref<520x128xf32, #tpu.memory_space<vmem_shared>> -> memref<520x128xf32, #tpu.memory_space<vmem_shared>>
    %dma_start3A_2202 = tpu.memref_slice %arg17[%dma_start3A_2191] : memref<7x!tpu.dma_semaphore, #tpu.memory_space<semaphore_mem>> -> memref<1x!tpu.dma_semaphore, #tpu.memory_space<semaphore_mem>>
    %dma_start3A_2203 = tpu.memref_squeeze %dma_start3A_2202 : memref<1x!tpu.dma_semaphore, #tpu.memory_space<semaphore_mem>> -> memref<!tpu.dma_semaphore, #tpu.memory_space<semaphore_mem>>
    tpu.enqueue_indirect_dma source(%dma_start3A_2195 : memref<128x128xf32, #tpu.memory_space<vmem>>) target(%dma_start3A_2201 : memref<520x128xf32, #tpu.memory_space<vmem_shared>>) offsets(%dma_start3A_2198 : memref<128xi32, #tpu.memory_space<vmem>>) semaphore(%dma_start3A_2203 : memref<!tpu.dma_semaphore, #tpu.memory_space<semaphore_mem>>) {add = true}
    %dma_wait3A_2204 = arith.constant 3 : i32
    %dma_wait3A_2205 = arith.constant 3 : i32
    %dma_wait3A_2206 = arith.constant 3 : i32
    %dma_wait3A_2207 = arith.constant 0 : i32
    %dma_wait3A_2208 = arith.constant 0 : i32
    %dma_wait3A_2209 = tpu.memref_slice %arg13[%dma_wait3A_2204, %dma_wait3A_2207, %dma_wait3A_2208] : memref<7x128x128xf32, #tpu.memory_space<vmem>> -> memref<1x128x128xf32, #tpu.memory_space<vmem>>
    %dma_wait3A_2210 = tpu.memref_squeeze %dma_wait3A_2209 : memref<1x128x128xf32, #tpu.memory_space<vmem>> -> memref<128x128xf32, #tpu.memory_space<vmem>>
    %dma_wait3A_2211 = arith.constant 0 : i32
    %dma_wait3A_2212 = tpu.memref_slice %arg9[%dma_wait3A_2205, %dma_wait3A_2211] : memref<25x128xi32, #tpu.memory_space<vmem>> -> memref<1x128xi32, #tpu.memory_space<vmem>>
    %dma_wait3A_2213 = tpu.memref_squeeze %dma_wait3A_2212 : memref<1x128xi32, #tpu.memory_space<vmem>> -> memref<128xi32, #tpu.memory_space<vmem>>
    %dma_wait3A_2214 = arith.constant 0 : i32
    %dma_wait3A_2215 = arith.constant 0 : i32
    %dma_wait3A_2216 = tpu.memref_slice %arg14[%dma_wait3A_2214, %dma_wait3A_2215] : memref<520x128xf32, #tpu.memory_space<vmem_shared>> -> memref<520x128xf32, #tpu.memory_space<vmem_shared>>
    %dma_wait3A_2217 = tpu.memref_slice %arg17[%dma_wait3A_2206] : memref<7x!tpu.dma_semaphore, #tpu.memory_space<semaphore_mem>> -> memref<1x!tpu.dma_semaphore, #tpu.memory_space<semaphore_mem>>
    %dma_wait3A_2218 = tpu.memref_squeeze %dma_wait3A_2217 : memref<1x!tpu.dma_semaphore, #tpu.memory_space<semaphore_mem>> -> memref<!tpu.dma_semaphore, #tpu.memory_space<semaphore_mem>>
    tpu.wait_indirect_dma semaphore(%dma_wait3A_2218 : memref<!tpu.dma_semaphore, #tpu.memory_space<semaphore_mem>>) src(%dma_wait3A_2210 : memref<128x128xf32, #tpu.memory_space<vmem>>) dst(%dma_wait3A_2216 : memref<520x128xf32, #tpu.memory_space<vmem_shared>>)
    %dma_start3A_2219 = arith.constant 3 : i32
    %dma_start3A_2220 = arith.constant 3 : i32
    %dma_start3A_2221 = arith.constant 0 : i32
    %dma_start3A_2222 = arith.constant 0 : i32
    %dma_start3A_2223 = tpu.memref_slice %arg13[%dma_start3A_2219, %dma_start3A_2221, %dma_start3A_2222] : memref<7x128x128xf32, #tpu.memory_space<vmem>> -> memref<1x128x128xf32, #tpu.memory_space<vmem>>
    %dma_start3A_2224 = tpu.memref_squeeze %dma_start3A_2223 : memref<1x128x128xf32, #tpu.memory_space<vmem>> -> memref<128x128xf32, #tpu.memory_space<vmem>>
    %dma_start3A_2225 = arith.constant 0 : i32
    %dma_start3A_2226 = tpu.memref_slice %arg2[%multiple_of3A_129, %dma_start3A_2225] : memref<100000x128xf32, #tpu.memory_space<hbm>> -> memref<128x128xf32, #tpu.memory_space<hbm>>
    %dma_start3A_2227 = tpu.memref_slice %arg16[%dma_start3A_2220] : memref<7x!tpu.dma_semaphore, #tpu.memory_space<semaphore_mem>> -> memref<1x!tpu.dma_semaphore, #tpu.memory_space<semaphore_mem>>
    %dma_start3A_2228 = tpu.memref_squeeze %dma_start3A_2227 : memref<1x!tpu.dma_semaphore, #tpu.memory_space<semaphore_mem>> -> memref<!tpu.dma_semaphore, #tpu.memory_space<semaphore_mem>>
    %dma_start3A_2229 = arith.constant 0 : i32
    %dma_start3A_2230 = arith.constant 0 : i32
    %dma_start3A_2231 = tpu.memref_slice %arg13[%dma_start3A_2219, %dma_start3A_2229, %dma_start3A_2230] : memref<7x128x128xf32, #tpu.memory_space<vmem>> -> memref<1x128x128xf32, #tpu.memory_space<vmem>>
    %dma_start3A_2232 = tpu.memref_squeeze %dma_start3A_2231 : memref<1x128x128xf32, #tpu.memory_space<vmem>> -> memref<128x128xf32, #tpu.memory_space<vmem>>
    %dma_start3A_2233 = arith.constant 0 : i32
    %dma_start3A_2234 = tpu.memref_slice %arg2[%multiple_of3A_129, %dma_start3A_2233] : memref<100000x128xf32, #tpu.memory_space<hbm>> -> memref<128x128xf32, #tpu.memory_space<hbm>>
    tpu.enqueue_dma source(%dma_start3A_2234 : memref<128x128xf32, #tpu.memory_space<hbm>>) target(%dma_start3A_2232 : memref<128x128xf32, #tpu.memory_space<vmem>>) target_semaphore(%dma_start3A_2228 : memref<!tpu.dma_semaphore, #tpu.memory_space<semaphore_mem>>)
    %dma_wait3A_2235 = arith.constant 1 : i32
    %dma_wait3A_2236 = arith.constant 1 : i32
    %dma_wait3A_2237 = arith.constant 0 : i32
    %dma_wait3A_2238 = arith.constant 0 : i32
    %dma_wait3A_2239 = tpu.memref_slice %arg13[%dma_wait3A_2235, %dma_wait3A_2237, %dma_wait3A_2238] : memref<7x128x128xf32, #tpu.memory_space<vmem>> -> memref<1x128x128xf32, #tpu.memory_space<vmem>>
    %dma_wait3A_2240 = tpu.memref_squeeze %dma_wait3A_2239 : memref<1x128x128xf32, #tpu.memory_space<vmem>> -> memref<128x128xf32, #tpu.memory_space<vmem>>
    %dma_wait3A_2241 = arith.constant 0 : i32
    %dma_wait3A_2242 = tpu.memref_slice %arg2[%multiple_of3A_105, %dma_wait3A_2241] : memref<100000x128xf32, #tpu.memory_space<hbm>> -> memref<128x128xf32, #tpu.memory_space<hbm>>
    %dma_wait3A_2243 = tpu.memref_slice %arg16[%dma_wait3A_2236] : memref<7x!tpu.dma_semaphore, #tpu.memory_space<semaphore_mem>> -> memref<1x!tpu.dma_semaphore, #tpu.memory_space<semaphore_mem>>
    %dma_wait3A_2244 = tpu.memref_squeeze %dma_wait3A_2243 : memref<1x!tpu.dma_semaphore, #tpu.memory_space<semaphore_mem>> -> memref<!tpu.dma_semaphore, #tpu.memory_space<semaphore_mem>>
    %dma_wait3A_2245 = arith.constant 0 : i32
    %dma_wait3A_2246 = arith.constant 0 : i32
    %dma_wait3A_2247 = tpu.memref_slice %arg13[%dma_wait3A_2235, %dma_wait3A_2245, %dma_wait3A_2246] : memref<7x128x128xf32, #tpu.memory_space<vmem>> -> memref<1x128x128xf32, #tpu.memory_space<vmem>>
    %dma_wait3A_2248 = tpu.memref_squeeze %dma_wait3A_2247 : memref<1x128x128xf32, #tpu.memory_space<vmem>> -> memref<128x128xf32, #tpu.memory_space<vmem>>
    %dma_wait3A_2249 = arith.constant 0 : i32
    %dma_wait3A_2250 = tpu.memref_slice %arg2[%multiple_of3A_105, %dma_wait3A_2249] : memref<100000x128xf32, #tpu.memory_space<hbm>> -> memref<128x128xf32, #tpu.memory_space<hbm>>
    tpu.wait_dma2 semaphore(%dma_wait3A_2244 : memref<!tpu.dma_semaphore, #tpu.memory_space<semaphore_mem>>) src(%dma_wait3A_2250 : memref<128x128xf32, #tpu.memory_space<hbm>>) dst(%dma_wait3A_2248 : memref<128x128xf32, #tpu.memory_space<vmem>>)
    %dma_start3A_2251 = arith.constant 1 : i32
    %dma_start3A_2252 = arith.constant 8 : i32
    %dma_start3A_2253 = arith.constant 1 : i32
    %dma_start3A_2254 = arith.constant 0 : i32
    %dma_start3A_2255 = arith.constant 0 : i32
    %dma_start3A_2256 = tpu.memref_slice %arg13[%dma_start3A_2251, %dma_start3A_2254, %dma_start3A_2255] : memref<7x128x128xf32, #tpu.memory_space<vmem>> -> memref<1x128x128xf32, #tpu.memory_space<vmem>>
    %dma_start3A_2257 = tpu.memref_squeeze %dma_start3A_2256 : memref<1x128x128xf32, #tpu.memory_space<vmem>> -> memref<128x128xf32, #tpu.memory_space<vmem>>
    %dma_start3A_2258 = arith.constant 0 : i32
    %dma_start3A_2259 = tpu.memref_slice %arg9[%dma_start3A_2252, %dma_start3A_2258] : memref<25x128xi32, #tpu.memory_space<vmem>> -> memref<1x128xi32, #tpu.memory_space<vmem>>
    %dma_start3A_2260 = tpu.memref_squeeze %dma_start3A_2259 : memref<1x128xi32, #tpu.memory_space<vmem>> -> memref<128xi32, #tpu.memory_space<vmem>>
    %dma_start3A_2261 = arith.constant 0 : i32
    %dma_start3A_2262 = arith.constant 0 : i32
    %dma_start3A_2263 = tpu.memref_slice %arg14[%dma_start3A_2261, %dma_start3A_2262] : memref<520x128xf32, #tpu.memory_space<vmem_shared>> -> memref<520x128xf32, #tpu.memory_space<vmem_shared>>
    %dma_start3A_2264 = tpu.memref_slice %arg17[%dma_start3A_2253] : memref<7x!tpu.dma_semaphore, #tpu.memory_space<semaphore_mem>> -> memref<1x!tpu.dma_semaphore, #tpu.memory_space<semaphore_mem>>
    %dma_start3A_2265 = tpu.memref_squeeze %dma_start3A_2264 : memref<1x!tpu.dma_semaphore, #tpu.memory_space<semaphore_mem>> -> memref<!tpu.dma_semaphore, #tpu.memory_space<semaphore_mem>>
    tpu.enqueue_indirect_dma source(%dma_start3A_2257 : memref<128x128xf32, #tpu.memory_space<vmem>>) target(%dma_start3A_2263 : memref<520x128xf32, #tpu.memory_space<vmem_shared>>) offsets(%dma_start3A_2260 : memref<128xi32, #tpu.memory_space<vmem>>) semaphore(%dma_start3A_2265 : memref<!tpu.dma_semaphore, #tpu.memory_space<semaphore_mem>>) {add = true}
    %dma_wait3A_2266 = arith.constant 4 : i32
    %dma_wait3A_2267 = arith.constant 4 : i32
    %dma_wait3A_2268 = arith.constant 4 : i32
    %dma_wait3A_2269 = arith.constant 0 : i32
    %dma_wait3A_2270 = arith.constant 0 : i32
    %dma_wait3A_2271 = tpu.memref_slice %arg13[%dma_wait3A_2266, %dma_wait3A_2269, %dma_wait3A_2270] : memref<7x128x128xf32, #tpu.memory_space<vmem>> -> memref<1x128x128xf32, #tpu.memory_space<vmem>>
    %dma_wait3A_2272 = tpu.memref_squeeze %dma_wait3A_2271 : memref<1x128x128xf32, #tpu.memory_space<vmem>> -> memref<128x128xf32, #tpu.memory_space<vmem>>
    %dma_wait3A_2273 = arith.constant 0 : i32
    %dma_wait3A_2274 = tpu.memref_slice %arg9[%dma_wait3A_2267, %dma_wait3A_2273] : memref<25x128xi32, #tpu.memory_space<vmem>> -> memref<1x128xi32, #tpu.memory_space<vmem>>
    %dma_wait3A_2275 = tpu.memref_squeeze %dma_wait3A_2274 : memref<1x128xi32, #tpu.memory_space<vmem>> -> memref<128xi32, #tpu.memory_space<vmem>>
    %dma_wait3A_2276 = arith.constant 0 : i32
    %dma_wait3A_2277 = arith.constant 0 : i32
    %dma_wait3A_2278 = tpu.memref_slice %arg14[%dma_wait3A_2276, %dma_wait3A_2277] : memref<520x128xf32, #tpu.memory_space<vmem_shared>> -> memref<520x128xf32, #tpu.memory_space<vmem_shared>>
    %dma_wait3A_2279 = tpu.memref_slice %arg17[%dma_wait3A_2268] : memref<7x!tpu.dma_semaphore, #tpu.memory_space<semaphore_mem>> -> memref<1x!tpu.dma_semaphore, #tpu.memory_space<semaphore_mem>>
    %dma_wait3A_2280 = tpu.memref_squeeze %dma_wait3A_2279 : memref<1x!tpu.dma_semaphore, #tpu.memory_space<semaphore_mem>> -> memref<!tpu.dma_semaphore, #tpu.memory_space<semaphore_mem>>
    tpu.wait_indirect_dma semaphore(%dma_wait3A_2280 : memref<!tpu.dma_semaphore, #tpu.memory_space<semaphore_mem>>) src(%dma_wait3A_2272 : memref<128x128xf32, #tpu.memory_space<vmem>>) dst(%dma_wait3A_2278 : memref<520x128xf32, #tpu.memory_space<vmem_shared>>)
    %dma_start3A_2281 = arith.constant 4 : i32
    %dma_start3A_2282 = arith.constant 4 : i32
    %dma_start3A_2283 = arith.constant 0 : i32
    %dma_start3A_2284 = arith.constant 0 : i32
    %dma_start3A_2285 = tpu.memref_slice %arg13[%dma_start3A_2281, %dma_start3A_2283, %dma_start3A_2284] : memref<7x128x128xf32, #tpu.memory_space<vmem>> -> memref<1x128x128xf32, #tpu.memory_space<vmem>>
    %dma_start3A_2286 = tpu.memref_squeeze %dma_start3A_2285 : memref<1x128x128xf32, #tpu.memory_space<vmem>> -> memref<128x128xf32, #tpu.memory_space<vmem>>
    %dma_start3A_2287 = arith.constant 0 : i32
    %dma_start3A_2288 = tpu.memref_slice %arg2[%multiple_of3A_141, %dma_start3A_2287] : memref<100000x128xf32, #tpu.memory_space<hbm>> -> memref<128x128xf32, #tpu.memory_space<hbm>>
    %dma_start3A_2289 = tpu.memref_slice %arg16[%dma_start3A_2282] : memref<7x!tpu.dma_semaphore, #tpu.memory_space<semaphore_mem>> -> memref<1x!tpu.dma_semaphore, #tpu.memory_space<semaphore_mem>>
    %dma_start3A_2290 = tpu.memref_squeeze %dma_start3A_2289 : memref<1x!tpu.dma_semaphore, #tpu.memory_space<semaphore_mem>> -> memref<!tpu.dma_semaphore, #tpu.memory_space<semaphore_mem>>
    %dma_start3A_2291 = arith.constant 0 : i32
    %dma_start3A_2292 = arith.constant 0 : i32
    %dma_start3A_2293 = tpu.memref_slice %arg13[%dma_start3A_2281, %dma_start3A_2291, %dma_start3A_2292] : memref<7x128x128xf32, #tpu.memory_space<vmem>> -> memref<1x128x128xf32, #tpu.memory_space<vmem>>
    %dma_start3A_2294 = tpu.memref_squeeze %dma_start3A_2293 : memref<1x128x128xf32, #tpu.memory_space<vmem>> -> memref<128x128xf32, #tpu.memory_space<vmem>>
    %dma_start3A_2295 = arith.constant 0 : i32
    %dma_start3A_2296 = tpu.memref_slice %arg2[%multiple_of3A_141, %dma_start3A_2295] : memref<100000x128xf32, #tpu.memory_space<hbm>> -> memref<128x128xf32, #tpu.memory_space<hbm>>
    tpu.enqueue_dma source(%dma_start3A_2296 : memref<128x128xf32, #tpu.memory_space<hbm>>) target(%dma_start3A_2294 : memref<128x128xf32, #tpu.memory_space<vmem>>) target_semaphore(%dma_start3A_2290 : memref<!tpu.dma_semaphore, #tpu.memory_space<semaphore_mem>>)
    %dma_wait3A_2297 = arith.constant 2 : i32
    %dma_wait3A_2298 = arith.constant 2 : i32
    %dma_wait3A_2299 = arith.constant 0 : i32
    %dma_wait3A_2300 = arith.constant 0 : i32
    %dma_wait3A_2301 = tpu.memref_slice %arg13[%dma_wait3A_2297, %dma_wait3A_2299, %dma_wait3A_2300] : memref<7x128x128xf32, #tpu.memory_space<vmem>> -> memref<1x128x128xf32, #tpu.memory_space<vmem>>
    %dma_wait3A_2302 = tpu.memref_squeeze %dma_wait3A_2301 : memref<1x128x128xf32, #tpu.memory_space<vmem>> -> memref<128x128xf32, #tpu.memory_space<vmem>>
    %dma_wait3A_2303 = arith.constant 0 : i32
    %dma_wait3A_2304 = tpu.memref_slice %arg2[%multiple_of3A_117, %dma_wait3A_2303] : memref<100000x128xf32, #tpu.memory_space<hbm>> -> memref<128x128xf32, #tpu.memory_space<hbm>>
    %dma_wait3A_2305 = tpu.memref_slice %arg16[%dma_wait3A_2298] : memref<7x!tpu.dma_semaphore, #tpu.memory_space<semaphore_mem>> -> memref<1x!tpu.dma_semaphore, #tpu.memory_space<semaphore_mem>>
    %dma_wait3A_2306 = tpu.memref_squeeze %dma_wait3A_2305 : memref<1x!tpu.dma_semaphore, #tpu.memory_space<semaphore_mem>> -> memref<!tpu.dma_semaphore, #tpu.memory_space<semaphore_mem>>
    %dma_wait3A_2307 = arith.constant 0 : i32
    %dma_wait3A_2308 = arith.constant 0 : i32
    %dma_wait3A_2309 = tpu.memref_slice %arg13[%dma_wait3A_2297, %dma_wait3A_2307, %dma_wait3A_2308] : memref<7x128x128xf32, #tpu.memory_space<vmem>> -> memref<1x128x128xf32, #tpu.memory_space<vmem>>
    %dma_wait3A_2310 = tpu.memref_squeeze %dma_wait3A_2309 : memref<1x128x128xf32, #tpu.memory_space<vmem>> -> memref<128x128xf32, #tpu.memory_space<vmem>>
    %dma_wait3A_2311 = arith.constant 0 : i32
    %dma_wait3A_2312 = tpu.memref_slice %arg2[%multiple_of3A_117, %dma_wait3A_2311] : memref<100000x128xf32, #tpu.memory_space<hbm>> -> memref<128x128xf32, #tpu.memory_space<hbm>>
    tpu.wait_dma2 semaphore(%dma_wait3A_2306 : memref<!tpu.dma_semaphore, #tpu.memory_space<semaphore_mem>>) src(%dma_wait3A_2312 : memref<128x128xf32, #tpu.memory_space<hbm>>) dst(%dma_wait3A_2310 : memref<128x128xf32, #tpu.memory_space<vmem>>)
    %dma_start3A_2313 = arith.constant 2 : i32
    %dma_start3A_2314 = arith.constant 9 : i32
    %dma_start3A_2315 = arith.constant 2 : i32
    %dma_start3A_2316 = arith.constant 0 : i32
    %dma_start3A_2317 = arith.constant 0 : i32
    %dma_start3A_2318 = tpu.memref_slice %arg13[%dma_start3A_2313, %dma_start3A_2316, %dma_start3A_2317] : memref<7x128x128xf32, #tpu.memory_space<vmem>> -> memref<1x128x128xf32, #tpu.memory_space<vmem>>
    %dma_start3A_2319 = tpu.memref_squeeze %dma_start3A_2318 : memref<1x128x128xf32, #tpu.memory_space<vmem>> -> memref<128x128xf32, #tpu.memory_space<vmem>>
    %dma_start3A_2320 = arith.constant 0 : i32
    %dma_start3A_2321 = tpu.memref_slice %arg9[%dma_start3A_2314, %dma_start3A_2320] : memref<25x128xi32, #tpu.memory_space<vmem>> -> memref<1x128xi32, #tpu.memory_space<vmem>>
    %dma_start3A_2322 = tpu.memref_squeeze %dma_start3A_2321 : memref<1x128xi32, #tpu.memory_space<vmem>> -> memref<128xi32, #tpu.memory_space<vmem>>
    %dma_start3A_2323 = arith.constant 0 : i32
    %dma_start3A_2324 = arith.constant 0 : i32
    %dma_start3A_2325 = tpu.memref_slice %arg14[%dma_start3A_2323, %dma_start3A_2324] : memref<520x128xf32, #tpu.memory_space<vmem_shared>> -> memref<520x128xf32, #tpu.memory_space<vmem_shared>>
    %dma_start3A_2326 = tpu.memref_slice %arg17[%dma_start3A_2315] : memref<7x!tpu.dma_semaphore, #tpu.memory_space<semaphore_mem>> -> memref<1x!tpu.dma_semaphore, #tpu.memory_space<semaphore_mem>>
    %dma_start3A_2327 = tpu.memref_squeeze %dma_start3A_2326 : memref<1x!tpu.dma_semaphore, #tpu.memory_space<semaphore_mem>> -> memref<!tpu.dma_semaphore, #tpu.memory_space<semaphore_mem>>
    tpu.enqueue_indirect_dma source(%dma_start3A_2319 : memref<128x128xf32, #tpu.memory_space<vmem>>) target(%dma_start3A_2325 : memref<520x128xf32, #tpu.memory_space<vmem_shared>>) offsets(%dma_start3A_2322 : memref<128xi32, #tpu.memory_space<vmem>>) semaphore(%dma_start3A_2327 : memref<!tpu.dma_semaphore, #tpu.memory_space<semaphore_mem>>) {add = true}
    %dma_wait3A_2328 = arith.constant 5 : i32
    %dma_wait3A_2329 = arith.constant 5 : i32
    %dma_wait3A_2330 = arith.constant 5 : i32
    %dma_wait3A_2331 = arith.constant 0 : i32
    %dma_wait3A_2332 = arith.constant 0 : i32
    %dma_wait3A_2333 = tpu.memref_slice %arg13[%dma_wait3A_2328, %dma_wait3A_2331, %dma_wait3A_2332] : memref<7x128x128xf32, #tpu.memory_space<vmem>> -> memref<1x128x128xf32, #tpu.memory_space<vmem>>
    %dma_wait3A_2334 = tpu.memref_squeeze %dma_wait3A_2333 : memref<1x128x128xf32, #tpu.memory_space<vmem>> -> memref<128x128xf32, #tpu.memory_space<vmem>>
    %dma_wait3A_2335 = arith.constant 0 : i32
    %dma_wait3A_2336 = tpu.memref_slice %arg9[%dma_wait3A_2329, %dma_wait3A_2335] : memref<25x128xi32, #tpu.memory_space<vmem>> -> memref<1x128xi32, #tpu.memory_space<vmem>>
    %dma_wait3A_2337 = tpu.memref_squeeze %dma_wait3A_2336 : memref<1x128xi32, #tpu.memory_space<vmem>> -> memref<128xi32, #tpu.memory_space<vmem>>
    %dma_wait3A_2338 = arith.constant 0 : i32
    %dma_wait3A_2339 = arith.constant 0 : i32
    %dma_wait3A_2340 = tpu.memref_slice %arg14[%dma_wait3A_2338, %dma_wait3A_2339] : memref<520x128xf32, #tpu.memory_space<vmem_shared>> -> memref<520x128xf32, #tpu.memory_space<vmem_shared>>
    %dma_wait3A_2341 = tpu.memref_slice %arg17[%dma_wait3A_2330] : memref<7x!tpu.dma_semaphore, #tpu.memory_space<semaphore_mem>> -> memref<1x!tpu.dma_semaphore, #tpu.memory_space<semaphore_mem>>
    %dma_wait3A_2342 = tpu.memref_squeeze %dma_wait3A_2341 : memref<1x!tpu.dma_semaphore, #tpu.memory_space<semaphore_mem>> -> memref<!tpu.dma_semaphore, #tpu.memory_space<semaphore_mem>>
    tpu.wait_indirect_dma semaphore(%dma_wait3A_2342 : memref<!tpu.dma_semaphore, #tpu.memory_space<semaphore_mem>>) src(%dma_wait3A_2334 : memref<128x128xf32, #tpu.memory_space<vmem>>) dst(%dma_wait3A_2340 : memref<520x128xf32, #tpu.memory_space<vmem_shared>>)
    %dma_start3A_2343 = arith.constant 5 : i32
    %dma_start3A_2344 = arith.constant 5 : i32
    %dma_start3A_2345 = arith.constant 0 : i32
    %dma_start3A_2346 = arith.constant 0 : i32
    %dma_start3A_2347 = tpu.memref_slice %arg13[%dma_start3A_2343, %dma_start3A_2345, %dma_start3A_2346] : memref<7x128x128xf32, #tpu.memory_space<vmem>> -> memref<1x128x128xf32, #tpu.memory_space<vmem>>
    %dma_start3A_2348 = tpu.memref_squeeze %dma_start3A_2347 : memref<1x128x128xf32, #tpu.memory_space<vmem>> -> memref<128x128xf32, #tpu.memory_space<vmem>>
    %dma_start3A_2349 = arith.constant 0 : i32
    %dma_start3A_2350 = tpu.memref_slice %arg2[%multiple_of3A_153, %dma_start3A_2349] : memref<100000x128xf32, #tpu.memory_space<hbm>> -> memref<128x128xf32, #tpu.memory_space<hbm>>
    %dma_start3A_2351 = tpu.memref_slice %arg16[%dma_start3A_2344] : memref<7x!tpu.dma_semaphore, #tpu.memory_space<semaphore_mem>> -> memref<1x!tpu.dma_semaphore, #tpu.memory_space<semaphore_mem>>
    %dma_start3A_2352 = tpu.memref_squeeze %dma_start3A_2351 : memref<1x!tpu.dma_semaphore, #tpu.memory_space<semaphore_mem>> -> memref<!tpu.dma_semaphore, #tpu.memory_space<semaphore_mem>>
    %dma_start3A_2353 = arith.constant 0 : i32
    %dma_start3A_2354 = arith.constant 0 : i32
    %dma_start3A_2355 = tpu.memref_slice %arg13[%dma_start3A_2343, %dma_start3A_2353, %dma_start3A_2354] : memref<7x128x128xf32, #tpu.memory_space<vmem>> -> memref<1x128x128xf32, #tpu.memory_space<vmem>>
    %dma_start3A_2356 = tpu.memref_squeeze %dma_start3A_2355 : memref<1x128x128xf32, #tpu.memory_space<vmem>> -> memref<128x128xf32, #tpu.memory_space<vmem>>
    %dma_start3A_2357 = arith.constant 0 : i32
    %dma_start3A_2358 = tpu.memref_slice %arg2[%multiple_of3A_153, %dma_start3A_2357] : memref<100000x128xf32, #tpu.memory_space<hbm>> -> memref<128x128xf32, #tpu.memory_space<hbm>>
    tpu.enqueue_dma source(%dma_start3A_2358 : memref<128x128xf32, #tpu.memory_space<hbm>>) target(%dma_start3A_2356 : memref<128x128xf32, #tpu.memory_space<vmem>>) target_semaphore(%dma_start3A_2352 : memref<!tpu.dma_semaphore, #tpu.memory_space<semaphore_mem>>)
    %dma_wait3A_2359 = arith.constant 3 : i32
    %dma_wait3A_2360 = arith.constant 3 : i32
    %dma_wait3A_2361 = arith.constant 0 : i32
    %dma_wait3A_2362 = arith.constant 0 : i32
    %dma_wait3A_2363 = tpu.memref_slice %arg13[%dma_wait3A_2359, %dma_wait3A_2361, %dma_wait3A_2362] : memref<7x128x128xf32, #tpu.memory_space<vmem>> -> memref<1x128x128xf32, #tpu.memory_space<vmem>>
    %dma_wait3A_2364 = tpu.memref_squeeze %dma_wait3A_2363 : memref<1x128x128xf32, #tpu.memory_space<vmem>> -> memref<128x128xf32, #tpu.memory_space<vmem>>
    %dma_wait3A_2365 = arith.constant 0 : i32
    %dma_wait3A_2366 = tpu.memref_slice %arg2[%multiple_of3A_129, %dma_wait3A_2365] : memref<100000x128xf32, #tpu.memory_space<hbm>> -> memref<128x128xf32, #tpu.memory_space<hbm>>
    %dma_wait3A_2367 = tpu.memref_slice %arg16[%dma_wait3A_2360] : memref<7x!tpu.dma_semaphore, #tpu.memory_space<semaphore_mem>> -> memref<1x!tpu.dma_semaphore, #tpu.memory_space<semaphore_mem>>
    %dma_wait3A_2368 = tpu.memref_squeeze %dma_wait3A_2367 : memref<1x!tpu.dma_semaphore, #tpu.memory_space<semaphore_mem>> -> memref<!tpu.dma_semaphore, #tpu.memory_space<semaphore_mem>>
    %dma_wait3A_2369 = arith.constant 0 : i32
    %dma_wait3A_2370 = arith.constant 0 : i32
    %dma_wait3A_2371 = tpu.memref_slice %arg13[%dma_wait3A_2359, %dma_wait3A_2369, %dma_wait3A_2370] : memref<7x128x128xf32, #tpu.memory_space<vmem>> -> memref<1x128x128xf32, #tpu.memory_space<vmem>>
    %dma_wait3A_2372 = tpu.memref_squeeze %dma_wait3A_2371 : memref<1x128x128xf32, #tpu.memory_space<vmem>> -> memref<128x128xf32, #tpu.memory_space<vmem>>
    %dma_wait3A_2373 = arith.constant 0 : i32
    %dma_wait3A_2374 = tpu.memref_slice %arg2[%multiple_of3A_129, %dma_wait3A_2373] : memref<100000x128xf32, #tpu.memory_space<hbm>> -> memref<128x128xf32, #tpu.memory_space<hbm>>
    tpu.wait_dma2 semaphore(%dma_wait3A_2368 : memref<!tpu.dma_semaphore, #tpu.memory_space<semaphore_mem>>) src(%dma_wait3A_2374 : memref<128x128xf32, #tpu.memory_space<hbm>>) dst(%dma_wait3A_2372 : memref<128x128xf32, #tpu.memory_space<vmem>>)
    %dma_start3A_2375 = arith.constant 3 : i32
    %dma_start3A_2376 = arith.constant 10 : i32
    %dma_start3A_2377 = arith.constant 3 : i32
    %dma_start3A_2378 = arith.constant 0 : i32
    %dma_start3A_2379 = arith.constant 0 : i32
    %dma_start3A_2380 = tpu.memref_slice %arg13[%dma_start3A_2375, %dma_start3A_2378, %dma_start3A_2379] : memref<7x128x128xf32, #tpu.memory_space<vmem>> -> memref<1x128x128xf32, #tpu.memory_space<vmem>>
    %dma_start3A_2381 = tpu.memref_squeeze %dma_start3A_2380 : memref<1x128x128xf32, #tpu.memory_space<vmem>> -> memref<128x128xf32, #tpu.memory_space<vmem>>
    %dma_start3A_2382 = arith.constant 0 : i32
    %dma_start3A_2383 = tpu.memref_slice %arg9[%dma_start3A_2376, %dma_start3A_2382] : memref<25x128xi32, #tpu.memory_space<vmem>> -> memref<1x128xi32, #tpu.memory_space<vmem>>
    %dma_start3A_2384 = tpu.memref_squeeze %dma_start3A_2383 : memref<1x128xi32, #tpu.memory_space<vmem>> -> memref<128xi32, #tpu.memory_space<vmem>>
    %dma_start3A_2385 = arith.constant 0 : i32
    %dma_start3A_2386 = arith.constant 0 : i32
    %dma_start3A_2387 = tpu.memref_slice %arg14[%dma_start3A_2385, %dma_start3A_2386] : memref<520x128xf32, #tpu.memory_space<vmem_shared>> -> memref<520x128xf32, #tpu.memory_space<vmem_shared>>
    %dma_start3A_2388 = tpu.memref_slice %arg17[%dma_start3A_2377] : memref<7x!tpu.dma_semaphore, #tpu.memory_space<semaphore_mem>> -> memref<1x!tpu.dma_semaphore, #tpu.memory_space<semaphore_mem>>
    %dma_start3A_2389 = tpu.memref_squeeze %dma_start3A_2388 : memref<1x!tpu.dma_semaphore, #tpu.memory_space<semaphore_mem>> -> memref<!tpu.dma_semaphore, #tpu.memory_space<semaphore_mem>>
    tpu.enqueue_indirect_dma source(%dma_start3A_2381 : memref<128x128xf32, #tpu.memory_space<vmem>>) target(%dma_start3A_2387 : memref<520x128xf32, #tpu.memory_space<vmem_shared>>) offsets(%dma_start3A_2384 : memref<128xi32, #tpu.memory_space<vmem>>) semaphore(%dma_start3A_2389 : memref<!tpu.dma_semaphore, #tpu.memory_space<semaphore_mem>>) {add = true}
    %dma_wait3A_2390 = arith.constant 6 : i32
    %dma_wait3A_2391 = arith.constant 6 : i32
    %dma_wait3A_2392 = arith.constant 6 : i32
    %dma_wait3A_2393 = arith.constant 0 : i32
    %dma_wait3A_2394 = arith.constant 0 : i32
    %dma_wait3A_2395 = tpu.memref_slice %arg13[%dma_wait3A_2390, %dma_wait3A_2393, %dma_wait3A_2394] : memref<7x128x128xf32, #tpu.memory_space<vmem>> -> memref<1x128x128xf32, #tpu.memory_space<vmem>>
    %dma_wait3A_2396 = tpu.memref_squeeze %dma_wait3A_2395 : memref<1x128x128xf32, #tpu.memory_space<vmem>> -> memref<128x128xf32, #tpu.memory_space<vmem>>
    %dma_wait3A_2397 = arith.constant 0 : i32
    %dma_wait3A_2398 = tpu.memref_slice %arg9[%dma_wait3A_2391, %dma_wait3A_2397] : memref<25x128xi32, #tpu.memory_space<vmem>> -> memref<1x128xi32, #tpu.memory_space<vmem>>
    %dma_wait3A_2399 = tpu.memref_squeeze %dma_wait3A_2398 : memref<1x128xi32, #tpu.memory_space<vmem>> -> memref<128xi32, #tpu.memory_space<vmem>>
    %dma_wait3A_2400 = arith.constant 0 : i32
    %dma_wait3A_2401 = arith.constant 0 : i32
    %dma_wait3A_2402 = tpu.memref_slice %arg14[%dma_wait3A_2400, %dma_wait3A_2401] : memref<520x128xf32, #tpu.memory_space<vmem_shared>> -> memref<520x128xf32, #tpu.memory_space<vmem_shared>>
    %dma_wait3A_2403 = tpu.memref_slice %arg17[%dma_wait3A_2392] : memref<7x!tpu.dma_semaphore, #tpu.memory_space<semaphore_mem>> -> memref<1x!tpu.dma_semaphore, #tpu.memory_space<semaphore_mem>>
    %dma_wait3A_2404 = tpu.memref_squeeze %dma_wait3A_2403 : memref<1x!tpu.dma_semaphore, #tpu.memory_space<semaphore_mem>> -> memref<!tpu.dma_semaphore, #tpu.memory_space<semaphore_mem>>
    tpu.wait_indirect_dma semaphore(%dma_wait3A_2404 : memref<!tpu.dma_semaphore, #tpu.memory_space<semaphore_mem>>) src(%dma_wait3A_2396 : memref<128x128xf32, #tpu.memory_space<vmem>>) dst(%dma_wait3A_2402 : memref<520x128xf32, #tpu.memory_space<vmem_shared>>)
    %dma_start3A_2405 = arith.constant 6 : i32
    %dma_start3A_2406 = arith.constant 6 : i32
    %dma_start3A_2407 = arith.constant 0 : i32
    %dma_start3A_2408 = arith.constant 0 : i32
    %dma_start3A_2409 = tpu.memref_slice %arg13[%dma_start3A_2405, %dma_start3A_2407, %dma_start3A_2408] : memref<7x128x128xf32, #tpu.memory_space<vmem>> -> memref<1x128x128xf32, #tpu.memory_space<vmem>>
    %dma_start3A_2410 = tpu.memref_squeeze %dma_start3A_2409 : memref<1x128x128xf32, #tpu.memory_space<vmem>> -> memref<128x128xf32, #tpu.memory_space<vmem>>
    %dma_start3A_2411 = arith.constant 0 : i32
    %dma_start3A_2412 = tpu.memref_slice %arg2[%multiple_of3A_165, %dma_start3A_2411] : memref<100000x128xf32, #tpu.memory_space<hbm>> -> memref<128x128xf32, #tpu.memory_space<hbm>>
    %dma_start3A_2413 = tpu.memref_slice %arg16[%dma_start3A_2406] : memref<7x!tpu.dma_semaphore, #tpu.memory_space<semaphore_mem>> -> memref<1x!tpu.dma_semaphore, #tpu.memory_space<semaphore_mem>>
    %dma_start3A_2414 = tpu.memref_squeeze %dma_start3A_2413 : memref<1x!tpu.dma_semaphore, #tpu.memory_space<semaphore_mem>> -> memref<!tpu.dma_semaphore, #tpu.memory_space<semaphore_mem>>
    %dma_start3A_2415 = arith.constant 0 : i32
    %dma_start3A_2416 = arith.constant 0 : i32
    %dma_start3A_2417 = tpu.memref_slice %arg13[%dma_start3A_2405, %dma_start3A_2415, %dma_start3A_2416] : memref<7x128x128xf32, #tpu.memory_space<vmem>> -> memref<1x128x128xf32, #tpu.memory_space<vmem>>
    %dma_start3A_2418 = tpu.memref_squeeze %dma_start3A_2417 : memref<1x128x128xf32, #tpu.memory_space<vmem>> -> memref<128x128xf32, #tpu.memory_space<vmem>>
    %dma_start3A_2419 = arith.constant 0 : i32
    %dma_start3A_2420 = tpu.memref_slice %arg2[%multiple_of3A_165, %dma_start3A_2419] : memref<100000x128xf32, #tpu.memory_space<hbm>> -> memref<128x128xf32, #tpu.memory_space<hbm>>
    tpu.enqueue_dma source(%dma_start3A_2420 : memref<128x128xf32, #tpu.memory_space<hbm>>) target(%dma_start3A_2418 : memref<128x128xf32, #tpu.memory_space<vmem>>) target_semaphore(%dma_start3A_2414 : memref<!tpu.dma_semaphore, #tpu.memory_space<semaphore_mem>>)
    %dma_wait3A_2421 = arith.constant 4 : i32
    %dma_wait3A_2422 = arith.constant 4 : i32
    %dma_wait3A_2423 = arith.constant 0 : i32
    %dma_wait3A_2424 = arith.constant 0 : i32
    %dma_wait3A_2425 = tpu.memref_slice %arg13[%dma_wait3A_2421, %dma_wait3A_2423, %dma_wait3A_2424] : memref<7x128x128xf32, #tpu.memory_space<vmem>> -> memref<1x128x128xf32, #tpu.memory_space<vmem>>
    %dma_wait3A_2426 = tpu.memref_squeeze %dma_wait3A_2425 : memref<1x128x128xf32, #tpu.memory_space<vmem>> -> memref<128x128xf32, #tpu.memory_space<vmem>>
    %dma_wait3A_2427 = arith.constant 0 : i32
    %dma_wait3A_2428 = tpu.memref_slice %arg2[%multiple_of3A_141, %dma_wait3A_2427] : memref<100000x128xf32, #tpu.memory_space<hbm>> -> memref<128x128xf32, #tpu.memory_space<hbm>>
    %dma_wait3A_2429 = tpu.memref_slice %arg16[%dma_wait3A_2422] : memref<7x!tpu.dma_semaphore, #tpu.memory_space<semaphore_mem>> -> memref<1x!tpu.dma_semaphore, #tpu.memory_space<semaphore_mem>>
    %dma_wait3A_2430 = tpu.memref_squeeze %dma_wait3A_2429 : memref<1x!tpu.dma_semaphore, #tpu.memory_space<semaphore_mem>> -> memref<!tpu.dma_semaphore, #tpu.memory_space<semaphore_mem>>
    %dma_wait3A_2431 = arith.constant 0 : i32
    %dma_wait3A_2432 = arith.constant 0 : i32
    %dma_wait3A_2433 = tpu.memref_slice %arg13[%dma_wait3A_2421, %dma_wait3A_2431, %dma_wait3A_2432] : memref<7x128x128xf32, #tpu.memory_space<vmem>> -> memref<1x128x128xf32, #tpu.memory_space<vmem>>
    %dma_wait3A_2434 = tpu.memref_squeeze %dma_wait3A_2433 : memref<1x128x128xf32, #tpu.memory_space<vmem>> -> memref<128x128xf32, #tpu.memory_space<vmem>>
    %dma_wait3A_2435 = arith.constant 0 : i32
    %dma_wait3A_2436 = tpu.memref_slice %arg2[%multiple_of3A_141, %dma_wait3A_2435] : memref<100000x128xf32, #tpu.memory_space<hbm>> -> memref<128x128xf32, #tpu.memory_space<hbm>>
    tpu.wait_dma2 semaphore(%dma_wait3A_2430 : memref<!tpu.dma_semaphore, #tpu.memory_space<semaphore_mem>>) src(%dma_wait3A_2436 : memref<128x128xf32, #tpu.memory_space<hbm>>) dst(%dma_wait3A_2434 : memref<128x128xf32, #tpu.memory_space<vmem>>)
    %dma_start3A_2437 = arith.constant 4 : i32
    %dma_start3A_2438 = arith.constant 11 : i32
    %dma_start3A_2439 = arith.constant 4 : i32
    %dma_start3A_2440 = arith.constant 0 : i32
    %dma_start3A_2441 = arith.constant 0 : i32
    %dma_start3A_2442 = tpu.memref_slice %arg13[%dma_start3A_2437, %dma_start3A_2440, %dma_start3A_2441] : memref<7x128x128xf32, #tpu.memory_space<vmem>> -> memref<1x128x128xf32, #tpu.memory_space<vmem>>
    %dma_start3A_2443 = tpu.memref_squeeze %dma_start3A_2442 : memref<1x128x128xf32, #tpu.memory_space<vmem>> -> memref<128x128xf32, #tpu.memory_space<vmem>>
    %dma_start3A_2444 = arith.constant 0 : i32
    %dma_start3A_2445 = tpu.memref_slice %arg9[%dma_start3A_2438, %dma_start3A_2444] : memref<25x128xi32, #tpu.memory_space<vmem>> -> memref<1x128xi32, #tpu.memory_space<vmem>>
    %dma_start3A_2446 = tpu.memref_squeeze %dma_start3A_2445 : memref<1x128xi32, #tpu.memory_space<vmem>> -> memref<128xi32, #tpu.memory_space<vmem>>
    %dma_start3A_2447 = arith.constant 0 : i32
    %dma_start3A_2448 = arith.constant 0 : i32
    %dma_start3A_2449 = tpu.memref_slice %arg14[%dma_start3A_2447, %dma_start3A_2448] : memref<520x128xf32, #tpu.memory_space<vmem_shared>> -> memref<520x128xf32, #tpu.memory_space<vmem_shared>>
    %dma_start3A_2450 = tpu.memref_slice %arg17[%dma_start3A_2439] : memref<7x!tpu.dma_semaphore, #tpu.memory_space<semaphore_mem>> -> memref<1x!tpu.dma_semaphore, #tpu.memory_space<semaphore_mem>>
    %dma_start3A_2451 = tpu.memref_squeeze %dma_start3A_2450 : memref<1x!tpu.dma_semaphore, #tpu.memory_space<semaphore_mem>> -> memref<!tpu.dma_semaphore, #tpu.memory_space<semaphore_mem>>
    tpu.enqueue_indirect_dma source(%dma_start3A_2443 : memref<128x128xf32, #tpu.memory_space<vmem>>) target(%dma_start3A_2449 : memref<520x128xf32, #tpu.memory_space<vmem_shared>>) offsets(%dma_start3A_2446 : memref<128xi32, #tpu.memory_space<vmem>>) semaphore(%dma_start3A_2451 : memref<!tpu.dma_semaphore, #tpu.memory_space<semaphore_mem>>) {add = true}
    %dma_wait3A_2452 = arith.constant 0 : i32
    %dma_wait3A_2453 = arith.constant 7 : i32
    %dma_wait3A_2454 = arith.constant 0 : i32
    %dma_wait3A_2455 = arith.constant 0 : i32
    %dma_wait3A_2456 = arith.constant 0 : i32
    %dma_wait3A_2457 = tpu.memref_slice %arg13[%dma_wait3A_2452, %dma_wait3A_2455, %dma_wait3A_2456] : memref<7x128x128xf32, #tpu.memory_space<vmem>> -> memref<1x128x128xf32, #tpu.memory_space<vmem>>
    %dma_wait3A_2458 = tpu.memref_squeeze %dma_wait3A_2457 : memref<1x128x128xf32, #tpu.memory_space<vmem>> -> memref<128x128xf32, #tpu.memory_space<vmem>>
    %dma_wait3A_2459 = arith.constant 0 : i32
    %dma_wait3A_2460 = tpu.memref_slice %arg9[%dma_wait3A_2453, %dma_wait3A_2459] : memref<25x128xi32, #tpu.memory_space<vmem>> -> memref<1x128xi32, #tpu.memory_space<vmem>>
    %dma_wait3A_2461 = tpu.memref_squeeze %dma_wait3A_2460 : memref<1x128xi32, #tpu.memory_space<vmem>> -> memref<128xi32, #tpu.memory_space<vmem>>
    %dma_wait3A_2462 = arith.constant 0 : i32
    %dma_wait3A_2463 = arith.constant 0 : i32
    %dma_wait3A_2464 = tpu.memref_slice %arg14[%dma_wait3A_2462, %dma_wait3A_2463] : memref<520x128xf32, #tpu.memory_space<vmem_shared>> -> memref<520x128xf32, #tpu.memory_space<vmem_shared>>
    %dma_wait3A_2465 = tpu.memref_slice %arg17[%dma_wait3A_2454] : memref<7x!tpu.dma_semaphore, #tpu.memory_space<semaphore_mem>> -> memref<1x!tpu.dma_semaphore, #tpu.memory_space<semaphore_mem>>
    %dma_wait3A_2466 = tpu.memref_squeeze %dma_wait3A_2465 : memref<1x!tpu.dma_semaphore, #tpu.memory_space<semaphore_mem>> -> memref<!tpu.dma_semaphore, #tpu.memory_space<semaphore_mem>>
    tpu.wait_indirect_dma semaphore(%dma_wait3A_2466 : memref<!tpu.dma_semaphore, #tpu.memory_space<semaphore_mem>>) src(%dma_wait3A_2458 : memref<128x128xf32, #tpu.memory_space<vmem>>) dst(%dma_wait3A_2464 : memref<520x128xf32, #tpu.memory_space<vmem_shared>>)
    %dma_start3A_2467 = arith.constant 0 : i32
    %dma_start3A_2468 = arith.constant 0 : i32
    %dma_start3A_2469 = arith.constant 0 : i32
    %dma_start3A_2470 = arith.constant 0 : i32
    %dma_start3A_2471 = tpu.memref_slice %arg13[%dma_start3A_2467, %dma_start3A_2469, %dma_start3A_2470] : memref<7x128x128xf32, #tpu.memory_space<vmem>> -> memref<1x128x128xf32, #tpu.memory_space<vmem>>
    %dma_start3A_2472 = tpu.memref_squeeze %dma_start3A_2471 : memref<1x128x128xf32, #tpu.memory_space<vmem>> -> memref<128x128xf32, #tpu.memory_space<vmem>>
    %dma_start3A_2473 = arith.constant 0 : i32
    %dma_start3A_2474 = tpu.memref_slice %arg2[%multiple_of3A_177, %dma_start3A_2473] : memref<100000x128xf32, #tpu.memory_space<hbm>> -> memref<128x128xf32, #tpu.memory_space<hbm>>
    %dma_start3A_2475 = tpu.memref_slice %arg16[%dma_start3A_2468] : memref<7x!tpu.dma_semaphore, #tpu.memory_space<semaphore_mem>> -> memref<1x!tpu.dma_semaphore, #tpu.memory_space<semaphore_mem>>
    %dma_start3A_2476 = tpu.memref_squeeze %dma_start3A_2475 : memref<1x!tpu.dma_semaphore, #tpu.memory_space<semaphore_mem>> -> memref<!tpu.dma_semaphore, #tpu.memory_space<semaphore_mem>>
    %dma_start3A_2477 = arith.constant 0 : i32
    %dma_start3A_2478 = arith.constant 0 : i32
    %dma_start3A_2479 = tpu.memref_slice %arg13[%dma_start3A_2467, %dma_start3A_2477, %dma_start3A_2478] : memref<7x128x128xf32, #tpu.memory_space<vmem>> -> memref<1x128x128xf32, #tpu.memory_space<vmem>>
    %dma_start3A_2480 = tpu.memref_squeeze %dma_start3A_2479 : memref<1x128x128xf32, #tpu.memory_space<vmem>> -> memref<128x128xf32, #tpu.memory_space<vmem>>
    %dma_start3A_2481 = arith.constant 0 : i32
    %dma_start3A_2482 = tpu.memref_slice %arg2[%multiple_of3A_177, %dma_start3A_2481] : memref<100000x128xf32, #tpu.memory_space<hbm>> -> memref<128x128xf32, #tpu.memory_space<hbm>>
    tpu.enqueue_dma source(%dma_start3A_2482 : memref<128x128xf32, #tpu.memory_space<hbm>>) target(%dma_start3A_2480 : memref<128x128xf32, #tpu.memory_space<vmem>>) target_semaphore(%dma_start3A_2476 : memref<!tpu.dma_semaphore, #tpu.memory_space<semaphore_mem>>)
    %dma_wait3A_2483 = arith.constant 5 : i32
    %dma_wait3A_2484 = arith.constant 5 : i32
    %dma_wait3A_2485 = arith.constant 0 : i32
    %dma_wait3A_2486 = arith.constant 0 : i32
    %dma_wait3A_2487 = tpu.memref_slice %arg13[%dma_wait3A_2483, %dma_wait3A_2485, %dma_wait3A_2486] : memref<7x128x128xf32, #tpu.memory_space<vmem>> -> memref<1x128x128xf32, #tpu.memory_space<vmem>>
    %dma_wait3A_2488 = tpu.memref_squeeze %dma_wait3A_2487 : memref<1x128x128xf32, #tpu.memory_space<vmem>> -> memref<128x128xf32, #tpu.memory_space<vmem>>
    %dma_wait3A_2489 = arith.constant 0 : i32
    %dma_wait3A_2490 = tpu.memref_slice %arg2[%multiple_of3A_153, %dma_wait3A_2489] : memref<100000x128xf32, #tpu.memory_space<hbm>> -> memref<128x128xf32, #tpu.memory_space<hbm>>
    %dma_wait3A_2491 = tpu.memref_slice %arg16[%dma_wait3A_2484] : memref<7x!tpu.dma_semaphore, #tpu.memory_space<semaphore_mem>> -> memref<1x!tpu.dma_semaphore, #tpu.memory_space<semaphore_mem>>
    %dma_wait3A_2492 = tpu.memref_squeeze %dma_wait3A_2491 : memref<1x!tpu.dma_semaphore, #tpu.memory_space<semaphore_mem>> -> memref<!tpu.dma_semaphore, #tpu.memory_space<semaphore_mem>>
    %dma_wait3A_2493 = arith.constant 0 : i32
    %dma_wait3A_2494 = arith.constant 0 : i32
    %dma_wait3A_2495 = tpu.memref_slice %arg13[%dma_wait3A_2483, %dma_wait3A_2493, %dma_wait3A_2494] : memref<7x128x128xf32, #tpu.memory_space<vmem>> -> memref<1x128x128xf32, #tpu.memory_space<vmem>>
    %dma_wait3A_2496 = tpu.memref_squeeze %dma_wait3A_2495 : memref<1x128x128xf32, #tpu.memory_space<vmem>> -> memref<128x128xf32, #tpu.memory_space<vmem>>
    %dma_wait3A_2497 = arith.constant 0 : i32
    %dma_wait3A_2498 = tpu.memref_slice %arg2[%multiple_of3A_153, %dma_wait3A_2497] : memref<100000x128xf32, #tpu.memory_space<hbm>> -> memref<128x128xf32, #tpu.memory_space<hbm>>
    tpu.wait_dma2 semaphore(%dma_wait3A_2492 : memref<!tpu.dma_semaphore, #tpu.memory_space<semaphore_mem>>) src(%dma_wait3A_2498 : memref<128x128xf32, #tpu.memory_space<hbm>>) dst(%dma_wait3A_2496 : memref<128x128xf32, #tpu.memory_space<vmem>>)
    %dma_start3A_2499 = arith.constant 5 : i32
    %dma_start3A_2500 = arith.constant 12 : i32
    %dma_start3A_2501 = arith.constant 5 : i32
    %dma_start3A_2502 = arith.constant 0 : i32
    %dma_start3A_2503 = arith.constant 0 : i32
    %dma_start3A_2504 = tpu.memref_slice %arg13[%dma_start3A_2499, %dma_start3A_2502, %dma_start3A_2503] : memref<7x128x128xf32, #tpu.memory_space<vmem>> -> memref<1x128x128xf32, #tpu.memory_space<vmem>>
    %dma_start3A_2505 = tpu.memref_squeeze %dma_start3A_2504 : memref<1x128x128xf32, #tpu.memory_space<vmem>> -> memref<128x128xf32, #tpu.memory_space<vmem>>
    %dma_start3A_2506 = arith.constant 0 : i32
    %dma_start3A_2507 = tpu.memref_slice %arg9[%dma_start3A_2500, %dma_start3A_2506] : memref<25x128xi32, #tpu.memory_space<vmem>> -> memref<1x128xi32, #tpu.memory_space<vmem>>
    %dma_start3A_2508 = tpu.memref_squeeze %dma_start3A_2507 : memref<1x128xi32, #tpu.memory_space<vmem>> -> memref<128xi32, #tpu.memory_space<vmem>>
    %dma_start3A_2509 = arith.constant 0 : i32
    %dma_start3A_2510 = arith.constant 0 : i32
    %dma_start3A_2511 = tpu.memref_slice %arg14[%dma_start3A_2509, %dma_start3A_2510] : memref<520x128xf32, #tpu.memory_space<vmem_shared>> -> memref<520x128xf32, #tpu.memory_space<vmem_shared>>
    %dma_start3A_2512 = tpu.memref_slice %arg17[%dma_start3A_2501] : memref<7x!tpu.dma_semaphore, #tpu.memory_space<semaphore_mem>> -> memref<1x!tpu.dma_semaphore, #tpu.memory_space<semaphore_mem>>
    %dma_start3A_2513 = tpu.memref_squeeze %dma_start3A_2512 : memref<1x!tpu.dma_semaphore, #tpu.memory_space<semaphore_mem>> -> memref<!tpu.dma_semaphore, #tpu.memory_space<semaphore_mem>>
    tpu.enqueue_indirect_dma source(%dma_start3A_2505 : memref<128x128xf32, #tpu.memory_space<vmem>>) target(%dma_start3A_2511 : memref<520x128xf32, #tpu.memory_space<vmem_shared>>) offsets(%dma_start3A_2508 : memref<128xi32, #tpu.memory_space<vmem>>) semaphore(%dma_start3A_2513 : memref<!tpu.dma_semaphore, #tpu.memory_space<semaphore_mem>>) {add = true}
    %dma_wait3A_2514 = arith.constant 1 : i32
    %dma_wait3A_2515 = arith.constant 8 : i32
    %dma_wait3A_2516 = arith.constant 1 : i32
    %dma_wait3A_2517 = arith.constant 0 : i32
    %dma_wait3A_2518 = arith.constant 0 : i32
    %dma_wait3A_2519 = tpu.memref_slice %arg13[%dma_wait3A_2514, %dma_wait3A_2517, %dma_wait3A_2518] : memref<7x128x128xf32, #tpu.memory_space<vmem>> -> memref<1x128x128xf32, #tpu.memory_space<vmem>>
    %dma_wait3A_2520 = tpu.memref_squeeze %dma_wait3A_2519 : memref<1x128x128xf32, #tpu.memory_space<vmem>> -> memref<128x128xf32, #tpu.memory_space<vmem>>
    %dma_wait3A_2521 = arith.constant 0 : i32
    %dma_wait3A_2522 = tpu.memref_slice %arg9[%dma_wait3A_2515, %dma_wait3A_2521] : memref<25x128xi32, #tpu.memory_space<vmem>> -> memref<1x128xi32, #tpu.memory_space<vmem>>
    %dma_wait3A_2523 = tpu.memref_squeeze %dma_wait3A_2522 : memref<1x128xi32, #tpu.memory_space<vmem>> -> memref<128xi32, #tpu.memory_space<vmem>>
    %dma_wait3A_2524 = arith.constant 0 : i32
    %dma_wait3A_2525 = arith.constant 0 : i32
    %dma_wait3A_2526 = tpu.memref_slice %arg14[%dma_wait3A_2524, %dma_wait3A_2525] : memref<520x128xf32, #tpu.memory_space<vmem_shared>> -> memref<520x128xf32, #tpu.memory_space<vmem_shared>>
    %dma_wait3A_2527 = tpu.memref_slice %arg17[%dma_wait3A_2516] : memref<7x!tpu.dma_semaphore, #tpu.memory_space<semaphore_mem>> -> memref<1x!tpu.dma_semaphore, #tpu.memory_space<semaphore_mem>>
    %dma_wait3A_2528 = tpu.memref_squeeze %dma_wait3A_2527 : memref<1x!tpu.dma_semaphore, #tpu.memory_space<semaphore_mem>> -> memref<!tpu.dma_semaphore, #tpu.memory_space<semaphore_mem>>
    tpu.wait_indirect_dma semaphore(%dma_wait3A_2528 : memref<!tpu.dma_semaphore, #tpu.memory_space<semaphore_mem>>) src(%dma_wait3A_2520 : memref<128x128xf32, #tpu.memory_space<vmem>>) dst(%dma_wait3A_2526 : memref<520x128xf32, #tpu.memory_space<vmem_shared>>)
    %dma_start3A_2529 = arith.constant 1 : i32
    %dma_start3A_2530 = arith.constant 1 : i32
    %dma_start3A_2531 = arith.constant 0 : i32
    %dma_start3A_2532 = arith.constant 0 : i32
    %dma_start3A_2533 = tpu.memref_slice %arg13[%dma_start3A_2529, %dma_start3A_2531, %dma_start3A_2532] : memref<7x128x128xf32, #tpu.memory_space<vmem>> -> memref<1x128x128xf32, #tpu.memory_space<vmem>>
    %dma_start3A_2534 = tpu.memref_squeeze %dma_start3A_2533 : memref<1x128x128xf32, #tpu.memory_space<vmem>> -> memref<128x128xf32, #tpu.memory_space<vmem>>
    %dma_start3A_2535 = arith.constant 0 : i32
    %dma_start3A_2536 = tpu.memref_slice %arg2[%multiple_of3A_189, %dma_start3A_2535] : memref<100000x128xf32, #tpu.memory_space<hbm>> -> memref<128x128xf32, #tpu.memory_space<hbm>>
    %dma_start3A_2537 = tpu.memref_slice %arg16[%dma_start3A_2530] : memref<7x!tpu.dma_semaphore, #tpu.memory_space<semaphore_mem>> -> memref<1x!tpu.dma_semaphore, #tpu.memory_space<semaphore_mem>>
    %dma_start3A_2538 = tpu.memref_squeeze %dma_start3A_2537 : memref<1x!tpu.dma_semaphore, #tpu.memory_space<semaphore_mem>> -> memref<!tpu.dma_semaphore, #tpu.memory_space<semaphore_mem>>
    %dma_start3A_2539 = arith.constant 0 : i32
    %dma_start3A_2540 = arith.constant 0 : i32
    %dma_start3A_2541 = tpu.memref_slice %arg13[%dma_start3A_2529, %dma_start3A_2539, %dma_start3A_2540] : memref<7x128x128xf32, #tpu.memory_space<vmem>> -> memref<1x128x128xf32, #tpu.memory_space<vmem>>
    %dma_start3A_2542 = tpu.memref_squeeze %dma_start3A_2541 : memref<1x128x128xf32, #tpu.memory_space<vmem>> -> memref<128x128xf32, #tpu.memory_space<vmem>>
    %dma_start3A_2543 = arith.constant 0 : i32
    %dma_start3A_2544 = tpu.memref_slice %arg2[%multiple_of3A_189, %dma_start3A_2543] : memref<100000x128xf32, #tpu.memory_space<hbm>> -> memref<128x128xf32, #tpu.memory_space<hbm>>
    tpu.enqueue_dma source(%dma_start3A_2544 : memref<128x128xf32, #tpu.memory_space<hbm>>) target(%dma_start3A_2542 : memref<128x128xf32, #tpu.memory_space<vmem>>) target_semaphore(%dma_start3A_2538 : memref<!tpu.dma_semaphore, #tpu.memory_space<semaphore_mem>>)
    %dma_wait3A_2545 = arith.constant 6 : i32
    %dma_wait3A_2546 = arith.constant 6 : i32
    %dma_wait3A_2547 = arith.constant 0 : i32
    %dma_wait3A_2548 = arith.constant 0 : i32
    %dma_wait3A_2549 = tpu.memref_slice %arg13[%dma_wait3A_2545, %dma_wait3A_2547, %dma_wait3A_2548] : memref<7x128x128xf32, #tpu.memory_space<vmem>> -> memref<1x128x128xf32, #tpu.memory_space<vmem>>
    %dma_wait3A_2550 = tpu.memref_squeeze %dma_wait3A_2549 : memref<1x128x128xf32, #tpu.memory_space<vmem>> -> memref<128x128xf32, #tpu.memory_space<vmem>>
    %dma_wait3A_2551 = arith.constant 0 : i32
    %dma_wait3A_2552 = tpu.memref_slice %arg2[%multiple_of3A_165, %dma_wait3A_2551] : memref<100000x128xf32, #tpu.memory_space<hbm>> -> memref<128x128xf32, #tpu.memory_space<hbm>>
    %dma_wait3A_2553 = tpu.memref_slice %arg16[%dma_wait3A_2546] : memref<7x!tpu.dma_semaphore, #tpu.memory_space<semaphore_mem>> -> memref<1x!tpu.dma_semaphore, #tpu.memory_space<semaphore_mem>>
    %dma_wait3A_2554 = tpu.memref_squeeze %dma_wait3A_2553 : memref<1x!tpu.dma_semaphore, #tpu.memory_space<semaphore_mem>> -> memref<!tpu.dma_semaphore, #tpu.memory_space<semaphore_mem>>
    %dma_wait3A_2555 = arith.constant 0 : i32
    %dma_wait3A_2556 = arith.constant 0 : i32
    %dma_wait3A_2557 = tpu.memref_slice %arg13[%dma_wait3A_2545, %dma_wait3A_2555, %dma_wait3A_2556] : memref<7x128x128xf32, #tpu.memory_space<vmem>> -> memref<1x128x128xf32, #tpu.memory_space<vmem>>
    %dma_wait3A_2558 = tpu.memref_squeeze %dma_wait3A_2557 : memref<1x128x128xf32, #tpu.memory_space<vmem>> -> memref<128x128xf32, #tpu.memory_space<vmem>>
    %dma_wait3A_2559 = arith.constant 0 : i32
    %dma_wait3A_2560 = tpu.memref_slice %arg2[%multiple_of3A_165, %dma_wait3A_2559] : memref<100000x128xf32, #tpu.memory_space<hbm>> -> memref<128x128xf32, #tpu.memory_space<hbm>>
    tpu.wait_dma2 semaphore(%dma_wait3A_2554 : memref<!tpu.dma_semaphore, #tpu.memory_space<semaphore_mem>>) src(%dma_wait3A_2560 : memref<128x128xf32, #tpu.memory_space<hbm>>) dst(%dma_wait3A_2558 : memref<128x128xf32, #tpu.memory_space<vmem>>)
    %dma_start3A_2561 = arith.constant 6 : i32
    %dma_start3A_2562 = arith.constant 13 : i32
    %dma_start3A_2563 = arith.constant 6 : i32
    %dma_start3A_2564 = arith.constant 0 : i32
    %dma_start3A_2565 = arith.constant 0 : i32
    %dma_start3A_2566 = tpu.memref_slice %arg13[%dma_start3A_2561, %dma_start3A_2564, %dma_start3A_2565] : memref<7x128x128xf32, #tpu.memory_space<vmem>> -> memref<1x128x128xf32, #tpu.memory_space<vmem>>
    %dma_start3A_2567 = tpu.memref_squeeze %dma_start3A_2566 : memref<1x128x128xf32, #tpu.memory_space<vmem>> -> memref<128x128xf32, #tpu.memory_space<vmem>>
    %dma_start3A_2568 = arith.constant 0 : i32
    %dma_start3A_2569 = tpu.memref_slice %arg9[%dma_start3A_2562, %dma_start3A_2568] : memref<25x128xi32, #tpu.memory_space<vmem>> -> memref<1x128xi32, #tpu.memory_space<vmem>>
    %dma_start3A_2570 = tpu.memref_squeeze %dma_start3A_2569 : memref<1x128xi32, #tpu.memory_space<vmem>> -> memref<128xi32, #tpu.memory_space<vmem>>
    %dma_start3A_2571 = arith.constant 0 : i32
    %dma_start3A_2572 = arith.constant 0 : i32
    %dma_start3A_2573 = tpu.memref_slice %arg14[%dma_start3A_2571, %dma_start3A_2572] : memref<520x128xf32, #tpu.memory_space<vmem_shared>> -> memref<520x128xf32, #tpu.memory_space<vmem_shared>>
    %dma_start3A_2574 = tpu.memref_slice %arg17[%dma_start3A_2563] : memref<7x!tpu.dma_semaphore, #tpu.memory_space<semaphore_mem>> -> memref<1x!tpu.dma_semaphore, #tpu.memory_space<semaphore_mem>>
    %dma_start3A_2575 = tpu.memref_squeeze %dma_start3A_2574 : memref<1x!tpu.dma_semaphore, #tpu.memory_space<semaphore_mem>> -> memref<!tpu.dma_semaphore, #tpu.memory_space<semaphore_mem>>
    tpu.enqueue_indirect_dma source(%dma_start3A_2567 : memref<128x128xf32, #tpu.memory_space<vmem>>) target(%dma_start3A_2573 : memref<520x128xf32, #tpu.memory_space<vmem_shared>>) offsets(%dma_start3A_2570 : memref<128xi32, #tpu.memory_space<vmem>>) semaphore(%dma_start3A_2575 : memref<!tpu.dma_semaphore, #tpu.memory_space<semaphore_mem>>) {add = true}
    %dma_wait3A_2576 = arith.constant 2 : i32
    %dma_wait3A_2577 = arith.constant 9 : i32
    %dma_wait3A_2578 = arith.constant 2 : i32
    %dma_wait3A_2579 = arith.constant 0 : i32
    %dma_wait3A_2580 = arith.constant 0 : i32
    %dma_wait3A_2581 = tpu.memref_slice %arg13[%dma_wait3A_2576, %dma_wait3A_2579, %dma_wait3A_2580] : memref<7x128x128xf32, #tpu.memory_space<vmem>> -> memref<1x128x128xf32, #tpu.memory_space<vmem>>
    %dma_wait3A_2582 = tpu.memref_squeeze %dma_wait3A_2581 : memref<1x128x128xf32, #tpu.memory_space<vmem>> -> memref<128x128xf32, #tpu.memory_space<vmem>>
    %dma_wait3A_2583 = arith.constant 0 : i32
    %dma_wait3A_2584 = tpu.memref_slice %arg9[%dma_wait3A_2577, %dma_wait3A_2583] : memref<25x128xi32, #tpu.memory_space<vmem>> -> memref<1x128xi32, #tpu.memory_space<vmem>>
    %dma_wait3A_2585 = tpu.memref_squeeze %dma_wait3A_2584 : memref<1x128xi32, #tpu.memory_space<vmem>> -> memref<128xi32, #tpu.memory_space<vmem>>
    %dma_wait3A_2586 = arith.constant 0 : i32
    %dma_wait3A_2587 = arith.constant 0 : i32
    %dma_wait3A_2588 = tpu.memref_slice %arg14[%dma_wait3A_2586, %dma_wait3A_2587] : memref<520x128xf32, #tpu.memory_space<vmem_shared>> -> memref<520x128xf32, #tpu.memory_space<vmem_shared>>
    %dma_wait3A_2589 = tpu.memref_slice %arg17[%dma_wait3A_2578] : memref<7x!tpu.dma_semaphore, #tpu.memory_space<semaphore_mem>> -> memref<1x!tpu.dma_semaphore, #tpu.memory_space<semaphore_mem>>
    %dma_wait3A_2590 = tpu.memref_squeeze %dma_wait3A_2589 : memref<1x!tpu.dma_semaphore, #tpu.memory_space<semaphore_mem>> -> memref<!tpu.dma_semaphore, #tpu.memory_space<semaphore_mem>>
    tpu.wait_indirect_dma semaphore(%dma_wait3A_2590 : memref<!tpu.dma_semaphore, #tpu.memory_space<semaphore_mem>>) src(%dma_wait3A_2582 : memref<128x128xf32, #tpu.memory_space<vmem>>) dst(%dma_wait3A_2588 : memref<520x128xf32, #tpu.memory_space<vmem_shared>>)
    %dma_start3A_2591 = arith.constant 2 : i32
    %dma_start3A_2592 = arith.constant 2 : i32
    %dma_start3A_2593 = arith.constant 0 : i32
    %dma_start3A_2594 = arith.constant 0 : i32
    %dma_start3A_2595 = tpu.memref_slice %arg13[%dma_start3A_2591, %dma_start3A_2593, %dma_start3A_2594] : memref<7x128x128xf32, #tpu.memory_space<vmem>> -> memref<1x128x128xf32, #tpu.memory_space<vmem>>
    %dma_start3A_2596 = tpu.memref_squeeze %dma_start3A_2595 : memref<1x128x128xf32, #tpu.memory_space<vmem>> -> memref<128x128xf32, #tpu.memory_space<vmem>>
    %dma_start3A_2597 = arith.constant 0 : i32
    %dma_start3A_2598 = tpu.memref_slice %arg2[%multiple_of3A_201, %dma_start3A_2597] : memref<100000x128xf32, #tpu.memory_space<hbm>> -> memref<128x128xf32, #tpu.memory_space<hbm>>
    %dma_start3A_2599 = tpu.memref_slice %arg16[%dma_start3A_2592] : memref<7x!tpu.dma_semaphore, #tpu.memory_space<semaphore_mem>> -> memref<1x!tpu.dma_semaphore, #tpu.memory_space<semaphore_mem>>
    %dma_start3A_2600 = tpu.memref_squeeze %dma_start3A_2599 : memref<1x!tpu.dma_semaphore, #tpu.memory_space<semaphore_mem>> -> memref<!tpu.dma_semaphore, #tpu.memory_space<semaphore_mem>>
    %dma_start3A_2601 = arith.constant 0 : i32
    %dma_start3A_2602 = arith.constant 0 : i32
    %dma_start3A_2603 = tpu.memref_slice %arg13[%dma_start3A_2591, %dma_start3A_2601, %dma_start3A_2602] : memref<7x128x128xf32, #tpu.memory_space<vmem>> -> memref<1x128x128xf32, #tpu.memory_space<vmem>>
    %dma_start3A_2604 = tpu.memref_squeeze %dma_start3A_2603 : memref<1x128x128xf32, #tpu.memory_space<vmem>> -> memref<128x128xf32, #tpu.memory_space<vmem>>
    %dma_start3A_2605 = arith.constant 0 : i32
    %dma_start3A_2606 = tpu.memref_slice %arg2[%multiple_of3A_201, %dma_start3A_2605] : memref<100000x128xf32, #tpu.memory_space<hbm>> -> memref<128x128xf32, #tpu.memory_space<hbm>>
    tpu.enqueue_dma source(%dma_start3A_2606 : memref<128x128xf32, #tpu.memory_space<hbm>>) target(%dma_start3A_2604 : memref<128x128xf32, #tpu.memory_space<vmem>>) target_semaphore(%dma_start3A_2600 : memref<!tpu.dma_semaphore, #tpu.memory_space<semaphore_mem>>)
    %dma_wait3A_2607 = arith.constant 0 : i32
    %dma_wait3A_2608 = arith.constant 0 : i32
    %dma_wait3A_2609 = arith.constant 0 : i32
    %dma_wait3A_2610 = arith.constant 0 : i32
    %dma_wait3A_2611 = tpu.memref_slice %arg13[%dma_wait3A_2607, %dma_wait3A_2609, %dma_wait3A_2610] : memref<7x128x128xf32, #tpu.memory_space<vmem>> -> memref<1x128x128xf32, #tpu.memory_space<vmem>>
    %dma_wait3A_2612 = tpu.memref_squeeze %dma_wait3A_2611 : memref<1x128x128xf32, #tpu.memory_space<vmem>> -> memref<128x128xf32, #tpu.memory_space<vmem>>
    %dma_wait3A_2613 = arith.constant 0 : i32
    %dma_wait3A_2614 = tpu.memref_slice %arg2[%multiple_of3A_177, %dma_wait3A_2613] : memref<100000x128xf32, #tpu.memory_space<hbm>> -> memref<128x128xf32, #tpu.memory_space<hbm>>
    %dma_wait3A_2615 = tpu.memref_slice %arg16[%dma_wait3A_2608] : memref<7x!tpu.dma_semaphore, #tpu.memory_space<semaphore_mem>> -> memref<1x!tpu.dma_semaphore, #tpu.memory_space<semaphore_mem>>
    %dma_wait3A_2616 = tpu.memref_squeeze %dma_wait3A_2615 : memref<1x!tpu.dma_semaphore, #tpu.memory_space<semaphore_mem>> -> memref<!tpu.dma_semaphore, #tpu.memory_space<semaphore_mem>>
    %dma_wait3A_2617 = arith.constant 0 : i32
    %dma_wait3A_2618 = arith.constant 0 : i32
    %dma_wait3A_2619 = tpu.memref_slice %arg13[%dma_wait3A_2607, %dma_wait3A_2617, %dma_wait3A_2618] : memref<7x128x128xf32, #tpu.memory_space<vmem>> -> memref<1x128x128xf32, #tpu.memory_space<vmem>>
    %dma_wait3A_2620 = tpu.memref_squeeze %dma_wait3A_2619 : memref<1x128x128xf32, #tpu.memory_space<vmem>> -> memref<128x128xf32, #tpu.memory_space<vmem>>
    %dma_wait3A_2621 = arith.constant 0 : i32
    %dma_wait3A_2622 = tpu.memref_slice %arg2[%multiple_of3A_177, %dma_wait3A_2621] : memref<100000x128xf32, #tpu.memory_space<hbm>> -> memref<128x128xf32, #tpu.memory_space<hbm>>
    tpu.wait_dma2 semaphore(%dma_wait3A_2616 : memref<!tpu.dma_semaphore, #tpu.memory_space<semaphore_mem>>) src(%dma_wait3A_2622 : memref<128x128xf32, #tpu.memory_space<hbm>>) dst(%dma_wait3A_2620 : memref<128x128xf32, #tpu.memory_space<vmem>>)
    %dma_start3A_2623 = arith.constant 0 : i32
    %dma_start3A_2624 = arith.constant 14 : i32
    %dma_start3A_2625 = arith.constant 0 : i32
    %dma_start3A_2626 = arith.constant 0 : i32
    %dma_start3A_2627 = arith.constant 0 : i32
    %dma_start3A_2628 = tpu.memref_slice %arg13[%dma_start3A_2623, %dma_start3A_2626, %dma_start3A_2627] : memref<7x128x128xf32, #tpu.memory_space<vmem>> -> memref<1x128x128xf32, #tpu.memory_space<vmem>>
    %dma_start3A_2629 = tpu.memref_squeeze %dma_start3A_2628 : memref<1x128x128xf32, #tpu.memory_space<vmem>> -> memref<128x128xf32, #tpu.memory_space<vmem>>
    %dma_start3A_2630 = arith.constant 0 : i32
    %dma_start3A_2631 = tpu.memref_slice %arg9[%dma_start3A_2624, %dma_start3A_2630] : memref<25x128xi32, #tpu.memory_space<vmem>> -> memref<1x128xi32, #tpu.memory_space<vmem>>
    %dma_start3A_2632 = tpu.memref_squeeze %dma_start3A_2631 : memref<1x128xi32, #tpu.memory_space<vmem>> -> memref<128xi32, #tpu.memory_space<vmem>>
    %dma_start3A_2633 = arith.constant 0 : i32
    %dma_start3A_2634 = arith.constant 0 : i32
    %dma_start3A_2635 = tpu.memref_slice %arg14[%dma_start3A_2633, %dma_start3A_2634] : memref<520x128xf32, #tpu.memory_space<vmem_shared>> -> memref<520x128xf32, #tpu.memory_space<vmem_shared>>
    %dma_start3A_2636 = tpu.memref_slice %arg17[%dma_start3A_2625] : memref<7x!tpu.dma_semaphore, #tpu.memory_space<semaphore_mem>> -> memref<1x!tpu.dma_semaphore, #tpu.memory_space<semaphore_mem>>
    %dma_start3A_2637 = tpu.memref_squeeze %dma_start3A_2636 : memref<1x!tpu.dma_semaphore, #tpu.memory_space<semaphore_mem>> -> memref<!tpu.dma_semaphore, #tpu.memory_space<semaphore_mem>>
    tpu.enqueue_indirect_dma source(%dma_start3A_2629 : memref<128x128xf32, #tpu.memory_space<vmem>>) target(%dma_start3A_2635 : memref<520x128xf32, #tpu.memory_space<vmem_shared>>) offsets(%dma_start3A_2632 : memref<128xi32, #tpu.memory_space<vmem>>) semaphore(%dma_start3A_2637 : memref<!tpu.dma_semaphore, #tpu.memory_space<semaphore_mem>>) {add = true}
    %dma_wait3A_2638 = arith.constant 3 : i32
    %dma_wait3A_2639 = arith.constant 10 : i32
    %dma_wait3A_2640 = arith.constant 3 : i32
    %dma_wait3A_2641 = arith.constant 0 : i32
    %dma_wait3A_2642 = arith.constant 0 : i32
    %dma_wait3A_2643 = tpu.memref_slice %arg13[%dma_wait3A_2638, %dma_wait3A_2641, %dma_wait3A_2642] : memref<7x128x128xf32, #tpu.memory_space<vmem>> -> memref<1x128x128xf32, #tpu.memory_space<vmem>>
    %dma_wait3A_2644 = tpu.memref_squeeze %dma_wait3A_2643 : memref<1x128x128xf32, #tpu.memory_space<vmem>> -> memref<128x128xf32, #tpu.memory_space<vmem>>
    %dma_wait3A_2645 = arith.constant 0 : i32
    %dma_wait3A_2646 = tpu.memref_slice %arg9[%dma_wait3A_2639, %dma_wait3A_2645] : memref<25x128xi32, #tpu.memory_space<vmem>> -> memref<1x128xi32, #tpu.memory_space<vmem>>
    %dma_wait3A_2647 = tpu.memref_squeeze %dma_wait3A_2646 : memref<1x128xi32, #tpu.memory_space<vmem>> -> memref<128xi32, #tpu.memory_space<vmem>>
    %dma_wait3A_2648 = arith.constant 0 : i32
    %dma_wait3A_2649 = arith.constant 0 : i32
    %dma_wait3A_2650 = tpu.memref_slice %arg14[%dma_wait3A_2648, %dma_wait3A_2649] : memref<520x128xf32, #tpu.memory_space<vmem_shared>> -> memref<520x128xf32, #tpu.memory_space<vmem_shared>>
    %dma_wait3A_2651 = tpu.memref_slice %arg17[%dma_wait3A_2640] : memref<7x!tpu.dma_semaphore, #tpu.memory_space<semaphore_mem>> -> memref<1x!tpu.dma_semaphore, #tpu.memory_space<semaphore_mem>>
    %dma_wait3A_2652 = tpu.memref_squeeze %dma_wait3A_2651 : memref<1x!tpu.dma_semaphore, #tpu.memory_space<semaphore_mem>> -> memref<!tpu.dma_semaphore, #tpu.memory_space<semaphore_mem>>
    tpu.wait_indirect_dma semaphore(%dma_wait3A_2652 : memref<!tpu.dma_semaphore, #tpu.memory_space<semaphore_mem>>) src(%dma_wait3A_2644 : memref<128x128xf32, #tpu.memory_space<vmem>>) dst(%dma_wait3A_2650 : memref<520x128xf32, #tpu.memory_space<vmem_shared>>)
    %dma_start3A_2653 = arith.constant 3 : i32
    %dma_start3A_2654 = arith.constant 3 : i32
    %dma_start3A_2655 = arith.constant 0 : i32
    %dma_start3A_2656 = arith.constant 0 : i32
    %dma_start3A_2657 = tpu.memref_slice %arg13[%dma_start3A_2653, %dma_start3A_2655, %dma_start3A_2656] : memref<7x128x128xf32, #tpu.memory_space<vmem>> -> memref<1x128x128xf32, #tpu.memory_space<vmem>>
    %dma_start3A_2658 = tpu.memref_squeeze %dma_start3A_2657 : memref<1x128x128xf32, #tpu.memory_space<vmem>> -> memref<128x128xf32, #tpu.memory_space<vmem>>
    %dma_start3A_2659 = arith.constant 0 : i32
    %dma_start3A_2660 = tpu.memref_slice %arg2[%multiple_of3A_213, %dma_start3A_2659] : memref<100000x128xf32, #tpu.memory_space<hbm>> -> memref<128x128xf32, #tpu.memory_space<hbm>>
    %dma_start3A_2661 = tpu.memref_slice %arg16[%dma_start3A_2654] : memref<7x!tpu.dma_semaphore, #tpu.memory_space<semaphore_mem>> -> memref<1x!tpu.dma_semaphore, #tpu.memory_space<semaphore_mem>>
    %dma_start3A_2662 = tpu.memref_squeeze %dma_start3A_2661 : memref<1x!tpu.dma_semaphore, #tpu.memory_space<semaphore_mem>> -> memref<!tpu.dma_semaphore, #tpu.memory_space<semaphore_mem>>
    %dma_start3A_2663 = arith.constant 0 : i32
    %dma_start3A_2664 = arith.constant 0 : i32
    %dma_start3A_2665 = tpu.memref_slice %arg13[%dma_start3A_2653, %dma_start3A_2663, %dma_start3A_2664] : memref<7x128x128xf32, #tpu.memory_space<vmem>> -> memref<1x128x128xf32, #tpu.memory_space<vmem>>
    %dma_start3A_2666 = tpu.memref_squeeze %dma_start3A_2665 : memref<1x128x128xf32, #tpu.memory_space<vmem>> -> memref<128x128xf32, #tpu.memory_space<vmem>>
    %dma_start3A_2667 = arith.constant 0 : i32
    %dma_start3A_2668 = tpu.memref_slice %arg2[%multiple_of3A_213, %dma_start3A_2667] : memref<100000x128xf32, #tpu.memory_space<hbm>> -> memref<128x128xf32, #tpu.memory_space<hbm>>
    tpu.enqueue_dma source(%dma_start3A_2668 : memref<128x128xf32, #tpu.memory_space<hbm>>) target(%dma_start3A_2666 : memref<128x128xf32, #tpu.memory_space<vmem>>) target_semaphore(%dma_start3A_2662 : memref<!tpu.dma_semaphore, #tpu.memory_space<semaphore_mem>>)
    %dma_wait3A_2669 = arith.constant 1 : i32
    %dma_wait3A_2670 = arith.constant 1 : i32
    %dma_wait3A_2671 = arith.constant 0 : i32
    %dma_wait3A_2672 = arith.constant 0 : i32
    %dma_wait3A_2673 = tpu.memref_slice %arg13[%dma_wait3A_2669, %dma_wait3A_2671, %dma_wait3A_2672] : memref<7x128x128xf32, #tpu.memory_space<vmem>> -> memref<1x128x128xf32, #tpu.memory_space<vmem>>
    %dma_wait3A_2674 = tpu.memref_squeeze %dma_wait3A_2673 : memref<1x128x128xf32, #tpu.memory_space<vmem>> -> memref<128x128xf32, #tpu.memory_space<vmem>>
    %dma_wait3A_2675 = arith.constant 0 : i32
    %dma_wait3A_2676 = tpu.memref_slice %arg2[%multiple_of3A_189, %dma_wait3A_2675] : memref<100000x128xf32, #tpu.memory_space<hbm>> -> memref<128x128xf32, #tpu.memory_space<hbm>>
    %dma_wait3A_2677 = tpu.memref_slice %arg16[%dma_wait3A_2670] : memref<7x!tpu.dma_semaphore, #tpu.memory_space<semaphore_mem>> -> memref<1x!tpu.dma_semaphore, #tpu.memory_space<semaphore_mem>>
    %dma_wait3A_2678 = tpu.memref_squeeze %dma_wait3A_2677 : memref<1x!tpu.dma_semaphore, #tpu.memory_space<semaphore_mem>> -> memref<!tpu.dma_semaphore, #tpu.memory_space<semaphore_mem>>
    %dma_wait3A_2679 = arith.constant 0 : i32
    %dma_wait3A_2680 = arith.constant 0 : i32
    %dma_wait3A_2681 = tpu.memref_slice %arg13[%dma_wait3A_2669, %dma_wait3A_2679, %dma_wait3A_2680] : memref<7x128x128xf32, #tpu.memory_space<vmem>> -> memref<1x128x128xf32, #tpu.memory_space<vmem>>
    %dma_wait3A_2682 = tpu.memref_squeeze %dma_wait3A_2681 : memref<1x128x128xf32, #tpu.memory_space<vmem>> -> memref<128x128xf32, #tpu.memory_space<vmem>>
    %dma_wait3A_2683 = arith.constant 0 : i32
    %dma_wait3A_2684 = tpu.memref_slice %arg2[%multiple_of3A_189, %dma_wait3A_2683] : memref<100000x128xf32, #tpu.memory_space<hbm>> -> memref<128x128xf32, #tpu.memory_space<hbm>>
    tpu.wait_dma2 semaphore(%dma_wait3A_2678 : memref<!tpu.dma_semaphore, #tpu.memory_space<semaphore_mem>>) src(%dma_wait3A_2684 : memref<128x128xf32, #tpu.memory_space<hbm>>) dst(%dma_wait3A_2682 : memref<128x128xf32, #tpu.memory_space<vmem>>)
    %dma_start3A_2685 = arith.constant 1 : i32
    %dma_start3A_2686 = arith.constant 15 : i32
    %dma_start3A_2687 = arith.constant 1 : i32
    %dma_start3A_2688 = arith.constant 0 : i32
    %dma_start3A_2689 = arith.constant 0 : i32
    %dma_start3A_2690 = tpu.memref_slice %arg13[%dma_start3A_2685, %dma_start3A_2688, %dma_start3A_2689] : memref<7x128x128xf32, #tpu.memory_space<vmem>> -> memref<1x128x128xf32, #tpu.memory_space<vmem>>
    %dma_start3A_2691 = tpu.memref_squeeze %dma_start3A_2690 : memref<1x128x128xf32, #tpu.memory_space<vmem>> -> memref<128x128xf32, #tpu.memory_space<vmem>>
    %dma_start3A_2692 = arith.constant 0 : i32
    %dma_start3A_2693 = tpu.memref_slice %arg9[%dma_start3A_2686, %dma_start3A_2692] : memref<25x128xi32, #tpu.memory_space<vmem>> -> memref<1x128xi32, #tpu.memory_space<vmem>>
    %dma_start3A_2694 = tpu.memref_squeeze %dma_start3A_2693 : memref<1x128xi32, #tpu.memory_space<vmem>> -> memref<128xi32, #tpu.memory_space<vmem>>
    %dma_start3A_2695 = arith.constant 0 : i32
    %dma_start3A_2696 = arith.constant 0 : i32
    %dma_start3A_2697 = tpu.memref_slice %arg14[%dma_start3A_2695, %dma_start3A_2696] : memref<520x128xf32, #tpu.memory_space<vmem_shared>> -> memref<520x128xf32, #tpu.memory_space<vmem_shared>>
    %dma_start3A_2698 = tpu.memref_slice %arg17[%dma_start3A_2687] : memref<7x!tpu.dma_semaphore, #tpu.memory_space<semaphore_mem>> -> memref<1x!tpu.dma_semaphore, #tpu.memory_space<semaphore_mem>>
    %dma_start3A_2699 = tpu.memref_squeeze %dma_start3A_2698 : memref<1x!tpu.dma_semaphore, #tpu.memory_space<semaphore_mem>> -> memref<!tpu.dma_semaphore, #tpu.memory_space<semaphore_mem>>
    tpu.enqueue_indirect_dma source(%dma_start3A_2691 : memref<128x128xf32, #tpu.memory_space<vmem>>) target(%dma_start3A_2697 : memref<520x128xf32, #tpu.memory_space<vmem_shared>>) offsets(%dma_start3A_2694 : memref<128xi32, #tpu.memory_space<vmem>>) semaphore(%dma_start3A_2699 : memref<!tpu.dma_semaphore, #tpu.memory_space<semaphore_mem>>) {add = true}
    %dma_wait3A_2700 = arith.constant 4 : i32
    %dma_wait3A_2701 = arith.constant 11 : i32
    %dma_wait3A_2702 = arith.constant 4 : i32
    %dma_wait3A_2703 = arith.constant 0 : i32
    %dma_wait3A_2704 = arith.constant 0 : i32
    %dma_wait3A_2705 = tpu.memref_slice %arg13[%dma_wait3A_2700, %dma_wait3A_2703, %dma_wait3A_2704] : memref<7x128x128xf32, #tpu.memory_space<vmem>> -> memref<1x128x128xf32, #tpu.memory_space<vmem>>
    %dma_wait3A_2706 = tpu.memref_squeeze %dma_wait3A_2705 : memref<1x128x128xf32, #tpu.memory_space<vmem>> -> memref<128x128xf32, #tpu.memory_space<vmem>>
    %dma_wait3A_2707 = arith.constant 0 : i32
    %dma_wait3A_2708 = tpu.memref_slice %arg9[%dma_wait3A_2701, %dma_wait3A_2707] : memref<25x128xi32, #tpu.memory_space<vmem>> -> memref<1x128xi32, #tpu.memory_space<vmem>>
    %dma_wait3A_2709 = tpu.memref_squeeze %dma_wait3A_2708 : memref<1x128xi32, #tpu.memory_space<vmem>> -> memref<128xi32, #tpu.memory_space<vmem>>
    %dma_wait3A_2710 = arith.constant 0 : i32
    %dma_wait3A_2711 = arith.constant 0 : i32
    %dma_wait3A_2712 = tpu.memref_slice %arg14[%dma_wait3A_2710, %dma_wait3A_2711] : memref<520x128xf32, #tpu.memory_space<vmem_shared>> -> memref<520x128xf32, #tpu.memory_space<vmem_shared>>
    %dma_wait3A_2713 = tpu.memref_slice %arg17[%dma_wait3A_2702] : memref<7x!tpu.dma_semaphore, #tpu.memory_space<semaphore_mem>> -> memref<1x!tpu.dma_semaphore, #tpu.memory_space<semaphore_mem>>
    %dma_wait3A_2714 = tpu.memref_squeeze %dma_wait3A_2713 : memref<1x!tpu.dma_semaphore, #tpu.memory_space<semaphore_mem>> -> memref<!tpu.dma_semaphore, #tpu.memory_space<semaphore_mem>>
    tpu.wait_indirect_dma semaphore(%dma_wait3A_2714 : memref<!tpu.dma_semaphore, #tpu.memory_space<semaphore_mem>>) src(%dma_wait3A_2706 : memref<128x128xf32, #tpu.memory_space<vmem>>) dst(%dma_wait3A_2712 : memref<520x128xf32, #tpu.memory_space<vmem_shared>>)
    %dma_start3A_2715 = arith.constant 4 : i32
    %dma_start3A_2716 = arith.constant 4 : i32
    %dma_start3A_2717 = arith.constant 0 : i32
    %dma_start3A_2718 = arith.constant 0 : i32
    %dma_start3A_2719 = tpu.memref_slice %arg13[%dma_start3A_2715, %dma_start3A_2717, %dma_start3A_2718] : memref<7x128x128xf32, #tpu.memory_space<vmem>> -> memref<1x128x128xf32, #tpu.memory_space<vmem>>
    %dma_start3A_2720 = tpu.memref_squeeze %dma_start3A_2719 : memref<1x128x128xf32, #tpu.memory_space<vmem>> -> memref<128x128xf32, #tpu.memory_space<vmem>>
    %dma_start3A_2721 = arith.constant 0 : i32
    %dma_start3A_2722 = tpu.memref_slice %arg2[%multiple_of3A_225, %dma_start3A_2721] : memref<100000x128xf32, #tpu.memory_space<hbm>> -> memref<128x128xf32, #tpu.memory_space<hbm>>
    %dma_start3A_2723 = tpu.memref_slice %arg16[%dma_start3A_2716] : memref<7x!tpu.dma_semaphore, #tpu.memory_space<semaphore_mem>> -> memref<1x!tpu.dma_semaphore, #tpu.memory_space<semaphore_mem>>
    %dma_start3A_2724 = tpu.memref_squeeze %dma_start3A_2723 : memref<1x!tpu.dma_semaphore, #tpu.memory_space<semaphore_mem>> -> memref<!tpu.dma_semaphore, #tpu.memory_space<semaphore_mem>>
    %dma_start3A_2725 = arith.constant 0 : i32
    %dma_start3A_2726 = arith.constant 0 : i32
    %dma_start3A_2727 = tpu.memref_slice %arg13[%dma_start3A_2715, %dma_start3A_2725, %dma_start3A_2726] : memref<7x128x128xf32, #tpu.memory_space<vmem>> -> memref<1x128x128xf32, #tpu.memory_space<vmem>>
    %dma_start3A_2728 = tpu.memref_squeeze %dma_start3A_2727 : memref<1x128x128xf32, #tpu.memory_space<vmem>> -> memref<128x128xf32, #tpu.memory_space<vmem>>
    %dma_start3A_2729 = arith.constant 0 : i32
    %dma_start3A_2730 = tpu.memref_slice %arg2[%multiple_of3A_225, %dma_start3A_2729] : memref<100000x128xf32, #tpu.memory_space<hbm>> -> memref<128x128xf32, #tpu.memory_space<hbm>>
    tpu.enqueue_dma source(%dma_start3A_2730 : memref<128x128xf32, #tpu.memory_space<hbm>>) target(%dma_start3A_2728 : memref<128x128xf32, #tpu.memory_space<vmem>>) target_semaphore(%dma_start3A_2724 : memref<!tpu.dma_semaphore, #tpu.memory_space<semaphore_mem>>)
    %dma_wait3A_2731 = arith.constant 2 : i32
    %dma_wait3A_2732 = arith.constant 2 : i32
    %dma_wait3A_2733 = arith.constant 0 : i32
    %dma_wait3A_2734 = arith.constant 0 : i32
    %dma_wait3A_2735 = tpu.memref_slice %arg13[%dma_wait3A_2731, %dma_wait3A_2733, %dma_wait3A_2734] : memref<7x128x128xf32, #tpu.memory_space<vmem>> -> memref<1x128x128xf32, #tpu.memory_space<vmem>>
    %dma_wait3A_2736 = tpu.memref_squeeze %dma_wait3A_2735 : memref<1x128x128xf32, #tpu.memory_space<vmem>> -> memref<128x128xf32, #tpu.memory_space<vmem>>
    %dma_wait3A_2737 = arith.constant 0 : i32
    %dma_wait3A_2738 = tpu.memref_slice %arg2[%multiple_of3A_201, %dma_wait3A_2737] : memref<100000x128xf32, #tpu.memory_space<hbm>> -> memref<128x128xf32, #tpu.memory_space<hbm>>
    %dma_wait3A_2739 = tpu.memref_slice %arg16[%dma_wait3A_2732] : memref<7x!tpu.dma_semaphore, #tpu.memory_space<semaphore_mem>> -> memref<1x!tpu.dma_semaphore, #tpu.memory_space<semaphore_mem>>
    %dma_wait3A_2740 = tpu.memref_squeeze %dma_wait3A_2739 : memref<1x!tpu.dma_semaphore, #tpu.memory_space<semaphore_mem>> -> memref<!tpu.dma_semaphore, #tpu.memory_space<semaphore_mem>>
    %dma_wait3A_2741 = arith.constant 0 : i32
    %dma_wait3A_2742 = arith.constant 0 : i32
    %dma_wait3A_2743 = tpu.memref_slice %arg13[%dma_wait3A_2731, %dma_wait3A_2741, %dma_wait3A_2742] : memref<7x128x128xf32, #tpu.memory_space<vmem>> -> memref<1x128x128xf32, #tpu.memory_space<vmem>>
    %dma_wait3A_2744 = tpu.memref_squeeze %dma_wait3A_2743 : memref<1x128x128xf32, #tpu.memory_space<vmem>> -> memref<128x128xf32, #tpu.memory_space<vmem>>
    %dma_wait3A_2745 = arith.constant 0 : i32
    %dma_wait3A_2746 = tpu.memref_slice %arg2[%multiple_of3A_201, %dma_wait3A_2745] : memref<100000x128xf32, #tpu.memory_space<hbm>> -> memref<128x128xf32, #tpu.memory_space<hbm>>
    tpu.wait_dma2 semaphore(%dma_wait3A_2740 : memref<!tpu.dma_semaphore, #tpu.memory_space<semaphore_mem>>) src(%dma_wait3A_2746 : memref<128x128xf32, #tpu.memory_space<hbm>>) dst(%dma_wait3A_2744 : memref<128x128xf32, #tpu.memory_space<vmem>>)
    %dma_start3A_2747 = arith.constant 2 : i32
    %dma_start3A_2748 = arith.constant 16 : i32
    %dma_start3A_2749 = arith.constant 2 : i32
    %dma_start3A_2750 = arith.constant 0 : i32
    %dma_start3A_2751 = arith.constant 0 : i32
    %dma_start3A_2752 = tpu.memref_slice %arg13[%dma_start3A_2747, %dma_start3A_2750, %dma_start3A_2751] : memref<7x128x128xf32, #tpu.memory_space<vmem>> -> memref<1x128x128xf32, #tpu.memory_space<vmem>>
    %dma_start3A_2753 = tpu.memref_squeeze %dma_start3A_2752 : memref<1x128x128xf32, #tpu.memory_space<vmem>> -> memref<128x128xf32, #tpu.memory_space<vmem>>
    %dma_start3A_2754 = arith.constant 0 : i32
    %dma_start3A_2755 = tpu.memref_slice %arg9[%dma_start3A_2748, %dma_start3A_2754] : memref<25x128xi32, #tpu.memory_space<vmem>> -> memref<1x128xi32, #tpu.memory_space<vmem>>
    %dma_start3A_2756 = tpu.memref_squeeze %dma_start3A_2755 : memref<1x128xi32, #tpu.memory_space<vmem>> -> memref<128xi32, #tpu.memory_space<vmem>>
    %dma_start3A_2757 = arith.constant 0 : i32
    %dma_start3A_2758 = arith.constant 0 : i32
    %dma_start3A_2759 = tpu.memref_slice %arg14[%dma_start3A_2757, %dma_start3A_2758] : memref<520x128xf32, #tpu.memory_space<vmem_shared>> -> memref<520x128xf32, #tpu.memory_space<vmem_shared>>
    %dma_start3A_2760 = tpu.memref_slice %arg17[%dma_start3A_2749] : memref<7x!tpu.dma_semaphore, #tpu.memory_space<semaphore_mem>> -> memref<1x!tpu.dma_semaphore, #tpu.memory_space<semaphore_mem>>
    %dma_start3A_2761 = tpu.memref_squeeze %dma_start3A_2760 : memref<1x!tpu.dma_semaphore, #tpu.memory_space<semaphore_mem>> -> memref<!tpu.dma_semaphore, #tpu.memory_space<semaphore_mem>>
    tpu.enqueue_indirect_dma source(%dma_start3A_2753 : memref<128x128xf32, #tpu.memory_space<vmem>>) target(%dma_start3A_2759 : memref<520x128xf32, #tpu.memory_space<vmem_shared>>) offsets(%dma_start3A_2756 : memref<128xi32, #tpu.memory_space<vmem>>) semaphore(%dma_start3A_2761 : memref<!tpu.dma_semaphore, #tpu.memory_space<semaphore_mem>>) {add = true}
    %dma_wait3A_2762 = arith.constant 5 : i32
    %dma_wait3A_2763 = arith.constant 12 : i32
    %dma_wait3A_2764 = arith.constant 5 : i32
    %dma_wait3A_2765 = arith.constant 0 : i32
    %dma_wait3A_2766 = arith.constant 0 : i32
    %dma_wait3A_2767 = tpu.memref_slice %arg13[%dma_wait3A_2762, %dma_wait3A_2765, %dma_wait3A_2766] : memref<7x128x128xf32, #tpu.memory_space<vmem>> -> memref<1x128x128xf32, #tpu.memory_space<vmem>>
    %dma_wait3A_2768 = tpu.memref_squeeze %dma_wait3A_2767 : memref<1x128x128xf32, #tpu.memory_space<vmem>> -> memref<128x128xf32, #tpu.memory_space<vmem>>
    %dma_wait3A_2769 = arith.constant 0 : i32
    %dma_wait3A_2770 = tpu.memref_slice %arg9[%dma_wait3A_2763, %dma_wait3A_2769] : memref<25x128xi32, #tpu.memory_space<vmem>> -> memref<1x128xi32, #tpu.memory_space<vmem>>
    %dma_wait3A_2771 = tpu.memref_squeeze %dma_wait3A_2770 : memref<1x128xi32, #tpu.memory_space<vmem>> -> memref<128xi32, #tpu.memory_space<vmem>>
    %dma_wait3A_2772 = arith.constant 0 : i32
    %dma_wait3A_2773 = arith.constant 0 : i32
    %dma_wait3A_2774 = tpu.memref_slice %arg14[%dma_wait3A_2772, %dma_wait3A_2773] : memref<520x128xf32, #tpu.memory_space<vmem_shared>> -> memref<520x128xf32, #tpu.memory_space<vmem_shared>>
    %dma_wait3A_2775 = tpu.memref_slice %arg17[%dma_wait3A_2764] : memref<7x!tpu.dma_semaphore, #tpu.memory_space<semaphore_mem>> -> memref<1x!tpu.dma_semaphore, #tpu.memory_space<semaphore_mem>>
    %dma_wait3A_2776 = tpu.memref_squeeze %dma_wait3A_2775 : memref<1x!tpu.dma_semaphore, #tpu.memory_space<semaphore_mem>> -> memref<!tpu.dma_semaphore, #tpu.memory_space<semaphore_mem>>
    tpu.wait_indirect_dma semaphore(%dma_wait3A_2776 : memref<!tpu.dma_semaphore, #tpu.memory_space<semaphore_mem>>) src(%dma_wait3A_2768 : memref<128x128xf32, #tpu.memory_space<vmem>>) dst(%dma_wait3A_2774 : memref<520x128xf32, #tpu.memory_space<vmem_shared>>)
    %dma_start3A_2777 = arith.constant 5 : i32
    %dma_start3A_2778 = arith.constant 5 : i32
    %dma_start3A_2779 = arith.constant 0 : i32
    %dma_start3A_2780 = arith.constant 0 : i32
    %dma_start3A_2781 = tpu.memref_slice %arg13[%dma_start3A_2777, %dma_start3A_2779, %dma_start3A_2780] : memref<7x128x128xf32, #tpu.memory_space<vmem>> -> memref<1x128x128xf32, #tpu.memory_space<vmem>>
    %dma_start3A_2782 = tpu.memref_squeeze %dma_start3A_2781 : memref<1x128x128xf32, #tpu.memory_space<vmem>> -> memref<128x128xf32, #tpu.memory_space<vmem>>
    %dma_start3A_2783 = arith.constant 0 : i32
    %dma_start3A_2784 = tpu.memref_slice %arg2[%multiple_of3A_237, %dma_start3A_2783] : memref<100000x128xf32, #tpu.memory_space<hbm>> -> memref<128x128xf32, #tpu.memory_space<hbm>>
    %dma_start3A_2785 = tpu.memref_slice %arg16[%dma_start3A_2778] : memref<7x!tpu.dma_semaphore, #tpu.memory_space<semaphore_mem>> -> memref<1x!tpu.dma_semaphore, #tpu.memory_space<semaphore_mem>>
    %dma_start3A_2786 = tpu.memref_squeeze %dma_start3A_2785 : memref<1x!tpu.dma_semaphore, #tpu.memory_space<semaphore_mem>> -> memref<!tpu.dma_semaphore, #tpu.memory_space<semaphore_mem>>
    %dma_start3A_2787 = arith.constant 0 : i32
    %dma_start3A_2788 = arith.constant 0 : i32
    %dma_start3A_2789 = tpu.memref_slice %arg13[%dma_start3A_2777, %dma_start3A_2787, %dma_start3A_2788] : memref<7x128x128xf32, #tpu.memory_space<vmem>> -> memref<1x128x128xf32, #tpu.memory_space<vmem>>
    %dma_start3A_2790 = tpu.memref_squeeze %dma_start3A_2789 : memref<1x128x128xf32, #tpu.memory_space<vmem>> -> memref<128x128xf32, #tpu.memory_space<vmem>>
    %dma_start3A_2791 = arith.constant 0 : i32
    %dma_start3A_2792 = tpu.memref_slice %arg2[%multiple_of3A_237, %dma_start3A_2791] : memref<100000x128xf32, #tpu.memory_space<hbm>> -> memref<128x128xf32, #tpu.memory_space<hbm>>
    tpu.enqueue_dma source(%dma_start3A_2792 : memref<128x128xf32, #tpu.memory_space<hbm>>) target(%dma_start3A_2790 : memref<128x128xf32, #tpu.memory_space<vmem>>) target_semaphore(%dma_start3A_2786 : memref<!tpu.dma_semaphore, #tpu.memory_space<semaphore_mem>>)
    %dma_wait3A_2793 = arith.constant 3 : i32
    %dma_wait3A_2794 = arith.constant 3 : i32
    %dma_wait3A_2795 = arith.constant 0 : i32
    %dma_wait3A_2796 = arith.constant 0 : i32
    %dma_wait3A_2797 = tpu.memref_slice %arg13[%dma_wait3A_2793, %dma_wait3A_2795, %dma_wait3A_2796] : memref<7x128x128xf32, #tpu.memory_space<vmem>> -> memref<1x128x128xf32, #tpu.memory_space<vmem>>
    %dma_wait3A_2798 = tpu.memref_squeeze %dma_wait3A_2797 : memref<1x128x128xf32, #tpu.memory_space<vmem>> -> memref<128x128xf32, #tpu.memory_space<vmem>>
    %dma_wait3A_2799 = arith.constant 0 : i32
    %dma_wait3A_2800 = tpu.memref_slice %arg2[%multiple_of3A_213, %dma_wait3A_2799] : memref<100000x128xf32, #tpu.memory_space<hbm>> -> memref<128x128xf32, #tpu.memory_space<hbm>>
    %dma_wait3A_2801 = tpu.memref_slice %arg16[%dma_wait3A_2794] : memref<7x!tpu.dma_semaphore, #tpu.memory_space<semaphore_mem>> -> memref<1x!tpu.dma_semaphore, #tpu.memory_space<semaphore_mem>>
    %dma_wait3A_2802 = tpu.memref_squeeze %dma_wait3A_2801 : memref<1x!tpu.dma_semaphore, #tpu.memory_space<semaphore_mem>> -> memref<!tpu.dma_semaphore, #tpu.memory_space<semaphore_mem>>
    %dma_wait3A_2803 = arith.constant 0 : i32
    %dma_wait3A_2804 = arith.constant 0 : i32
    %dma_wait3A_2805 = tpu.memref_slice %arg13[%dma_wait3A_2793, %dma_wait3A_2803, %dma_wait3A_2804] : memref<7x128x128xf32, #tpu.memory_space<vmem>> -> memref<1x128x128xf32, #tpu.memory_space<vmem>>
    %dma_wait3A_2806 = tpu.memref_squeeze %dma_wait3A_2805 : memref<1x128x128xf32, #tpu.memory_space<vmem>> -> memref<128x128xf32, #tpu.memory_space<vmem>>
    %dma_wait3A_2807 = arith.constant 0 : i32
    %dma_wait3A_2808 = tpu.memref_slice %arg2[%multiple_of3A_213, %dma_wait3A_2807] : memref<100000x128xf32, #tpu.memory_space<hbm>> -> memref<128x128xf32, #tpu.memory_space<hbm>>
    tpu.wait_dma2 semaphore(%dma_wait3A_2802 : memref<!tpu.dma_semaphore, #tpu.memory_space<semaphore_mem>>) src(%dma_wait3A_2808 : memref<128x128xf32, #tpu.memory_space<hbm>>) dst(%dma_wait3A_2806 : memref<128x128xf32, #tpu.memory_space<vmem>>)
    %dma_start3A_2809 = arith.constant 3 : i32
    %dma_start3A_2810 = arith.constant 17 : i32
    %dma_start3A_2811 = arith.constant 3 : i32
    %dma_start3A_2812 = arith.constant 0 : i32
    %dma_start3A_2813 = arith.constant 0 : i32
    %dma_start3A_2814 = tpu.memref_slice %arg13[%dma_start3A_2809, %dma_start3A_2812, %dma_start3A_2813] : memref<7x128x128xf32, #tpu.memory_space<vmem>> -> memref<1x128x128xf32, #tpu.memory_space<vmem>>
    %dma_start3A_2815 = tpu.memref_squeeze %dma_start3A_2814 : memref<1x128x128xf32, #tpu.memory_space<vmem>> -> memref<128x128xf32, #tpu.memory_space<vmem>>
    %dma_start3A_2816 = arith.constant 0 : i32
    %dma_start3A_2817 = tpu.memref_slice %arg9[%dma_start3A_2810, %dma_start3A_2816] : memref<25x128xi32, #tpu.memory_space<vmem>> -> memref<1x128xi32, #tpu.memory_space<vmem>>
    %dma_start3A_2818 = tpu.memref_squeeze %dma_start3A_2817 : memref<1x128xi32, #tpu.memory_space<vmem>> -> memref<128xi32, #tpu.memory_space<vmem>>
    %dma_start3A_2819 = arith.constant 0 : i32
    %dma_start3A_2820 = arith.constant 0 : i32
    %dma_start3A_2821 = tpu.memref_slice %arg14[%dma_start3A_2819, %dma_start3A_2820] : memref<520x128xf32, #tpu.memory_space<vmem_shared>> -> memref<520x128xf32, #tpu.memory_space<vmem_shared>>
    %dma_start3A_2822 = tpu.memref_slice %arg17[%dma_start3A_2811] : memref<7x!tpu.dma_semaphore, #tpu.memory_space<semaphore_mem>> -> memref<1x!tpu.dma_semaphore, #tpu.memory_space<semaphore_mem>>
    %dma_start3A_2823 = tpu.memref_squeeze %dma_start3A_2822 : memref<1x!tpu.dma_semaphore, #tpu.memory_space<semaphore_mem>> -> memref<!tpu.dma_semaphore, #tpu.memory_space<semaphore_mem>>
    tpu.enqueue_indirect_dma source(%dma_start3A_2815 : memref<128x128xf32, #tpu.memory_space<vmem>>) target(%dma_start3A_2821 : memref<520x128xf32, #tpu.memory_space<vmem_shared>>) offsets(%dma_start3A_2818 : memref<128xi32, #tpu.memory_space<vmem>>) semaphore(%dma_start3A_2823 : memref<!tpu.dma_semaphore, #tpu.memory_space<semaphore_mem>>) {add = true}
    %dma_wait3A_2824 = arith.constant 6 : i32
    %dma_wait3A_2825 = arith.constant 13 : i32
    %dma_wait3A_2826 = arith.constant 6 : i32
    %dma_wait3A_2827 = arith.constant 0 : i32
    %dma_wait3A_2828 = arith.constant 0 : i32
    %dma_wait3A_2829 = tpu.memref_slice %arg13[%dma_wait3A_2824, %dma_wait3A_2827, %dma_wait3A_2828] : memref<7x128x128xf32, #tpu.memory_space<vmem>> -> memref<1x128x128xf32, #tpu.memory_space<vmem>>
    %dma_wait3A_2830 = tpu.memref_squeeze %dma_wait3A_2829 : memref<1x128x128xf32, #tpu.memory_space<vmem>> -> memref<128x128xf32, #tpu.memory_space<vmem>>
    %dma_wait3A_2831 = arith.constant 0 : i32
    %dma_wait3A_2832 = tpu.memref_slice %arg9[%dma_wait3A_2825, %dma_wait3A_2831] : memref<25x128xi32, #tpu.memory_space<vmem>> -> memref<1x128xi32, #tpu.memory_space<vmem>>
    %dma_wait3A_2833 = tpu.memref_squeeze %dma_wait3A_2832 : memref<1x128xi32, #tpu.memory_space<vmem>> -> memref<128xi32, #tpu.memory_space<vmem>>
    %dma_wait3A_2834 = arith.constant 0 : i32
    %dma_wait3A_2835 = arith.constant 0 : i32
    %dma_wait3A_2836 = tpu.memref_slice %arg14[%dma_wait3A_2834, %dma_wait3A_2835] : memref<520x128xf32, #tpu.memory_space<vmem_shared>> -> memref<520x128xf32, #tpu.memory_space<vmem_shared>>
    %dma_wait3A_2837 = tpu.memref_slice %arg17[%dma_wait3A_2826] : memref<7x!tpu.dma_semaphore, #tpu.memory_space<semaphore_mem>> -> memref<1x!tpu.dma_semaphore, #tpu.memory_space<semaphore_mem>>
    %dma_wait3A_2838 = tpu.memref_squeeze %dma_wait3A_2837 : memref<1x!tpu.dma_semaphore, #tpu.memory_space<semaphore_mem>> -> memref<!tpu.dma_semaphore, #tpu.memory_space<semaphore_mem>>
    tpu.wait_indirect_dma semaphore(%dma_wait3A_2838 : memref<!tpu.dma_semaphore, #tpu.memory_space<semaphore_mem>>) src(%dma_wait3A_2830 : memref<128x128xf32, #tpu.memory_space<vmem>>) dst(%dma_wait3A_2836 : memref<520x128xf32, #tpu.memory_space<vmem_shared>>)
    %dma_start3A_2839 = arith.constant 6 : i32
    %dma_start3A_2840 = arith.constant 6 : i32
    %dma_start3A_2841 = arith.constant 0 : i32
    %dma_start3A_2842 = arith.constant 0 : i32
    %dma_start3A_2843 = tpu.memref_slice %arg13[%dma_start3A_2839, %dma_start3A_2841, %dma_start3A_2842] : memref<7x128x128xf32, #tpu.memory_space<vmem>> -> memref<1x128x128xf32, #tpu.memory_space<vmem>>
    %dma_start3A_2844 = tpu.memref_squeeze %dma_start3A_2843 : memref<1x128x128xf32, #tpu.memory_space<vmem>> -> memref<128x128xf32, #tpu.memory_space<vmem>>
    %dma_start3A_2845 = arith.constant 0 : i32
    %dma_start3A_2846 = tpu.memref_slice %arg2[%multiple_of3A_249, %dma_start3A_2845] : memref<100000x128xf32, #tpu.memory_space<hbm>> -> memref<128x128xf32, #tpu.memory_space<hbm>>
    %dma_start3A_2847 = tpu.memref_slice %arg16[%dma_start3A_2840] : memref<7x!tpu.dma_semaphore, #tpu.memory_space<semaphore_mem>> -> memref<1x!tpu.dma_semaphore, #tpu.memory_space<semaphore_mem>>
    %dma_start3A_2848 = tpu.memref_squeeze %dma_start3A_2847 : memref<1x!tpu.dma_semaphore, #tpu.memory_space<semaphore_mem>> -> memref<!tpu.dma_semaphore, #tpu.memory_space<semaphore_mem>>
    %dma_start3A_2849 = arith.constant 0 : i32
    %dma_start3A_2850 = arith.constant 0 : i32
    %dma_start3A_2851 = tpu.memref_slice %arg13[%dma_start3A_2839, %dma_start3A_2849, %dma_start3A_2850] : memref<7x128x128xf32, #tpu.memory_space<vmem>> -> memref<1x128x128xf32, #tpu.memory_space<vmem>>
    %dma_start3A_2852 = tpu.memref_squeeze %dma_start3A_2851 : memref<1x128x128xf32, #tpu.memory_space<vmem>> -> memref<128x128xf32, #tpu.memory_space<vmem>>
    %dma_start3A_2853 = arith.constant 0 : i32
    %dma_start3A_2854 = tpu.memref_slice %arg2[%multiple_of3A_249, %dma_start3A_2853] : memref<100000x128xf32, #tpu.memory_space<hbm>> -> memref<128x128xf32, #tpu.memory_space<hbm>>
    tpu.enqueue_dma source(%dma_start3A_2854 : memref<128x128xf32, #tpu.memory_space<hbm>>) target(%dma_start3A_2852 : memref<128x128xf32, #tpu.memory_space<vmem>>) target_semaphore(%dma_start3A_2848 : memref<!tpu.dma_semaphore, #tpu.memory_space<semaphore_mem>>)
    %dma_wait3A_2855 = arith.constant 4 : i32
    %dma_wait3A_2856 = arith.constant 4 : i32
    %dma_wait3A_2857 = arith.constant 0 : i32
    %dma_wait3A_2858 = arith.constant 0 : i32
    %dma_wait3A_2859 = tpu.memref_slice %arg13[%dma_wait3A_2855, %dma_wait3A_2857, %dma_wait3A_2858] : memref<7x128x128xf32, #tpu.memory_space<vmem>> -> memref<1x128x128xf32, #tpu.memory_space<vmem>>
    %dma_wait3A_2860 = tpu.memref_squeeze %dma_wait3A_2859 : memref<1x128x128xf32, #tpu.memory_space<vmem>> -> memref<128x128xf32, #tpu.memory_space<vmem>>
    %dma_wait3A_2861 = arith.constant 0 : i32
    %dma_wait3A_2862 = tpu.memref_slice %arg2[%multiple_of3A_225, %dma_wait3A_2861] : memref<100000x128xf32, #tpu.memory_space<hbm>> -> memref<128x128xf32, #tpu.memory_space<hbm>>
    %dma_wait3A_2863 = tpu.memref_slice %arg16[%dma_wait3A_2856] : memref<7x!tpu.dma_semaphore, #tpu.memory_space<semaphore_mem>> -> memref<1x!tpu.dma_semaphore, #tpu.memory_space<semaphore_mem>>
    %dma_wait3A_2864 = tpu.memref_squeeze %dma_wait3A_2863 : memref<1x!tpu.dma_semaphore, #tpu.memory_space<semaphore_mem>> -> memref<!tpu.dma_semaphore, #tpu.memory_space<semaphore_mem>>
    %dma_wait3A_2865 = arith.constant 0 : i32
    %dma_wait3A_2866 = arith.constant 0 : i32
    %dma_wait3A_2867 = tpu.memref_slice %arg13[%dma_wait3A_2855, %dma_wait3A_2865, %dma_wait3A_2866] : memref<7x128x128xf32, #tpu.memory_space<vmem>> -> memref<1x128x128xf32, #tpu.memory_space<vmem>>
    %dma_wait3A_2868 = tpu.memref_squeeze %dma_wait3A_2867 : memref<1x128x128xf32, #tpu.memory_space<vmem>> -> memref<128x128xf32, #tpu.memory_space<vmem>>
    %dma_wait3A_2869 = arith.constant 0 : i32
    %dma_wait3A_2870 = tpu.memref_slice %arg2[%multiple_of3A_225, %dma_wait3A_2869] : memref<100000x128xf32, #tpu.memory_space<hbm>> -> memref<128x128xf32, #tpu.memory_space<hbm>>
    tpu.wait_dma2 semaphore(%dma_wait3A_2864 : memref<!tpu.dma_semaphore, #tpu.memory_space<semaphore_mem>>) src(%dma_wait3A_2870 : memref<128x128xf32, #tpu.memory_space<hbm>>) dst(%dma_wait3A_2868 : memref<128x128xf32, #tpu.memory_space<vmem>>)
    %dma_start3A_2871 = arith.constant 4 : i32
    %dma_start3A_2872 = arith.constant 18 : i32
    %dma_start3A_2873 = arith.constant 4 : i32
    %dma_start3A_2874 = arith.constant 0 : i32
    %dma_start3A_2875 = arith.constant 0 : i32
    %dma_start3A_2876 = tpu.memref_slice %arg13[%dma_start3A_2871, %dma_start3A_2874, %dma_start3A_2875] : memref<7x128x128xf32, #tpu.memory_space<vmem>> -> memref<1x128x128xf32, #tpu.memory_space<vmem>>
    %dma_start3A_2877 = tpu.memref_squeeze %dma_start3A_2876 : memref<1x128x128xf32, #tpu.memory_space<vmem>> -> memref<128x128xf32, #tpu.memory_space<vmem>>
    %dma_start3A_2878 = arith.constant 0 : i32
    %dma_start3A_2879 = tpu.memref_slice %arg9[%dma_start3A_2872, %dma_start3A_2878] : memref<25x128xi32, #tpu.memory_space<vmem>> -> memref<1x128xi32, #tpu.memory_space<vmem>>
    %dma_start3A_2880 = tpu.memref_squeeze %dma_start3A_2879 : memref<1x128xi32, #tpu.memory_space<vmem>> -> memref<128xi32, #tpu.memory_space<vmem>>
    %dma_start3A_2881 = arith.constant 0 : i32
    %dma_start3A_2882 = arith.constant 0 : i32
    %dma_start3A_2883 = tpu.memref_slice %arg14[%dma_start3A_2881, %dma_start3A_2882] : memref<520x128xf32, #tpu.memory_space<vmem_shared>> -> memref<520x128xf32, #tpu.memory_space<vmem_shared>>
    %dma_start3A_2884 = tpu.memref_slice %arg17[%dma_start3A_2873] : memref<7x!tpu.dma_semaphore, #tpu.memory_space<semaphore_mem>> -> memref<1x!tpu.dma_semaphore, #tpu.memory_space<semaphore_mem>>
    %dma_start3A_2885 = tpu.memref_squeeze %dma_start3A_2884 : memref<1x!tpu.dma_semaphore, #tpu.memory_space<semaphore_mem>> -> memref<!tpu.dma_semaphore, #tpu.memory_space<semaphore_mem>>
    tpu.enqueue_indirect_dma source(%dma_start3A_2877 : memref<128x128xf32, #tpu.memory_space<vmem>>) target(%dma_start3A_2883 : memref<520x128xf32, #tpu.memory_space<vmem_shared>>) offsets(%dma_start3A_2880 : memref<128xi32, #tpu.memory_space<vmem>>) semaphore(%dma_start3A_2885 : memref<!tpu.dma_semaphore, #tpu.memory_space<semaphore_mem>>) {add = true}
    %dma_wait3A_2886 = arith.constant 0 : i32
    %dma_wait3A_2887 = arith.constant 14 : i32
    %dma_wait3A_2888 = arith.constant 0 : i32
    %dma_wait3A_2889 = arith.constant 0 : i32
    %dma_wait3A_2890 = arith.constant 0 : i32
    %dma_wait3A_2891 = tpu.memref_slice %arg13[%dma_wait3A_2886, %dma_wait3A_2889, %dma_wait3A_2890] : memref<7x128x128xf32, #tpu.memory_space<vmem>> -> memref<1x128x128xf32, #tpu.memory_space<vmem>>
    %dma_wait3A_2892 = tpu.memref_squeeze %dma_wait3A_2891 : memref<1x128x128xf32, #tpu.memory_space<vmem>> -> memref<128x128xf32, #tpu.memory_space<vmem>>
    %dma_wait3A_2893 = arith.constant 0 : i32
    %dma_wait3A_2894 = tpu.memref_slice %arg9[%dma_wait3A_2887, %dma_wait3A_2893] : memref<25x128xi32, #tpu.memory_space<vmem>> -> memref<1x128xi32, #tpu.memory_space<vmem>>
    %dma_wait3A_2895 = tpu.memref_squeeze %dma_wait3A_2894 : memref<1x128xi32, #tpu.memory_space<vmem>> -> memref<128xi32, #tpu.memory_space<vmem>>
    %dma_wait3A_2896 = arith.constant 0 : i32
    %dma_wait3A_2897 = arith.constant 0 : i32
    %dma_wait3A_2898 = tpu.memref_slice %arg14[%dma_wait3A_2896, %dma_wait3A_2897] : memref<520x128xf32, #tpu.memory_space<vmem_shared>> -> memref<520x128xf32, #tpu.memory_space<vmem_shared>>
    %dma_wait3A_2899 = tpu.memref_slice %arg17[%dma_wait3A_2888] : memref<7x!tpu.dma_semaphore, #tpu.memory_space<semaphore_mem>> -> memref<1x!tpu.dma_semaphore, #tpu.memory_space<semaphore_mem>>
    %dma_wait3A_2900 = tpu.memref_squeeze %dma_wait3A_2899 : memref<1x!tpu.dma_semaphore, #tpu.memory_space<semaphore_mem>> -> memref<!tpu.dma_semaphore, #tpu.memory_space<semaphore_mem>>
    tpu.wait_indirect_dma semaphore(%dma_wait3A_2900 : memref<!tpu.dma_semaphore, #tpu.memory_space<semaphore_mem>>) src(%dma_wait3A_2892 : memref<128x128xf32, #tpu.memory_space<vmem>>) dst(%dma_wait3A_2898 : memref<520x128xf32, #tpu.memory_space<vmem_shared>>)
    %dma_start3A_2901 = arith.constant 0 : i32
    %dma_start3A_2902 = arith.constant 0 : i32
    %dma_start3A_2903 = arith.constant 0 : i32
    %dma_start3A_2904 = arith.constant 0 : i32
    %dma_start3A_2905 = tpu.memref_slice %arg13[%dma_start3A_2901, %dma_start3A_2903, %dma_start3A_2904] : memref<7x128x128xf32, #tpu.memory_space<vmem>> -> memref<1x128x128xf32, #tpu.memory_space<vmem>>
    %dma_start3A_2906 = tpu.memref_squeeze %dma_start3A_2905 : memref<1x128x128xf32, #tpu.memory_space<vmem>> -> memref<128x128xf32, #tpu.memory_space<vmem>>
    %dma_start3A_2907 = arith.constant 0 : i32
    %dma_start3A_2908 = tpu.memref_slice %arg2[%multiple_of3A_261, %dma_start3A_2907] : memref<100000x128xf32, #tpu.memory_space<hbm>> -> memref<128x128xf32, #tpu.memory_space<hbm>>
    %dma_start3A_2909 = tpu.memref_slice %arg16[%dma_start3A_2902] : memref<7x!tpu.dma_semaphore, #tpu.memory_space<semaphore_mem>> -> memref<1x!tpu.dma_semaphore, #tpu.memory_space<semaphore_mem>>
    %dma_start3A_2910 = tpu.memref_squeeze %dma_start3A_2909 : memref<1x!tpu.dma_semaphore, #tpu.memory_space<semaphore_mem>> -> memref<!tpu.dma_semaphore, #tpu.memory_space<semaphore_mem>>
    %dma_start3A_2911 = arith.constant 0 : i32
    %dma_start3A_2912 = arith.constant 0 : i32
    %dma_start3A_2913 = tpu.memref_slice %arg13[%dma_start3A_2901, %dma_start3A_2911, %dma_start3A_2912] : memref<7x128x128xf32, #tpu.memory_space<vmem>> -> memref<1x128x128xf32, #tpu.memory_space<vmem>>
    %dma_start3A_2914 = tpu.memref_squeeze %dma_start3A_2913 : memref<1x128x128xf32, #tpu.memory_space<vmem>> -> memref<128x128xf32, #tpu.memory_space<vmem>>
    %dma_start3A_2915 = arith.constant 0 : i32
    %dma_start3A_2916 = tpu.memref_slice %arg2[%multiple_of3A_261, %dma_start3A_2915] : memref<100000x128xf32, #tpu.memory_space<hbm>> -> memref<128x128xf32, #tpu.memory_space<hbm>>
    tpu.enqueue_dma source(%dma_start3A_2916 : memref<128x128xf32, #tpu.memory_space<hbm>>) target(%dma_start3A_2914 : memref<128x128xf32, #tpu.memory_space<vmem>>) target_semaphore(%dma_start3A_2910 : memref<!tpu.dma_semaphore, #tpu.memory_space<semaphore_mem>>)
    %dma_wait3A_2917 = arith.constant 5 : i32
    %dma_wait3A_2918 = arith.constant 5 : i32
    %dma_wait3A_2919 = arith.constant 0 : i32
    %dma_wait3A_2920 = arith.constant 0 : i32
    %dma_wait3A_2921 = tpu.memref_slice %arg13[%dma_wait3A_2917, %dma_wait3A_2919, %dma_wait3A_2920] : memref<7x128x128xf32, #tpu.memory_space<vmem>> -> memref<1x128x128xf32, #tpu.memory_space<vmem>>
    %dma_wait3A_2922 = tpu.memref_squeeze %dma_wait3A_2921 : memref<1x128x128xf32, #tpu.memory_space<vmem>> -> memref<128x128xf32, #tpu.memory_space<vmem>>
    %dma_wait3A_2923 = arith.constant 0 : i32
    %dma_wait3A_2924 = tpu.memref_slice %arg2[%multiple_of3A_237, %dma_wait3A_2923] : memref<100000x128xf32, #tpu.memory_space<hbm>> -> memref<128x128xf32, #tpu.memory_space<hbm>>
    %dma_wait3A_2925 = tpu.memref_slice %arg16[%dma_wait3A_2918] : memref<7x!tpu.dma_semaphore, #tpu.memory_space<semaphore_mem>> -> memref<1x!tpu.dma_semaphore, #tpu.memory_space<semaphore_mem>>
    %dma_wait3A_2926 = tpu.memref_squeeze %dma_wait3A_2925 : memref<1x!tpu.dma_semaphore, #tpu.memory_space<semaphore_mem>> -> memref<!tpu.dma_semaphore, #tpu.memory_space<semaphore_mem>>
    %dma_wait3A_2927 = arith.constant 0 : i32
    %dma_wait3A_2928 = arith.constant 0 : i32
    %dma_wait3A_2929 = tpu.memref_slice %arg13[%dma_wait3A_2917, %dma_wait3A_2927, %dma_wait3A_2928] : memref<7x128x128xf32, #tpu.memory_space<vmem>> -> memref<1x128x128xf32, #tpu.memory_space<vmem>>
    %dma_wait3A_2930 = tpu.memref_squeeze %dma_wait3A_2929 : memref<1x128x128xf32, #tpu.memory_space<vmem>> -> memref<128x128xf32, #tpu.memory_space<vmem>>
    %dma_wait3A_2931 = arith.constant 0 : i32
    %dma_wait3A_2932 = tpu.memref_slice %arg2[%multiple_of3A_237, %dma_wait3A_2931] : memref<100000x128xf32, #tpu.memory_space<hbm>> -> memref<128x128xf32, #tpu.memory_space<hbm>>
    tpu.wait_dma2 semaphore(%dma_wait3A_2926 : memref<!tpu.dma_semaphore, #tpu.memory_space<semaphore_mem>>) src(%dma_wait3A_2932 : memref<128x128xf32, #tpu.memory_space<hbm>>) dst(%dma_wait3A_2930 : memref<128x128xf32, #tpu.memory_space<vmem>>)
    %dma_start3A_2933 = arith.constant 5 : i32
    %dma_start3A_2934 = arith.constant 19 : i32
    %dma_start3A_2935 = arith.constant 5 : i32
    %dma_start3A_2936 = arith.constant 0 : i32
    %dma_start3A_2937 = arith.constant 0 : i32
    %dma_start3A_2938 = tpu.memref_slice %arg13[%dma_start3A_2933, %dma_start3A_2936, %dma_start3A_2937] : memref<7x128x128xf32, #tpu.memory_space<vmem>> -> memref<1x128x128xf32, #tpu.memory_space<vmem>>
    %dma_start3A_2939 = tpu.memref_squeeze %dma_start3A_2938 : memref<1x128x128xf32, #tpu.memory_space<vmem>> -> memref<128x128xf32, #tpu.memory_space<vmem>>
    %dma_start3A_2940 = arith.constant 0 : i32
    %dma_start3A_2941 = tpu.memref_slice %arg9[%dma_start3A_2934, %dma_start3A_2940] : memref<25x128xi32, #tpu.memory_space<vmem>> -> memref<1x128xi32, #tpu.memory_space<vmem>>
    %dma_start3A_2942 = tpu.memref_squeeze %dma_start3A_2941 : memref<1x128xi32, #tpu.memory_space<vmem>> -> memref<128xi32, #tpu.memory_space<vmem>>
    %dma_start3A_2943 = arith.constant 0 : i32
    %dma_start3A_2944 = arith.constant 0 : i32
    %dma_start3A_2945 = tpu.memref_slice %arg14[%dma_start3A_2943, %dma_start3A_2944] : memref<520x128xf32, #tpu.memory_space<vmem_shared>> -> memref<520x128xf32, #tpu.memory_space<vmem_shared>>
    %dma_start3A_2946 = tpu.memref_slice %arg17[%dma_start3A_2935] : memref<7x!tpu.dma_semaphore, #tpu.memory_space<semaphore_mem>> -> memref<1x!tpu.dma_semaphore, #tpu.memory_space<semaphore_mem>>
    %dma_start3A_2947 = tpu.memref_squeeze %dma_start3A_2946 : memref<1x!tpu.dma_semaphore, #tpu.memory_space<semaphore_mem>> -> memref<!tpu.dma_semaphore, #tpu.memory_space<semaphore_mem>>
    tpu.enqueue_indirect_dma source(%dma_start3A_2939 : memref<128x128xf32, #tpu.memory_space<vmem>>) target(%dma_start3A_2945 : memref<520x128xf32, #tpu.memory_space<vmem_shared>>) offsets(%dma_start3A_2942 : memref<128xi32, #tpu.memory_space<vmem>>) semaphore(%dma_start3A_2947 : memref<!tpu.dma_semaphore, #tpu.memory_space<semaphore_mem>>) {add = true}
    %dma_wait3A_2948 = arith.constant 1 : i32
    %dma_wait3A_2949 = arith.constant 15 : i32
    %dma_wait3A_2950 = arith.constant 1 : i32
    %dma_wait3A_2951 = arith.constant 0 : i32
    %dma_wait3A_2952 = arith.constant 0 : i32
    %dma_wait3A_2953 = tpu.memref_slice %arg13[%dma_wait3A_2948, %dma_wait3A_2951, %dma_wait3A_2952] : memref<7x128x128xf32, #tpu.memory_space<vmem>> -> memref<1x128x128xf32, #tpu.memory_space<vmem>>
    %dma_wait3A_2954 = tpu.memref_squeeze %dma_wait3A_2953 : memref<1x128x128xf32, #tpu.memory_space<vmem>> -> memref<128x128xf32, #tpu.memory_space<vmem>>
    %dma_wait3A_2955 = arith.constant 0 : i32
    %dma_wait3A_2956 = tpu.memref_slice %arg9[%dma_wait3A_2949, %dma_wait3A_2955] : memref<25x128xi32, #tpu.memory_space<vmem>> -> memref<1x128xi32, #tpu.memory_space<vmem>>
    %dma_wait3A_2957 = tpu.memref_squeeze %dma_wait3A_2956 : memref<1x128xi32, #tpu.memory_space<vmem>> -> memref<128xi32, #tpu.memory_space<vmem>>
    %dma_wait3A_2958 = arith.constant 0 : i32
    %dma_wait3A_2959 = arith.constant 0 : i32
    %dma_wait3A_2960 = tpu.memref_slice %arg14[%dma_wait3A_2958, %dma_wait3A_2959] : memref<520x128xf32, #tpu.memory_space<vmem_shared>> -> memref<520x128xf32, #tpu.memory_space<vmem_shared>>
    %dma_wait3A_2961 = tpu.memref_slice %arg17[%dma_wait3A_2950] : memref<7x!tpu.dma_semaphore, #tpu.memory_space<semaphore_mem>> -> memref<1x!tpu.dma_semaphore, #tpu.memory_space<semaphore_mem>>
    %dma_wait3A_2962 = tpu.memref_squeeze %dma_wait3A_2961 : memref<1x!tpu.dma_semaphore, #tpu.memory_space<semaphore_mem>> -> memref<!tpu.dma_semaphore, #tpu.memory_space<semaphore_mem>>
    tpu.wait_indirect_dma semaphore(%dma_wait3A_2962 : memref<!tpu.dma_semaphore, #tpu.memory_space<semaphore_mem>>) src(%dma_wait3A_2954 : memref<128x128xf32, #tpu.memory_space<vmem>>) dst(%dma_wait3A_2960 : memref<520x128xf32, #tpu.memory_space<vmem_shared>>)
    %dma_start3A_2963 = arith.constant 1 : i32
    %dma_start3A_2964 = arith.constant 1 : i32
    %dma_start3A_2965 = arith.constant 0 : i32
    %dma_start3A_2966 = arith.constant 0 : i32
    %dma_start3A_2967 = tpu.memref_slice %arg13[%dma_start3A_2963, %dma_start3A_2965, %dma_start3A_2966] : memref<7x128x128xf32, #tpu.memory_space<vmem>> -> memref<1x128x128xf32, #tpu.memory_space<vmem>>
    %dma_start3A_2968 = tpu.memref_squeeze %dma_start3A_2967 : memref<1x128x128xf32, #tpu.memory_space<vmem>> -> memref<128x128xf32, #tpu.memory_space<vmem>>
    %dma_start3A_2969 = arith.constant 0 : i32
    %dma_start3A_2970 = tpu.memref_slice %arg2[%multiple_of3A_273, %dma_start3A_2969] : memref<100000x128xf32, #tpu.memory_space<hbm>> -> memref<128x128xf32, #tpu.memory_space<hbm>>
    %dma_start3A_2971 = tpu.memref_slice %arg16[%dma_start3A_2964] : memref<7x!tpu.dma_semaphore, #tpu.memory_space<semaphore_mem>> -> memref<1x!tpu.dma_semaphore, #tpu.memory_space<semaphore_mem>>
    %dma_start3A_2972 = tpu.memref_squeeze %dma_start3A_2971 : memref<1x!tpu.dma_semaphore, #tpu.memory_space<semaphore_mem>> -> memref<!tpu.dma_semaphore, #tpu.memory_space<semaphore_mem>>
    %dma_start3A_2973 = arith.constant 0 : i32
    %dma_start3A_2974 = arith.constant 0 : i32
    %dma_start3A_2975 = tpu.memref_slice %arg13[%dma_start3A_2963, %dma_start3A_2973, %dma_start3A_2974] : memref<7x128x128xf32, #tpu.memory_space<vmem>> -> memref<1x128x128xf32, #tpu.memory_space<vmem>>
    %dma_start3A_2976 = tpu.memref_squeeze %dma_start3A_2975 : memref<1x128x128xf32, #tpu.memory_space<vmem>> -> memref<128x128xf32, #tpu.memory_space<vmem>>
    %dma_start3A_2977 = arith.constant 0 : i32
    %dma_start3A_2978 = tpu.memref_slice %arg2[%multiple_of3A_273, %dma_start3A_2977] : memref<100000x128xf32, #tpu.memory_space<hbm>> -> memref<128x128xf32, #tpu.memory_space<hbm>>
    tpu.enqueue_dma source(%dma_start3A_2978 : memref<128x128xf32, #tpu.memory_space<hbm>>) target(%dma_start3A_2976 : memref<128x128xf32, #tpu.memory_space<vmem>>) target_semaphore(%dma_start3A_2972 : memref<!tpu.dma_semaphore, #tpu.memory_space<semaphore_mem>>)
    %dma_wait3A_2979 = arith.constant 6 : i32
    %dma_wait3A_2980 = arith.constant 6 : i32
    %dma_wait3A_2981 = arith.constant 0 : i32
    %dma_wait3A_2982 = arith.constant 0 : i32
    %dma_wait3A_2983 = tpu.memref_slice %arg13[%dma_wait3A_2979, %dma_wait3A_2981, %dma_wait3A_2982] : memref<7x128x128xf32, #tpu.memory_space<vmem>> -> memref<1x128x128xf32, #tpu.memory_space<vmem>>
    %dma_wait3A_2984 = tpu.memref_squeeze %dma_wait3A_2983 : memref<1x128x128xf32, #tpu.memory_space<vmem>> -> memref<128x128xf32, #tpu.memory_space<vmem>>
    %dma_wait3A_2985 = arith.constant 0 : i32
    %dma_wait3A_2986 = tpu.memref_slice %arg2[%multiple_of3A_249, %dma_wait3A_2985] : memref<100000x128xf32, #tpu.memory_space<hbm>> -> memref<128x128xf32, #tpu.memory_space<hbm>>
    %dma_wait3A_2987 = tpu.memref_slice %arg16[%dma_wait3A_2980] : memref<7x!tpu.dma_semaphore, #tpu.memory_space<semaphore_mem>> -> memref<1x!tpu.dma_semaphore, #tpu.memory_space<semaphore_mem>>
    %dma_wait3A_2988 = tpu.memref_squeeze %dma_wait3A_2987 : memref<1x!tpu.dma_semaphore, #tpu.memory_space<semaphore_mem>> -> memref<!tpu.dma_semaphore, #tpu.memory_space<semaphore_mem>>
    %dma_wait3A_2989 = arith.constant 0 : i32
    %dma_wait3A_2990 = arith.constant 0 : i32
    %dma_wait3A_2991 = tpu.memref_slice %arg13[%dma_wait3A_2979, %dma_wait3A_2989, %dma_wait3A_2990] : memref<7x128x128xf32, #tpu.memory_space<vmem>> -> memref<1x128x128xf32, #tpu.memory_space<vmem>>
    %dma_wait3A_2992 = tpu.memref_squeeze %dma_wait3A_2991 : memref<1x128x128xf32, #tpu.memory_space<vmem>> -> memref<128x128xf32, #tpu.memory_space<vmem>>
    %dma_wait3A_2993 = arith.constant 0 : i32
    %dma_wait3A_2994 = tpu.memref_slice %arg2[%multiple_of3A_249, %dma_wait3A_2993] : memref<100000x128xf32, #tpu.memory_space<hbm>> -> memref<128x128xf32, #tpu.memory_space<hbm>>
    tpu.wait_dma2 semaphore(%dma_wait3A_2988 : memref<!tpu.dma_semaphore, #tpu.memory_space<semaphore_mem>>) src(%dma_wait3A_2994 : memref<128x128xf32, #tpu.memory_space<hbm>>) dst(%dma_wait3A_2992 : memref<128x128xf32, #tpu.memory_space<vmem>>)
    %dma_start3A_2995 = arith.constant 6 : i32
    %dma_start3A_2996 = arith.constant 20 : i32
    %dma_start3A_2997 = arith.constant 6 : i32
    %dma_start3A_2998 = arith.constant 0 : i32
    %dma_start3A_2999 = arith.constant 0 : i32
    %dma_start3A_3000 = tpu.memref_slice %arg13[%dma_start3A_2995, %dma_start3A_2998, %dma_start3A_2999] : memref<7x128x128xf32, #tpu.memory_space<vmem>> -> memref<1x128x128xf32, #tpu.memory_space<vmem>>
    %dma_start3A_3001 = tpu.memref_squeeze %dma_start3A_3000 : memref<1x128x128xf32, #tpu.memory_space<vmem>> -> memref<128x128xf32, #tpu.memory_space<vmem>>
    %dma_start3A_3002 = arith.constant 0 : i32
    %dma_start3A_3003 = tpu.memref_slice %arg9[%dma_start3A_2996, %dma_start3A_3002] : memref<25x128xi32, #tpu.memory_space<vmem>> -> memref<1x128xi32, #tpu.memory_space<vmem>>
    %dma_start3A_3004 = tpu.memref_squeeze %dma_start3A_3003 : memref<1x128xi32, #tpu.memory_space<vmem>> -> memref<128xi32, #tpu.memory_space<vmem>>
    %dma_start3A_3005 = arith.constant 0 : i32
    %dma_start3A_3006 = arith.constant 0 : i32
    %dma_start3A_3007 = tpu.memref_slice %arg14[%dma_start3A_3005, %dma_start3A_3006] : memref<520x128xf32, #tpu.memory_space<vmem_shared>> -> memref<520x128xf32, #tpu.memory_space<vmem_shared>>
    %dma_start3A_3008 = tpu.memref_slice %arg17[%dma_start3A_2997] : memref<7x!tpu.dma_semaphore, #tpu.memory_space<semaphore_mem>> -> memref<1x!tpu.dma_semaphore, #tpu.memory_space<semaphore_mem>>
    %dma_start3A_3009 = tpu.memref_squeeze %dma_start3A_3008 : memref<1x!tpu.dma_semaphore, #tpu.memory_space<semaphore_mem>> -> memref<!tpu.dma_semaphore, #tpu.memory_space<semaphore_mem>>
    tpu.enqueue_indirect_dma source(%dma_start3A_3001 : memref<128x128xf32, #tpu.memory_space<vmem>>) target(%dma_start3A_3007 : memref<520x128xf32, #tpu.memory_space<vmem_shared>>) offsets(%dma_start3A_3004 : memref<128xi32, #tpu.memory_space<vmem>>) semaphore(%dma_start3A_3009 : memref<!tpu.dma_semaphore, #tpu.memory_space<semaphore_mem>>) {add = true}
    %dma_wait3A_3010 = arith.constant 2 : i32
    %dma_wait3A_3011 = arith.constant 16 : i32
    %dma_wait3A_3012 = arith.constant 2 : i32
    %dma_wait3A_3013 = arith.constant 0 : i32
    %dma_wait3A_3014 = arith.constant 0 : i32
    %dma_wait3A_3015 = tpu.memref_slice %arg13[%dma_wait3A_3010, %dma_wait3A_3013, %dma_wait3A_3014] : memref<7x128x128xf32, #tpu.memory_space<vmem>> -> memref<1x128x128xf32, #tpu.memory_space<vmem>>
    %dma_wait3A_3016 = tpu.memref_squeeze %dma_wait3A_3015 : memref<1x128x128xf32, #tpu.memory_space<vmem>> -> memref<128x128xf32, #tpu.memory_space<vmem>>
    %dma_wait3A_3017 = arith.constant 0 : i32
    %dma_wait3A_3018 = tpu.memref_slice %arg9[%dma_wait3A_3011, %dma_wait3A_3017] : memref<25x128xi32, #tpu.memory_space<vmem>> -> memref<1x128xi32, #tpu.memory_space<vmem>>
    %dma_wait3A_3019 = tpu.memref_squeeze %dma_wait3A_3018 : memref<1x128xi32, #tpu.memory_space<vmem>> -> memref<128xi32, #tpu.memory_space<vmem>>
    %dma_wait3A_3020 = arith.constant 0 : i32
    %dma_wait3A_3021 = arith.constant 0 : i32
    %dma_wait3A_3022 = tpu.memref_slice %arg14[%dma_wait3A_3020, %dma_wait3A_3021] : memref<520x128xf32, #tpu.memory_space<vmem_shared>> -> memref<520x128xf32, #tpu.memory_space<vmem_shared>>
    %dma_wait3A_3023 = tpu.memref_slice %arg17[%dma_wait3A_3012] : memref<7x!tpu.dma_semaphore, #tpu.memory_space<semaphore_mem>> -> memref<1x!tpu.dma_semaphore, #tpu.memory_space<semaphore_mem>>
    %dma_wait3A_3024 = tpu.memref_squeeze %dma_wait3A_3023 : memref<1x!tpu.dma_semaphore, #tpu.memory_space<semaphore_mem>> -> memref<!tpu.dma_semaphore, #tpu.memory_space<semaphore_mem>>
    tpu.wait_indirect_dma semaphore(%dma_wait3A_3024 : memref<!tpu.dma_semaphore, #tpu.memory_space<semaphore_mem>>) src(%dma_wait3A_3016 : memref<128x128xf32, #tpu.memory_space<vmem>>) dst(%dma_wait3A_3022 : memref<520x128xf32, #tpu.memory_space<vmem_shared>>)
    %dma_start3A_3025 = arith.constant 2 : i32
    %dma_start3A_3026 = arith.constant 2 : i32
    %dma_start3A_3027 = arith.constant 0 : i32
    %dma_start3A_3028 = arith.constant 0 : i32
    %dma_start3A_3029 = tpu.memref_slice %arg13[%dma_start3A_3025, %dma_start3A_3027, %dma_start3A_3028] : memref<7x128x128xf32, #tpu.memory_space<vmem>> -> memref<1x128x128xf32, #tpu.memory_space<vmem>>
    %dma_start3A_3030 = tpu.memref_squeeze %dma_start3A_3029 : memref<1x128x128xf32, #tpu.memory_space<vmem>> -> memref<128x128xf32, #tpu.memory_space<vmem>>
    %dma_start3A_3031 = arith.constant 0 : i32
    %dma_start3A_3032 = tpu.memref_slice %arg2[%multiple_of3A_285, %dma_start3A_3031] : memref<100000x128xf32, #tpu.memory_space<hbm>> -> memref<128x128xf32, #tpu.memory_space<hbm>>
    %dma_start3A_3033 = tpu.memref_slice %arg16[%dma_start3A_3026] : memref<7x!tpu.dma_semaphore, #tpu.memory_space<semaphore_mem>> -> memref<1x!tpu.dma_semaphore, #tpu.memory_space<semaphore_mem>>
    %dma_start3A_3034 = tpu.memref_squeeze %dma_start3A_3033 : memref<1x!tpu.dma_semaphore, #tpu.memory_space<semaphore_mem>> -> memref<!tpu.dma_semaphore, #tpu.memory_space<semaphore_mem>>
    %dma_start3A_3035 = arith.constant 0 : i32
    %dma_start3A_3036 = arith.constant 0 : i32
    %dma_start3A_3037 = tpu.memref_slice %arg13[%dma_start3A_3025, %dma_start3A_3035, %dma_start3A_3036] : memref<7x128x128xf32, #tpu.memory_space<vmem>> -> memref<1x128x128xf32, #tpu.memory_space<vmem>>
    %dma_start3A_3038 = tpu.memref_squeeze %dma_start3A_3037 : memref<1x128x128xf32, #tpu.memory_space<vmem>> -> memref<128x128xf32, #tpu.memory_space<vmem>>
    %dma_start3A_3039 = arith.constant 0 : i32
    %dma_start3A_3040 = tpu.memref_slice %arg2[%multiple_of3A_285, %dma_start3A_3039] : memref<100000x128xf32, #tpu.memory_space<hbm>> -> memref<128x128xf32, #tpu.memory_space<hbm>>
    tpu.enqueue_dma source(%dma_start3A_3040 : memref<128x128xf32, #tpu.memory_space<hbm>>) target(%dma_start3A_3038 : memref<128x128xf32, #tpu.memory_space<vmem>>) target_semaphore(%dma_start3A_3034 : memref<!tpu.dma_semaphore, #tpu.memory_space<semaphore_mem>>)
    %dma_wait3A_3041 = arith.constant 0 : i32
    %dma_wait3A_3042 = arith.constant 0 : i32
    %dma_wait3A_3043 = arith.constant 0 : i32
    %dma_wait3A_3044 = arith.constant 0 : i32
    %dma_wait3A_3045 = tpu.memref_slice %arg13[%dma_wait3A_3041, %dma_wait3A_3043, %dma_wait3A_3044] : memref<7x128x128xf32, #tpu.memory_space<vmem>> -> memref<1x128x128xf32, #tpu.memory_space<vmem>>
    %dma_wait3A_3046 = tpu.memref_squeeze %dma_wait3A_3045 : memref<1x128x128xf32, #tpu.memory_space<vmem>> -> memref<128x128xf32, #tpu.memory_space<vmem>>
    %dma_wait3A_3047 = arith.constant 0 : i32
    %dma_wait3A_3048 = tpu.memref_slice %arg2[%multiple_of3A_261, %dma_wait3A_3047] : memref<100000x128xf32, #tpu.memory_space<hbm>> -> memref<128x128xf32, #tpu.memory_space<hbm>>
    %dma_wait3A_3049 = tpu.memref_slice %arg16[%dma_wait3A_3042] : memref<7x!tpu.dma_semaphore, #tpu.memory_space<semaphore_mem>> -> memref<1x!tpu.dma_semaphore, #tpu.memory_space<semaphore_mem>>
    %dma_wait3A_3050 = tpu.memref_squeeze %dma_wait3A_3049 : memref<1x!tpu.dma_semaphore, #tpu.memory_space<semaphore_mem>> -> memref<!tpu.dma_semaphore, #tpu.memory_space<semaphore_mem>>
    %dma_wait3A_3051 = arith.constant 0 : i32
    %dma_wait3A_3052 = arith.constant 0 : i32
    %dma_wait3A_3053 = tpu.memref_slice %arg13[%dma_wait3A_3041, %dma_wait3A_3051, %dma_wait3A_3052] : memref<7x128x128xf32, #tpu.memory_space<vmem>> -> memref<1x128x128xf32, #tpu.memory_space<vmem>>
    %dma_wait3A_3054 = tpu.memref_squeeze %dma_wait3A_3053 : memref<1x128x128xf32, #tpu.memory_space<vmem>> -> memref<128x128xf32, #tpu.memory_space<vmem>>
    %dma_wait3A_3055 = arith.constant 0 : i32
    %dma_wait3A_3056 = tpu.memref_slice %arg2[%multiple_of3A_261, %dma_wait3A_3055] : memref<100000x128xf32, #tpu.memory_space<hbm>> -> memref<128x128xf32, #tpu.memory_space<hbm>>
    tpu.wait_dma2 semaphore(%dma_wait3A_3050 : memref<!tpu.dma_semaphore, #tpu.memory_space<semaphore_mem>>) src(%dma_wait3A_3056 : memref<128x128xf32, #tpu.memory_space<hbm>>) dst(%dma_wait3A_3054 : memref<128x128xf32, #tpu.memory_space<vmem>>)
    %dma_start3A_3057 = arith.constant 0 : i32
    %dma_start3A_3058 = arith.constant 21 : i32
    %dma_start3A_3059 = arith.constant 0 : i32
    %dma_start3A_3060 = arith.constant 0 : i32
    %dma_start3A_3061 = arith.constant 0 : i32
    %dma_start3A_3062 = tpu.memref_slice %arg13[%dma_start3A_3057, %dma_start3A_3060, %dma_start3A_3061] : memref<7x128x128xf32, #tpu.memory_space<vmem>> -> memref<1x128x128xf32, #tpu.memory_space<vmem>>
    %dma_start3A_3063 = tpu.memref_squeeze %dma_start3A_3062 : memref<1x128x128xf32, #tpu.memory_space<vmem>> -> memref<128x128xf32, #tpu.memory_space<vmem>>
    %dma_start3A_3064 = arith.constant 0 : i32
    %dma_start3A_3065 = tpu.memref_slice %arg9[%dma_start3A_3058, %dma_start3A_3064] : memref<25x128xi32, #tpu.memory_space<vmem>> -> memref<1x128xi32, #tpu.memory_space<vmem>>
    %dma_start3A_3066 = tpu.memref_squeeze %dma_start3A_3065 : memref<1x128xi32, #tpu.memory_space<vmem>> -> memref<128xi32, #tpu.memory_space<vmem>>
    %dma_start3A_3067 = arith.constant 0 : i32
    %dma_start3A_3068 = arith.constant 0 : i32
    %dma_start3A_3069 = tpu.memref_slice %arg14[%dma_start3A_3067, %dma_start3A_3068] : memref<520x128xf32, #tpu.memory_space<vmem_shared>> -> memref<520x128xf32, #tpu.memory_space<vmem_shared>>
    %dma_start3A_3070 = tpu.memref_slice %arg17[%dma_start3A_3059] : memref<7x!tpu.dma_semaphore, #tpu.memory_space<semaphore_mem>> -> memref<1x!tpu.dma_semaphore, #tpu.memory_space<semaphore_mem>>
    %dma_start3A_3071 = tpu.memref_squeeze %dma_start3A_3070 : memref<1x!tpu.dma_semaphore, #tpu.memory_space<semaphore_mem>> -> memref<!tpu.dma_semaphore, #tpu.memory_space<semaphore_mem>>
    tpu.enqueue_indirect_dma source(%dma_start3A_3063 : memref<128x128xf32, #tpu.memory_space<vmem>>) target(%dma_start3A_3069 : memref<520x128xf32, #tpu.memory_space<vmem_shared>>) offsets(%dma_start3A_3066 : memref<128xi32, #tpu.memory_space<vmem>>) semaphore(%dma_start3A_3071 : memref<!tpu.dma_semaphore, #tpu.memory_space<semaphore_mem>>) {add = true}
    %dma_wait3A_3072 = arith.constant 3 : i32
    %dma_wait3A_3073 = arith.constant 17 : i32
    %dma_wait3A_3074 = arith.constant 3 : i32
    %dma_wait3A_3075 = arith.constant 0 : i32
    %dma_wait3A_3076 = arith.constant 0 : i32
    %dma_wait3A_3077 = tpu.memref_slice %arg13[%dma_wait3A_3072, %dma_wait3A_3075, %dma_wait3A_3076] : memref<7x128x128xf32, #tpu.memory_space<vmem>> -> memref<1x128x128xf32, #tpu.memory_space<vmem>>
    %dma_wait3A_3078 = tpu.memref_squeeze %dma_wait3A_3077 : memref<1x128x128xf32, #tpu.memory_space<vmem>> -> memref<128x128xf32, #tpu.memory_space<vmem>>
    %dma_wait3A_3079 = arith.constant 0 : i32
    %dma_wait3A_3080 = tpu.memref_slice %arg9[%dma_wait3A_3073, %dma_wait3A_3079] : memref<25x128xi32, #tpu.memory_space<vmem>> -> memref<1x128xi32, #tpu.memory_space<vmem>>
    %dma_wait3A_3081 = tpu.memref_squeeze %dma_wait3A_3080 : memref<1x128xi32, #tpu.memory_space<vmem>> -> memref<128xi32, #tpu.memory_space<vmem>>
    %dma_wait3A_3082 = arith.constant 0 : i32
    %dma_wait3A_3083 = arith.constant 0 : i32
    %dma_wait3A_3084 = tpu.memref_slice %arg14[%dma_wait3A_3082, %dma_wait3A_3083] : memref<520x128xf32, #tpu.memory_space<vmem_shared>> -> memref<520x128xf32, #tpu.memory_space<vmem_shared>>
    %dma_wait3A_3085 = tpu.memref_slice %arg17[%dma_wait3A_3074] : memref<7x!tpu.dma_semaphore, #tpu.memory_space<semaphore_mem>> -> memref<1x!tpu.dma_semaphore, #tpu.memory_space<semaphore_mem>>
    %dma_wait3A_3086 = tpu.memref_squeeze %dma_wait3A_3085 : memref<1x!tpu.dma_semaphore, #tpu.memory_space<semaphore_mem>> -> memref<!tpu.dma_semaphore, #tpu.memory_space<semaphore_mem>>
    tpu.wait_indirect_dma semaphore(%dma_wait3A_3086 : memref<!tpu.dma_semaphore, #tpu.memory_space<semaphore_mem>>) src(%dma_wait3A_3078 : memref<128x128xf32, #tpu.memory_space<vmem>>) dst(%dma_wait3A_3084 : memref<520x128xf32, #tpu.memory_space<vmem_shared>>)
    %dma_start3A_3087 = arith.constant 3 : i32
    %dma_start3A_3088 = arith.constant 3 : i32
    %dma_start3A_3089 = arith.constant 0 : i32
    %dma_start3A_3090 = arith.constant 0 : i32
    %dma_start3A_3091 = tpu.memref_slice %arg13[%dma_start3A_3087, %dma_start3A_3089, %dma_start3A_3090] : memref<7x128x128xf32, #tpu.memory_space<vmem>> -> memref<1x128x128xf32, #tpu.memory_space<vmem>>
    %dma_start3A_3092 = tpu.memref_squeeze %dma_start3A_3091 : memref<1x128x128xf32, #tpu.memory_space<vmem>> -> memref<128x128xf32, #tpu.memory_space<vmem>>
    %dma_start3A_3093 = arith.constant 0 : i32
    %dma_start3A_3094 = tpu.memref_slice %arg2[%multiple_of3A_297, %dma_start3A_3093] : memref<100000x128xf32, #tpu.memory_space<hbm>> -> memref<128x128xf32, #tpu.memory_space<hbm>>
    %dma_start3A_3095 = tpu.memref_slice %arg16[%dma_start3A_3088] : memref<7x!tpu.dma_semaphore, #tpu.memory_space<semaphore_mem>> -> memref<1x!tpu.dma_semaphore, #tpu.memory_space<semaphore_mem>>
    %dma_start3A_3096 = tpu.memref_squeeze %dma_start3A_3095 : memref<1x!tpu.dma_semaphore, #tpu.memory_space<semaphore_mem>> -> memref<!tpu.dma_semaphore, #tpu.memory_space<semaphore_mem>>
    %dma_start3A_3097 = arith.constant 0 : i32
    %dma_start3A_3098 = arith.constant 0 : i32
    %dma_start3A_3099 = tpu.memref_slice %arg13[%dma_start3A_3087, %dma_start3A_3097, %dma_start3A_3098] : memref<7x128x128xf32, #tpu.memory_space<vmem>> -> memref<1x128x128xf32, #tpu.memory_space<vmem>>
    %dma_start3A_3100 = tpu.memref_squeeze %dma_start3A_3099 : memref<1x128x128xf32, #tpu.memory_space<vmem>> -> memref<128x128xf32, #tpu.memory_space<vmem>>
    %dma_start3A_3101 = arith.constant 0 : i32
    %dma_start3A_3102 = tpu.memref_slice %arg2[%multiple_of3A_297, %dma_start3A_3101] : memref<100000x128xf32, #tpu.memory_space<hbm>> -> memref<128x128xf32, #tpu.memory_space<hbm>>
    tpu.enqueue_dma source(%dma_start3A_3102 : memref<128x128xf32, #tpu.memory_space<hbm>>) target(%dma_start3A_3100 : memref<128x128xf32, #tpu.memory_space<vmem>>) target_semaphore(%dma_start3A_3096 : memref<!tpu.dma_semaphore, #tpu.memory_space<semaphore_mem>>)
    %dma_wait3A_3103 = arith.constant 1 : i32
    %dma_wait3A_3104 = arith.constant 1 : i32
    %dma_wait3A_3105 = arith.constant 0 : i32
    %dma_wait3A_3106 = arith.constant 0 : i32
    %dma_wait3A_3107 = tpu.memref_slice %arg13[%dma_wait3A_3103, %dma_wait3A_3105, %dma_wait3A_3106] : memref<7x128x128xf32, #tpu.memory_space<vmem>> -> memref<1x128x128xf32, #tpu.memory_space<vmem>>
    %dma_wait3A_3108 = tpu.memref_squeeze %dma_wait3A_3107 : memref<1x128x128xf32, #tpu.memory_space<vmem>> -> memref<128x128xf32, #tpu.memory_space<vmem>>
    %dma_wait3A_3109 = arith.constant 0 : i32
    %dma_wait3A_3110 = tpu.memref_slice %arg2[%multiple_of3A_273, %dma_wait3A_3109] : memref<100000x128xf32, #tpu.memory_space<hbm>> -> memref<128x128xf32, #tpu.memory_space<hbm>>
    %dma_wait3A_3111 = tpu.memref_slice %arg16[%dma_wait3A_3104] : memref<7x!tpu.dma_semaphore, #tpu.memory_space<semaphore_mem>> -> memref<1x!tpu.dma_semaphore, #tpu.memory_space<semaphore_mem>>
    %dma_wait3A_3112 = tpu.memref_squeeze %dma_wait3A_3111 : memref<1x!tpu.dma_semaphore, #tpu.memory_space<semaphore_mem>> -> memref<!tpu.dma_semaphore, #tpu.memory_space<semaphore_mem>>
    %dma_wait3A_3113 = arith.constant 0 : i32
    %dma_wait3A_3114 = arith.constant 0 : i32
    %dma_wait3A_3115 = tpu.memref_slice %arg13[%dma_wait3A_3103, %dma_wait3A_3113, %dma_wait3A_3114] : memref<7x128x128xf32, #tpu.memory_space<vmem>> -> memref<1x128x128xf32, #tpu.memory_space<vmem>>
    %dma_wait3A_3116 = tpu.memref_squeeze %dma_wait3A_3115 : memref<1x128x128xf32, #tpu.memory_space<vmem>> -> memref<128x128xf32, #tpu.memory_space<vmem>>
    %dma_wait3A_3117 = arith.constant 0 : i32
    %dma_wait3A_3118 = tpu.memref_slice %arg2[%multiple_of3A_273, %dma_wait3A_3117] : memref<100000x128xf32, #tpu.memory_space<hbm>> -> memref<128x128xf32, #tpu.memory_space<hbm>>
    tpu.wait_dma2 semaphore(%dma_wait3A_3112 : memref<!tpu.dma_semaphore, #tpu.memory_space<semaphore_mem>>) src(%dma_wait3A_3118 : memref<128x128xf32, #tpu.memory_space<hbm>>) dst(%dma_wait3A_3116 : memref<128x128xf32, #tpu.memory_space<vmem>>)
    %dma_start3A_3119 = arith.constant 1 : i32
    %dma_start3A_3120 = arith.constant 22 : i32
    %dma_start3A_3121 = arith.constant 1 : i32
    %dma_start3A_3122 = arith.constant 0 : i32
    %dma_start3A_3123 = arith.constant 0 : i32
    %dma_start3A_3124 = tpu.memref_slice %arg13[%dma_start3A_3119, %dma_start3A_3122, %dma_start3A_3123] : memref<7x128x128xf32, #tpu.memory_space<vmem>> -> memref<1x128x128xf32, #tpu.memory_space<vmem>>
    %dma_start3A_3125 = tpu.memref_squeeze %dma_start3A_3124 : memref<1x128x128xf32, #tpu.memory_space<vmem>> -> memref<128x128xf32, #tpu.memory_space<vmem>>
    %dma_start3A_3126 = arith.constant 0 : i32
    %dma_start3A_3127 = tpu.memref_slice %arg9[%dma_start3A_3120, %dma_start3A_3126] : memref<25x128xi32, #tpu.memory_space<vmem>> -> memref<1x128xi32, #tpu.memory_space<vmem>>
    %dma_start3A_3128 = tpu.memref_squeeze %dma_start3A_3127 : memref<1x128xi32, #tpu.memory_space<vmem>> -> memref<128xi32, #tpu.memory_space<vmem>>
    %dma_start3A_3129 = arith.constant 0 : i32
    %dma_start3A_3130 = arith.constant 0 : i32
    %dma_start3A_3131 = tpu.memref_slice %arg14[%dma_start3A_3129, %dma_start3A_3130] : memref<520x128xf32, #tpu.memory_space<vmem_shared>> -> memref<520x128xf32, #tpu.memory_space<vmem_shared>>
    %dma_start3A_3132 = tpu.memref_slice %arg17[%dma_start3A_3121] : memref<7x!tpu.dma_semaphore, #tpu.memory_space<semaphore_mem>> -> memref<1x!tpu.dma_semaphore, #tpu.memory_space<semaphore_mem>>
    %dma_start3A_3133 = tpu.memref_squeeze %dma_start3A_3132 : memref<1x!tpu.dma_semaphore, #tpu.memory_space<semaphore_mem>> -> memref<!tpu.dma_semaphore, #tpu.memory_space<semaphore_mem>>
    tpu.enqueue_indirect_dma source(%dma_start3A_3125 : memref<128x128xf32, #tpu.memory_space<vmem>>) target(%dma_start3A_3131 : memref<520x128xf32, #tpu.memory_space<vmem_shared>>) offsets(%dma_start3A_3128 : memref<128xi32, #tpu.memory_space<vmem>>) semaphore(%dma_start3A_3133 : memref<!tpu.dma_semaphore, #tpu.memory_space<semaphore_mem>>) {add = true}
    %dma_wait3A_3134 = arith.constant 2 : i32
    %dma_wait3A_3135 = arith.constant 2 : i32
    %dma_wait3A_3136 = arith.constant 0 : i32
    %dma_wait3A_3137 = arith.constant 0 : i32
    %dma_wait3A_3138 = tpu.memref_slice %arg13[%dma_wait3A_3134, %dma_wait3A_3136, %dma_wait3A_3137] : memref<7x128x128xf32, #tpu.memory_space<vmem>> -> memref<1x128x128xf32, #tpu.memory_space<vmem>>
    %dma_wait3A_3139 = tpu.memref_squeeze %dma_wait3A_3138 : memref<1x128x128xf32, #tpu.memory_space<vmem>> -> memref<128x128xf32, #tpu.memory_space<vmem>>
    %dma_wait3A_3140 = arith.constant 0 : i32
    %dma_wait3A_3141 = tpu.memref_slice %arg2[%multiple_of3A_285, %dma_wait3A_3140] : memref<100000x128xf32, #tpu.memory_space<hbm>> -> memref<128x128xf32, #tpu.memory_space<hbm>>
    %dma_wait3A_3142 = tpu.memref_slice %arg16[%dma_wait3A_3135] : memref<7x!tpu.dma_semaphore, #tpu.memory_space<semaphore_mem>> -> memref<1x!tpu.dma_semaphore, #tpu.memory_space<semaphore_mem>>
    %dma_wait3A_3143 = tpu.memref_squeeze %dma_wait3A_3142 : memref<1x!tpu.dma_semaphore, #tpu.memory_space<semaphore_mem>> -> memref<!tpu.dma_semaphore, #tpu.memory_space<semaphore_mem>>
    %dma_wait3A_3144 = arith.constant 0 : i32
    %dma_wait3A_3145 = arith.constant 0 : i32
    %dma_wait3A_3146 = tpu.memref_slice %arg13[%dma_wait3A_3134, %dma_wait3A_3144, %dma_wait3A_3145] : memref<7x128x128xf32, #tpu.memory_space<vmem>> -> memref<1x128x128xf32, #tpu.memory_space<vmem>>
    %dma_wait3A_3147 = tpu.memref_squeeze %dma_wait3A_3146 : memref<1x128x128xf32, #tpu.memory_space<vmem>> -> memref<128x128xf32, #tpu.memory_space<vmem>>
    %dma_wait3A_3148 = arith.constant 0 : i32
    %dma_wait3A_3149 = tpu.memref_slice %arg2[%multiple_of3A_285, %dma_wait3A_3148] : memref<100000x128xf32, #tpu.memory_space<hbm>> -> memref<128x128xf32, #tpu.memory_space<hbm>>
    tpu.wait_dma2 semaphore(%dma_wait3A_3143 : memref<!tpu.dma_semaphore, #tpu.memory_space<semaphore_mem>>) src(%dma_wait3A_3149 : memref<128x128xf32, #tpu.memory_space<hbm>>) dst(%dma_wait3A_3147 : memref<128x128xf32, #tpu.memory_space<vmem>>)
    %dma_start3A_3150 = arith.constant 2 : i32
    %dma_start3A_3151 = arith.constant 23 : i32
    %dma_start3A_3152 = arith.constant 2 : i32
    %dma_start3A_3153 = arith.constant 0 : i32
    %dma_start3A_3154 = arith.constant 0 : i32
    %dma_start3A_3155 = tpu.memref_slice %arg13[%dma_start3A_3150, %dma_start3A_3153, %dma_start3A_3154] : memref<7x128x128xf32, #tpu.memory_space<vmem>> -> memref<1x128x128xf32, #tpu.memory_space<vmem>>
    %dma_start3A_3156 = tpu.memref_squeeze %dma_start3A_3155 : memref<1x128x128xf32, #tpu.memory_space<vmem>> -> memref<128x128xf32, #tpu.memory_space<vmem>>
    %dma_start3A_3157 = arith.constant 0 : i32
    %dma_start3A_3158 = tpu.memref_slice %arg9[%dma_start3A_3151, %dma_start3A_3157] : memref<25x128xi32, #tpu.memory_space<vmem>> -> memref<1x128xi32, #tpu.memory_space<vmem>>
    %dma_start3A_3159 = tpu.memref_squeeze %dma_start3A_3158 : memref<1x128xi32, #tpu.memory_space<vmem>> -> memref<128xi32, #tpu.memory_space<vmem>>
    %dma_start3A_3160 = arith.constant 0 : i32
    %dma_start3A_3161 = arith.constant 0 : i32
    %dma_start3A_3162 = tpu.memref_slice %arg14[%dma_start3A_3160, %dma_start3A_3161] : memref<520x128xf32, #tpu.memory_space<vmem_shared>> -> memref<520x128xf32, #tpu.memory_space<vmem_shared>>
    %dma_start3A_3163 = tpu.memref_slice %arg17[%dma_start3A_3152] : memref<7x!tpu.dma_semaphore, #tpu.memory_space<semaphore_mem>> -> memref<1x!tpu.dma_semaphore, #tpu.memory_space<semaphore_mem>>
    %dma_start3A_3164 = tpu.memref_squeeze %dma_start3A_3163 : memref<1x!tpu.dma_semaphore, #tpu.memory_space<semaphore_mem>> -> memref<!tpu.dma_semaphore, #tpu.memory_space<semaphore_mem>>
    tpu.enqueue_indirect_dma source(%dma_start3A_3156 : memref<128x128xf32, #tpu.memory_space<vmem>>) target(%dma_start3A_3162 : memref<520x128xf32, #tpu.memory_space<vmem_shared>>) offsets(%dma_start3A_3159 : memref<128xi32, #tpu.memory_space<vmem>>) semaphore(%dma_start3A_3164 : memref<!tpu.dma_semaphore, #tpu.memory_space<semaphore_mem>>) {add = true}
    %dma_wait3A_3165 = arith.constant 3 : i32
    %dma_wait3A_3166 = arith.constant 3 : i32
    %dma_wait3A_3167 = arith.constant 0 : i32
    %dma_wait3A_3168 = arith.constant 0 : i32
    %dma_wait3A_3169 = tpu.memref_slice %arg13[%dma_wait3A_3165, %dma_wait3A_3167, %dma_wait3A_3168] : memref<7x128x128xf32, #tpu.memory_space<vmem>> -> memref<1x128x128xf32, #tpu.memory_space<vmem>>
    %dma_wait3A_3170 = tpu.memref_squeeze %dma_wait3A_3169 : memref<1x128x128xf32, #tpu.memory_space<vmem>> -> memref<128x128xf32, #tpu.memory_space<vmem>>
    %dma_wait3A_3171 = arith.constant 0 : i32
    %dma_wait3A_3172 = tpu.memref_slice %arg2[%multiple_of3A_297, %dma_wait3A_3171] : memref<100000x128xf32, #tpu.memory_space<hbm>> -> memref<128x128xf32, #tpu.memory_space<hbm>>
    %dma_wait3A_3173 = tpu.memref_slice %arg16[%dma_wait3A_3166] : memref<7x!tpu.dma_semaphore, #tpu.memory_space<semaphore_mem>> -> memref<1x!tpu.dma_semaphore, #tpu.memory_space<semaphore_mem>>
    %dma_wait3A_3174 = tpu.memref_squeeze %dma_wait3A_3173 : memref<1x!tpu.dma_semaphore, #tpu.memory_space<semaphore_mem>> -> memref<!tpu.dma_semaphore, #tpu.memory_space<semaphore_mem>>
    %dma_wait3A_3175 = arith.constant 0 : i32
    %dma_wait3A_3176 = arith.constant 0 : i32
    %dma_wait3A_3177 = tpu.memref_slice %arg13[%dma_wait3A_3165, %dma_wait3A_3175, %dma_wait3A_3176] : memref<7x128x128xf32, #tpu.memory_space<vmem>> -> memref<1x128x128xf32, #tpu.memory_space<vmem>>
    %dma_wait3A_3178 = tpu.memref_squeeze %dma_wait3A_3177 : memref<1x128x128xf32, #tpu.memory_space<vmem>> -> memref<128x128xf32, #tpu.memory_space<vmem>>
    %dma_wait3A_3179 = arith.constant 0 : i32
    %dma_wait3A_3180 = tpu.memref_slice %arg2[%multiple_of3A_297, %dma_wait3A_3179] : memref<100000x128xf32, #tpu.memory_space<hbm>> -> memref<128x128xf32, #tpu.memory_space<hbm>>
    tpu.wait_dma2 semaphore(%dma_wait3A_3174 : memref<!tpu.dma_semaphore, #tpu.memory_space<semaphore_mem>>) src(%dma_wait3A_3180 : memref<128x128xf32, #tpu.memory_space<hbm>>) dst(%dma_wait3A_3178 : memref<128x128xf32, #tpu.memory_space<vmem>>)
    %dma_start3A_3181 = arith.constant 3 : i32
    %dma_start3A_3182 = arith.constant 24 : i32
    %dma_start3A_3183 = arith.constant 3 : i32
    %dma_start3A_3184 = arith.constant 0 : i32
    %dma_start3A_3185 = arith.constant 0 : i32
    %dma_start3A_3186 = tpu.memref_slice %arg13[%dma_start3A_3181, %dma_start3A_3184, %dma_start3A_3185] : memref<7x128x128xf32, #tpu.memory_space<vmem>> -> memref<1x128x128xf32, #tpu.memory_space<vmem>>
    %dma_start3A_3187 = tpu.memref_squeeze %dma_start3A_3186 : memref<1x128x128xf32, #tpu.memory_space<vmem>> -> memref<128x128xf32, #tpu.memory_space<vmem>>
    %dma_start3A_3188 = arith.constant 0 : i32
    %dma_start3A_3189 = tpu.memref_slice %arg9[%dma_start3A_3182, %dma_start3A_3188] : memref<25x128xi32, #tpu.memory_space<vmem>> -> memref<1x128xi32, #tpu.memory_space<vmem>>
    %dma_start3A_3190 = tpu.memref_squeeze %dma_start3A_3189 : memref<1x128xi32, #tpu.memory_space<vmem>> -> memref<128xi32, #tpu.memory_space<vmem>>
    %dma_start3A_3191 = arith.constant 0 : i32
    %dma_start3A_3192 = arith.constant 0 : i32
    %dma_start3A_3193 = tpu.memref_slice %arg14[%dma_start3A_3191, %dma_start3A_3192] : memref<520x128xf32, #tpu.memory_space<vmem_shared>> -> memref<520x128xf32, #tpu.memory_space<vmem_shared>>
    %dma_start3A_3194 = tpu.memref_slice %arg17[%dma_start3A_3183] : memref<7x!tpu.dma_semaphore, #tpu.memory_space<semaphore_mem>> -> memref<1x!tpu.dma_semaphore, #tpu.memory_space<semaphore_mem>>
    %dma_start3A_3195 = tpu.memref_squeeze %dma_start3A_3194 : memref<1x!tpu.dma_semaphore, #tpu.memory_space<semaphore_mem>> -> memref<!tpu.dma_semaphore, #tpu.memory_space<semaphore_mem>>
    tpu.enqueue_indirect_dma source(%dma_start3A_3187 : memref<128x128xf32, #tpu.memory_space<vmem>>) target(%dma_start3A_3193 : memref<520x128xf32, #tpu.memory_space<vmem_shared>>) offsets(%dma_start3A_3190 : memref<128xi32, #tpu.memory_space<vmem>>) semaphore(%dma_start3A_3195 : memref<!tpu.dma_semaphore, #tpu.memory_space<semaphore_mem>>) {add = true}
    %dma_wait3A_3196 = arith.constant 4 : i32
    %dma_wait3A_3197 = arith.constant 18 : i32
    %dma_wait3A_3198 = arith.constant 4 : i32
    %dma_wait3A_3199 = arith.constant 0 : i32
    %dma_wait3A_3200 = arith.constant 0 : i32
    %dma_wait3A_3201 = tpu.memref_slice %arg13[%dma_wait3A_3196, %dma_wait3A_3199, %dma_wait3A_3200] : memref<7x128x128xf32, #tpu.memory_space<vmem>> -> memref<1x128x128xf32, #tpu.memory_space<vmem>>
    %dma_wait3A_3202 = tpu.memref_squeeze %dma_wait3A_3201 : memref<1x128x128xf32, #tpu.memory_space<vmem>> -> memref<128x128xf32, #tpu.memory_space<vmem>>
    %dma_wait3A_3203 = arith.constant 0 : i32
    %dma_wait3A_3204 = tpu.memref_slice %arg9[%dma_wait3A_3197, %dma_wait3A_3203] : memref<25x128xi32, #tpu.memory_space<vmem>> -> memref<1x128xi32, #tpu.memory_space<vmem>>
    %dma_wait3A_3205 = tpu.memref_squeeze %dma_wait3A_3204 : memref<1x128xi32, #tpu.memory_space<vmem>> -> memref<128xi32, #tpu.memory_space<vmem>>
    %dma_wait3A_3206 = arith.constant 0 : i32
    %dma_wait3A_3207 = arith.constant 0 : i32
    %dma_wait3A_3208 = tpu.memref_slice %arg14[%dma_wait3A_3206, %dma_wait3A_3207] : memref<520x128xf32, #tpu.memory_space<vmem_shared>> -> memref<520x128xf32, #tpu.memory_space<vmem_shared>>
    %dma_wait3A_3209 = tpu.memref_slice %arg17[%dma_wait3A_3198] : memref<7x!tpu.dma_semaphore, #tpu.memory_space<semaphore_mem>> -> memref<1x!tpu.dma_semaphore, #tpu.memory_space<semaphore_mem>>
    %dma_wait3A_3210 = tpu.memref_squeeze %dma_wait3A_3209 : memref<1x!tpu.dma_semaphore, #tpu.memory_space<semaphore_mem>> -> memref<!tpu.dma_semaphore, #tpu.memory_space<semaphore_mem>>
    tpu.wait_indirect_dma semaphore(%dma_wait3A_3210 : memref<!tpu.dma_semaphore, #tpu.memory_space<semaphore_mem>>) src(%dma_wait3A_3202 : memref<128x128xf32, #tpu.memory_space<vmem>>) dst(%dma_wait3A_3208 : memref<520x128xf32, #tpu.memory_space<vmem_shared>>)
    %dma_wait3A_3211 = arith.constant 5 : i32
    %dma_wait3A_3212 = arith.constant 19 : i32
    %dma_wait3A_3213 = arith.constant 5 : i32
    %dma_wait3A_3214 = arith.constant 0 : i32
    %dma_wait3A_3215 = arith.constant 0 : i32
    %dma_wait3A_3216 = tpu.memref_slice %arg13[%dma_wait3A_3211, %dma_wait3A_3214, %dma_wait3A_3215] : memref<7x128x128xf32, #tpu.memory_space<vmem>> -> memref<1x128x128xf32, #tpu.memory_space<vmem>>
    %dma_wait3A_3217 = tpu.memref_squeeze %dma_wait3A_3216 : memref<1x128x128xf32, #tpu.memory_space<vmem>> -> memref<128x128xf32, #tpu.memory_space<vmem>>
    %dma_wait3A_3218 = arith.constant 0 : i32
    %dma_wait3A_3219 = tpu.memref_slice %arg9[%dma_wait3A_3212, %dma_wait3A_3218] : memref<25x128xi32, #tpu.memory_space<vmem>> -> memref<1x128xi32, #tpu.memory_space<vmem>>
    %dma_wait3A_3220 = tpu.memref_squeeze %dma_wait3A_3219 : memref<1x128xi32, #tpu.memory_space<vmem>> -> memref<128xi32, #tpu.memory_space<vmem>>
    %dma_wait3A_3221 = arith.constant 0 : i32
    %dma_wait3A_3222 = arith.constant 0 : i32
    %dma_wait3A_3223 = tpu.memref_slice %arg14[%dma_wait3A_3221, %dma_wait3A_3222] : memref<520x128xf32, #tpu.memory_space<vmem_shared>> -> memref<520x128xf32, #tpu.memory_space<vmem_shared>>
    %dma_wait3A_3224 = tpu.memref_slice %arg17[%dma_wait3A_3213] : memref<7x!tpu.dma_semaphore, #tpu.memory_space<semaphore_mem>> -> memref<1x!tpu.dma_semaphore, #tpu.memory_space<semaphore_mem>>
    %dma_wait3A_3225 = tpu.memref_squeeze %dma_wait3A_3224 : memref<1x!tpu.dma_semaphore, #tpu.memory_space<semaphore_mem>> -> memref<!tpu.dma_semaphore, #tpu.memory_space<semaphore_mem>>
    tpu.wait_indirect_dma semaphore(%dma_wait3A_3225 : memref<!tpu.dma_semaphore, #tpu.memory_space<semaphore_mem>>) src(%dma_wait3A_3217 : memref<128x128xf32, #tpu.memory_space<vmem>>) dst(%dma_wait3A_3223 : memref<520x128xf32, #tpu.memory_space<vmem_shared>>)
    %dma_wait3A_3226 = arith.constant 6 : i32
    %dma_wait3A_3227 = arith.constant 20 : i32
    %dma_wait3A_3228 = arith.constant 6 : i32
    %dma_wait3A_3229 = arith.constant 0 : i32
    %dma_wait3A_3230 = arith.constant 0 : i32
    %dma_wait3A_3231 = tpu.memref_slice %arg13[%dma_wait3A_3226, %dma_wait3A_3229, %dma_wait3A_3230] : memref<7x128x128xf32, #tpu.memory_space<vmem>> -> memref<1x128x128xf32, #tpu.memory_space<vmem>>
    %dma_wait3A_3232 = tpu.memref_squeeze %dma_wait3A_3231 : memref<1x128x128xf32, #tpu.memory_space<vmem>> -> memref<128x128xf32, #tpu.memory_space<vmem>>
    %dma_wait3A_3233 = arith.constant 0 : i32
    %dma_wait3A_3234 = tpu.memref_slice %arg9[%dma_wait3A_3227, %dma_wait3A_3233] : memref<25x128xi32, #tpu.memory_space<vmem>> -> memref<1x128xi32, #tpu.memory_space<vmem>>
    %dma_wait3A_3235 = tpu.memref_squeeze %dma_wait3A_3234 : memref<1x128xi32, #tpu.memory_space<vmem>> -> memref<128xi32, #tpu.memory_space<vmem>>
    %dma_wait3A_3236 = arith.constant 0 : i32
    %dma_wait3A_3237 = arith.constant 0 : i32
    %dma_wait3A_3238 = tpu.memref_slice %arg14[%dma_wait3A_3236, %dma_wait3A_3237] : memref<520x128xf32, #tpu.memory_space<vmem_shared>> -> memref<520x128xf32, #tpu.memory_space<vmem_shared>>
    %dma_wait3A_3239 = tpu.memref_slice %arg17[%dma_wait3A_3228] : memref<7x!tpu.dma_semaphore, #tpu.memory_space<semaphore_mem>> -> memref<1x!tpu.dma_semaphore, #tpu.memory_space<semaphore_mem>>
    %dma_wait3A_3240 = tpu.memref_squeeze %dma_wait3A_3239 : memref<1x!tpu.dma_semaphore, #tpu.memory_space<semaphore_mem>> -> memref<!tpu.dma_semaphore, #tpu.memory_space<semaphore_mem>>
    tpu.wait_indirect_dma semaphore(%dma_wait3A_3240 : memref<!tpu.dma_semaphore, #tpu.memory_space<semaphore_mem>>) src(%dma_wait3A_3232 : memref<128x128xf32, #tpu.memory_space<vmem>>) dst(%dma_wait3A_3238 : memref<520x128xf32, #tpu.memory_space<vmem_shared>>)
    %dma_wait3A_3241 = arith.constant 0 : i32
    %dma_wait3A_3242 = arith.constant 21 : i32
    %dma_wait3A_3243 = arith.constant 0 : i32
    %dma_wait3A_3244 = arith.constant 0 : i32
    %dma_wait3A_3245 = arith.constant 0 : i32
    %dma_wait3A_3246 = tpu.memref_slice %arg13[%dma_wait3A_3241, %dma_wait3A_3244, %dma_wait3A_3245] : memref<7x128x128xf32, #tpu.memory_space<vmem>> -> memref<1x128x128xf32, #tpu.memory_space<vmem>>
    %dma_wait3A_3247 = tpu.memref_squeeze %dma_wait3A_3246 : memref<1x128x128xf32, #tpu.memory_space<vmem>> -> memref<128x128xf32, #tpu.memory_space<vmem>>
    %dma_wait3A_3248 = arith.constant 0 : i32
    %dma_wait3A_3249 = tpu.memref_slice %arg9[%dma_wait3A_3242, %dma_wait3A_3248] : memref<25x128xi32, #tpu.memory_space<vmem>> -> memref<1x128xi32, #tpu.memory_space<vmem>>
    %dma_wait3A_3250 = tpu.memref_squeeze %dma_wait3A_3249 : memref<1x128xi32, #tpu.memory_space<vmem>> -> memref<128xi32, #tpu.memory_space<vmem>>
    %dma_wait3A_3251 = arith.constant 0 : i32
    %dma_wait3A_3252 = arith.constant 0 : i32
    %dma_wait3A_3253 = tpu.memref_slice %arg14[%dma_wait3A_3251, %dma_wait3A_3252] : memref<520x128xf32, #tpu.memory_space<vmem_shared>> -> memref<520x128xf32, #tpu.memory_space<vmem_shared>>
    %dma_wait3A_3254 = tpu.memref_slice %arg17[%dma_wait3A_3243] : memref<7x!tpu.dma_semaphore, #tpu.memory_space<semaphore_mem>> -> memref<1x!tpu.dma_semaphore, #tpu.memory_space<semaphore_mem>>
    %dma_wait3A_3255 = tpu.memref_squeeze %dma_wait3A_3254 : memref<1x!tpu.dma_semaphore, #tpu.memory_space<semaphore_mem>> -> memref<!tpu.dma_semaphore, #tpu.memory_space<semaphore_mem>>
    tpu.wait_indirect_dma semaphore(%dma_wait3A_3255 : memref<!tpu.dma_semaphore, #tpu.memory_space<semaphore_mem>>) src(%dma_wait3A_3247 : memref<128x128xf32, #tpu.memory_space<vmem>>) dst(%dma_wait3A_3253 : memref<520x128xf32, #tpu.memory_space<vmem_shared>>)
    %dma_wait3A_3256 = arith.constant 1 : i32
    %dma_wait3A_3257 = arith.constant 22 : i32
    %dma_wait3A_3258 = arith.constant 1 : i32
    %dma_wait3A_3259 = arith.constant 0 : i32
    %dma_wait3A_3260 = arith.constant 0 : i32
    %dma_wait3A_3261 = tpu.memref_slice %arg13[%dma_wait3A_3256, %dma_wait3A_3259, %dma_wait3A_3260] : memref<7x128x128xf32, #tpu.memory_space<vmem>> -> memref<1x128x128xf32, #tpu.memory_space<vmem>>
    %dma_wait3A_3262 = tpu.memref_squeeze %dma_wait3A_3261 : memref<1x128x128xf32, #tpu.memory_space<vmem>> -> memref<128x128xf32, #tpu.memory_space<vmem>>
    %dma_wait3A_3263 = arith.constant 0 : i32
    %dma_wait3A_3264 = tpu.memref_slice %arg9[%dma_wait3A_3257, %dma_wait3A_3263] : memref<25x128xi32, #tpu.memory_space<vmem>> -> memref<1x128xi32, #tpu.memory_space<vmem>>
    %dma_wait3A_3265 = tpu.memref_squeeze %dma_wait3A_3264 : memref<1x128xi32, #tpu.memory_space<vmem>> -> memref<128xi32, #tpu.memory_space<vmem>>
    %dma_wait3A_3266 = arith.constant 0 : i32
    %dma_wait3A_3267 = arith.constant 0 : i32
    %dma_wait3A_3268 = tpu.memref_slice %arg14[%dma_wait3A_3266, %dma_wait3A_3267] : memref<520x128xf32, #tpu.memory_space<vmem_shared>> -> memref<520x128xf32, #tpu.memory_space<vmem_shared>>
    %dma_wait3A_3269 = tpu.memref_slice %arg17[%dma_wait3A_3258] : memref<7x!tpu.dma_semaphore, #tpu.memory_space<semaphore_mem>> -> memref<1x!tpu.dma_semaphore, #tpu.memory_space<semaphore_mem>>
    %dma_wait3A_3270 = tpu.memref_squeeze %dma_wait3A_3269 : memref<1x!tpu.dma_semaphore, #tpu.memory_space<semaphore_mem>> -> memref<!tpu.dma_semaphore, #tpu.memory_space<semaphore_mem>>
    tpu.wait_indirect_dma semaphore(%dma_wait3A_3270 : memref<!tpu.dma_semaphore, #tpu.memory_space<semaphore_mem>>) src(%dma_wait3A_3262 : memref<128x128xf32, #tpu.memory_space<vmem>>) dst(%dma_wait3A_3268 : memref<520x128xf32, #tpu.memory_space<vmem_shared>>)
    %dma_wait3A_3271 = arith.constant 2 : i32
    %dma_wait3A_3272 = arith.constant 23 : i32
    %dma_wait3A_3273 = arith.constant 2 : i32
    %dma_wait3A_3274 = arith.constant 0 : i32
    %dma_wait3A_3275 = arith.constant 0 : i32
    %dma_wait3A_3276 = tpu.memref_slice %arg13[%dma_wait3A_3271, %dma_wait3A_3274, %dma_wait3A_3275] : memref<7x128x128xf32, #tpu.memory_space<vmem>> -> memref<1x128x128xf32, #tpu.memory_space<vmem>>
    %dma_wait3A_3277 = tpu.memref_squeeze %dma_wait3A_3276 : memref<1x128x128xf32, #tpu.memory_space<vmem>> -> memref<128x128xf32, #tpu.memory_space<vmem>>
    %dma_wait3A_3278 = arith.constant 0 : i32
    %dma_wait3A_3279 = tpu.memref_slice %arg9[%dma_wait3A_3272, %dma_wait3A_3278] : memref<25x128xi32, #tpu.memory_space<vmem>> -> memref<1x128xi32, #tpu.memory_space<vmem>>
    %dma_wait3A_3280 = tpu.memref_squeeze %dma_wait3A_3279 : memref<1x128xi32, #tpu.memory_space<vmem>> -> memref<128xi32, #tpu.memory_space<vmem>>
    %dma_wait3A_3281 = arith.constant 0 : i32
    %dma_wait3A_3282 = arith.constant 0 : i32
    %dma_wait3A_3283 = tpu.memref_slice %arg14[%dma_wait3A_3281, %dma_wait3A_3282] : memref<520x128xf32, #tpu.memory_space<vmem_shared>> -> memref<520x128xf32, #tpu.memory_space<vmem_shared>>
    %dma_wait3A_3284 = tpu.memref_slice %arg17[%dma_wait3A_3273] : memref<7x!tpu.dma_semaphore, #tpu.memory_space<semaphore_mem>> -> memref<1x!tpu.dma_semaphore, #tpu.memory_space<semaphore_mem>>
    %dma_wait3A_3285 = tpu.memref_squeeze %dma_wait3A_3284 : memref<1x!tpu.dma_semaphore, #tpu.memory_space<semaphore_mem>> -> memref<!tpu.dma_semaphore, #tpu.memory_space<semaphore_mem>>
    tpu.wait_indirect_dma semaphore(%dma_wait3A_3285 : memref<!tpu.dma_semaphore, #tpu.memory_space<semaphore_mem>>) src(%dma_wait3A_3277 : memref<128x128xf32, #tpu.memory_space<vmem>>) dst(%dma_wait3A_3283 : memref<520x128xf32, #tpu.memory_space<vmem_shared>>)
    %dma_wait3A_3286 = arith.constant 3 : i32
    %dma_wait3A_3287 = arith.constant 24 : i32
    %dma_wait3A_3288 = arith.constant 3 : i32
    %dma_wait3A_3289 = arith.constant 0 : i32
    %dma_wait3A_3290 = arith.constant 0 : i32
    %dma_wait3A_3291 = tpu.memref_slice %arg13[%dma_wait3A_3286, %dma_wait3A_3289, %dma_wait3A_3290] : memref<7x128x128xf32, #tpu.memory_space<vmem>> -> memref<1x128x128xf32, #tpu.memory_space<vmem>>
    %dma_wait3A_3292 = tpu.memref_squeeze %dma_wait3A_3291 : memref<1x128x128xf32, #tpu.memory_space<vmem>> -> memref<128x128xf32, #tpu.memory_space<vmem>>
    %dma_wait3A_3293 = arith.constant 0 : i32
    %dma_wait3A_3294 = tpu.memref_slice %arg9[%dma_wait3A_3287, %dma_wait3A_3293] : memref<25x128xi32, #tpu.memory_space<vmem>> -> memref<1x128xi32, #tpu.memory_space<vmem>>
    %dma_wait3A_3295 = tpu.memref_squeeze %dma_wait3A_3294 : memref<1x128xi32, #tpu.memory_space<vmem>> -> memref<128xi32, #tpu.memory_space<vmem>>
    %dma_wait3A_3296 = arith.constant 0 : i32
    %dma_wait3A_3297 = arith.constant 0 : i32
    %dma_wait3A_3298 = tpu.memref_slice %arg14[%dma_wait3A_3296, %dma_wait3A_3297] : memref<520x128xf32, #tpu.memory_space<vmem_shared>> -> memref<520x128xf32, #tpu.memory_space<vmem_shared>>
    %dma_wait3A_3299 = tpu.memref_slice %arg17[%dma_wait3A_3288] : memref<7x!tpu.dma_semaphore, #tpu.memory_space<semaphore_mem>> -> memref<1x!tpu.dma_semaphore, #tpu.memory_space<semaphore_mem>>
    %dma_wait3A_3300 = tpu.memref_squeeze %dma_wait3A_3299 : memref<1x!tpu.dma_semaphore, #tpu.memory_space<semaphore_mem>> -> memref<!tpu.dma_semaphore, #tpu.memory_space<semaphore_mem>>
    tpu.wait_indirect_dma semaphore(%dma_wait3A_3300 : memref<!tpu.dma_semaphore, #tpu.memory_space<semaphore_mem>>) src(%dma_wait3A_3292 : memref<128x128xf32, #tpu.memory_space<vmem>>) dst(%dma_wait3A_3298 : memref<520x128xf32, #tpu.memory_space<vmem_shared>>)
    %dma_wait3A_3301 = arith.constant 0 : i32
    %dma_wait3A_3302 = arith.constant 0 : i32
    %dma_wait3A_3303 = arith.constant 0 : i32
    %dma_wait3A_3304 = tpu.memref_slice %arg10[%dma_wait3A_3301, %dma_wait3A_3303] : memref<1x128xf32, #tpu.memory_space<vmem>> -> memref<1x128xf32, #tpu.memory_space<vmem>>
    %dma_wait3A_3305 = tpu.memref_squeeze %dma_wait3A_3304 : memref<1x128xf32, #tpu.memory_space<vmem>> -> memref<128xf32, #tpu.memory_space<vmem>>
    %dma_wait3A_3306 = arith.constant 0 : i32
    %dma_wait3A_3307 = tpu.memref_slice %arg9[%dma_wait3A_3302, %dma_wait3A_3306] : memref<25x128xi32, #tpu.memory_space<vmem>> -> memref<1x128xi32, #tpu.memory_space<vmem>>
    %dma_wait3A_3308 = tpu.memref_squeeze %dma_wait3A_3307 : memref<1x128xi32, #tpu.memory_space<vmem>> -> memref<128xi32, #tpu.memory_space<vmem>>
    %dma_wait3A_3309 = arith.constant 0 : i32
    %dma_wait3A_3310 = tpu.memref_slice %arg15[%dma_wait3A_3309] : memref<520xf32, #tpu.memory_space<vmem_shared>> -> memref<520xf32, #tpu.memory_space<vmem_shared>>
    tpu.wait_indirect_dma semaphore(%arg18 : memref<!tpu.dma_semaphore, #tpu.memory_space<semaphore_mem>>) src(%dma_wait3A_3305 : memref<128xf32, #tpu.memory_space<vmem>>) dst(%dma_wait3A_3310 : memref<520xf32, #tpu.memory_space<vmem_shared>>)
    %dma_wait3A_3311 = arith.constant 0 : i32
    %dma_wait3A_3312 = arith.constant 1 : i32
    %dma_wait3A_3313 = arith.constant 0 : i32
    %dma_wait3A_3314 = tpu.memref_slice %arg10[%dma_wait3A_3311, %dma_wait3A_3313] : memref<1x128xf32, #tpu.memory_space<vmem>> -> memref<1x128xf32, #tpu.memory_space<vmem>>
    %dma_wait3A_3315 = tpu.memref_squeeze %dma_wait3A_3314 : memref<1x128xf32, #tpu.memory_space<vmem>> -> memref<128xf32, #tpu.memory_space<vmem>>
    %dma_wait3A_3316 = arith.constant 0 : i32
    %dma_wait3A_3317 = tpu.memref_slice %arg9[%dma_wait3A_3312, %dma_wait3A_3316] : memref<25x128xi32, #tpu.memory_space<vmem>> -> memref<1x128xi32, #tpu.memory_space<vmem>>
    %dma_wait3A_3318 = tpu.memref_squeeze %dma_wait3A_3317 : memref<1x128xi32, #tpu.memory_space<vmem>> -> memref<128xi32, #tpu.memory_space<vmem>>
    %dma_wait3A_3319 = arith.constant 0 : i32
    %dma_wait3A_3320 = tpu.memref_slice %arg15[%dma_wait3A_3319] : memref<520xf32, #tpu.memory_space<vmem_shared>> -> memref<520xf32, #tpu.memory_space<vmem_shared>>
    tpu.wait_indirect_dma semaphore(%arg18 : memref<!tpu.dma_semaphore, #tpu.memory_space<semaphore_mem>>) src(%dma_wait3A_3315 : memref<128xf32, #tpu.memory_space<vmem>>) dst(%dma_wait3A_3320 : memref<520xf32, #tpu.memory_space<vmem_shared>>)
    %dma_wait3A_3321 = arith.constant 0 : i32
    %dma_wait3A_3322 = arith.constant 2 : i32
    %dma_wait3A_3323 = arith.constant 0 : i32
    %dma_wait3A_3324 = tpu.memref_slice %arg10[%dma_wait3A_3321, %dma_wait3A_3323] : memref<1x128xf32, #tpu.memory_space<vmem>> -> memref<1x128xf32, #tpu.memory_space<vmem>>
    %dma_wait3A_3325 = tpu.memref_squeeze %dma_wait3A_3324 : memref<1x128xf32, #tpu.memory_space<vmem>> -> memref<128xf32, #tpu.memory_space<vmem>>
    %dma_wait3A_3326 = arith.constant 0 : i32
    %dma_wait3A_3327 = tpu.memref_slice %arg9[%dma_wait3A_3322, %dma_wait3A_3326] : memref<25x128xi32, #tpu.memory_space<vmem>> -> memref<1x128xi32, #tpu.memory_space<vmem>>
    %dma_wait3A_3328 = tpu.memref_squeeze %dma_wait3A_3327 : memref<1x128xi32, #tpu.memory_space<vmem>> -> memref<128xi32, #tpu.memory_space<vmem>>
    %dma_wait3A_3329 = arith.constant 0 : i32
    %dma_wait3A_3330 = tpu.memref_slice %arg15[%dma_wait3A_3329] : memref<520xf32, #tpu.memory_space<vmem_shared>> -> memref<520xf32, #tpu.memory_space<vmem_shared>>
    tpu.wait_indirect_dma semaphore(%arg18 : memref<!tpu.dma_semaphore, #tpu.memory_space<semaphore_mem>>) src(%dma_wait3A_3325 : memref<128xf32, #tpu.memory_space<vmem>>) dst(%dma_wait3A_3330 : memref<520xf32, #tpu.memory_space<vmem_shared>>)
    %dma_wait3A_3331 = arith.constant 0 : i32
    %dma_wait3A_3332 = arith.constant 3 : i32
    %dma_wait3A_3333 = arith.constant 0 : i32
    %dma_wait3A_3334 = tpu.memref_slice %arg10[%dma_wait3A_3331, %dma_wait3A_3333] : memref<1x128xf32, #tpu.memory_space<vmem>> -> memref<1x128xf32, #tpu.memory_space<vmem>>
    %dma_wait3A_3335 = tpu.memref_squeeze %dma_wait3A_3334 : memref<1x128xf32, #tpu.memory_space<vmem>> -> memref<128xf32, #tpu.memory_space<vmem>>
    %dma_wait3A_3336 = arith.constant 0 : i32
    %dma_wait3A_3337 = tpu.memref_slice %arg9[%dma_wait3A_3332, %dma_wait3A_3336] : memref<25x128xi32, #tpu.memory_space<vmem>> -> memref<1x128xi32, #tpu.memory_space<vmem>>
    %dma_wait3A_3338 = tpu.memref_squeeze %dma_wait3A_3337 : memref<1x128xi32, #tpu.memory_space<vmem>> -> memref<128xi32, #tpu.memory_space<vmem>>
    %dma_wait3A_3339 = arith.constant 0 : i32
    %dma_wait3A_3340 = tpu.memref_slice %arg15[%dma_wait3A_3339] : memref<520xf32, #tpu.memory_space<vmem_shared>> -> memref<520xf32, #tpu.memory_space<vmem_shared>>
    tpu.wait_indirect_dma semaphore(%arg18 : memref<!tpu.dma_semaphore, #tpu.memory_space<semaphore_mem>>) src(%dma_wait3A_3335 : memref<128xf32, #tpu.memory_space<vmem>>) dst(%dma_wait3A_3340 : memref<520xf32, #tpu.memory_space<vmem_shared>>)
    %dma_wait3A_3341 = arith.constant 0 : i32
    %dma_wait3A_3342 = arith.constant 4 : i32
    %dma_wait3A_3343 = arith.constant 0 : i32
    %dma_wait3A_3344 = tpu.memref_slice %arg10[%dma_wait3A_3341, %dma_wait3A_3343] : memref<1x128xf32, #tpu.memory_space<vmem>> -> memref<1x128xf32, #tpu.memory_space<vmem>>
    %dma_wait3A_3345 = tpu.memref_squeeze %dma_wait3A_3344 : memref<1x128xf32, #tpu.memory_space<vmem>> -> memref<128xf32, #tpu.memory_space<vmem>>
    %dma_wait3A_3346 = arith.constant 0 : i32
    %dma_wait3A_3347 = tpu.memref_slice %arg9[%dma_wait3A_3342, %dma_wait3A_3346] : memref<25x128xi32, #tpu.memory_space<vmem>> -> memref<1x128xi32, #tpu.memory_space<vmem>>
    %dma_wait3A_3348 = tpu.memref_squeeze %dma_wait3A_3347 : memref<1x128xi32, #tpu.memory_space<vmem>> -> memref<128xi32, #tpu.memory_space<vmem>>
    %dma_wait3A_3349 = arith.constant 0 : i32
    %dma_wait3A_3350 = tpu.memref_slice %arg15[%dma_wait3A_3349] : memref<520xf32, #tpu.memory_space<vmem_shared>> -> memref<520xf32, #tpu.memory_space<vmem_shared>>
    tpu.wait_indirect_dma semaphore(%arg18 : memref<!tpu.dma_semaphore, #tpu.memory_space<semaphore_mem>>) src(%dma_wait3A_3345 : memref<128xf32, #tpu.memory_space<vmem>>) dst(%dma_wait3A_3350 : memref<520xf32, #tpu.memory_space<vmem_shared>>)
    %dma_wait3A_3351 = arith.constant 0 : i32
    %dma_wait3A_3352 = arith.constant 5 : i32
    %dma_wait3A_3353 = arith.constant 0 : i32
    %dma_wait3A_3354 = tpu.memref_slice %arg10[%dma_wait3A_3351, %dma_wait3A_3353] : memref<1x128xf32, #tpu.memory_space<vmem>> -> memref<1x128xf32, #tpu.memory_space<vmem>>
    %dma_wait3A_3355 = tpu.memref_squeeze %dma_wait3A_3354 : memref<1x128xf32, #tpu.memory_space<vmem>> -> memref<128xf32, #tpu.memory_space<vmem>>
    %dma_wait3A_3356 = arith.constant 0 : i32
    %dma_wait3A_3357 = tpu.memref_slice %arg9[%dma_wait3A_3352, %dma_wait3A_3356] : memref<25x128xi32, #tpu.memory_space<vmem>> -> memref<1x128xi32, #tpu.memory_space<vmem>>
    %dma_wait3A_3358 = tpu.memref_squeeze %dma_wait3A_3357 : memref<1x128xi32, #tpu.memory_space<vmem>> -> memref<128xi32, #tpu.memory_space<vmem>>
    %dma_wait3A_3359 = arith.constant 0 : i32
    %dma_wait3A_3360 = tpu.memref_slice %arg15[%dma_wait3A_3359] : memref<520xf32, #tpu.memory_space<vmem_shared>> -> memref<520xf32, #tpu.memory_space<vmem_shared>>
    tpu.wait_indirect_dma semaphore(%arg18 : memref<!tpu.dma_semaphore, #tpu.memory_space<semaphore_mem>>) src(%dma_wait3A_3355 : memref<128xf32, #tpu.memory_space<vmem>>) dst(%dma_wait3A_3360 : memref<520xf32, #tpu.memory_space<vmem_shared>>)
    %dma_wait3A_3361 = arith.constant 0 : i32
    %dma_wait3A_3362 = arith.constant 6 : i32
    %dma_wait3A_3363 = arith.constant 0 : i32
    %dma_wait3A_3364 = tpu.memref_slice %arg10[%dma_wait3A_3361, %dma_wait3A_3363] : memref<1x128xf32, #tpu.memory_space<vmem>> -> memref<1x128xf32, #tpu.memory_space<vmem>>
    %dma_wait3A_3365 = tpu.memref_squeeze %dma_wait3A_3364 : memref<1x128xf32, #tpu.memory_space<vmem>> -> memref<128xf32, #tpu.memory_space<vmem>>
    %dma_wait3A_3366 = arith.constant 0 : i32
    %dma_wait3A_3367 = tpu.memref_slice %arg9[%dma_wait3A_3362, %dma_wait3A_3366] : memref<25x128xi32, #tpu.memory_space<vmem>> -> memref<1x128xi32, #tpu.memory_space<vmem>>
    %dma_wait3A_3368 = tpu.memref_squeeze %dma_wait3A_3367 : memref<1x128xi32, #tpu.memory_space<vmem>> -> memref<128xi32, #tpu.memory_space<vmem>>
    %dma_wait3A_3369 = arith.constant 0 : i32
    %dma_wait3A_3370 = tpu.memref_slice %arg15[%dma_wait3A_3369] : memref<520xf32, #tpu.memory_space<vmem_shared>> -> memref<520xf32, #tpu.memory_space<vmem_shared>>
    tpu.wait_indirect_dma semaphore(%arg18 : memref<!tpu.dma_semaphore, #tpu.memory_space<semaphore_mem>>) src(%dma_wait3A_3365 : memref<128xf32, #tpu.memory_space<vmem>>) dst(%dma_wait3A_3370 : memref<520xf32, #tpu.memory_space<vmem_shared>>)
    %dma_wait3A_3371 = arith.constant 0 : i32
    %dma_wait3A_3372 = arith.constant 7 : i32
    %dma_wait3A_3373 = arith.constant 0 : i32
    %dma_wait3A_3374 = tpu.memref_slice %arg10[%dma_wait3A_3371, %dma_wait3A_3373] : memref<1x128xf32, #tpu.memory_space<vmem>> -> memref<1x128xf32, #tpu.memory_space<vmem>>
    %dma_wait3A_3375 = tpu.memref_squeeze %dma_wait3A_3374 : memref<1x128xf32, #tpu.memory_space<vmem>> -> memref<128xf32, #tpu.memory_space<vmem>>
    %dma_wait3A_3376 = arith.constant 0 : i32
    %dma_wait3A_3377 = tpu.memref_slice %arg9[%dma_wait3A_3372, %dma_wait3A_3376] : memref<25x128xi32, #tpu.memory_space<vmem>> -> memref<1x128xi32, #tpu.memory_space<vmem>>
    %dma_wait3A_3378 = tpu.memref_squeeze %dma_wait3A_3377 : memref<1x128xi32, #tpu.memory_space<vmem>> -> memref<128xi32, #tpu.memory_space<vmem>>
    %dma_wait3A_3379 = arith.constant 0 : i32
    %dma_wait3A_3380 = tpu.memref_slice %arg15[%dma_wait3A_3379] : memref<520xf32, #tpu.memory_space<vmem_shared>> -> memref<520xf32, #tpu.memory_space<vmem_shared>>
    tpu.wait_indirect_dma semaphore(%arg18 : memref<!tpu.dma_semaphore, #tpu.memory_space<semaphore_mem>>) src(%dma_wait3A_3375 : memref<128xf32, #tpu.memory_space<vmem>>) dst(%dma_wait3A_3380 : memref<520xf32, #tpu.memory_space<vmem_shared>>)
    %dma_wait3A_3381 = arith.constant 0 : i32
    %dma_wait3A_3382 = arith.constant 8 : i32
    %dma_wait3A_3383 = arith.constant 0 : i32
    %dma_wait3A_3384 = tpu.memref_slice %arg10[%dma_wait3A_3381, %dma_wait3A_3383] : memref<1x128xf32, #tpu.memory_space<vmem>> -> memref<1x128xf32, #tpu.memory_space<vmem>>
    %dma_wait3A_3385 = tpu.memref_squeeze %dma_wait3A_3384 : memref<1x128xf32, #tpu.memory_space<vmem>> -> memref<128xf32, #tpu.memory_space<vmem>>
    %dma_wait3A_3386 = arith.constant 0 : i32
    %dma_wait3A_3387 = tpu.memref_slice %arg9[%dma_wait3A_3382, %dma_wait3A_3386] : memref<25x128xi32, #tpu.memory_space<vmem>> -> memref<1x128xi32, #tpu.memory_space<vmem>>
    %dma_wait3A_3388 = tpu.memref_squeeze %dma_wait3A_3387 : memref<1x128xi32, #tpu.memory_space<vmem>> -> memref<128xi32, #tpu.memory_space<vmem>>
    %dma_wait3A_3389 = arith.constant 0 : i32
    %dma_wait3A_3390 = tpu.memref_slice %arg15[%dma_wait3A_3389] : memref<520xf32, #tpu.memory_space<vmem_shared>> -> memref<520xf32, #tpu.memory_space<vmem_shared>>
    tpu.wait_indirect_dma semaphore(%arg18 : memref<!tpu.dma_semaphore, #tpu.memory_space<semaphore_mem>>) src(%dma_wait3A_3385 : memref<128xf32, #tpu.memory_space<vmem>>) dst(%dma_wait3A_3390 : memref<520xf32, #tpu.memory_space<vmem_shared>>)
    %dma_wait3A_3391 = arith.constant 0 : i32
    %dma_wait3A_3392 = arith.constant 9 : i32
    %dma_wait3A_3393 = arith.constant 0 : i32
    %dma_wait3A_3394 = tpu.memref_slice %arg10[%dma_wait3A_3391, %dma_wait3A_3393] : memref<1x128xf32, #tpu.memory_space<vmem>> -> memref<1x128xf32, #tpu.memory_space<vmem>>
    %dma_wait3A_3395 = tpu.memref_squeeze %dma_wait3A_3394 : memref<1x128xf32, #tpu.memory_space<vmem>> -> memref<128xf32, #tpu.memory_space<vmem>>
    %dma_wait3A_3396 = arith.constant 0 : i32
    %dma_wait3A_3397 = tpu.memref_slice %arg9[%dma_wait3A_3392, %dma_wait3A_3396] : memref<25x128xi32, #tpu.memory_space<vmem>> -> memref<1x128xi32, #tpu.memory_space<vmem>>
    %dma_wait3A_3398 = tpu.memref_squeeze %dma_wait3A_3397 : memref<1x128xi32, #tpu.memory_space<vmem>> -> memref<128xi32, #tpu.memory_space<vmem>>
    %dma_wait3A_3399 = arith.constant 0 : i32
    %dma_wait3A_3400 = tpu.memref_slice %arg15[%dma_wait3A_3399] : memref<520xf32, #tpu.memory_space<vmem_shared>> -> memref<520xf32, #tpu.memory_space<vmem_shared>>
    tpu.wait_indirect_dma semaphore(%arg18 : memref<!tpu.dma_semaphore, #tpu.memory_space<semaphore_mem>>) src(%dma_wait3A_3395 : memref<128xf32, #tpu.memory_space<vmem>>) dst(%dma_wait3A_3400 : memref<520xf32, #tpu.memory_space<vmem_shared>>)
    %dma_wait3A_3401 = arith.constant 0 : i32
    %dma_wait3A_3402 = arith.constant 10 : i32
    %dma_wait3A_3403 = arith.constant 0 : i32
    %dma_wait3A_3404 = tpu.memref_slice %arg10[%dma_wait3A_3401, %dma_wait3A_3403] : memref<1x128xf32, #tpu.memory_space<vmem>> -> memref<1x128xf32, #tpu.memory_space<vmem>>
    %dma_wait3A_3405 = tpu.memref_squeeze %dma_wait3A_3404 : memref<1x128xf32, #tpu.memory_space<vmem>> -> memref<128xf32, #tpu.memory_space<vmem>>
    %dma_wait3A_3406 = arith.constant 0 : i32
    %dma_wait3A_3407 = tpu.memref_slice %arg9[%dma_wait3A_3402, %dma_wait3A_3406] : memref<25x128xi32, #tpu.memory_space<vmem>> -> memref<1x128xi32, #tpu.memory_space<vmem>>
    %dma_wait3A_3408 = tpu.memref_squeeze %dma_wait3A_3407 : memref<1x128xi32, #tpu.memory_space<vmem>> -> memref<128xi32, #tpu.memory_space<vmem>>
    %dma_wait3A_3409 = arith.constant 0 : i32
    %dma_wait3A_3410 = tpu.memref_slice %arg15[%dma_wait3A_3409] : memref<520xf32, #tpu.memory_space<vmem_shared>> -> memref<520xf32, #tpu.memory_space<vmem_shared>>
    tpu.wait_indirect_dma semaphore(%arg18 : memref<!tpu.dma_semaphore, #tpu.memory_space<semaphore_mem>>) src(%dma_wait3A_3405 : memref<128xf32, #tpu.memory_space<vmem>>) dst(%dma_wait3A_3410 : memref<520xf32, #tpu.memory_space<vmem_shared>>)
    %dma_wait3A_3411 = arith.constant 0 : i32
    %dma_wait3A_3412 = arith.constant 11 : i32
    %dma_wait3A_3413 = arith.constant 0 : i32
    %dma_wait3A_3414 = tpu.memref_slice %arg10[%dma_wait3A_3411, %dma_wait3A_3413] : memref<1x128xf32, #tpu.memory_space<vmem>> -> memref<1x128xf32, #tpu.memory_space<vmem>>
    %dma_wait3A_3415 = tpu.memref_squeeze %dma_wait3A_3414 : memref<1x128xf32, #tpu.memory_space<vmem>> -> memref<128xf32, #tpu.memory_space<vmem>>
    %dma_wait3A_3416 = arith.constant 0 : i32
    %dma_wait3A_3417 = tpu.memref_slice %arg9[%dma_wait3A_3412, %dma_wait3A_3416] : memref<25x128xi32, #tpu.memory_space<vmem>> -> memref<1x128xi32, #tpu.memory_space<vmem>>
    %dma_wait3A_3418 = tpu.memref_squeeze %dma_wait3A_3417 : memref<1x128xi32, #tpu.memory_space<vmem>> -> memref<128xi32, #tpu.memory_space<vmem>>
    %dma_wait3A_3419 = arith.constant 0 : i32
    %dma_wait3A_3420 = tpu.memref_slice %arg15[%dma_wait3A_3419] : memref<520xf32, #tpu.memory_space<vmem_shared>> -> memref<520xf32, #tpu.memory_space<vmem_shared>>
    tpu.wait_indirect_dma semaphore(%arg18 : memref<!tpu.dma_semaphore, #tpu.memory_space<semaphore_mem>>) src(%dma_wait3A_3415 : memref<128xf32, #tpu.memory_space<vmem>>) dst(%dma_wait3A_3420 : memref<520xf32, #tpu.memory_space<vmem_shared>>)
    %dma_wait3A_3421 = arith.constant 0 : i32
    %dma_wait3A_3422 = arith.constant 12 : i32
    %dma_wait3A_3423 = arith.constant 0 : i32
    %dma_wait3A_3424 = tpu.memref_slice %arg10[%dma_wait3A_3421, %dma_wait3A_3423] : memref<1x128xf32, #tpu.memory_space<vmem>> -> memref<1x128xf32, #tpu.memory_space<vmem>>
    %dma_wait3A_3425 = tpu.memref_squeeze %dma_wait3A_3424 : memref<1x128xf32, #tpu.memory_space<vmem>> -> memref<128xf32, #tpu.memory_space<vmem>>
    %dma_wait3A_3426 = arith.constant 0 : i32
    %dma_wait3A_3427 = tpu.memref_slice %arg9[%dma_wait3A_3422, %dma_wait3A_3426] : memref<25x128xi32, #tpu.memory_space<vmem>> -> memref<1x128xi32, #tpu.memory_space<vmem>>
    %dma_wait3A_3428 = tpu.memref_squeeze %dma_wait3A_3427 : memref<1x128xi32, #tpu.memory_space<vmem>> -> memref<128xi32, #tpu.memory_space<vmem>>
    %dma_wait3A_3429 = arith.constant 0 : i32
    %dma_wait3A_3430 = tpu.memref_slice %arg15[%dma_wait3A_3429] : memref<520xf32, #tpu.memory_space<vmem_shared>> -> memref<520xf32, #tpu.memory_space<vmem_shared>>
    tpu.wait_indirect_dma semaphore(%arg18 : memref<!tpu.dma_semaphore, #tpu.memory_space<semaphore_mem>>) src(%dma_wait3A_3425 : memref<128xf32, #tpu.memory_space<vmem>>) dst(%dma_wait3A_3430 : memref<520xf32, #tpu.memory_space<vmem_shared>>)
    %dma_wait3A_3431 = arith.constant 0 : i32
    %dma_wait3A_3432 = arith.constant 13 : i32
    %dma_wait3A_3433 = arith.constant 0 : i32
    %dma_wait3A_3434 = tpu.memref_slice %arg10[%dma_wait3A_3431, %dma_wait3A_3433] : memref<1x128xf32, #tpu.memory_space<vmem>> -> memref<1x128xf32, #tpu.memory_space<vmem>>
    %dma_wait3A_3435 = tpu.memref_squeeze %dma_wait3A_3434 : memref<1x128xf32, #tpu.memory_space<vmem>> -> memref<128xf32, #tpu.memory_space<vmem>>
    %dma_wait3A_3436 = arith.constant 0 : i32
    %dma_wait3A_3437 = tpu.memref_slice %arg9[%dma_wait3A_3432, %dma_wait3A_3436] : memref<25x128xi32, #tpu.memory_space<vmem>> -> memref<1x128xi32, #tpu.memory_space<vmem>>
    %dma_wait3A_3438 = tpu.memref_squeeze %dma_wait3A_3437 : memref<1x128xi32, #tpu.memory_space<vmem>> -> memref<128xi32, #tpu.memory_space<vmem>>
    %dma_wait3A_3439 = arith.constant 0 : i32
    %dma_wait3A_3440 = tpu.memref_slice %arg15[%dma_wait3A_3439] : memref<520xf32, #tpu.memory_space<vmem_shared>> -> memref<520xf32, #tpu.memory_space<vmem_shared>>
    tpu.wait_indirect_dma semaphore(%arg18 : memref<!tpu.dma_semaphore, #tpu.memory_space<semaphore_mem>>) src(%dma_wait3A_3435 : memref<128xf32, #tpu.memory_space<vmem>>) dst(%dma_wait3A_3440 : memref<520xf32, #tpu.memory_space<vmem_shared>>)
    %dma_wait3A_3441 = arith.constant 0 : i32
    %dma_wait3A_3442 = arith.constant 14 : i32
    %dma_wait3A_3443 = arith.constant 0 : i32
    %dma_wait3A_3444 = tpu.memref_slice %arg10[%dma_wait3A_3441, %dma_wait3A_3443] : memref<1x128xf32, #tpu.memory_space<vmem>> -> memref<1x128xf32, #tpu.memory_space<vmem>>
    %dma_wait3A_3445 = tpu.memref_squeeze %dma_wait3A_3444 : memref<1x128xf32, #tpu.memory_space<vmem>> -> memref<128xf32, #tpu.memory_space<vmem>>
    %dma_wait3A_3446 = arith.constant 0 : i32
    %dma_wait3A_3447 = tpu.memref_slice %arg9[%dma_wait3A_3442, %dma_wait3A_3446] : memref<25x128xi32, #tpu.memory_space<vmem>> -> memref<1x128xi32, #tpu.memory_space<vmem>>
    %dma_wait3A_3448 = tpu.memref_squeeze %dma_wait3A_3447 : memref<1x128xi32, #tpu.memory_space<vmem>> -> memref<128xi32, #tpu.memory_space<vmem>>
    %dma_wait3A_3449 = arith.constant 0 : i32
    %dma_wait3A_3450 = tpu.memref_slice %arg15[%dma_wait3A_3449] : memref<520xf32, #tpu.memory_space<vmem_shared>> -> memref<520xf32, #tpu.memory_space<vmem_shared>>
    tpu.wait_indirect_dma semaphore(%arg18 : memref<!tpu.dma_semaphore, #tpu.memory_space<semaphore_mem>>) src(%dma_wait3A_3445 : memref<128xf32, #tpu.memory_space<vmem>>) dst(%dma_wait3A_3450 : memref<520xf32, #tpu.memory_space<vmem_shared>>)
    %dma_wait3A_3451 = arith.constant 0 : i32
    %dma_wait3A_3452 = arith.constant 15 : i32
    %dma_wait3A_3453 = arith.constant 0 : i32
    %dma_wait3A_3454 = tpu.memref_slice %arg10[%dma_wait3A_3451, %dma_wait3A_3453] : memref<1x128xf32, #tpu.memory_space<vmem>> -> memref<1x128xf32, #tpu.memory_space<vmem>>
    %dma_wait3A_3455 = tpu.memref_squeeze %dma_wait3A_3454 : memref<1x128xf32, #tpu.memory_space<vmem>> -> memref<128xf32, #tpu.memory_space<vmem>>
    %dma_wait3A_3456 = arith.constant 0 : i32
    %dma_wait3A_3457 = tpu.memref_slice %arg9[%dma_wait3A_3452, %dma_wait3A_3456] : memref<25x128xi32, #tpu.memory_space<vmem>> -> memref<1x128xi32, #tpu.memory_space<vmem>>
    %dma_wait3A_3458 = tpu.memref_squeeze %dma_wait3A_3457 : memref<1x128xi32, #tpu.memory_space<vmem>> -> memref<128xi32, #tpu.memory_space<vmem>>
    %dma_wait3A_3459 = arith.constant 0 : i32
    %dma_wait3A_3460 = tpu.memref_slice %arg15[%dma_wait3A_3459] : memref<520xf32, #tpu.memory_space<vmem_shared>> -> memref<520xf32, #tpu.memory_space<vmem_shared>>
    tpu.wait_indirect_dma semaphore(%arg18 : memref<!tpu.dma_semaphore, #tpu.memory_space<semaphore_mem>>) src(%dma_wait3A_3455 : memref<128xf32, #tpu.memory_space<vmem>>) dst(%dma_wait3A_3460 : memref<520xf32, #tpu.memory_space<vmem_shared>>)
    %dma_wait3A_3461 = arith.constant 0 : i32
    %dma_wait3A_3462 = arith.constant 16 : i32
    %dma_wait3A_3463 = arith.constant 0 : i32
    %dma_wait3A_3464 = tpu.memref_slice %arg10[%dma_wait3A_3461, %dma_wait3A_3463] : memref<1x128xf32, #tpu.memory_space<vmem>> -> memref<1x128xf32, #tpu.memory_space<vmem>>
    %dma_wait3A_3465 = tpu.memref_squeeze %dma_wait3A_3464 : memref<1x128xf32, #tpu.memory_space<vmem>> -> memref<128xf32, #tpu.memory_space<vmem>>
    %dma_wait3A_3466 = arith.constant 0 : i32
    %dma_wait3A_3467 = tpu.memref_slice %arg9[%dma_wait3A_3462, %dma_wait3A_3466] : memref<25x128xi32, #tpu.memory_space<vmem>> -> memref<1x128xi32, #tpu.memory_space<vmem>>
    %dma_wait3A_3468 = tpu.memref_squeeze %dma_wait3A_3467 : memref<1x128xi32, #tpu.memory_space<vmem>> -> memref<128xi32, #tpu.memory_space<vmem>>
    %dma_wait3A_3469 = arith.constant 0 : i32
    %dma_wait3A_3470 = tpu.memref_slice %arg15[%dma_wait3A_3469] : memref<520xf32, #tpu.memory_space<vmem_shared>> -> memref<520xf32, #tpu.memory_space<vmem_shared>>
    tpu.wait_indirect_dma semaphore(%arg18 : memref<!tpu.dma_semaphore, #tpu.memory_space<semaphore_mem>>) src(%dma_wait3A_3465 : memref<128xf32, #tpu.memory_space<vmem>>) dst(%dma_wait3A_3470 : memref<520xf32, #tpu.memory_space<vmem_shared>>)
    %dma_wait3A_3471 = arith.constant 0 : i32
    %dma_wait3A_3472 = arith.constant 17 : i32
    %dma_wait3A_3473 = arith.constant 0 : i32
    %dma_wait3A_3474 = tpu.memref_slice %arg10[%dma_wait3A_3471, %dma_wait3A_3473] : memref<1x128xf32, #tpu.memory_space<vmem>> -> memref<1x128xf32, #tpu.memory_space<vmem>>
    %dma_wait3A_3475 = tpu.memref_squeeze %dma_wait3A_3474 : memref<1x128xf32, #tpu.memory_space<vmem>> -> memref<128xf32, #tpu.memory_space<vmem>>
    %dma_wait3A_3476 = arith.constant 0 : i32
    %dma_wait3A_3477 = tpu.memref_slice %arg9[%dma_wait3A_3472, %dma_wait3A_3476] : memref<25x128xi32, #tpu.memory_space<vmem>> -> memref<1x128xi32, #tpu.memory_space<vmem>>
    %dma_wait3A_3478 = tpu.memref_squeeze %dma_wait3A_3477 : memref<1x128xi32, #tpu.memory_space<vmem>> -> memref<128xi32, #tpu.memory_space<vmem>>
    %dma_wait3A_3479 = arith.constant 0 : i32
    %dma_wait3A_3480 = tpu.memref_slice %arg15[%dma_wait3A_3479] : memref<520xf32, #tpu.memory_space<vmem_shared>> -> memref<520xf32, #tpu.memory_space<vmem_shared>>
    tpu.wait_indirect_dma semaphore(%arg18 : memref<!tpu.dma_semaphore, #tpu.memory_space<semaphore_mem>>) src(%dma_wait3A_3475 : memref<128xf32, #tpu.memory_space<vmem>>) dst(%dma_wait3A_3480 : memref<520xf32, #tpu.memory_space<vmem_shared>>)
    %dma_wait3A_3481 = arith.constant 0 : i32
    %dma_wait3A_3482 = arith.constant 18 : i32
    %dma_wait3A_3483 = arith.constant 0 : i32
    %dma_wait3A_3484 = tpu.memref_slice %arg10[%dma_wait3A_3481, %dma_wait3A_3483] : memref<1x128xf32, #tpu.memory_space<vmem>> -> memref<1x128xf32, #tpu.memory_space<vmem>>
    %dma_wait3A_3485 = tpu.memref_squeeze %dma_wait3A_3484 : memref<1x128xf32, #tpu.memory_space<vmem>> -> memref<128xf32, #tpu.memory_space<vmem>>
    %dma_wait3A_3486 = arith.constant 0 : i32
    %dma_wait3A_3487 = tpu.memref_slice %arg9[%dma_wait3A_3482, %dma_wait3A_3486] : memref<25x128xi32, #tpu.memory_space<vmem>> -> memref<1x128xi32, #tpu.memory_space<vmem>>
    %dma_wait3A_3488 = tpu.memref_squeeze %dma_wait3A_3487 : memref<1x128xi32, #tpu.memory_space<vmem>> -> memref<128xi32, #tpu.memory_space<vmem>>
    %dma_wait3A_3489 = arith.constant 0 : i32
    %dma_wait3A_3490 = tpu.memref_slice %arg15[%dma_wait3A_3489] : memref<520xf32, #tpu.memory_space<vmem_shared>> -> memref<520xf32, #tpu.memory_space<vmem_shared>>
    tpu.wait_indirect_dma semaphore(%arg18 : memref<!tpu.dma_semaphore, #tpu.memory_space<semaphore_mem>>) src(%dma_wait3A_3485 : memref<128xf32, #tpu.memory_space<vmem>>) dst(%dma_wait3A_3490 : memref<520xf32, #tpu.memory_space<vmem_shared>>)
    %dma_wait3A_3491 = arith.constant 0 : i32
    %dma_wait3A_3492 = arith.constant 19 : i32
    %dma_wait3A_3493 = arith.constant 0 : i32
    %dma_wait3A_3494 = tpu.memref_slice %arg10[%dma_wait3A_3491, %dma_wait3A_3493] : memref<1x128xf32, #tpu.memory_space<vmem>> -> memref<1x128xf32, #tpu.memory_space<vmem>>
    %dma_wait3A_3495 = tpu.memref_squeeze %dma_wait3A_3494 : memref<1x128xf32, #tpu.memory_space<vmem>> -> memref<128xf32, #tpu.memory_space<vmem>>
    %dma_wait3A_3496 = arith.constant 0 : i32
    %dma_wait3A_3497 = tpu.memref_slice %arg9[%dma_wait3A_3492, %dma_wait3A_3496] : memref<25x128xi32, #tpu.memory_space<vmem>> -> memref<1x128xi32, #tpu.memory_space<vmem>>
    %dma_wait3A_3498 = tpu.memref_squeeze %dma_wait3A_3497 : memref<1x128xi32, #tpu.memory_space<vmem>> -> memref<128xi32, #tpu.memory_space<vmem>>
    %dma_wait3A_3499 = arith.constant 0 : i32
    %dma_wait3A_3500 = tpu.memref_slice %arg15[%dma_wait3A_3499] : memref<520xf32, #tpu.memory_space<vmem_shared>> -> memref<520xf32, #tpu.memory_space<vmem_shared>>
    tpu.wait_indirect_dma semaphore(%arg18 : memref<!tpu.dma_semaphore, #tpu.memory_space<semaphore_mem>>) src(%dma_wait3A_3495 : memref<128xf32, #tpu.memory_space<vmem>>) dst(%dma_wait3A_3500 : memref<520xf32, #tpu.memory_space<vmem_shared>>)
    %dma_wait3A_3501 = arith.constant 0 : i32
    %dma_wait3A_3502 = arith.constant 20 : i32
    %dma_wait3A_3503 = arith.constant 0 : i32
    %dma_wait3A_3504 = tpu.memref_slice %arg10[%dma_wait3A_3501, %dma_wait3A_3503] : memref<1x128xf32, #tpu.memory_space<vmem>> -> memref<1x128xf32, #tpu.memory_space<vmem>>
    %dma_wait3A_3505 = tpu.memref_squeeze %dma_wait3A_3504 : memref<1x128xf32, #tpu.memory_space<vmem>> -> memref<128xf32, #tpu.memory_space<vmem>>
    %dma_wait3A_3506 = arith.constant 0 : i32
    %dma_wait3A_3507 = tpu.memref_slice %arg9[%dma_wait3A_3502, %dma_wait3A_3506] : memref<25x128xi32, #tpu.memory_space<vmem>> -> memref<1x128xi32, #tpu.memory_space<vmem>>
    %dma_wait3A_3508 = tpu.memref_squeeze %dma_wait3A_3507 : memref<1x128xi32, #tpu.memory_space<vmem>> -> memref<128xi32, #tpu.memory_space<vmem>>
    %dma_wait3A_3509 = arith.constant 0 : i32
    %dma_wait3A_3510 = tpu.memref_slice %arg15[%dma_wait3A_3509] : memref<520xf32, #tpu.memory_space<vmem_shared>> -> memref<520xf32, #tpu.memory_space<vmem_shared>>
    tpu.wait_indirect_dma semaphore(%arg18 : memref<!tpu.dma_semaphore, #tpu.memory_space<semaphore_mem>>) src(%dma_wait3A_3505 : memref<128xf32, #tpu.memory_space<vmem>>) dst(%dma_wait3A_3510 : memref<520xf32, #tpu.memory_space<vmem_shared>>)
    %dma_wait3A_3511 = arith.constant 0 : i32
    %dma_wait3A_3512 = arith.constant 21 : i32
    %dma_wait3A_3513 = arith.constant 0 : i32
    %dma_wait3A_3514 = tpu.memref_slice %arg10[%dma_wait3A_3511, %dma_wait3A_3513] : memref<1x128xf32, #tpu.memory_space<vmem>> -> memref<1x128xf32, #tpu.memory_space<vmem>>
    %dma_wait3A_3515 = tpu.memref_squeeze %dma_wait3A_3514 : memref<1x128xf32, #tpu.memory_space<vmem>> -> memref<128xf32, #tpu.memory_space<vmem>>
    %dma_wait3A_3516 = arith.constant 0 : i32
    %dma_wait3A_3517 = tpu.memref_slice %arg9[%dma_wait3A_3512, %dma_wait3A_3516] : memref<25x128xi32, #tpu.memory_space<vmem>> -> memref<1x128xi32, #tpu.memory_space<vmem>>
    %dma_wait3A_3518 = tpu.memref_squeeze %dma_wait3A_3517 : memref<1x128xi32, #tpu.memory_space<vmem>> -> memref<128xi32, #tpu.memory_space<vmem>>
    %dma_wait3A_3519 = arith.constant 0 : i32
    %dma_wait3A_3520 = tpu.memref_slice %arg15[%dma_wait3A_3519] : memref<520xf32, #tpu.memory_space<vmem_shared>> -> memref<520xf32, #tpu.memory_space<vmem_shared>>
    tpu.wait_indirect_dma semaphore(%arg18 : memref<!tpu.dma_semaphore, #tpu.memory_space<semaphore_mem>>) src(%dma_wait3A_3515 : memref<128xf32, #tpu.memory_space<vmem>>) dst(%dma_wait3A_3520 : memref<520xf32, #tpu.memory_space<vmem_shared>>)
    %dma_wait3A_3521 = arith.constant 0 : i32
    %dma_wait3A_3522 = arith.constant 22 : i32
    %dma_wait3A_3523 = arith.constant 0 : i32
    %dma_wait3A_3524 = tpu.memref_slice %arg10[%dma_wait3A_3521, %dma_wait3A_3523] : memref<1x128xf32, #tpu.memory_space<vmem>> -> memref<1x128xf32, #tpu.memory_space<vmem>>
    %dma_wait3A_3525 = tpu.memref_squeeze %dma_wait3A_3524 : memref<1x128xf32, #tpu.memory_space<vmem>> -> memref<128xf32, #tpu.memory_space<vmem>>
    %dma_wait3A_3526 = arith.constant 0 : i32
    %dma_wait3A_3527 = tpu.memref_slice %arg9[%dma_wait3A_3522, %dma_wait3A_3526] : memref<25x128xi32, #tpu.memory_space<vmem>> -> memref<1x128xi32, #tpu.memory_space<vmem>>
    %dma_wait3A_3528 = tpu.memref_squeeze %dma_wait3A_3527 : memref<1x128xi32, #tpu.memory_space<vmem>> -> memref<128xi32, #tpu.memory_space<vmem>>
    %dma_wait3A_3529 = arith.constant 0 : i32
    %dma_wait3A_3530 = tpu.memref_slice %arg15[%dma_wait3A_3529] : memref<520xf32, #tpu.memory_space<vmem_shared>> -> memref<520xf32, #tpu.memory_space<vmem_shared>>
    tpu.wait_indirect_dma semaphore(%arg18 : memref<!tpu.dma_semaphore, #tpu.memory_space<semaphore_mem>>) src(%dma_wait3A_3525 : memref<128xf32, #tpu.memory_space<vmem>>) dst(%dma_wait3A_3530 : memref<520xf32, #tpu.memory_space<vmem_shared>>)
    %dma_wait3A_3531 = arith.constant 0 : i32
    %dma_wait3A_3532 = arith.constant 23 : i32
    %dma_wait3A_3533 = arith.constant 0 : i32
    %dma_wait3A_3534 = tpu.memref_slice %arg10[%dma_wait3A_3531, %dma_wait3A_3533] : memref<1x128xf32, #tpu.memory_space<vmem>> -> memref<1x128xf32, #tpu.memory_space<vmem>>
    %dma_wait3A_3535 = tpu.memref_squeeze %dma_wait3A_3534 : memref<1x128xf32, #tpu.memory_space<vmem>> -> memref<128xf32, #tpu.memory_space<vmem>>
    %dma_wait3A_3536 = arith.constant 0 : i32
    %dma_wait3A_3537 = tpu.memref_slice %arg9[%dma_wait3A_3532, %dma_wait3A_3536] : memref<25x128xi32, #tpu.memory_space<vmem>> -> memref<1x128xi32, #tpu.memory_space<vmem>>
    %dma_wait3A_3538 = tpu.memref_squeeze %dma_wait3A_3537 : memref<1x128xi32, #tpu.memory_space<vmem>> -> memref<128xi32, #tpu.memory_space<vmem>>
    %dma_wait3A_3539 = arith.constant 0 : i32
    %dma_wait3A_3540 = tpu.memref_slice %arg15[%dma_wait3A_3539] : memref<520xf32, #tpu.memory_space<vmem_shared>> -> memref<520xf32, #tpu.memory_space<vmem_shared>>
    tpu.wait_indirect_dma semaphore(%arg18 : memref<!tpu.dma_semaphore, #tpu.memory_space<semaphore_mem>>) src(%dma_wait3A_3535 : memref<128xf32, #tpu.memory_space<vmem>>) dst(%dma_wait3A_3540 : memref<520xf32, #tpu.memory_space<vmem_shared>>)
    %dma_wait3A_3541 = arith.constant 0 : i32
    %dma_wait3A_3542 = arith.constant 24 : i32
    %dma_wait3A_3543 = arith.constant 0 : i32
    %dma_wait3A_3544 = tpu.memref_slice %arg10[%dma_wait3A_3541, %dma_wait3A_3543] : memref<1x128xf32, #tpu.memory_space<vmem>> -> memref<1x128xf32, #tpu.memory_space<vmem>>
    %dma_wait3A_3545 = tpu.memref_squeeze %dma_wait3A_3544 : memref<1x128xf32, #tpu.memory_space<vmem>> -> memref<128xf32, #tpu.memory_space<vmem>>
    %dma_wait3A_3546 = arith.constant 0 : i32
    %dma_wait3A_3547 = tpu.memref_slice %arg9[%dma_wait3A_3542, %dma_wait3A_3546] : memref<25x128xi32, #tpu.memory_space<vmem>> -> memref<1x128xi32, #tpu.memory_space<vmem>>
    %dma_wait3A_3548 = tpu.memref_squeeze %dma_wait3A_3547 : memref<1x128xi32, #tpu.memory_space<vmem>> -> memref<128xi32, #tpu.memory_space<vmem>>
    %dma_wait3A_3549 = arith.constant 0 : i32
    %dma_wait3A_3550 = tpu.memref_slice %arg15[%dma_wait3A_3549] : memref<520xf32, #tpu.memory_space<vmem_shared>> -> memref<520xf32, #tpu.memory_space<vmem_shared>>
    tpu.wait_indirect_dma semaphore(%arg18 : memref<!tpu.dma_semaphore, #tpu.memory_space<semaphore_mem>>) src(%dma_wait3A_3545 : memref<128xf32, #tpu.memory_space<vmem>>) dst(%dma_wait3A_3550 : memref<520xf32, #tpu.memory_space<vmem_shared>>)
    %barrier3A_3551 = arith.constant 0 : index
    tpu.barrier barrier_id(%barrier3A_3551)
    %mul3A_3552 = arith.constant 32 : i32
    %mul3A_3553 = arith.muli %arg1, %mul3A_3552 : i32
    %mul3A_3554 = arith.constant 32 : i32
    %mul3A_3555 = arith.muli %arg1, %mul3A_3554 : i32
    "tpu.region"() ({
      %run_scoped3A = tpu.sem_alloc : memref<!tpu.dma_semaphore, #tpu.memory_space<semaphore_mem>>
      %dma_start3A_3561 = arith.constant 0 : i32
      %dma_start3A_3562 = tpu.memref_slice %arg7[%arg0, %mul3A_3555, %dma_start3A_3561] : memref<2x512x128xf32, #tpu.memory_space<hbm>> -> memref<1x32x128xf32, #tpu.memory_space<hbm>>
      %dma_start3A_3563 = tpu.memref_squeeze %dma_start3A_3562 : memref<1x32x128xf32, #tpu.memory_space<hbm>> -> memref<32x128xf32, #tpu.memory_space<hbm>>
      %dma_start3A_3564 = arith.constant 0 : i32
      %dma_start3A_3565 = tpu.memref_slice %arg14[%mul3A_3553, %dma_start3A_3564] : memref<520x128xf32, #tpu.memory_space<vmem_shared>> -> memref<32x128xf32, #tpu.memory_space<vmem_shared>>
      tpu.enqueue_dma source(%dma_start3A_3565 : memref<32x128xf32, #tpu.memory_space<vmem_shared>>) target(%dma_start3A_3563 : memref<32x128xf32, #tpu.memory_space<hbm>>) target_semaphore(%run_scoped3A : memref<!tpu.dma_semaphore, #tpu.memory_space<semaphore_mem>>)
      %dma_wait3A_3566 = arith.constant 0 : i32
      %dma_wait3A_3567 = tpu.memref_slice %arg7[%arg0, %mul3A_3555, %dma_wait3A_3566] : memref<2x512x128xf32, #tpu.memory_space<hbm>> -> memref<1x32x128xf32, #tpu.memory_space<hbm>>
      %dma_wait3A_3568 = tpu.memref_squeeze %dma_wait3A_3567 : memref<1x32x128xf32, #tpu.memory_space<hbm>> -> memref<32x128xf32, #tpu.memory_space<hbm>>
      %dma_wait3A_3569 = arith.constant 0 : i32
      %dma_wait3A_3570 = tpu.memref_slice %arg14[%mul3A_3553, %dma_wait3A_3569] : memref<520x128xf32, #tpu.memory_space<vmem_shared>> -> memref<32x128xf32, #tpu.memory_space<vmem_shared>>
      tpu.wait_dma2 semaphore(%run_scoped3A : memref<!tpu.dma_semaphore, #tpu.memory_space<semaphore_mem>>) src(%dma_wait3A_3570 : memref<32x128xf32, #tpu.memory_space<vmem_shared>>) dst(%dma_wait3A_3568 : memref<32x128xf32, #tpu.memory_space<hbm>>)
      tpu.yield
    }) : () -> ()
    %eq3A_3556 = arith.constant 0 : i32
    %eq3A_3557 = arith.cmpi eq, %arg1, %eq3A_3556 : i32
    %convert_element_type3A_3558 = arith.extui %eq3A_3557 : i1 to i32
    %cond3A_3559 = arith.constant 0 : i32
    %cond3A_3560 = arith.cmpi ne, %convert_element_type3A_3558, %cond3A_3559 : i32
    scf.if %cond3A_3560 {
      "tpu.region"() ({
        %run_scoped3A = tpu.sem_alloc : memref<!tpu.dma_semaphore, #tpu.memory_space<semaphore_mem>>
        %dma_start3A_3561 = arith.constant 0 : i32
        %dma_start3A_3562 = tpu.memref_slice %arg8[%arg0, %dma_start3A_3561] : memref<2x512xf32, #tpu.memory_space<hbm>> -> memref<1x512xf32, #tpu.memory_space<hbm>>
        %dma_start3A_3563 = tpu.memref_squeeze %dma_start3A_3562 : memref<1x512xf32, #tpu.memory_space<hbm>> -> memref<512xf32, #tpu.memory_space<hbm>>
        %dma_start3A_3564 = arith.constant 0 : i32
        %dma_start3A_3565 = tpu.memref_slice %arg15[%dma_start3A_3564] : memref<520xf32, #tpu.memory_space<vmem_shared>> -> memref<512xf32, #tpu.memory_space<vmem_shared>>
        tpu.enqueue_dma source(%dma_start3A_3565 : memref<512xf32, #tpu.memory_space<vmem_shared>>) target(%dma_start3A_3563 : memref<512xf32, #tpu.memory_space<hbm>>) target_semaphore(%run_scoped3A : memref<!tpu.dma_semaphore, #tpu.memory_space<semaphore_mem>>)
        %dma_wait3A_3566 = arith.constant 0 : i32
        %dma_wait3A_3567 = tpu.memref_slice %arg8[%arg0, %dma_wait3A_3566] : memref<2x512xf32, #tpu.memory_space<hbm>> -> memref<1x512xf32, #tpu.memory_space<hbm>>
        %dma_wait3A_3568 = tpu.memref_squeeze %dma_wait3A_3567 : memref<1x512xf32, #tpu.memory_space<hbm>> -> memref<512xf32, #tpu.memory_space<hbm>>
        %dma_wait3A_3569 = arith.constant 0 : i32
        %dma_wait3A_3570 = tpu.memref_slice %arg15[%dma_wait3A_3569] : memref<520xf32, #tpu.memory_space<vmem_shared>> -> memref<512xf32, #tpu.memory_space<vmem_shared>>
        tpu.wait_dma2 semaphore(%run_scoped3A : memref<!tpu.dma_semaphore, #tpu.memory_space<semaphore_mem>>) src(%dma_wait3A_3570 : memref<512xf32, #tpu.memory_space<vmem_shared>>) dst(%dma_wait3A_3568 : memref<512xf32, #tpu.memory_space<hbm>>)
        tpu.yield
      }) : () -> ()
    } else {
    }
    return
  }
}

module attributes {stable_mosaic.version = 14 : i64} {
  func.func @_tc_finish_body(%arg0: memref<2x512x128xf32, #tpu.memory_space<vmem>>, %arg1: memref<2x512xf32, #tpu.memory_space<vmem>>, %arg2: memref<512x128xf32, #tpu.memory_space<vmem>>, %arg3: memref<256x128xf32, #tpu.memory_space<vmem>>, %arg4: memref<1x128xf32, #tpu.memory_space<vmem>>, %arg5: memref<512x128xf32, #tpu.memory_space<vmem>>) attributes {dimension_semantics = [], scalar_prefetch = 0 : i64, scratch_operands = 0 : i64, tpu.core_type = #tpu.core_type<tc>} {
    %get3A = arith.constant 0 : index
    %get3A_0 = arith.constant 0 : index
    %get3A_1 = arith.constant 0 : index
    %get3A_2 = vector.load %arg0[%get3A, %get3A_0, %get3A_1] : memref<2x512x128xf32, #tpu.memory_space<vmem>>, vector<1x512x128xf32>
    %get3A_3 = vector.shape_cast %get3A_2 : vector<1x512x128xf32> to vector<512x128xf32>
    %get3A_4 = arith.constant 1 : index
    %get3A_5 = arith.constant 0 : index
    %get3A_6 = arith.constant 0 : index
    %get3A_7 = vector.load %arg0[%get3A_4, %get3A_5, %get3A_6] : memref<2x512x128xf32, #tpu.memory_space<vmem>>, vector<1x512x128xf32>
    %get3A_8 = vector.shape_cast %get3A_7 : vector<1x512x128xf32> to vector<512x128xf32>
    %add3A = arith.addf %get3A_3, %get3A_8 : vector<512x128xf32>
    %get3A_9 = arith.constant 0 : index
    %get3A_10 = arith.constant 0 : index
    %get3A_11 = vector.load %arg1[%get3A_9, %get3A_10] : memref<2x512xf32, #tpu.memory_space<vmem>>, vector<1x512xf32>
    %get3A_12 = vector.shape_cast %get3A_11 : vector<1x512xf32> to vector<512xf32>
    %get3A_13 = arith.constant 1 : index
    %get3A_14 = arith.constant 0 : index
    %get3A_15 = vector.load %arg1[%get3A_13, %get3A_14] : memref<2x512xf32, #tpu.memory_space<vmem>>, vector<1x512xf32>
    %get3A_16 = vector.shape_cast %get3A_15 : vector<1x512xf32> to vector<512xf32>
    %add3A_17 = arith.addf %get3A_12, %get3A_16 : vector<512xf32>
    %max3A = arith.constant 1.000000e+00 : f32
    %max3A_18 = vector.broadcast %max3A : f32 to vector<512xf32>
    %max3A_19 = arith.maximumf %add3A_17, %max3A_18 : vector<512xf32>
    %div3A = arith.constant 1.000000e+00 : f32
    %div3A_20 = vector.broadcast %div3A : f32 to vector<512xf32>
    %div3A_21 = arith.divf %div3A_20, %max3A_19 : vector<512xf32>
    %broadcast_in_dim3A = vector.shape_cast %div3A_21 : vector<512xf32> to vector<512x1xf32>
    %mul3A = vector.broadcast %broadcast_in_dim3A : vector<512x1xf32> to vector<512x128xf32>
    %mul3A_22 = arith.mulf %add3A, %mul3A : vector<512x128xf32>
    %get3A_23 = arith.constant 0 : index
    %get3A_24 = arith.constant 0 : index
    %get3A_25 = vector.load %arg3[%get3A_23, %get3A_24] : memref<256x128xf32, #tpu.memory_space<vmem>>, vector<128x128xf32>
    %get3A_26 = arith.constant 128 : index
    %get3A_27 = arith.constant 0 : index
    %get3A_28 = vector.load %arg3[%get3A_26, %get3A_27] : memref<256x128xf32, #tpu.memory_space<vmem>>, vector<128x128xf32>
    %get3A_29 = arith.constant 0 : index
    %get3A_30 = arith.constant 0 : index
    %get3A_31 = vector.load %arg2[%get3A_29, %get3A_30] : memref<512x128xf32, #tpu.memory_space<vmem>>, vector<512x128xf32>
    %dot_general3A = arith.constant dense<0.000000e+00> : vector<512x128xf32>
    %dot_general3A_32 = tpu.matmul %get3A_31, %get3A_25, %dot_general3A {dimension_numbers = #tpu.dot_dimension_numbers<[1], [0], [0], [1], [0, 0, 1, 1], [], []>, transpose_lhs_hint = false} : vector<512x128xf32>, vector<128x128xf32>, vector<512x128xf32> -> vector<512x128xf32>
    %dot_general3A_33 = arith.constant dense<0.000000e+00> : vector<512x128xf32>
    %dot_general3A_34 = tpu.matmul %mul3A_22, %get3A_28, %dot_general3A_33 {dimension_numbers = #tpu.dot_dimension_numbers<[1], [0], [0], [1], [0, 0, 1, 1], [], []>, transpose_lhs_hint = false} : vector<512x128xf32>, vector<128x128xf32>, vector<512x128xf32> -> vector<512x128xf32>
    %add3A_35 = arith.addf %dot_general3A_32, %dot_general3A_34 : vector<512x128xf32>
    %get3A_36 = arith.constant 0 : index
    %get3A_37 = arith.constant 0 : index
    %get3A_38 = vector.load %arg4[%get3A_36, %get3A_37] : memref<1x128xf32, #tpu.memory_space<vmem>>, vector<1x128xf32>
    %add3A_39 = vector.broadcast %get3A_38 : vector<1x128xf32> to vector<512x128xf32>
    %add3A_40 = arith.addf %add3A_35, %add3A_39 : vector<512x128xf32>
    %max3A_41 = arith.constant 0.000000e+00 : f32
    %max3A_42 = vector.broadcast %max3A_41 : f32 to vector<512x128xf32>
    %max3A_43 = arith.maximumf %add3A_40, %max3A_42 : vector<512x128xf32>
    %swap3A = arith.constant 0 : index
    %swap3A_44 = arith.constant 0 : index
    %swap3A_45 = vector.load %arg5[%swap3A, %swap3A_44] : memref<512x128xf32, #tpu.memory_space<vmem>>, vector<512x128xf32>
    tpu.vector_store %arg5[%swap3A, %swap3A_44], %max3A_43 {strides = array<i32>} : memref<512x128xf32, #tpu.memory_space<vmem>>, vector<512x128xf32>,
    return
  }
}

</mosaic_0001>

<sc_bundles>
// kernel: kernel.4.cloned.1.call-start
scs
__scs_entry_jumppad:
0x0: {  	(pc) =	sbr.rel $0x88, $3  }
0x1: {  	(tag) =	ssettag $0x0;
	lr =	simm.s32 $0x1  }
0x2: {  	[smem:$0x3F9C] =	sst lr;
	_ =	strace $0xD0000000  }
0x3: {  	_ = 	snop  }
0x4: {  	_ = 	snop  }
0x5: {  	_ = 	snop  }
0x6: {  	_ = 	snop  }
0x7: {  	_ = 	snop  }
__scs_overlays_trampoline_lowered:
0x8: {  	[smem:$0x3FAB] =	sst s0  }
0x9: {  	[smem:$0x3FAC] =	sst s1  }
0xa: {  	[smem:$0x3FAD] =	sst s2  }
0xb: {  	[smem:$0x3FAE] =	sst s3  }
0xc: {  	[smem:$0x3FAF] =	sst s4  }
0xd: {  	[smem:$0x3FB0] =	sst s5  }
0xe: {  	[smem:$0x3FB1] =	sst s6  }
0xf: {  	[smem:$0x3FB2] =	sst s7  }
0x10: {  	[smem:$0x3FB3] =	sst s8  }
0x11: {  	[smem:$0x3FB4] =	sst s9;
	s0 =	simm.s32 @!p0 $0x0  }
0x12: {  	s1 =	sld [smem:$0x3F9A];
	s0 =	simm.s32 @p0 $0x1  }
0x13: {  	[smem:$0x3FB5] =	sst s0;
	s0 =	simm.s32 @!p1 $0x0  }
0x14: {  	s2 =	sld [smem:$0x3F99];
	s0 =	simm.s32 @p1 $0x1  }
0x15: {  	[smem:$0x3FB6] =	sst s0;
	s0 =	simm.s32 @!p2 $0x0  }
0x16: {  	s3 =	sld [smem:$0x3FDB];
	s0 =	simm.s32 @p2 $0x1  }
0x17: {  	s4 =	simm.s32 $0x1BF5;
	[smem:$0x3FB8] =	sst s0  }
0x18: {  	s0 =	sld [smem:$0x3F9B];
	_ =	swait.ge [sflag:s4], $0x0  }
0x19: {  	s7 =	sld [smem:$0x3F9C]  }
0x1a: {  	s8 =	sadd.s32 $0xFFFFE003, lr  }
0x1b: {  	s9 =	sadd.s32 $0xFFFFFEF7, lr;
	s5 =	simm.s32 $0xFFFFFFFF;
	p2 =	slt.u32 s8, $0xFFFFF086  }
0x1c: {  	p1 =	slt.u32 s9, $0xF7A;
	s5 =	simm.s32 @!p2 $0x0  }
0x1d: {  	s5 =	simm.s32 @p1 $0x1;
	p0 =	seq.s32 s7, s2  }
0x1e: {  	s7 =	smul.u32 @!p0 $0xF7A, s2;
	p2 =	seq.s32 @!p0 s5, $0x0  }
0x1f: {  	s9 =	smul.u32 $0xF7A, s1;
	s8 =	simm.s32 @!p0 $0x1BF5;
	p2 =	por !p2, p0  }
0x20: {  	[sflag:s8] =	ssyncset.s32 @!p0 $0xFFFFF086;
	s6 =	sadd.s32 @!p0 s3, s7;
	s7 =	simm.s32 @!p0 $0x108  }
0x21: {  	s3 =	sadd.s32 s3, s9;
	s6 =	sadd.s32 @!p0 $0x88, s6;
	s7 =	simm.s32 @p2 $0x1082  }
0x22: {  	[simem:s7], [sflag:s8] =	dma.local @!p0 [hbm:s6], $0xF7A  }
0x23: {  	s9 =	sor.u32 $0xD0000000, s2;
	s6 =	simm.s32 $0x108;
	_ =	swait.ge @!p0 [sflag:s8], $0x0  }
0x24: {  	s3 =	sadd.s32 $0x88, s3;
	s6 =	simm.s32 @!p1 $0x1082;
	[sflag:s4] =	ssyncset.s32 $0xFFFFF086  }
0x25: {  	[simem:s6], [sflag:s4] =	dma.local [hbm:s3], $0xF7A  }
0x26: {  	[smem:$0x3F9C] =	sst s1;
	(tag) =	ssettag s2;
	_ =	strace s9  }
0x27: {  	s1 =	sld [smem:$0x3FAC]  }
0x28: {  	s2 =	sld [smem:$0x3FAD]  }
0x29: {  	s4 =	sld [smem:$0x3FAF]  }
0x2a: {  	p0 =	seq.s32 s5, $0x0;
	s5 =	sld [smem:$0x3FB0]  }
0x2b: {  	s6 =	sld [smem:$0x3FB1]  }
0x2c: {  	s7 =	sld [smem:$0x3FB2]  }
0x2d: {  	s3 =	simm.s32 $0x108;
	s8 =	sld [smem:$0x3FB3]  }
0x2e: {  	s3 =	simm.s32 @!p0 $0x1082;
	s9 =	sld [smem:$0x3FB4]  }
0x2f: {  	lr =	sadd.s32 s0, s3;
	s0 =	sld [smem:$0x3FAB]  }
0x30: {  	s3 =	sld [smem:$0x3FAE]  }
0x31: {  	[smem:$0x3FB7] =	sst s10  }
0x32: {  	s10 =	sld [smem:$0x3FB5];
	_ =	sdelay $0x3  }
0x33: {  	p0 =	seq.s32 s10, $0x1;
	s10 =	sld [smem:$0x3FB7];
	_ =	sdelay $0x3  }
0x34: {  	[smem:$0x3FB7] =	sst s10  }
0x35: {  	s10 =	sld [smem:$0x3FB6];
	_ =	sdelay $0x3  }
0x36: {  	p1 =	seq.s32 s10, $0x1;
	s10 =	sld [smem:$0x3FB7];
	_ =	sdelay $0x3  }
0x37: {  	[smem:$0x3FB7] =	sst s10  }
0x38: {  	s10 =	sld [smem:$0x3FB8]  }
0x39: {  	_ = 	snop;
	(pc) =	sbr.ind lr, $3  }
0x3a: {  	_ = 	snop  }
0x3b: {  	_ = 	snop  }
0x3c: {  	p2 =	seq.s32 s10, $0x1;
	s10 =	sld [smem:$0x3FB7]  }
0x3d: {  	_ =	shalt  }
0x3e: {  	_ =	shalt  }
0x3f: {  	_ =	shalt  }
0x40: {  	_ =	shalt  }
0x41: {  	_ =	shalt  }
0x42: {  	_ =	shalt  }
0x43: {  	_ =	shalt  }
0x44: {  	_ =	shalt  }
0x45: {  	_ =	shalt  }
0x46: {  	_ =	shalt  }
0x47: {  	_ =	shalt  }
0x48: {  	_ =	shalt  }
0x49: {  	_ =	shalt  }
0x4a: {  	_ =	shalt  }
0x4b: {  	_ =	shalt  }
0x4c: {  	_ =	shalt  }
0x4d: {  	_ =	shalt  }
0x4e: {  	_ =	shalt  }
0x4f: {  	_ =	shalt  }
0x50: {  	_ =	shalt  }
0x51: {  	_ =	shalt  }
0x52: {  	_ =	shalt  }
0x53: {  	_ =	shalt  }
0x54: {  	_ =	shalt  }
0x55: {  	_ =	shalt  }
0x56: {  	_ =	shalt  }
0x57: {  	_ =	shalt  }
0x58: {  	_ =	shalt  }
0x59: {  	_ =	shalt  }
0x5a: {  	_ =	shalt  }
0x5b: {  	_ =	shalt  }
0x5c: {  	_ =	shalt  }
0x5d: {  	_ =	shalt  }
0x5e: {  	_ =	shalt  }
0x5f: {  	_ =	shalt  }
0x60: {  	_ =	shalt  }
0x61: {  	_ =	shalt  }
0x62: {  	_ =	shalt  }
0x63: {  	_ =	shalt  }
0x64: {  	_ =	shalt  }
0x65: {  	_ =	shalt  }
0x66: {  	_ =	shalt  }
0x67: {  	_ =	shalt  }
0x68: {  	_ =	shalt  }
0x69: {  	_ =	shalt  }
0x6a: {  	_ =	shalt  }
0x6b: {  	_ =	shalt  }
0x6c: {  	_ =	shalt  }
0x6d: {  	_ =	shalt  }
0x6e: {  	_ =	shalt  }
0x6f: {  	_ =	shalt  }
0x70: {  	_ =	shalt  }
0x71: {  	_ =	shalt  }
0x72: {  	_ =	shalt  }
0x73: {  	_ =	shalt  }
0x74: {  	_ =	shalt  }
0x75: {  	_ =	shalt  }
0x76: {  	_ =	shalt  }
0x77: {  	_ =	shalt  }
0x78: {  	_ =	shalt  }
0x79: {  	_ =	shalt  }
0x7a: {  	_ =	shalt  }
0x7b: {  	_ =	shalt  }
0x7c: {  	_ =	shalt  }
0x7d: {  	_ =	shalt  }
0x7e: {  	_ =	shalt  }
0x7f: {  	_ =	shalt  }
0x80: {  	_ =	shalt  }
0x81: {  	_ =	shalt  }
0x82: {  	_ =	shalt  }
0x83: {  	_ =	shalt  }
0x84: {  	_ =	shalt  }
0x85: {  	_ =	shalt  }
0x86: {  	_ =	shalt  }
0x87: {  	_ =	shalt  }
.Lfunc_end0:
.L_simem_size_0:
called_computation_lowered:
.L_overlay_start_0:
0x88: {  	s2 =	sld [smem:$0x3FD9]  }
0x89: {  	s3 =	sld [smem:$0x3FFE];
	_ =	sdelay $0x1  }
0x8a: {  	s1 =	srdreg.scid  }
0x8b: {  	s0 =	sand.u32 $0x1, s1  }
0x8c: {  	s17 =	sshll.u32 s0, $0xA;
	s2 =	sadd.s32 s3, s2  }
0x8d: {  	s2 =	sadd.s32 s2, s17  }
0x8e: {  	[smem:$0x3FC3] =	sst s2  }
0x8f: {  	_ = 	snop  }
0x90: {  	s2 =	sld [smem:$0x3FC9]  }
0x91: {  	s18 =	sld [smem:$0x3FC7]  }
0x92: {  	s4 =	sld [smem:$0x3FD0];
	(tm) =	ssettm $0x1  }
0x93: {  	s5 =	sld [smem:$0x3FFB];
	_ =	sdelay $0x3  }
0x94: {  	_ =	strace s5  }
0x95: {  	s5 =	sld [smem:$0x3FFC];
	_ =	sdelay $0x3  }
0x96: {  	_ =	strace s5  }
0x97: {  	s5 =	sld [smem:$0x3FFD];
	_ =	sdelay $0x3  }
0x98: {  	_ =	strace s5  }
0x99: {  	_ =	strace $0x8FFFFFFF  }
0x9a: {  	s19 =	sld [smem:$0x3FDB];
	_ =	sdelay $0x1  }
0x9b: {  	s6 =	simm.s32 $_scs_section_size  }
0x9c: {  	s7 =	simm.s32 $_size__tile_overlayer_lowered;
	s8 =	simm.s32 $_tile_overlayer_lowered  }
0x9d: {  	s22 =	simm.s32 $0x1BFF;
	s21 =	sshll.u32 s8, $0x1;
	s5 =	sadd.s32 s6, s19  }
0x9e: {  	s9 =	simm.s32 $0x0;
	s20 =	sshll.u32 s7, $0x1;
	s7 =	sadd.s32 s21, s5  }
0x9f: {  	[timem:s9], [sflag:s22] =	dma.local [hbm:s7], s20  }
0xa0: {  	_ =	swait.ge [sflag:s22], s20  }
0xa1: {  	s6 =	ssub.s32 $0x0, s20;
	[sflag:s22] =	ssyncset.done $0x0  }
0xa2: {  	[sflag:s22] =	ssyncadd.s32 s6;
	_ =	sdelay $0x1  }
0xa3: {  	s23 =	simm.s32 $0x1B8B  }
0xa4: {  	_ =	swait.ge [sflag:s23], $0x1  }
0xa5: {  	[sflag:s23] =	ssyncset.done $0x0  }
0xa6: {  	s25 =	simm.s32 $0x1B8E;
	s24 =	sld [smem:$0x3FFE];
	[sflag:s23] =	ssyncadd.s32 $0xFFFFFFFF  }
0xa7: {  	s26 =	simm.s32 $execute0_lowered;
	[smem:$0x3FD2] =	sst s25  }
0xa8: {  	s7 =	sshll.u32 s26, $0x1;
	_ =	strace $0x80000046;
	[dreg:$0x1] =	wrdreg $0xFFFFFFFF  }
0xa9: {  	s28 =	simm.s32 $_size_execute0_lowered;
	s5 =	sadd.s32 s5, s7;
	[dreg:$0x0] =	wrdreg $0x0  }
0xaa: {  	s7 =	sshll.u32 s28, $0x1;
	[dreg:$0x2] =	wrdreg s5  }
0xab: {  	[dreg:$0x3] =	wrdreg s7  }
0xac: {  	[dreg:$0x4] =	wrdreg $0xC0  }
0xad: {  	_ =	task [dreg:s9], $0x5FFFF  }
0xae: {  	[dreg:$0x1] =	wrdreg $0xFFFFFFFF  }
0xaf: {  	[dreg:$0x0] =	wrdreg $0x60  }
0xb0: {  	[dreg:$0x2] =	wrdreg s2  }
0xb1: {  	[dreg:$0x3] =	wrdreg s18  }
0xb2: {  	[dreg:$0x4] =	wrdreg s24  }
0xb3: {  	[dreg:$0x5] =	wrdreg s4  }
0xb4: {  	[dreg:$0x6] =	wrdreg $0x1E2800  }
0xb5: {  	[dreg:$0x7] =	wrdreg $0x1F2C00  }
0xb6: {  	[dreg:$0x8] =	wrdreg $0x9  }
0xb7: {  	_ =	task.clear_ibuf [dreg:s9], $0x9FFFF;
	_ =	strace $0x90000046  }
0xb8: {  	s29 =	simm.s32 $0x9;
	_ =	strace $0x80000048  }
0xb9: {  	_ =	swait.ge [sflag:s29], $0x1  }
0xba: {  	[sflag:s29] =	ssyncadd.s32 $0xFFFFFFFF  }
0xbb: {  	_ =	strace $0x90000048  }
0xbc: {  	_ =	sfence  }
0xbd: {  	s30 =	sld [smem:$0x0];
	_ =	sdelay $0x2  }
0xbe: {  	s31 =	sshll.u32 s1, $0xD;
	s1 =	sshrl.u32 s1, $0x2  }
0xbf: {  	s3 =	sand.u32 $0x4000, s31;
	s1 =	sadd.s32 s1, s30  }
0xc0: {  	s0 =	sor.u32 s3, s0;
	s1 =	sshll.u32 s1, $0x11  }
0xc1: {  	s0 =	sor.u32 s1, s0  }
0xc2: {  	s0 =	sadd.s32 $0x8F2B, s0  }
0xc3: {  	[sflag:s0] =	ssyncadd.remote.s32 $0x1  }
0xc4: {  	_ =	sfence.sel $0xFFFF  }
0xc5: {  	[dreg:$0x0] =	wrdreg $0xFFFFFFFF;
	(pc) =	sbr.abs _section_cstart, $3  }
0xc6: {  	[dreg:$0x1] =	wrdreg $0xFFFFFFFF  }
0xc7: {  	_ =	task.clear_ibuf [dreg:s9], $0x2FFFF;
	_ =	strace $0x9FFFFFFF  }
0xc8: {  	(tm) =	ssettm $0x7FFFFFFF  }
0xc9: {  	_ =	shalt  }
tec
execute0_lowered:
.L_overlay_start_1:
0x0: {  	(tag) =	ssettag $0x1  }
0x1: {  	s9 =	rddreg [dreg:$0x0]  }
0x2: {  	s0 =	rddreg [dreg:$0x1]  }
0x3: {  	s4 =	rddreg [dreg:$0x2]  }
0x4: {  	s1 =	rddreg [dreg:$0x3]  }
0x5: {  	s3 =	simm.s32 $0x0;
	[dreg:$0x8] =	wrdreg s1  }
0x6: {  	s12 =	srdreg.scid;
	[smem:$0x7FF] =	sst s3;
	s5 =	sadd.s32 $0x1200, s4  }
0x7: {  	s7 =	sand.u32 $0x1, s12;
	_ =	strace $0x80000047;
	[dreg:$0x7] =	wrdreg s5  }
0x8: {  	s2 =	stileid.u32;
	s6 =	sadd.s32 $0x1400, s4;
	[smem:$0x7DE] =	sst s7  }
0x9: {  	s13 =	sshll.u32 s2, $0x1;
	s15 =	sshll.u32 s2, $0x9;
	[dreg:$0x9] =	wrdreg s6  }
0xa: {  	s14 =	sor.u32 s7, s13;
	s16 =	sshll.u32 s7, $0x4;
	s2 =	sadd.s32 s15, s4  }
0xb: {  	s18 =	ssub.s32 $0x2, s7;
	[smem:$0x7E4] =	sst s14;
	s20 =	smul.u32 $0x5, s14  }
0xc: {  	[smem:$0x7E0] =	sst s2;
	s17 =	sadd.s32 s16, s4;
	s21 =	sshrl.u32 s18, $0x1  }
0xd: {  	s19 =	smul.u32 $0xC35, s14;
	[smem:$0x7E3] =	sst s17;
	s23 =	ssub.s32 s18, s21  }
0xe: {  	s22 =	sadd.s32 $0x5, s20;
	[smem:$0x7FD] =	sst s23;
	s24 =	sand.u32 $0x7, s20  }
0xf: {  	s26 =	sadd.s32 $0x2, s20;
	s28 =	sadd.s32 $0xFFFFFFFF, s20;
	s2 =	sadd.s32 $0x1, s20  }
0x10: {  	s23 =	sadd.s32 $0x6, s20;
	s25 =	sand.u32 $0x7, s22;
	s14 =	ssub.s32 s19, s24  }
0x11: {  	s5 =	sand.u32 $0x7, s26;
	s29 =	sand.u32 $0x7, s28;
	s4 =	sxor.u32 $0xFFFFFFFB, s24  }
0x12: {  	s24 =	sand.u32 $0x7, s23;
	s8 =	ssub.s32 s19, s25;
	s30 =	ssub.s32 s19, s5  }
0x13: {  	s7 =	ssub.s32 s19, s29;
	s6 =	sadd.s32 s19, s4;
	s31 =	sshrl.u32 s14, $0x3  }
0x14: {  	s5 =	sand.u32 $0x7, s2;
	s25 =	sadd.s32 $0x3, s20;
	s1 =	sadd.s32 $0x7D, s8  }
0x15: {  	s26 =	sadd.s32 $0xFA, s30;
	s16 =	sadd.s32 $0x177, s7;
	s11 =	sadd.s32 $0x1F5, s6  }
0x16: {  	s4 =	sadd.s32 s0, s31;
	[smem:$0x7C8] =	sst s11;
	s10 =	sshrl.u32 s1, $0x3  }
0x17: {  	[dreg:$0xa] =	wrdreg s4;
	s13 =	sshrl.u32 s26, $0x3;
	s17 =	sshrl.u32 s16, $0x3  }
0x18: {  	s21 =	sshrl.u32 s11, $0x3;
	s11 =	ssub.s32 s19, s5;
	s5 =	sand.u32 $0x7, s25  }
0x19: {  	s12 =	sadd.s32 s0, s10;
	s15 =	sadd.s32 s0, s13;
	s18 =	sadd.s32 s0, s17  }
0x1a: {  	s22 =	sadd.s32 s0, s21;
	s10 =	ssub.s32 s19, s24;
	[dreg:$0xb] =	wrdreg s12  }
0x1b: {  	s5 =	ssub.s32 s19, s5;
	[dreg:$0xd] =	wrdreg s18;
	s18 =	sadd.s32 $0x271, s11  }
0x1c: {  	[dreg:$0xe] =	wrdreg s22;
	s22 =	sadd.s32 $0x2EE, s10;
	s12 =	sshrl.u32 s18, $0x3  }
0x1d: {  	[dreg:$0xc] =	wrdreg s15;
	s13 =	sshrl.u32 s22, $0x3;
	s12 =	sadd.s32 s0, s12  }
0x1e: {  	s15 =	sadd.s32 s0, s13;
	[dreg:$0xf] =	wrdreg s12;
	s12 =	sadd.s32 $0x36B, s5  }
0x1f: {  	s13 =	sadd.s32 $0x3E8, s14;
	[dreg:$0x10] =	wrdreg s15;
	s17 =	sshrl.u32 s12, $0x3  }
0x20: {  	s29 =	sshrl.u32 s13, $0x3;
	s15 =	sadd.s32 $0x465, s8;
	s28 =	sadd.s32 s0, s17  }
0x21: {  	s21 =	sshrl.u32 s15, $0x3;
	s17 =	sadd.s32 s0, s29;
	[dreg:$0x11] =	wrdreg s28  }
0x22: {  	s23 =	sadd.s32 s0, s21;
	[dreg:$0x12] =	wrdreg s17  }
0x23: {  	s21 =	sadd.s32 $0x55F, s7;
	s17 =	sadd.s32 $0x4E2, s30;
	[dreg:$0x13] =	wrdreg s23  }
0x24: {  	s2 =	sshrl.u32 s21, $0x3;
	s23 =	sadd.s32 $0x5DD, s6;
	s24 =	sshrl.u32 s17, $0x3  }
0x25: {  	s25 =	sshrl.u32 s23, $0x3;
	s31 =	sadd.s32 s0, s24;
	s24 =	sadd.s32 s0, s2  }
0x26: {  	s4 =	sadd.s32 s0, s25;
	[dreg:$0x15] =	wrdreg s24;
	s24 =	sadd.s32 $0x659, s11  }
0x27: {  	s25 =	sadd.s32 $0x6D6, s10;
	[dreg:$0x14] =	wrdreg s31;
	s28 =	sshrl.u32 s24, $0x3  }
0x28: {  	[dreg:$0x16] =	wrdreg s4;
	s31 =	sshrl.u32 s25, $0x3;
	s29 =	sadd.s32 s0, s28  }
0x29: {  	s2 =	sadd.s32 $0x753, s5;
	s28 =	sadd.s32 s0, s31;
	[dreg:$0x17] =	wrdreg s29  }
0x2a: {  	s31 =	sshrl.u32 s2, $0x3;
	[dreg:$0x18] =	wrdreg s28;
	s28 =	sadd.s32 $0x7D0, s14  }
0x2b: {  	s29 =	sadd.s32 $0x84D, s8;
	s8 =	sadd.s32 s0, s31;
	s4 =	sshrl.u32 s28, $0x3  }
0x2c: {  	s30 =	sadd.s32 $0x8CA, s30;
	[dreg:$0x19] =	wrdreg s8;
	s8 =	sadd.s32 s0, s4  }
0x2d: {  	s5 =	sadd.s32 $0xB3B, s5;
	s4 =	sshrl.u32 s29, $0x3;
	[dreg:$0x1a] =	wrdreg s8  }
0x2e: {  	s31 =	sadd.s32 s0, s4;
	s4 =	sshrl.u32 s30, $0x3;
	s8 =	sadd.s32 $0x9C5, s6  }
0x2f: {  	s6 =	sadd.s32 $0xABE, s10;
	[dreg:$0x1b] =	wrdreg s31;
	s31 =	sadd.s32 $0x947, s7  }
0x30: {  	s7 =	sadd.s32 s0, s4;
	s10 =	sshrl.u32 s6, $0x3;
	s4 =	sshrl.u32 s31, $0x3  }
0x31: {  	[dreg:$0x1c] =	wrdreg s7;
	s10 =	sadd.s32 s0, s10;
	s7 =	sadd.s32 s0, s4  }
0x32: {  	s4 =	sshrl.u32 s8, $0x3;
	[dreg:$0x1d] =	wrdreg s7;
	s7 =	sadd.s32 $0xA41, s11  }
0x33: {  	[smem:$0x7C3] =	sst s10;
	s4 =	sadd.s32 s0, s4;
	s11 =	sshrl.u32 s7, $0x3  }
0x34: {  	[dreg:$0x1e] =	wrdreg s4;
	s4 =	sadd.s32 s0, s11;
	s11 =	sshrl.u32 s5, $0x3  }
0x35: {  	s10 =	sadd.s32 $0xBB8, s14;
	[dreg:$0x1f] =	wrdreg s4;
	s11 =	sadd.s32 s0, s11  }
0x36: {  	s4 =	sshrl.u32 s10, $0x3;
	[smem:$0x7C4] =	sst s11;
	s11 =	sshll.u32 s14, $0x4  }
0x37: {  	s0 =	sadd.s32 s0, s4;
	s4 =	sand.u32 $0xFFFFF80, s11;
	s11 =	sshll.u32 s1, $0x4  }
0x38: {  	[smem:$0x7E9] =	sst s16;
	s4 =	sadd.s32 s9, s4;
	s11 =	sand.u32 $0xFFFFF80, s11  }
0x39: {  	[smem:$0x7C6] =	sst s4;
	s4 =	sadd.s32 s9, s11  }
0x3a: {  	s16 =	sshll.u32 s16, $0x4;
	[smem:$0x7C7] =	sst s4  }
0x3b: {  	s4 =	sand.u32 $0xFFFFF80, s16;
	s16 =	sld [smem:$0x7C8]  }
0x3c: {  	s11 =	sshll.u32 s26, $0x4  }
0x3d: {  	s11 =	sand.u32 $0xFFFFF80, s11  }
0x3e: {  	[smem:$0x7C5] =	sst s0;
	s0 =	sadd.s32 s9, s11;
	s11 =	sshll.u32 s16, $0x4  }
0x3f: {  	s4 =	sadd.s32 s9, s4;
	[smem:$0x7C9] =	sst s0;
	s11 =	sand.u32 $0xFFFFF80, s11  }
0x40: {  	[smem:$0x7CA] =	sst s4;
	s4 =	sadd.s32 s9, s11;
	s11 =	sshll.u32 s18, $0x4  }
0x41: {  	[smem:$0x7CB] =	sst s4;
	s4 =	sand.u32 $0xFFFFF80, s11;
	s11 =	sshll.u32 s22, $0x4  }
0x42: {  	s0 =	sadd.s32 s9, s4;
	s4 =	sand.u32 $0xFFFFF80, s11;
	s11 =	sshll.u32 s12, $0x4  }
0x43: {  	[smem:$0x7CC] =	sst s0;
	s4 =	sadd.s32 s9, s4;
	s11 =	sand.u32 $0xFFFFF80, s11  }
0x44: {  	[smem:$0x7CD] =	sst s4;
	s4 =	sadd.s32 s9, s11;
	s11 =	sshll.u32 s13, $0x4  }
0x45: {  	[smem:$0x7CE] =	sst s4;
	s4 =	sand.u32 $0xFFFFF80, s11;
	s11 =	sshll.u32 s15, $0x4  }
0x46: {  	s0 =	sadd.s32 s9, s4;
	s4 =	sand.u32 $0xFFFFF80, s11;
	s11 =	sshll.u32 s17, $0x4  }
0x47: {  	[smem:$0x7CF] =	sst s0;
	s4 =	sadd.s32 s9, s4;
	s11 =	sand.u32 $0xFFFFF80, s11  }
0x48: {  	[smem:$0x7D0] =	sst s4;
	s4 =	sadd.s32 s9, s11;
	s11 =	sshll.u32 s21, $0x4  }
0x49: {  	[smem:$0x7D1] =	sst s4;
	s4 =	sand.u32 $0xFFFFF80, s11;
	s11 =	sshll.u32 s23, $0x4  }
0x4a: {  	s0 =	sadd.s32 s9, s4;
	s4 =	sand.u32 $0xFFFFF80, s11;
	s11 =	sshll.u32 s24, $0x4  }
0x4b: {  	[smem:$0x7D2] =	sst s0;
	s4 =	sadd.s32 s9, s4;
	s11 =	sand.u32 $0xFFFFF80, s11  }
0x4c: {  	[smem:$0x7D3] =	sst s4;
	s4 =	sadd.s32 s9, s11;
	s11 =	sshll.u32 s25, $0x4  }
0x4d: {  	[smem:$0x7D4] =	sst s4;
	s4 =	sand.u32 $0xFFFFF80, s11;
	s11 =	sshll.u32 s2, $0x4  }
0x4e: {  	s0 =	sadd.s32 s9, s4;
	s4 =	sand.u32 $0xFFFFF80, s11;
	s11 =	sshll.u32 s28, $0x4  }
0x4f: {  	[smem:$0x7D5] =	sst s0;
	s4 =	sadd.s32 s9, s4;
	s11 =	sand.u32 $0xFFFFF80, s11  }
0x50: {  	[smem:$0x7D6] =	sst s4;
	s4 =	sadd.s32 s9, s11;
	s11 =	sshll.u32 s29, $0x4  }
0x51: {  	[smem:$0x7D7] =	sst s4;
	s4 =	sand.u32 $0xFFFFF80, s11;
	s11 =	sshll.u32 s30, $0x4  }
0x52: {  	s0 =	sadd.s32 s9, s4;
	s4 =	sand.u32 $0xFFFFF80, s11;
	s11 =	sshll.u32 s31, $0x4  }
0x53: {  	[smem:$0x7D8] =	sst s0;
	s4 =	sadd.s32 s9, s4;
	s11 =	sand.u32 $0xFFFFF80, s11  }
0x54: {  	[smem:$0x7D9] =	sst s4;
	s4 =	sadd.s32 s9, s11;
	s11 =	sshll.u32 s8, $0x4  }
0x55: {  	[smem:$0x7DA] =	sst s4;
	s4 =	sand.u32 $0xFFFFF80, s11;
	s11 =	sshll.u32 s7, $0x4  }
0x56: {  	s0 =	sadd.s32 s9, s4;
	s4 =	sand.u32 $0xFFFFF80, s11;
	s11 =	sshll.u32 s6, $0x4  }
0x57: {  	[smem:$0x7DB] =	sst s0;
	s4 =	sadd.s32 s9, s4;
	s11 =	sand.u32 $0xFFFFF80, s11  }
0x58: {  	[smem:$0x7DC] =	sst s4;
	s4 =	sadd.s32 s9, s11;
	s11 =	sshll.u32 s5, $0x4  }
0x59: {  	[smem:$0x7DD] =	sst s4;
	s4 =	sand.u32 $0xFFFFF80, s11;
	s11 =	sshll.u32 s10, $0x4  }
0x5a: {  	s0 =	sadd.s32 s9, s4;
	s4 =	sand.u32 $0xFFFFF80, s11;
	s11 =	sld [smem:$0x7DE]  }
0x5b: {  	[smem:$0x7DF] =	sst s0  }
0x5c: {  	s0 =	sadd.s32 s9, s4;
	s9 =	sld [smem:$0x7E0];
	_ =	sdelay $0x1  }
0x5d: {  	s11 =	sshll.u32 s11, $0xD  }
0x5e: {  	s4 =	sadd.s32 s11, s9;
	s11 =	sld [smem:$0x7E3]  }
0x5f: {  	[smem:$0x7E1] =	sst s0;
	s9 =	sadd.s32 $0xFFFFFFFB, s20  }
0x60: {  	s20 =	sld [smem:$0x7E4];
	s4 =	sadd.s32 $0x1600, s4;
	s0 =	sand.u32 $0x7, s9  }
0x61: {  	[smem:$0x7E2] =	sst s4;
	s4 =	sadd.s32 $0x5600, s11;
	s11 =	sand.u32 $0x7, s14  }
0x62: {  	s0 =	ssub.s32 s19, s0;
	s19 =	sand.u32 $0x7, s1;
	p0 =	seq.s32 s11, $0x0  }
0x63: {  	p2 =	seq.s32 s20, $0x0;
	[smem:$0x7E5] =	sst s4;
	s4 =	simm.s32 @!p0 $0x0  }
0x64: {  	s4 =	simm.s32 @p0 $0x1;
	p0 =	seq.s32 s19, $0x0;
	s19 =	sld [smem:$0x7E9]  }
0x65: {  	s20 =	sand.u32 $0x7, s26;
	[smem:$0x7E6] =	sst s4;
	s4 =	simm.s32 @!p0 $0x0  }
0x66: {  	s4 =	simm.s32 @p0 $0x1;
	p0 =	seq.s32 s20, $0x0  }
0x67: {  	[smem:$0x7E7] =	sst s4;
	s4 =	simm.s32 @!p0 $0x0;
	s9 =	sand.u32 $0x7, s19  }
0x68: {  	s4 =	simm.s32 @p0 $0x1;
	p0 =	seq.s32 s9, $0x0  }
0x69: {  	s11 =	sand.u32 $0x7, s16;
	[smem:$0x7E8] =	sst s4;
	s4 =	simm.s32 @!p0 $0x0  }
0x6a: {  	s4 =	simm.s32 @p0 $0x1;
	p0 =	seq.s32 s11, $0x0  }
0x6b: {  	s20 =	sand.u32 $0x7, s18;
	[smem:$0x7EA] =	sst s4;
	s4 =	simm.s32 @!p0 $0x0  }
0x6c: {  	s4 =	simm.s32 @p0 $0x1;
	p0 =	seq.s32 s20, $0x0  }
0x6d: {  	s9 =	sand.u32 $0x7, s22;
	[smem:$0x7EB] =	sst s4;
	s4 =	simm.s32 @!p0 $0x0  }
0x6e: {  	s4 =	simm.s32 @p0 $0x1;
	p0 =	seq.s32 s9, $0x0  }
0x6f: {  	s11 =	sand.u32 $0x7, s12;
	[smem:$0x7EC] =	sst s4;
	s4 =	simm.s32 @!p0 $0x0  }
0x70: {  	s4 =	simm.s32 @p0 $0x1;
	p0 =	seq.s32 s11, $0x0  }
0x71: {  	s20 =	sand.u32 $0x7, s13;
	[smem:$0x7ED] =	sst s4;
	s4 =	simm.s32 @!p0 $0x0  }
0x72: {  	s4 =	simm.s32 @p0 $0x1;
	p0 =	seq.s32 s20, $0x0  }
0x73: {  	s9 =	sand.u32 $0x7, s15;
	[smem:$0x7EE] =	sst s4;
	s4 =	simm.s32 @!p0 $0x0  }
0x74: {  	s4 =	simm.s32 @p0 $0x1;
	p0 =	seq.s32 s9, $0x0  }
0x75: {  	s11 =	sand.u32 $0x7, s17;
	[smem:$0x7EF] =	sst s4;
	s4 =	simm.s32 @!p0 $0x0  }
0x76: {  	s4 =	simm.s32 @p0 $0x1;
	p0 =	seq.s32 s11, $0x0  }
0x77: {  	s20 =	sand.u32 $0x7, s21;
	[smem:$0x7F0] =	sst s4;
	s4 =	simm.s32 @!p0 $0x0  }
0x78: {  	s4 =	simm.s32 @p0 $0x1;
	p0 =	seq.s32 s20, $0x0  }
0x79: {  	s9 =	sand.u32 $0x7, s23;
	[smem:$0x7F1] =	sst s4;
	s4 =	simm.s32 @!p0 $0x0  }
0x7a: {  	s4 =	simm.s32 @p0 $0x1;
	p0 =	seq.s32 s9, $0x0  }
0x7b: {  	s11 =	sand.u32 $0x7, s24;
	[smem:$0x7F2] =	sst s4;
	s4 =	simm.s32 @!p0 $0x0  }
0x7c: {  	s4 =	simm.s32 @p0 $0x1;
	p0 =	seq.s32 s11, $0x0  }
0x7d: {  	s20 =	sand.u32 $0x7, s25;
	[smem:$0x7F3] =	sst s4;
	s4 =	simm.s32 @!p0 $0x0  }
0x7e: {  	s4 =	simm.s32 @p0 $0x1;
	p0 =	seq.s32 s20, $0x0  }
0x7f: {  	s9 =	sand.u32 $0x7, s2;
	[smem:$0x7F4] =	sst s4;
	s4 =	simm.s32 @!p0 $0x0  }
0x80: {  	s4 =	simm.s32 @p0 $0x1;
	p0 =	seq.s32 s9, $0x0  }
0x81: {  	s11 =	sand.u32 $0x7, s28;
	[smem:$0x7F5] =	sst s4;
	s4 =	simm.s32 @!p0 $0x0  }
0x82: {  	s0 =	sadd.s32 $0x3, s0;
	s4 =	simm.s32 @p0 $0x1;
	p0 =	seq.s32 s11, $0x0  }
0x83: {  	s20 =	sand.u32 $0x7, s29;
	[smem:$0x7F6] =	sst s4;
	s4 =	simm.s32 @!p0 $0x0  }
0x84: {  	s0 =	simm.s32 @p2 $0x0;
	s4 =	simm.s32 @p0 $0x1;
	p0 =	seq.s32 s20, $0x0  }
0x85: {  	s9 =	sand.u32 $0x7, s30;
	[smem:$0x7F7] =	sst s4;
	s4 =	simm.s32 @!p0 $0x0  }
0x86: {  	s0 =	ssub.s32 s0, s14;
	s4 =	simm.s32 @p0 $0x1;
	p0 =	seq.s32 s9, $0x0  }
0x87: {  	s11 =	sand.u32 $0x7, s31;
	[smem:$0x7F8] =	sst s4;
	s4 =	simm.s32 @!p0 $0x0  }
0x88: {  	s20 =	sand.u32 $0x7, s8;
	s4 =	simm.s32 @p0 $0x1;
	p0 =	seq.s32 s11, $0x0  }
0x89: {  	s9 =	ssub.s32 s1, s26;
	[smem:$0x7F9] =	sst s4;
	s4 =	simm.s32 @!p0 $0x0  }
0x8a: {  	s9 =	sadd.s32 $0x80, s9;
	s11 =	sand.u32 $0x7, s7;
	s4 =	simm.s32 @p0 $0x1  }
0x8b: {  	p0 =	seq.s32 s20, $0x0;
	s20 =	sand.u32 $0x7, s6;
	[smem:$0x7FA] =	sst s4  }
0x8c: {  	s4 =	simm.s32 @!p0 $0x0;
	p1 =	seq.s32 s20, $0x0;
	s20 =	ssub.s32 s21, s23  }
0x8d: {  	s4 =	simm.s32 @p0 $0x1;
	p0 =	seq.s32 s11, $0x0;
	s11 =	ssub.s32 s26, s19  }
0x8e: {  	s26 =	stileid.u32;
	[smem:$0x7FB] =	sst s4;
	s4 =	ssub.s32 s14, s1  }
0x8f: {  	s14 =	ssub.s32 s19, s16;
	s19 =	ssub.s32 s16, s18;
	s18 =	ssub.s32 s18, s22  }
0x90: {  	s16 =	ssub.s32 s22, s12;
	s12 =	ssub.s32 s12, s13;
	s13 =	ssub.s32 s13, s15  }
0x91: {  	s15 =	ssub.s32 s15, s17;
	s17 =	ssub.s32 s17, s21;
	s21 =	ssub.s32 s23, s24  }
0x92: {  	s22 =	ssub.s32 s24, s25;
	s23 =	ssub.s32 s25, s2;
	s24 =	ssub.s32 s2, s28  }
0x93: {  	s25 =	ssub.s32 s28, s29;
	s2 =	ssub.s32 s29, s30;
	s28 =	ssub.s32 s30, s31  }
0x94: {  	v23 =	vlaneseq.u32;
	v54 =	vimm.s32 $0x0;
	s29 =	ssub.s32 s31, s8;
	s8 =	ssub.s32 s8, s7;
	s7 =	ssub.s32 s7, s6  }
0x95: {  	v55 =	vimm.s32 $0x0;
	v56 =	vimm.s32 $0x0;
	v57 =	vimm.s32 $0x0;
	s6 =	ssub.s32 s6, s5;
	s1 =	sand.u32 $0x7, s5;
	s5 =	ssub.s32 s5, s10  }
0x96: {  	v58 =	vimm.s32 $0x0;
	v59 =	vimm.s32 $0x0;
	v60 =	vimm.s32 $0x0;
	s10 =	sand.u32 $0x7, s10;
	s30 =	sshll.u32 s26, $0xC;
	s31 =	rddreg [dreg:$0x4]  }
0x97: {  	v61 =	vimm.s32 $0x0;
	v62 =	vimm.s32 $0x0;
	v0 =	vmov s0;
	p2 =	seq.s32 s1, $0x0;
	p3 =	seq.s32 s10, $0x0;
	s10 =	sadd.s32 s30, s31  }
0x98: {  	v63 =	vimm.s32 $0x0;
	vm8 =	vgt.s32 v0, v23;
	v2 =	vmov s9;
	s4 =	sadd.s32 $0x80, s4;
	s18 =	sadd.s32 $0x80, s18;
	s16 =	sadd.s32 $0x80, s16  }
0x99: {  	vm6 =	vgt.s32 v2, v23;
	s12 =	sadd.s32 $0x80, s12;
	s13 =	sadd.s32 $0x80, s13;
	s15 =	sadd.s32 $0x80, s15;
	v1 =	vmov s4;
	v6 =	vmov s18  }
0x9a: {  	s17 =	sadd.s32 $0x80, s17;
	s1 =	sadd.s32 $0x80, s28;
	s28 =	sadd.s32 $0x80, s29;
	v7 =	vmov s16;
	v8 =	vmov s12;
	v9 =	vmov s13  }
0x9b: {  	s29 =	sadd.s32 $0x80, s8;
	s30 =	sadd.s32 $0x80, s7;
	s5 =	sadd.s32 $0x80, s5;
	v10 =	vmov s15;
	v11 =	vmov s17;
	v19 =	vmov s1  }
0x9c: {  	s6 =	sadd.s32 $0x80, s6;
	[smem:$0x7FC] =	sst s10;
	s10 =	sadd.s32 $0x80, s11;
	v20 =	vmov s28;
	v21 =	vmov s29;
	v22 =	vmov s5  }
0x9d: {  	s11 =	sadd.s32 $0x80, s14;
	s14 =	sadd.s32 $0x80, s19;
	s19 =	sadd.s32 $0x80, s20;
	v24 =	vmov s30;
	v25 =	vmov s6;
	v3 =	vmov s10  }
0x9e: {  	s20 =	sadd.s32 $0x80, s21;
	s21 =	sadd.s32 $0x80, s22;
	s22 =	sadd.s32 $0x80, s23;
	v4 =	vmov s11;
	v5 =	vmov s14;
	v12 =	vmov s19  }
0x9f: {  	s23 =	sadd.s32 $0x80, s24;
	s24 =	sadd.s32 $0x80, s25;
	v13 =	vmov s20;
	v14 =	vmov s21;
	v15 =	vmov s22  }
0xa0: {  	s25 =	sadd.s32 $0x80, s2;
	v16 =	vmov s23;
	v17 =	vmov s24;
	vm0 =	vgt.s32 v22, v23  }
0xa1: {  	v18 =	vmov s25;
	v22 =	vsel vm0, $0xFFFFFFFF, v54;
	vm0 =	vgt.s32 v25, v23  }
0xa2: {  	vm13 =	vgt.s32 v11, v23;
	[tilespmem:$0x1FF60] =	vst v22;
	v22 =	vsel vm0, $0xFFFFFFFF, v55;
	vm0 =	vgt.s32 v24, v23  }
0xa3: {  	vm14 =	vgt.s32 v10, v23;
	[tilespmem:$0x1FF70] =	vst v22;
	v22 =	vsel vm0, $0xFFFFFFFF, v56;
	vm0 =	vgt.s32 v21, v23  }
0xa4: {  	vm15 =	vgt.s32 v9, v23;
	[tilespmem:$0x1FF80] =	vst v22;
	v21 =	vsel vm0, $0xFFFFFFFF, v57;
	vm0 =	vgt.s32 v20, v23  }
0xa5: {  	vm1 =	vgt.s32 v7, v23;
	[tilespmem:$0x1FF90] =	vst v21;
	v20 =	vsel vm0, $0xFFFFFFFF, v58;
	vm0 =	vgt.s32 v19, v23  }
0xa6: {  	vm2 =	vgt.s32 v6, v23;
	[tilespmem:$0x1FFA0] =	vst v20;
	v19 =	vsel vm0, $0xFFFFFFFF, v59;
	vm0 =	vgt.s32 v18, v23  }
0xa7: {  	vm7 =	vgt.s32 v1, v23;
	[tilespmem:$0x1FFB0] =	vst v19;
	v18 =	vsel vm0, $0xFFFFFFFF, v60;
	vm0 =	vgt.s32 v17, v23  }
0xa8: {  	s7 =	sld [smem:$0x7FD];
	vm10 =	vgt.s32 v14, v23;
	[tilespmem:$0x1FFC0] =	vst v18;
	v17 =	vsel vm0, $0xFFFFFFFF, v61;
	vm0 =	vgt.s32 v16, v23  }
0xa9: {  	s8 =	stileid.u32;
	vm11 =	vgt.s32 v13, v23;
	[tilespmem:$0x1FFD0] =	vst v17;
	v16 =	vsel vm0, $0xFFFFFFFF, v62;
	vm0 =	vgt.s32 v15, v23  }
0xaa: {  	p4 =	sne.s32 s8, $0x0;
	s13 =	simm.s32 $0x10;
	s5 =	simm.s32 $0xF;
	vm12 =	vgt.s32 v12, v23;
	vm3 =	vgt.s32 v5, v23;
	[tilespmem:$0x1FFE0] =	vst v16;
	v15 =	vsel vm0, $0xFFFFFFFF, v63  }
0xab: {  	s26 =	smax.u32 s7, $0x1;
	s7 =	sadd.s32 $0x3FEA, s8;
	s8 =	simm.s32 $0x80;
	vm4 =	vgt.s32 v4, v23;
	vm5 =	vgt.s32 v3, v23;
	vm0 =	vgt.s32 v8, v23;
	[tilespmem:$0x1FFF0] =	vst v15  }
.LBB2_1:
0xac: {  	s0 =	sld [smem:$0x7E6]  }
0xad: {  	s17 =	sld [smem:$0x7FF];
	_ =	sdelay $0x1  }
0xae: {  	p6 =	seq.s32 s0, $0x1  }
0xaf: {  	p5 =	sne.s32 @!p6 s17, $0x1  }
0xb0: {  	p5 =	por !p5, p6  }
0xb1: {  	s17 =	sor.u32 @!p5 $0x100000, s7  }
0xb2: {  	[smem:s17], [sflag:$0x0] =	smem.add.s32 @!p5 $0xDE;
	s17 =	simm.s32 @!p5 $0x0  }
0xb3: {  	s19 =	simm.s32 @!p5 $0x1;
	_ =	swait.done @!p5 [sflag:s17]  }
0xb4: {  	[smem:$0x7FF] =	sst @!p5 s19  }
0xb5: {  	_ =	sint @!p5 $0x2  }
0xb6: {  	_ =	swait.notdone @!p5 [sflag:s17]  }
0xb7: {  	s17 =	rddreg [dreg:$0xa]  }
0xb8: {  	s23 =	sld [smem:$0x7E7]  }
0xb9: {  	s19 =	sld [smem:$0x7FF]  }
0xba: {  	[tilespmem:s3], [sflag:$0x10] =	stream.linear.gather [hbm4b:s17+s3], $0x80, $0x38;
	[tilespmem:$0x1F2E8] =	vst v63  }
0xbb: {  	p6 =	seq.s32 s23, $0x1  }
0xbc: {  	p5 =	sne.s32 @!p6 s19, $0x1  }
0xbd: {  	p5 =	por !p5, p6  }
0xbe: {  	s17 =	sor.u32 @!p5 $0x100000, s7  }
0xbf: {  	[smem:s17], [sflag:$0x0] =	smem.add.s32 @!p5 $0xE0;
	s17 =	simm.s32 @!p5 $0x0  }
0xc0: {  	s19 =	simm.s32 @!p5 $0x1;
	_ =	swait.done @!p5 [sflag:s17]  }
0xc1: {  	[smem:$0x7FF] =	sst @!p5 s19  }
0xc2: {  	_ =	sint @!p5 $0x2  }
0xc3: {  	_ =	swait.notdone @!p5 [sflag:s17]  }
0xc4: {  	s17 =	rddreg [dreg:$0xb]  }
0xc5: {  	s24 =	sld [smem:$0x7E8]  }
0xc6: {  	s19 =	sld [smem:$0x7FF]  }
0xc7: {  	[tilespmem:s8], [sflag:$0x10] =	stream.linear.gather [hbm4b:s17+s3], $0x80, $0x38;
	[tilespmem:$0x1F2E8] =	vst v63  }
0xc8: {  	p6 =	seq.s32 s24, $0x1  }
0xc9: {  	p5 =	sne.s32 @!p6 s19, $0x1  }
0xca: {  	p5 =	por !p5, p6  }
0xcb: {  	s17 =	sor.u32 @!p5 $0x100000, s7  }
0xcc: {  	[smem:s17], [sflag:$0x0] =	smem.add.s32 @!p5 $0xE2;
	s17 =	simm.s32 @!p5 $0x0  }
0xcd: {  	s19 =	simm.s32 @!p5 $0x1;
	_ =	swait.done @!p5 [sflag:s17]  }
0xce: {  	[smem:$0x7FF] =	sst @!p5 s19  }
0xcf: {  	_ =	sint @!p5 $0x2  }
0xd0: {  	_ =	swait.notdone @!p5 [sflag:s17]  }
0xd1: {  	s17 =	rddreg [dreg:$0xc]  }
0xd2: {  	s28 =	sld [smem:$0x7EA]  }
0xd3: {  	s25 =	simm.s32 $0x100;
	s19 =	sld [smem:$0x7FF]  }
0xd4: {  	[tilespmem:s25], [sflag:$0x10] =	stream.linear.gather [hbm4b:s17+s3], $0x80, $0x38;
	[tilespmem:$0x1F2E8] =	vst v63  }
0xd5: {  	p6 =	seq.s32 s28, $0x1  }
0xd6: {  	p5 =	sne.s32 @!p6 s19, $0x1  }
0xd7: {  	p5 =	por !p5, p6  }
0xd8: {  	s17 =	sor.u32 @!p5 $0x100000, s7  }
0xd9: {  	[smem:s17], [sflag:$0x0] =	smem.add.s32 @!p5 $0xE4;
	s17 =	simm.s32 @!p5 $0x0  }
0xda: {  	s19 =	simm.s32 @!p5 $0x1;
	_ =	swait.done @!p5 [sflag:s17]  }
0xdb: {  	[smem:$0x7FF] =	sst @!p5 s19  }
0xdc: {  	_ =	sint @!p5 $0x2  }
0xdd: {  	_ =	swait.notdone @!p5 [sflag:s17]  }
0xde: {  	s17 =	rddreg [dreg:$0xd]  }
0xdf: {  	s30 =	sld [smem:$0x7EB]  }
0xe0: {  	s29 =	simm.s32 $0x180;
	s19 =	sld [smem:$0x7FF]  }
0xe1: {  	[tilespmem:s29], [sflag:$0x10] =	stream.linear.gather [hbm4b:s17+s3], $0x80, $0x38;
	[tilespmem:$0x1F2E8] =	vst v63  }
0xe2: {  	p6 =	seq.s32 s30, $0x1  }
0xe3: {  	p5 =	sne.s32 @!p6 s19, $0x1  }
0xe4: {  	p5 =	por !p5, p6  }
0xe5: {  	s17 =	sor.u32 @!p5 $0x100000, s7  }
0xe6: {  	[smem:s17], [sflag:$0x0] =	smem.add.s32 @!p5 $0xE6;
	s17 =	simm.s32 @!p5 $0x0  }
0xe7: {  	s19 =	simm.s32 @!p5 $0x1;
	_ =	swait.done @!p5 [sflag:s17]  }
0xe8: {  	[smem:$0x7FF] =	sst @!p5 s19  }
0xe9: {  	_ =	sint @!p5 $0x2  }
0xea: {  	_ =	swait.notdone @!p5 [sflag:s17]  }
0xeb: {  	s17 =	rddreg [dreg:$0xe]  }
0xec: {  	s31 =	sld [smem:$0x7EC]  }
0xed: {  	s25 =	simm.s32 $0x200;
	s19 =	sld [smem:$0x7FF]  }
0xee: {  	[tilespmem:s25], [sflag:$0x10] =	stream.linear.gather [hbm4b:s17+s3], $0x80, $0x38;
	[tilespmem:$0x1F2E8] =	vst v63  }
0xef: {  	p6 =	seq.s32 s31, $0x1  }
0xf0: {  	p5 =	sne.s32 @!p6 s19, $0x1  }
0xf1: {  	p5 =	por !p5, p6  }
0xf2: {  	s17 =	sor.u32 @!p5 $0x100000, s7  }
0xf3: {  	[smem:s17], [sflag:$0x0] =	smem.add.s32 @!p5 $0xE8;
	s17 =	simm.s32 @!p5 $0x0  }
0xf4: {  	s19 =	simm.s32 @!p5 $0x1;
	_ =	swait.done @!p5 [sflag:s17]  }
0xf5: {  	[smem:$0x7FF] =	sst @!p5 s19  }
0xf6: {  	_ =	sint @!p5 $0x2  }
0xf7: {  	_ =	swait.notdone @!p5 [sflag:s17]  }
0xf8: {  	s17 =	rddreg [dreg:$0xf]  }
0xf9: {  	s1 =	sld [smem:$0x7ED]  }
0xfa: {  	s22 =	simm.s32 $0x280;
	s19 =	sld [smem:$0x7FF]  }
0xfb: {  	[tilespmem:s22], [sflag:$0x10] =	stream.linear.gather [hbm4b:s17+s3], $0x80, $0x38;
	[tilespmem:$0x1F2E8] =	vst v63  }
0xfc: {  	p6 =	seq.s32 s1, $0x1  }
0xfd: {  	p5 =	sne.s32 @!p6 s19, $0x1  }
0xfe: {  	p5 =	por !p5, p6  }
0xff: {  	s17 =	sor.u32 @!p5 $0x100000, s7  }
0x100: {  	[smem:s17], [sflag:$0x0] =	smem.add.s32 @!p5 $0xEA;
	s17 =	simm.s32 @!p5 $0x0  }
0x101: {  	s19 =	simm.s32 @!p5 $0x1;
	_ =	swait.done @!p5 [sflag:s17]  }
0x102: {  	[smem:$0x7FF] =	sst @!p5 s19  }
0x103: {  	_ =	sint @!p5 $0x2  }
0x104: {  	_ =	swait.notdone @!p5 [sflag:s17]  }
0x105: {  	s17 =	rddreg [dreg:$0x10]  }
0x106: {  	s2 =	sld [smem:$0x7EE]  }
0x107: {  	s24 =	simm.s32 $0x300;
	s19 =	sld [smem:$0x7FF]  }
0x108: {  	[tilespmem:s24], [sflag:$0x10] =	stream.linear.gather [hbm4b:s17+s3], $0x80, $0x38;
	[tilespmem:$0x1F2E8] =	vst v63  }
0x109: {  	p6 =	seq.s32 s2, $0x1  }
0x10a: {  	p5 =	sne.s32 @!p6 s19, $0x1  }
0x10b: {  	p5 =	por !p5, p6  }
0x10c: {  	s17 =	sor.u32 @!p5 $0x100000, s7  }
0x10d: {  	[smem:s17], [sflag:$0x0] =	smem.add.s32 @!p5 $0xEC;
	s17 =	simm.s32 @!p5 $0x0  }
0x10e: {  	s19 =	simm.s32 @!p5 $0x1;
	_ =	swait.done @!p5 [sflag:s17]  }
0x10f: {  	[smem:$0x7FF] =	sst @!p5 s19  }
0x110: {  	_ =	sint @!p5 $0x2  }
0x111: {  	_ =	swait.notdone @!p5 [sflag:s17]  }
0x112: {  	s17 =	rddreg [dreg:$0x11]  }
0x113: {  	s6 =	sld [smem:$0x7EF]  }
0x114: {  	s4 =	simm.s32 $0x380;
	s19 =	sld [smem:$0x7FF]  }
0x115: {  	[tilespmem:s4], [sflag:$0x10] =	stream.linear.gather [hbm4b:s17+s3], $0x80, $0x38;
	[tilespmem:$0x1F2E8] =	vst v63  }
0x116: {  	p6 =	seq.s32 s6, $0x1  }
0x117: {  	p5 =	sne.s32 @!p6 s19, $0x1  }
0x118: {  	p5 =	por !p5, p6  }
0x119: {  	s17 =	sor.u32 @!p5 $0x100000, s7  }
0x11a: {  	[smem:s17], [sflag:$0x0] =	smem.add.s32 @!p5 $0xEE;
	s17 =	simm.s32 @!p5 $0x0  }
0x11b: {  	s19 =	simm.s32 @!p5 $0x1;
	_ =	swait.done @!p5 [sflag:s17]  }
0x11c: {  	[smem:$0x7FF] =	sst @!p5 s19  }
0x11d: {  	_ =	sint @!p5 $0x2  }
0x11e: {  	_ =	swait.notdone @!p5 [sflag:s17]  }
0x11f: {  	s17 =	rddreg [dreg:$0x12]  }
0x120: {  	s10 =	sld [smem:$0x7F0]  }
0x121: {  	s9 =	simm.s32 $0x400;
	s19 =	sld [smem:$0x7FF]  }
0x122: {  	[tilespmem:s9], [sflag:$0x10] =	stream.linear.gather [hbm4b:s17+s3], $0x80, $0x38;
	[tilespmem:$0x1F2E8] =	vst v63  }
0x123: {  	p6 =	seq.s32 s10, $0x1  }
0x124: {  	p5 =	sne.s32 @!p6 s19, $0x1  }
0x125: {  	p5 =	por !p5, p6  }
0x126: {  	s17 =	sor.u32 @!p5 $0x100000, s7  }
0x127: {  	[smem:s17], [sflag:$0x0] =	smem.add.s32 @!p5 $0xF0;
	s17 =	simm.s32 @!p5 $0x0  }
0x128: {  	s19 =	simm.s32 @!p5 $0x1;
	_ =	swait.done @!p5 [sflag:s17]  }
0x129: {  	[smem:$0x7FF] =	sst @!p5 s19  }
0x12a: {  	_ =	sint @!p5 $0x2  }
0x12b: {  	_ =	swait.notdone @!p5 [sflag:s17]  }
0x12c: {  	s17 =	rddreg [dreg:$0x13]  }
0x12d: {  	s12 =	sld [smem:$0x7F1]  }
0x12e: {  	s11 =	simm.s32 $0x480;
	s19 =	sld [smem:$0x7FF]  }
0x12f: {  	[tilespmem:s11], [sflag:$0x10] =	stream.linear.gather [hbm4b:s17+s3], $0x80, $0x38;
	[tilespmem:$0x1F2E8] =	vst v63  }
0x130: {  	p6 =	seq.s32 s12, $0x1  }
0x131: {  	p5 =	sne.s32 @!p6 s19, $0x1  }
0x132: {  	p5 =	por !p5, p6  }
0x133: {  	s17 =	sor.u32 @!p5 $0x100000, s7  }
0x134: {  	[smem:s17], [sflag:$0x0] =	smem.add.s32 @!p5 $0xF2;
	s17 =	simm.s32 @!p5 $0x0  }
0x135: {  	s19 =	simm.s32 @!p5 $0x1;
	_ =	swait.done @!p5 [sflag:s17]  }
0x136: {  	[smem:$0x7FF] =	sst @!p5 s19  }
0x137: {  	_ =	sint @!p5 $0x2  }
0x138: {  	_ =	swait.notdone @!p5 [sflag:s17]  }
0x139: {  	s17 =	rddreg [dreg:$0x14]  }
0x13a: {  	s15 =	sld [smem:$0x7F2]  }
0x13b: {  	s14 =	simm.s32 $0x500;
	s19 =	sld [smem:$0x7FF]  }
0x13c: {  	[tilespmem:s14], [sflag:$0x10] =	stream.linear.gather [hbm4b:s17+s3], $0x80, $0x38;
	[tilespmem:$0x1F2E8] =	vst v63  }
0x13d: {  	p6 =	seq.s32 s15, $0x1  }
0x13e: {  	p5 =	sne.s32 @!p6 s19, $0x1  }
0x13f: {  	p5 =	por !p5, p6  }
0x140: {  	s17 =	sor.u32 @!p5 $0x100000, s7  }
0x141: {  	[smem:s17], [sflag:$0x0] =	smem.add.s32 @!p5 $0xF4;
	s17 =	simm.s32 @!p5 $0x0  }
0x142: {  	s19 =	simm.s32 @!p5 $0x1;
	_ =	swait.done @!p5 [sflag:s17]  }
0x143: {  	[smem:$0x7FF] =	sst @!p5 s19  }
0x144: {  	_ =	sint @!p5 $0x2  }
0x145: {  	_ =	swait.notdone @!p5 [sflag:s17]  }
0x146: {  	s16 =	simm.s32 $0x580;
	s17 =	rddreg [dreg:$0x15]  }
0x147: {  	[tilespmem:s16], [sflag:$0x10] =	stream.linear.gather [hbm4b:s17+s3], $0x80, $0x38;
	[tilespmem:$0x1F2E8] =	vst v63  }
0x148: {  	s17 =	sld [smem:$0x7F3]  }
0x149: {  	s19 =	sld [smem:$0x7FF];
	_ =	sdelay $0x1  }
0x14a: {  	p6 =	seq.s32 s17, $0x1  }
0x14b: {  	p5 =	sne.s32 @!p6 s19, $0x1  }
0x14c: {  	p5 =	por !p5, p6  }
0x14d: {  	s17 =	sor.u32 @!p5 $0x100000, s7  }
0x14e: {  	[smem:s17], [sflag:$0x0] =	smem.add.s32 @!p5 $0xF6;
	s17 =	simm.s32 @!p5 $0x0  }
0x14f: {  	s19 =	simm.s32 @!p5 $0x1;
	_ =	swait.done @!p5 [sflag:s17]  }
0x150: {  	[smem:$0x7FF] =	sst @!p5 s19  }
0x151: {  	_ =	sint @!p5 $0x2  }
0x152: {  	_ =	swait.notdone @!p5 [sflag:s17]  }
0x153: {  	s17 =	rddreg [dreg:$0x16]  }
0x154: {  	s20 =	sld [smem:$0x7F4]  }
0x155: {  	s18 =	simm.s32 $0x600;
	s19 =	sld [smem:$0x7FF]  }
0x156: {  	[tilespmem:s18], [sflag:$0x10] =	stream.linear.gather [hbm4b:s17+s3], $0x80, $0x38;
	[tilespmem:$0x1F2E8] =	vst v63  }
0x157: {  	p6 =	seq.s32 s20, $0x1  }
0x158: {  	p5 =	sne.s32 @!p6 s19, $0x1  }
0x159: {  	p5 =	por !p5, p6  }
0x15a: {  	s17 =	sor.u32 @!p5 $0x100000, s7  }
0x15b: {  	[smem:s17], [sflag:$0x0] =	smem.add.s32 @!p5 $0xF8;
	s17 =	simm.s32 @!p5 $0x0  }
0x15c: {  	s19 =	simm.s32 @!p5 $0x1;
	_ =	swait.done @!p5 [sflag:s17]  }
0x15d: {  	[smem:$0x7FF] =	sst @!p5 s19  }
0x15e: {  	_ =	sint @!p5 $0x2  }
0x15f: {  	_ =	swait.notdone @!p5 [sflag:s17]  }
0x160: {  	s17 =	rddreg [dreg:$0x17]  }
0x161: {  	s23 =	sld [smem:$0x7F5]  }
0x162: {  	s21 =	simm.s32 $0x680;
	s19 =	sld [smem:$0x7FF]  }
0x163: {  	[tilespmem:s21], [sflag:$0x10] =	stream.linear.gather [hbm4b:s17+s3], $0x80, $0x38;
	[tilespmem:$0x1F2E8] =	vst v63  }
0x164: {  	p6 =	seq.s32 s23, $0x1  }
0x165: {  	p5 =	sne.s32 @!p6 s19, $0x1  }
0x166: {  	p5 =	por !p5, p6  }
0x167: {  	s17 =	sor.u32 @!p5 $0x100000, s7  }
0x168: {  	[smem:s17], [sflag:$0x0] =	smem.add.s32 @!p5 $0xFA;
	s17 =	simm.s32 @!p5 $0x0  }
0x169: {  	s19 =	simm.s32 @!p5 $0x1;
	_ =	swait.done @!p5 [sflag:s17]  }
0x16a: {  	[smem:$0x7FF] =	sst @!p5 s19  }
0x16b: {  	_ =	sint @!p5 $0x2  }
0x16c: {  	_ =	swait.notdone @!p5 [sflag:s17]  }
0x16d: {  	s17 =	rddreg [dreg:$0x18]  }
0x16e: {  	s29 =	sld [smem:$0x7F6]  }
0x16f: {  	s28 =	simm.s32 $0x700;
	s19 =	sld [smem:$0x7FF]  }
0x170: {  	[tilespmem:s28], [sflag:$0x10] =	stream.linear.gather [hbm4b:s17+s3], $0x80, $0x38;
	[tilespmem:$0x1F2E8] =	vst v63  }
0x171: {  	p6 =	seq.s32 s29, $0x1  }
0x172: {  	p5 =	sne.s32 @!p6 s19, $0x1  }
0x173: {  	p5 =	por !p5, p6  }
0x174: {  	s17 =	sor.u32 @!p5 $0x100000, s7  }
0x175: {  	[smem:s17], [sflag:$0x0] =	smem.add.s32 @!p5 $0xFC;
	s17 =	simm.s32 @!p5 $0x0  }
0x176: {  	s19 =	simm.s32 @!p5 $0x1;
	_ =	swait.done @!p5 [sflag:s17]  }
0x177: {  	[smem:$0x7FF] =	sst @!p5 s19  }
0x178: {  	_ =	sint @!p5 $0x2  }
0x179: {  	_ =	swait.notdone @!p5 [sflag:s17]  }
0x17a: {  	s17 =	rddreg [dreg:$0x19]  }
0x17b: {  	s31 =	sld [smem:$0x7F7]  }
0x17c: {  	s30 =	simm.s32 $0x780;
	s19 =	sld [smem:$0x7FF]  }
0x17d: {  	[tilespmem:s30], [sflag:$0x10] =	stream.linear.gather [hbm4b:s17+s3], $0x80, $0x38;
	[tilespmem:$0x1F2E8] =	vst v63  }
0x17e: {  	p6 =	seq.s32 s31, $0x1  }
0x17f: {  	p5 =	sne.s32 @!p6 s19, $0x1  }
0x180: {  	p5 =	por !p5, p6  }
0x181: {  	s17 =	sor.u32 @!p5 $0x100000, s7  }
0x182: {  	[smem:s17], [sflag:$0x0] =	smem.add.s32 @!p5 $0xFE;
	s17 =	simm.s32 @!p5 $0x0  }
0x183: {  	s19 =	simm.s32 @!p5 $0x1;
	_ =	swait.done @!p5 [sflag:s17]  }
0x184: {  	[smem:$0x7FF] =	sst @!p5 s19  }
0x185: {  	_ =	sint @!p5 $0x2  }
0x186: {  	_ =	swait.notdone @!p5 [sflag:s17]  }
0x187: {  	s17 =	rddreg [dreg:$0x1a]  }
0x188: {  	s2 =	sld [smem:$0x7F8]  }
0x189: {  	s1 =	simm.s32 $0x800;
	s19 =	sld [smem:$0x7FF]  }
0x18a: {  	[tilespmem:s1], [sflag:$0x10] =	stream.linear.gather [hbm4b:s17+s3], $0x80, $0x38;
	[tilespmem:$0x1F2E8] =	vst v63  }
0x18b: {  	p6 =	seq.s32 s2, $0x1  }
0x18c: {  	p5 =	sne.s32 @!p6 s19, $0x1  }
0x18d: {  	p5 =	por !p5, p6  }
0x18e: {  	s17 =	sor.u32 @!p5 $0x100000, s7  }
0x18f: {  	[smem:s17], [sflag:$0x0] =	smem.add.s32 @!p5 $0x100;
	s17 =	simm.s32 @!p5 $0x0  }
0x190: {  	s19 =	simm.s32 @!p5 $0x1;
	_ =	swait.done @!p5 [sflag:s17]  }
0x191: {  	[smem:$0x7FF] =	sst @!p5 s19  }
0x192: {  	_ =	sint @!p5 $0x2  }
0x193: {  	_ =	swait.notdone @!p5 [sflag:s17]  }
0x194: {  	s17 =	rddreg [dreg:$0x1b]  }
0x195: {  	s6 =	sld [smem:$0x7F9]  }
0x196: {  	s4 =	simm.s32 $0x880;
	s19 =	sld [smem:$0x7FF]  }
0x197: {  	[tilespmem:s4], [sflag:$0x10] =	stream.linear.gather [hbm4b:s17+s3], $0x80, $0x38;
	[tilespmem:$0x1F2E8] =	vst v63  }
0x198: {  	p6 =	seq.s32 s6, $0x1  }
0x199: {  	p5 =	sne.s32 @!p6 s19, $0x1  }
0x19a: {  	p5 =	por !p5, p6  }
0x19b: {  	s17 =	sor.u32 @!p5 $0x100000, s7  }
0x19c: {  	[smem:s17], [sflag:$0x0] =	smem.add.s32 @!p5 $0x102;
	s17 =	simm.s32 @!p5 $0x0  }
0x19d: {  	s19 =	simm.s32 @!p5 $0x1;
	_ =	swait.done @!p5 [sflag:s17]  }
0x19e: {  	[smem:$0x7FF] =	sst @!p5 s19  }
0x19f: {  	_ =	sint @!p5 $0x2  }
0x1a0: {  	_ =	swait.notdone @!p5 [sflag:s17]  }
0x1a1: {  	s17 =	rddreg [dreg:$0x1c]  }
0x1a2: {  	s10 =	sld [smem:$0x7FA]  }
0x1a3: {  	s9 =	simm.s32 $0x900;
	s19 =	sld [smem:$0x7FF]  }
0x1a4: {  	[tilespmem:s9], [sflag:$0x10] =	stream.linear.gather [hbm4b:s17+s3], $0x80, $0x38;
	[tilespmem:$0x1F2E8] =	vst v63  }
0x1a5: {  	p6 =	seq.s32 s10, $0x1  }
0x1a6: {  	p5 =	sne.s32 @!p6 s19, $0x1  }
0x1a7: {  	p5 =	por !p5, p6  }
0x1a8: {  	s17 =	sor.u32 @!p5 $0x100000, s7  }
0x1a9: {  	[smem:s17], [sflag:$0x0] =	smem.add.s32 @!p5 $0x104;
	s17 =	simm.s32 @!p5 $0x0  }
0x1aa: {  	s19 =	simm.s32 @!p5 $0x1;
	_ =	swait.done @!p5 [sflag:s17]  }
0x1ab: {  	[smem:$0x7FF] =	sst @!p5 s19  }
0x1ac: {  	_ =	sint @!p5 $0x2  }
0x1ad: {  	_ =	swait.notdone @!p5 [sflag:s17]  }
0x1ae: {  	s17 =	rddreg [dreg:$0x1d]  }
0x1af: {  	s12 =	sld [smem:$0x7FB]  }
0x1b0: {  	s11 =	simm.s32 $0x980;
	s19 =	sld [smem:$0x7FF]  }
0x1b1: {  	[tilespmem:s11], [sflag:$0x10] =	stream.linear.gather [hbm4b:s17+s3], $0x80, $0x38;
	[tilespmem:$0x1F2E8] =	vst v63  }
0x1b2: {  	p6 =	seq.s32 s12, $0x1  }
0x1b3: {  	p5 =	sne.s32 @!p6 s19, $0x1  }
0x1b4: {  	p5 =	por !p5, p6  }
0x1b5: {  	s17 =	sor.u32 @!p5 $0x100000, s7  }
0x1b6: {  	[smem:s17], [sflag:$0x0] =	smem.add.s32 @!p5 $0x106;
	s17 =	simm.s32 @!p5 $0x0  }
0x1b7: {  	s19 =	simm.s32 @!p5 $0x1;
	_ =	swait.done @!p5 [sflag:s17]  }
0x1b8: {  	[smem:$0x7FF] =	sst @!p5 s19  }
0x1b9: {  	_ =	sint @!p5 $0x2  }
0x1ba: {  	_ =	swait.notdone @!p5 [sflag:s17]  }
0x1bb: {  	s19 =	sld [smem:$0x7FF]  }
0x1bc: {  	s14 =	simm.s32 $0xA00;
	s17 =	rddreg [dreg:$0x1e]  }
0x1bd: {  	[tilespmem:s14], [sflag:$0x10] =	stream.linear.gather [hbm4b:s17+s3], $0x80, $0x38;
	[tilespmem:$0x1F2E8] =	vst v63  }
0x1be: {  	p5 =	sne.s32 @!p0 s19, $0x1  }
0x1bf: {  	p5 =	por !p5, p0  }
0x1c0: {  	s17 =	sor.u32 @!p5 $0x100000, s7  }
0x1c1: {  	[smem:s17], [sflag:$0x0] =	smem.add.s32 @!p5 $0x108;
	s17 =	simm.s32 @!p5 $0x0  }
0x1c2: {  	s19 =	simm.s32 @!p5 $0x1;
	_ =	swait.done @!p5 [sflag:s17]  }
0x1c3: {  	[smem:$0x7FF] =	sst @!p5 s19  }
0x1c4: {  	_ =	sint @!p5 $0x2  }
0x1c5: {  	_ =	swait.notdone @!p5 [sflag:s17]  }
0x1c6: {  	s19 =	sld [smem:$0x7FF]  }
0x1c7: {  	s15 =	simm.s32 $0xA80;
	s17 =	rddreg [dreg:$0x1f]  }
0x1c8: {  	[tilespmem:s15], [sflag:$0x10] =	stream.linear.gather [hbm4b:s17+s3], $0x80, $0x38;
	[tilespmem:$0x1F2E8] =	vst v63  }
0x1c9: {  	p5 =	sne.s32 @!p1 s19, $0x1  }
0x1ca: {  	p5 =	por !p5, p1  }
0x1cb: {  	s17 =	sor.u32 @!p5 $0x100000, s7  }
0x1cc: {  	[smem:s17], [sflag:$0x0] =	smem.add.s32 @!p5 $0x10A;
	s17 =	simm.s32 @!p5 $0x0  }
0x1cd: {  	s19 =	simm.s32 @!p5 $0x1;
	_ =	swait.done @!p5 [sflag:s17]  }
0x1ce: {  	[smem:$0x7FF] =	sst @!p5 s19  }
0x1cf: {  	_ =	sint @!p5 $0x2  }
0x1d0: {  	_ =	swait.notdone @!p5 [sflag:s17]  }
0x1d1: {  	s17 =	sld [smem:$0x7C3]  }
0x1d2: {  	s19 =	sld [smem:$0x7FF]  }
0x1d3: {  	s16 =	simm.s32 $0xB00  }
0x1d4: {  	[tilespmem:s16], [sflag:$0x10] =	stream.linear.gather [hbm4b:s17+s3], $0x80, $0x38;
	[tilespmem:$0x1F2E8] =	vst v63  }
0x1d5: {  	p5 =	sne.s32 @!p2 s19, $0x1  }
0x1d6: {  	p5 =	por !p5, p2  }
0x1d7: {  	s17 =	sor.u32 @!p5 $0x100000, s7  }
0x1d8: {  	[smem:s17], [sflag:$0x0] =	smem.add.s32 @!p5 $0x10C;
	s17 =	simm.s32 @!p5 $0x0  }
0x1d9: {  	s19 =	simm.s32 @!p5 $0x1;
	_ =	swait.done @!p5 [sflag:s17]  }
0x1da: {  	[smem:$0x7FF] =	sst @!p5 s19  }
0x1db: {  	_ =	sint @!p5 $0x2  }
0x1dc: {  	_ =	swait.notdone @!p5 [sflag:s17]  }
0x1dd: {  	s17 =	sld [smem:$0x7C4]  }
0x1de: {  	s19 =	sld [smem:$0x7FF]  }
0x1df: {  	s21 =	simm.s32 $0xB80  }
0x1e0: {  	[tilespmem:s21], [sflag:$0x10] =	stream.linear.gather [hbm4b:s17+s3], $0x80, $0x38;
	[tilespmem:$0x1F2E8] =	vst v63  }
0x1e1: {  	p5 =	sne.s32 @!p3 s19, $0x1  }
0x1e2: {  	p5 =	por !p5, p3  }
0x1e3: {  	s17 =	sor.u32 @!p5 $0x100000, s7  }
0x1e4: {  	[smem:s17], [sflag:$0x0] =	smem.add.s32 @!p5 $0x10E;
	s17 =	simm.s32 @!p5 $0x0  }
0x1e5: {  	s19 =	simm.s32 @!p5 $0x1;
	_ =	swait.done @!p5 [sflag:s17]  }
0x1e6: {  	[smem:$0x7FF] =	sst @!p5 s19  }
0x1e7: {  	_ =	sint @!p5 $0x2  }
0x1e8: {  	_ =	swait.notdone @!p5 [sflag:s17]  }
0x1e9: {  	s17 =	sld [smem:$0x7C5];
	_ =	sdelay $0x1  }
0x1ea: {  	s2 =	simm.s32 $0xC00;
	s1 =	rddreg [dreg:$0x7]  }
0x1eb: {  	[tilespmem:s2], [sflag:$0x10] =	stream.linear.gather [hbm4b:s17+s3], $0x80, $0x38;
	[tilespmem:$0x1F2E8] =	vst v63  }
0x1ec: {  	s0 =	simm.s32 $0x1000;
	s4 =	sld [smem:$0x7C6]  }
0x1ed: {  	[tilespmem:s0], [sflag:$0x10] =	stream.linear.gather [hbm4b:s1+s3], $0x80, $0x38;
	[tilespmem:$0x1F2E8] =	vst v63  }
0x1ee: {  	s6 =	sld [smem:$0x7C7];
	s1 =	simm.s32 $0x2280  }
0x1ef: {  	[tilespmem:s1], [sflag:$0x1] =	stream.linear.gather [hbm4b:s4+s3], $0x4000, $0x38;
	[tilespmem:$0x1F2E8] =	vst v63  }
0x1f0: {  	s10 =	simm.s32 $0x6280;
	s9 =	sld [smem:$0x7C9]  }
0x1f1: {  	[tilespmem:s10], [sflag:$0x2] =	stream.linear.gather [hbm4b:s6+s3], $0x4000, $0x38;
	[tilespmem:$0x1F2E8] =	vst v63  }
0x1f2: {  	s12 =	simm.s32 $0xA280  }
0x1f3: {  	[tilespmem:s12], [sflag:$0x3] =	stream.linear.gather [hbm4b:s9+s3], $0x4000, $0x38;
	[tilespmem:$0x1F2E8] =	vst v63  }
0x1f4: {  	s15 =	simm.s32 $0x1280;
	s11 =	rddreg [dreg:$0x8];
	s2 =	simm.s32 $0x11  }
0x1f5: {  	[tilespmem:s15], [sflag:$0x11] =	stream.linear.gather [hbm4b:s11+s3], $0x1000, $0x38;
	[tilespmem:$0x1F2E8] =	vst v63  }
0x1f6: {  	_ =	swait.ge [sflag:s2], $0x1000  }
0x1f7: {  	s4 =	sld [smem:$0x7FC]  }
0x1f8: {  	[sflag:s2] =	ssyncset.done $0x0  }
0x1f9: {  	[sflag:s2] =	ssyncadd.s32 $0xFFFFF000  }
0x1fa: {  	[spmem:s4] =	stream.linear.scatter [tilespmem:s15], [sflag:$0x11], $0x1000, $0x38;
	[tilespmem:$0x1F2E8] =	vst v63  }
0x1fb: {  	_ =	swait.ge [sflag:s2], $0x1000  }
0x1fc: {  	s21 =	simm.s32 @!p4 $0x1080;
	s19 =	simm.s32 @!p4 $0x0;
	[sflag:s2] =	ssyncset.done $0x0  }
0x1fd: {  	s1 =	simm.s32 @!p4 $0x11;
	s17 =	rddreg [dreg:$0x9];
	[sflag:s2] =	ssyncadd.s32 $0xFFFFF000  }
0x1fe: {  	[tilespmem:s21], [sflag:$0x11] =	stream.linear.gather @!p4 [hbm4b:s17+s19], $0x200, $0x38;
	[tilespmem:$0x1F2E8] =	vst v63  }
0x1ff: {  	_ =	swait.ge @!p4 [sflag:s1], $0x200  }
0x200: {  	[sflag:s1] =	ssyncset.done @!p4 $0x0  }
0x201: {  	[sflag:s1] =	ssyncadd.s32 @!p4 $0xFFFFFE00  }
0x202: {  	s4 =	rddreg [dreg:$0x5]  }
0x203: {  	[spmem:s4] =	stream.linear.scatter @!p4 [tilespmem:s21], [sflag:$0x11], $0x200, $0x38;
	[tilespmem:$0x1F2E8] =	vst v63  }
0x204: {  	_ =	swait.ge @!p4 [sflag:s1], $0x200  }
0x205: {  	[sflag:s1] =	ssyncset.done @!p4 $0x0  }
0x206: {  	[sflag:s1] =	ssyncadd.s32 @!p4 $0xFFFFFE00  }
0x207: {  	[bflag:$0x0] =	sbarrier.arrive $0xFFFF  }
0x208: {  	_ =	swait.ge [sflag:s13], $0x80  }
0x209: {  	[sflag:s13] =	ssyncset.done $0x0  }
0x20a: {  	[sflag:s13] =	ssyncadd.s32 $0xFFFFFF80  }
0x20b: {  	_ =	swait.ge [sflag:s13], $0x80  }
0x20c: {  	[sflag:s13] =	ssyncset.done $0x0  }
0x20d: {  	[sflag:s13] =	ssyncadd.s32 $0xFFFFFF80  }
0x20e: {  	_ =	swait.ge [sflag:s13], $0x80  }
0x20f: {  	[sflag:s13] =	ssyncset.done $0x0  }
0x210: {  	[sflag:s13] =	ssyncadd.s32 $0xFFFFFF80  }
0x211: {  	_ =	swait.ge [sflag:s13], $0x80  }
0x212: {  	[sflag:s13] =	ssyncset.done $0x0  }
0x213: {  	[sflag:s13] =	ssyncadd.s32 $0xFFFFFF80  }
0x214: {  	_ =	swait.ge [sflag:s13], $0x80  }
0x215: {  	[sflag:s13] =	ssyncset.done $0x0  }
0x216: {  	[sflag:s13] =	ssyncadd.s32 $0xFFFFFF80  }
0x217: {  	_ =	swait.ge [sflag:s13], $0x80  }
0x218: {  	[sflag:s13] =	ssyncset.done $0x0  }
0x219: {  	[sflag:s13] =	ssyncadd.s32 $0xFFFFFF80  }
0x21a: {  	_ =	swait.ge [sflag:s13], $0x80  }
0x21b: {  	[sflag:s13] =	ssyncset.done $0x0  }
0x21c: {  	[sflag:s13] =	ssyncadd.s32 $0xFFFFFF80  }
0x21d: {  	_ =	swait.ge [sflag:s13], $0x80  }
0x21e: {  	[sflag:s13] =	ssyncset.done $0x0  }
0x21f: {  	[sflag:s13] =	ssyncadd.s32 $0xFFFFFF80  }
0x220: {  	_ =	swait.ge [sflag:s13], $0x80  }
0x221: {  	[sflag:s13] =	ssyncset.done $0x0  }
0x222: {  	[sflag:s13] =	ssyncadd.s32 $0xFFFFFF80  }
0x223: {  	_ =	swait.ge [sflag:s13], $0x80  }
0x224: {  	[sflag:s13] =	ssyncset.done $0x0  }
0x225: {  	[sflag:s13] =	ssyncadd.s32 $0xFFFFFF80  }
0x226: {  	_ =	swait.ge [sflag:s13], $0x80  }
0x227: {  	[sflag:s13] =	ssyncset.done $0x0  }
0x228: {  	[sflag:s13] =	ssyncadd.s32 $0xFFFFFF80  }
0x229: {  	_ =	swait.ge [sflag:s13], $0x80  }
0x22a: {  	[sflag:s13] =	ssyncset.done $0x0  }
0x22b: {  	[sflag:s13] =	ssyncadd.s32 $0xFFFFFF80  }
0x22c: {  	_ =	swait.ge [sflag:s13], $0x80  }
0x22d: {  	[sflag:s13] =	ssyncset.done $0x0  }
0x22e: {  	[sflag:s13] =	ssyncadd.s32 $0xFFFFFF80  }
0x22f: {  	_ =	swait.ge [sflag:s13], $0x80  }
0x230: {  	[sflag:s13] =	ssyncset.done $0x0  }
0x231: {  	[sflag:s13] =	ssyncadd.s32 $0xFFFFFF80  }
0x232: {  	_ =	swait.ge [sflag:s13], $0x80  }
0x233: {  	[sflag:s13] =	ssyncset.done $0x0  }
0x234: {  	[sflag:s13] =	ssyncadd.s32 $0xFFFFFF80  }
0x235: {  	_ =	swait.ge [sflag:s13], $0x80  }
0x236: {  	[sflag:s13] =	ssyncset.done $0x0  }
0x237: {  	[sflag:s13] =	ssyncadd.s32 $0xFFFFFF80  }
0x238: {  	_ =	swait.ge [sflag:s13], $0x80  }
0x239: {  	[sflag:s13] =	ssyncset.done $0x0  }
0x23a: {  	[sflag:s13] =	ssyncadd.s32 $0xFFFFFF80  }
0x23b: {  	_ =	swait.ge [sflag:s13], $0x80  }
0x23c: {  	[sflag:s13] =	ssyncset.done $0x0  }
0x23d: {  	[sflag:s13] =	ssyncadd.s32 $0xFFFFFF80  }
0x23e: {  	_ =	swait.ge [sflag:s13], $0x80  }
0x23f: {  	[sflag:s13] =	ssyncset.done $0x0  }
0x240: {  	[sflag:s13] =	ssyncadd.s32 $0xFFFFFF80  }
0x241: {  	_ =	swait.ge [sflag:s13], $0x80  }
0x242: {  	[sflag:s13] =	ssyncset.done $0x0  }
0x243: {  	[sflag:s13] =	ssyncadd.s32 $0xFFFFFF80  }
0x244: {  	_ =	swait.ge [sflag:s13], $0x80  }
0x245: {  	[sflag:s13] =	ssyncset.done $0x0  }
0x246: {  	[sflag:s13] =	ssyncadd.s32 $0xFFFFFF80  }
0x247: {  	_ =	swait.ge [sflag:s13], $0x80  }
0x248: {  	[sflag:s13] =	ssyncset.done $0x0  }
0x249: {  	[sflag:s13] =	ssyncadd.s32 $0xFFFFFF80  }
0x24a: {  	_ =	swait.ge [sflag:s13], $0x80  }
0x24b: {  	[sflag:s13] =	ssyncset.done $0x0  }
0x24c: {  	[sflag:s13] =	ssyncadd.s32 $0xFFFFFF80  }
0x24d: {  	_ =	swait.ge [sflag:s13], $0x80  }
0x24e: {  	[sflag:s13] =	ssyncset.done $0x0  }
0x24f: {  	[sflag:s13] =	ssyncadd.s32 $0xFFFFFF80  }
0x250: {  	_ =	swait.ge [sflag:s13], $0x80  }
0x251: {  	[sflag:s13] =	ssyncset.done $0x0  }
0x252: {  	[sflag:s13] =	ssyncadd.s32 $0xFFFFFF80  }
0x253: {  	_ =	swait.ge [sflag:s13], $0x80  }
0x254: {  	v49 =	vld [tilespmem:$0x1FFF0]  }
0x255: {  	v51 =	vld [tilespmem:$0x1FFE0]  }
0x256: {  	v53 =	vld [tilespmem:$0x1FFD0]  }
0x257: {  	v55 =	vld [tilespmem:$0x1FFC0]  }
0x258: {  	v57 =	vld [tilespmem:$0x1FFB0]  }
0x259: {  	v59 =	vld [tilespmem:$0x1FFA0]  }
0x25a: {  	v60 =	vld [tilespmem:$0x1FF90]  }
0x25b: {  	v61 =	vld [tilespmem:$0x1FF80]  }
0x25c: {  	[sflag:s13] =	ssyncset.done $0x0;
	v62 =	vld [tilespmem:$0x1FF70]  }
0x25d: {  	v63 =	vld [tilespmem:$0x1FF60];
	[sflag:s13] =	ssyncadd.s32 $0xFFFFFF80  }
0x25e: {  	v0 =	vld [tilespmem:$0x0]  }
0x25f: {  	v1 =	vld [tilespmem:$0x80]  }
0x260: {  	v2 =	vld [tilespmem:$0x100]  }
0x261: {  	v3 =	vld [tilespmem:$0x180]  }
0x262: {  	v4 =	vld [tilespmem:$0x200]  }
0x263: {  	v5 =	vld [tilespmem:$0x280];
	v0 =	vsel vm8, $0x200, v0  }
0x264: {  	v22 =	vld [tilespmem:$0x300];
	v21 =	vsel vm7, $0x200, v1;
	[tilespmem:$0x0] =	vst v0  }
0x265: {  	v24 =	vld [tilespmem:$0x380];
	v23 =	vsel vm6, $0x200, v2;
	[tilespmem:$0x80] =	vst v21  }
0x266: {  	v26 =	vld [tilespmem:$0x400];
	v25 =	vsel vm5, $0x200, v3;
	[tilespmem:$0x100] =	vst v23  }
0x267: {  	v28 =	vld [tilespmem:$0x480];
	v27 =	vsel vm4, $0x200, v4;
	[tilespmem:$0x180] =	vst v25  }
0x268: {  	v30 =	vld [tilespmem:$0x500];
	v29 =	vsel vm3, $0x200, v5;
	[tilespmem:$0x200] =	vst v27  }
0x269: {  	v32 =	vld [tilespmem:$0x580];
	v31 =	vsel vm2, $0x200, v22;
	[tilespmem:$0x280] =	vst v29  }
0x26a: {  	v34 =	vld [tilespmem:$0x600];
	v33 =	vsel vm1, $0x200, v24;
	[tilespmem:$0x300] =	vst v31  }
0x26b: {  	v36 =	vld [tilespmem:$0x680];
	v35 =	vsel vm0, $0x200, v26;
	[tilespmem:$0x380] =	vst v33  }
0x26c: {  	v38 =	vld [tilespmem:$0x700];
	v37 =	vsel vm15, $0x200, v28;
	[tilespmem:$0x400] =	vst v35  }
0x26d: {  	v40 =	vld [tilespmem:$0x780];
	v39 =	vsel vm14, $0x200, v30;
	[tilespmem:$0x480] =	vst v37  }
0x26e: {  	v42 =	vld [tilespmem:$0x800];
	v41 =	vsel vm13, $0x200, v32;
	[tilespmem:$0x500] =	vst v39  }
0x26f: {  	v44 =	vld [tilespmem:$0x880];
	v43 =	vsel vm12, $0x200, v34;
	[tilespmem:$0x580] =	vst v41  }
0x270: {  	v46 =	vld [tilespmem:$0x900];
	v45 =	vsel vm11, $0x200, v36;
	[tilespmem:$0x600] =	vst v43  }
0x271: {  	v48 =	vld [tilespmem:$0x980];
	vm9 =	vnez.u8 v49;
	v47 =	vsel vm10, $0x200, v38;
	[tilespmem:$0x680] =	vst v45  }
0x272: {  	v50 =	vld [tilespmem:$0xA00];
	[tilespmem:$0x700] =	vst v47;
	v0 =	vsel vm9, $0x200, v40;
	vm9 =	vnez.u8 v51  }
0x273: {  	v52 =	vld [tilespmem:$0xA80];
	[tilespmem:$0x780] =	vst v0;
	v0 =	vsel vm9, $0x200, v42;
	vm9 =	vnez.u8 v53  }
0x274: {  	v54 =	vld [tilespmem:$0xB00];
	[tilespmem:$0x800] =	vst v0;
	v0 =	vsel vm9, $0x200, v44;
	vm9 =	vnez.u8 v55  }
0x275: {  	v56 =	vld [tilespmem:$0xB80];
	[tilespmem:$0x880] =	vst v0;
	v0 =	vsel vm9, $0x200, v46;
	vm9 =	vnez.u8 v57  }
0x276: {  	v58 =	vld [tilespmem:$0xC00];
	[tilespmem:$0x900] =	vst v0;
	v0 =	vsel vm9, $0x200, v48;
	vm9 =	vnez.u8 v59  }
0x277: {  	[tilespmem:$0x980] =	vst v0;
	v0 =	vsel vm9, $0x200, v50;
	vm9 =	vnez.u8 v60  }
0x278: {  	[tilespmem:$0xA00] =	vst v0;
	v0 =	vsel vm9, $0x200, v52;
	vm9 =	vnez.u8 v61  }
0x279: {  	[tilespmem:$0xA80] =	vst v0;
	v0 =	vsel vm9, $0x200, v54;
	vm9 =	vnez.u8 v62  }
0x27a: {  	[tilespmem:$0xB00] =	vst v0;
	v0 =	vsel vm9, $0x200, v56;
	vm9 =	vnez.u8 v63  }
0x27b: {  	[tilespmem:$0xB80] =	vst v0;
	v0 =	vsel vm9, $0x200, v58  }
0x27c: {  	[tilespmem:$0xC00] =	vst v0  }
0x27d: {  	[spmem:s4] =	stream.indirect.scatter.add.f32 [tilespmem:s0], [sflag:$0xF], $0x1, s3, s8, $0xb8;
	[tilespmem:$0x1F2E8] =	vst v63  }
0x27e: {  	_ = 	snop  }
0x27f: {  	[spmem:s4] =	stream.indirect.scatter.add.f32 [tilespmem:s0], [sflag:$0xF], $0x1, s8, s8, $0xb8;
	[tilespmem:$0x1F2E8] =	vst v63  }
0x280: {  	s10 =	simm.s32 $0x100  }
0x281: {  	[spmem:s4] =	stream.indirect.scatter.add.f32 [tilespmem:s0], [sflag:$0xF], $0x1, s10, s8, $0xb8;
	[tilespmem:$0x1F2E8] =	vst v63  }
0x282: {  	s6 =	simm.s32 $0x180  }
0x283: {  	[spmem:s4] =	stream.indirect.scatter.add.f32 [tilespmem:s0], [sflag:$0xF], $0x1, s6, s8, $0xb8;
	[tilespmem:$0x1F2E8] =	vst v63  }
0x284: {  	_ = 	snop  }
0x285: {  	[spmem:s4] =	stream.indirect.scatter.add.f32 [tilespmem:s0], [sflag:$0xF], $0x1, s25, s8, $0xb8;
	[tilespmem:$0x1F2E8] =	vst v63  }
0x286: {  	_ = 	snop  }
0x287: {  	[spmem:s4] =	stream.indirect.scatter.add.f32 [tilespmem:s0], [sflag:$0xF], $0x1, s22, s8, $0xb8;
	[tilespmem:$0x1F2E8] =	vst v63  }
0x288: {  	_ = 	snop  }
0x289: {  	[spmem:s4] =	stream.indirect.scatter.add.f32 [tilespmem:s0], [sflag:$0xF], $0x1, s24, s8, $0xb8;
	[tilespmem:$0x1F2E8] =	vst v63  }
0x28a: {  	s1 =	simm.s32 $0x380  }
0x28b: {  	[spmem:s4] =	stream.indirect.scatter.add.f32 [tilespmem:s0], [sflag:$0xF], $0x1, s1, s8, $0xb8;
	[tilespmem:$0x1F2E8] =	vst v63  }
0x28c: {  	s12 =	simm.s32 $0x400  }
0x28d: {  	[spmem:s4] =	stream.indirect.scatter.add.f32 [tilespmem:s0], [sflag:$0xF], $0x1, s12, s8, $0xb8;
	[tilespmem:$0x1F2E8] =	vst v63  }
0x28e: {  	s9 =	simm.s32 $0x480  }
0x28f: {  	[spmem:s4] =	stream.indirect.scatter.add.f32 [tilespmem:s0], [sflag:$0xF], $0x1, s9, s8, $0xb8;
	[tilespmem:$0x1F2E8] =	vst v63  }
0x290: {  	s21 =	simm.s32 $0x500  }
0x291: {  	[spmem:s4] =	stream.indirect.scatter.add.f32 [tilespmem:s0], [sflag:$0xF], $0x1, s21, s8, $0xb8;
	[tilespmem:$0x1F2E8] =	vst v63  }
0x292: {  	s11 =	simm.s32 $0x580  }
0x293: {  	[spmem:s4] =	stream.indirect.scatter.add.f32 [tilespmem:s0], [sflag:$0xF], $0x1, s11, s8, $0xb8;
	[tilespmem:$0x1F2E8] =	vst v63  }
0x294: {  	s15 =	simm.s32 $0x600  }
0x295: {  	[spmem:s4] =	stream.indirect.scatter.add.f32 [tilespmem:s0], [sflag:$0xF], $0x1, s15, s8, $0xb8;
	[tilespmem:$0x1F2E8] =	vst v63  }
0x296: {  	s17 =	simm.s32 $0x680  }
0x297: {  	[spmem:s4] =	stream.indirect.scatter.add.f32 [tilespmem:s0], [sflag:$0xF], $0x1, s17, s8, $0xb8;
	[tilespmem:$0x1F2E8] =	vst v63  }
0x298: {  	s19 =	simm.s32 $0x700  }
0x299: {  	[spmem:s4] =	stream.indirect.scatter.add.f32 [tilespmem:s0], [sflag:$0xF], $0x1, s19, s8, $0xb8;
	[tilespmem:$0x1F2E8] =	vst v63  }
0x29a: {  	s21 =	simm.s32 $0x780  }
0x29b: {  	[spmem:s4] =	stream.indirect.scatter.add.f32 [tilespmem:s0], [sflag:$0xF], $0x1, s21, s8, $0xb8;
	[tilespmem:$0x1F2E8] =	vst v63  }
0x29c: {  	s20 =	simm.s32 $0x800  }
0x29d: {  	[spmem:s4] =	stream.indirect.scatter.add.f32 [tilespmem:s0], [sflag:$0xF], $0x1, s20, s8, $0xb8;
	[tilespmem:$0x1F2E8] =	vst v63  }
0x29e: {  	s23 =	simm.s32 $0x880  }
0x29f: {  	[spmem:s4] =	stream.indirect.scatter.add.f32 [tilespmem:s0], [sflag:$0xF], $0x1, s23, s8, $0xb8;
	[tilespmem:$0x1F2E8] =	vst v63  }
0x2a0: {  	s18 =	simm.s32 $0x900  }
0x2a1: {  	[spmem:s4] =	stream.indirect.scatter.add.f32 [tilespmem:s0], [sflag:$0xF], $0x1, s18, s8, $0xb8;
	[tilespmem:$0x1F2E8] =	vst v63  }
0x2a2: {  	s28 =	simm.s32 $0x980  }
0x2a3: {  	[spmem:s4] =	stream.indirect.scatter.add.f32 [tilespmem:s0], [sflag:$0xF], $0x1, s28, s8, $0xb8;
	[tilespmem:$0x1F2E8] =	vst v63  }
0x2a4: {  	s29 =	simm.s32 $0xA00  }
0x2a5: {  	[spmem:s4] =	stream.indirect.scatter.add.f32 [tilespmem:s0], [sflag:$0xF], $0x1, s29, s8, $0xb8;
	[tilespmem:$0x1F2E8] =	vst v63  }
0x2a6: {  	s30 =	simm.s32 $0xA80  }
0x2a7: {  	[spmem:s4] =	stream.indirect.scatter.add.f32 [tilespmem:s0], [sflag:$0xF], $0x1, s30, s8, $0xb8;
	[tilespmem:$0x1F2E8] =	vst v63  }
0x2a8: {  	s31 =	simm.s32 $0xB00  }
0x2a9: {  	[spmem:s4] =	stream.indirect.scatter.add.f32 [tilespmem:s0], [sflag:$0xF], $0x1, s31, s8, $0xb8;
	[tilespmem:$0x1F2E8] =	vst v63  }
0x2aa: {  	s16 =	simm.s32 $0xB80  }
0x2ab: {  	[spmem:s4] =	stream.indirect.scatter.add.f32 [tilespmem:s0], [sflag:$0xF], $0x1, s16, s8, $0xb8;
	[tilespmem:$0x1F2E8] =	vst v63  }
0x2ac: {  	s14 =	simm.s32 $0xC00;
	s16 =	simm.s32 $0x1  }
0x2ad: {  	[spmem:s4] =	stream.indirect.scatter.add.f32 [tilespmem:s0], [sflag:$0xF], $0x1, s14, s8, $0xb8;
	[tilespmem:$0x1F2E8] =	vst v63  }
0x2ae: {  	_ =	swait.ge [sflag:s16], $0x4000  }
0x2af: {  	[sflag:s16] =	ssyncset.done $0x0  }
0x2b0: {  	s23 =	sld [smem:$0x7CA];
	[sflag:s16] =	ssyncadd.s32 $0xFFFFC000  }
0x2b1: {  	s15 =	simm.s32 $0x2280;
	s2 =	rddreg [dreg:$0x4]  }
0x2b2: {  	[spmem:s2] =	stream.indirect.scatter.add.f32 [tilespmem:s15], [sflag:$0x8], $0x80, s3, s8, $0xb8;
	[tilespmem:$0x1F2E8] =	vst v63  }
0x2b3: {  	s21 =	simm.s32 $0xE280;
	s18 =	simm.s32 $0x2  }
0x2b4: {  	[tilespmem:s21], [sflag:$0x4] =	stream.linear.gather [hbm4b:s23+s3], $0x4000, $0x38;
	[tilespmem:$0x1F2E8] =	vst v63  }
0x2b5: {  	_ =	swait.ge [sflag:s18], $0x4000  }
0x2b6: {  	[sflag:s18] =	ssyncset.done $0x0  }
0x2b7: {  	s11 =	simm.s32 $0x6280;
	s28 =	sld [smem:$0x7CB];
	[sflag:s18] =	ssyncadd.s32 $0xFFFFC000  }
0x2b8: {  	[spmem:s2] =	stream.indirect.scatter.add.f32 [tilespmem:s11], [sflag:$0x9], $0x80, s8, s8, $0xb8;
	[tilespmem:$0x1F2E8] =	vst v63  }
0x2b9: {  	s20 =	simm.s32 $0x3;
	s30 =	simm.s32 $0x12280  }
0x2ba: {  	[tilespmem:s30], [sflag:$0x5] =	stream.linear.gather [hbm4b:s28+s3], $0x4000, $0x38;
	[tilespmem:$0x1F2E8] =	vst v63  }
0x2bb: {  	_ =	swait.ge [sflag:s20], $0x4000  }
0x2bc: {  	[sflag:s20] =	ssyncset.done $0x0  }
0x2bd: {  	s0 =	simm.s32 $0xA280;
	s29 =	sld [smem:$0x7CC];
	[sflag:s20] =	ssyncadd.s32 $0xFFFFC000  }
0x2be: {  	[spmem:s2] =	stream.indirect.scatter.add.f32 [tilespmem:s0], [sflag:$0xA], $0x80, s10, s8, $0xb8;
	[tilespmem:$0x1F2E8] =	vst v63  }
0x2bf: {  	s31 =	simm.s32 $0x16280;
	s23 =	simm.s32 $0x4  }
0x2c0: {  	[tilespmem:s31], [sflag:$0x6] =	stream.linear.gather [hbm4b:s29+s3], $0x4000, $0x38;
	[tilespmem:$0x1F2E8] =	vst v63  }
0x2c1: {  	_ =	swait.ge [sflag:s23], $0x4000  }
0x2c2: {  	[sflag:s23] =	ssyncset.done $0x0  }
0x2c3: {  	s14 =	sld [smem:$0x7CD];
	[sflag:s23] =	ssyncadd.s32 $0xFFFFC000  }
0x2c4: {  	[spmem:s2] =	stream.indirect.scatter.add.f32 [tilespmem:s21], [sflag:$0xB], $0x80, s6, s8, $0xb8;
	[tilespmem:$0x1F2E8] =	vst v63  }
0x2c5: {  	s10 =	simm.s32 $0x1A280  }
0x2c6: {  	[tilespmem:s10], [sflag:$0x7] =	stream.linear.gather [hbm4b:s14+s3], $0x4000, $0x38;
	[tilespmem:$0x1F2E8] =	vst v63  }
0x2c7: {  	s14 =	simm.s32 $0x5  }
0x2c8: {  	_ =	swait.ge [sflag:s14], $0x4000  }
0x2c9: {  	[sflag:s14] =	ssyncset.done $0x0  }
0x2ca: {  	[sflag:s14] =	ssyncadd.s32 $0xFFFFC000  }
0x2cb: {  	[spmem:s2] =	stream.indirect.scatter.add.f32 [tilespmem:s30], [sflag:$0xC], $0x80, s25, s8, $0xb8;
	[tilespmem:$0x1F2E8] =	vst v63  }
0x2cc: {  	s25 =	simm.s32 $0x8  }
0x2cd: {  	_ =	swait.ge [sflag:s25], $0x4000  }
0x2ce: {  	s17 =	sld [smem:$0x7CE]  }
0x2cf: {  	[sflag:s25] =	ssyncset.done $0x0  }
0x2d0: {  	s28 =	simm.s32 $0x6;
	[sflag:s25] =	ssyncadd.s32 $0xFFFFC000  }
0x2d1: {  	[tilespmem:s15], [sflag:$0x1] =	stream.linear.gather [hbm4b:s17+s3], $0x4000, $0x38;
	[tilespmem:$0x1F2E8] =	vst v63  }
0x2d2: {  	_ =	swait.ge [sflag:s28], $0x4000  }
0x2d3: {  	[sflag:s28] =	ssyncset.done $0x0  }
0x2d4: {  	s29 =	simm.s32 $0x9;
	[sflag:s28] =	ssyncadd.s32 $0xFFFFC000  }
0x2d5: {  	[spmem:s2] =	stream.indirect.scatter.add.f32 [tilespmem:s31], [sflag:$0xD], $0x80, s22, s8, $0xb8;
	[tilespmem:$0x1F2E8] =	vst v63  }
0x2d6: {  	_ =	swait.ge [sflag:s29], $0x4000  }
0x2d7: {  	s22 =	sld [smem:$0x7CF]  }
0x2d8: {  	[sflag:s29] =	ssyncset.done $0x0  }
0x2d9: {  	s6 =	simm.s32 $0x7;
	[sflag:s29] =	ssyncadd.s32 $0xFFFFC000  }
0x2da: {  	[tilespmem:s11], [sflag:$0x2] =	stream.linear.gather [hbm4b:s22+s3], $0x4000, $0x38;
	[tilespmem:$0x1F2E8] =	vst v63  }
0x2db: {  	_ =	swait.ge [sflag:s6], $0x4000  }
0x2dc: {  	[sflag:s6] =	ssyncset.done $0x0  }
0x2dd: {  	s17 =	smov.u32 s26;
	s26 =	simm.s32 $0xA;
	[sflag:s6] =	ssyncadd.s32 $0xFFFFC000  }
0x2de: {  	[spmem:s2] =	stream.indirect.scatter.add.f32 [tilespmem:s10], [sflag:$0xE], $0x80, s24, s8, $0xb8;
	[tilespmem:$0x1F2E8] =	vst v63  }
0x2df: {  	_ =	swait.ge [sflag:s26], $0x4000  }
0x2e0: {  	s24 =	sld [smem:$0x7D0]  }
0x2e1: {  	[sflag:s26] =	ssyncset.done $0x0  }
0x2e2: {  	[sflag:s26] =	ssyncadd.s32 $0xFFFFC000  }
0x2e3: {  	[tilespmem:s0], [sflag:$0x3] =	stream.linear.gather [hbm4b:s24+s3], $0x4000, $0x38;
	[tilespmem:$0x1F2E8] =	vst v63  }
0x2e4: {  	_ =	swait.ge [sflag:s16], $0x4000  }
0x2e5: {  	[sflag:s16] =	ssyncset.done $0x0  }
0x2e6: {  	s15 =	simm.s32 $0x2280;
	s24 =	simm.s32 $0xB;
	[sflag:s16] =	ssyncadd.s32 $0xFFFFC000  }
0x2e7: {  	[spmem:s2] =	stream.indirect.scatter.add.f32 [tilespmem:s15], [sflag:$0x8], $0x80, s1, s8, $0xb8;
	[tilespmem:$0x1F2E8] =	vst v63  }
0x2e8: {  	_ =	swait.ge [sflag:s24], $0x4000  }
0x2e9: {  	s1 =	sld [smem:$0x7D1]  }
0x2ea: {  	[sflag:s24] =	ssyncset.done $0x0  }
0x2eb: {  	[sflag:s24] =	ssyncadd.s32 $0xFFFFC000  }
0x2ec: {  	[tilespmem:s21], [sflag:$0x4] =	stream.linear.gather [hbm4b:s1+s3], $0x4000, $0x38;
	[tilespmem:$0x1F2E8] =	vst v63  }
0x2ed: {  	_ =	swait.ge [sflag:s18], $0x4000  }
0x2ee: {  	[sflag:s18] =	ssyncset.done $0x0  }
0x2ef: {  	s11 =	simm.s32 $0x6280;
	s22 =	simm.s32 $0xC;
	[sflag:s18] =	ssyncadd.s32 $0xFFFFC000  }
0x2f0: {  	[spmem:s2] =	stream.indirect.scatter.add.f32 [tilespmem:s11], [sflag:$0x9], $0x80, s12, s8, $0xb8;
	[tilespmem:$0x1F2E8] =	vst v63  }
0x2f1: {  	_ =	swait.ge [sflag:s22], $0x4000  }
0x2f2: {  	s12 =	sld [smem:$0x7D2]  }
0x2f3: {  	[sflag:s22] =	ssyncset.done $0x0  }
0x2f4: {  	[sflag:s22] =	ssyncadd.s32 $0xFFFFC000  }
0x2f5: {  	[tilespmem:s30], [sflag:$0x5] =	stream.linear.gather [hbm4b:s12+s3], $0x4000, $0x38;
	[tilespmem:$0x1F2E8] =	vst v63  }
0x2f6: {  	_ =	swait.ge [sflag:s20], $0x4000  }
0x2f7: {  	[sflag:s20] =	ssyncset.done $0x0  }
0x2f8: {  	s0 =	simm.s32 $0xA280;
	s12 =	simm.s32 $0xD;
	[sflag:s20] =	ssyncadd.s32 $0xFFFFC000  }
0x2f9: {  	[spmem:s2] =	stream.indirect.scatter.add.f32 [tilespmem:s0], [sflag:$0xA], $0x80, s9, s8, $0xb8;
	[tilespmem:$0x1F2E8] =	vst v63  }
0x2fa: {  	_ =	swait.ge [sflag:s12], $0x4000  }
0x2fb: {  	s0 =	sld [smem:$0x7D3]  }
0x2fc: {  	[sflag:s12] =	ssyncset.done $0x0  }
0x2fd: {  	[sflag:s12] =	ssyncadd.s32 $0xFFFFC000  }
0x2fe: {  	[tilespmem:s31], [sflag:$0x6] =	stream.linear.gather [hbm4b:s0+s3], $0x4000, $0x38;
	[tilespmem:$0x1F2E8] =	vst v63  }
0x2ff: {  	_ =	swait.ge [sflag:s23], $0x4000  }
0x300: {  	[sflag:s23] =	ssyncset.done $0x0  }
0x301: {  	s1 =	simm.s32 $0x500;
	[sflag:s23] =	ssyncadd.s32 $0xFFFFC000  }
0x302: {  	[spmem:s2] =	stream.indirect.scatter.add.f32 [tilespmem:s21], [sflag:$0xB], $0x80, s1, s8, $0xb8;
	[tilespmem:$0x1F2E8] =	vst v63  }
0x303: {  	s1 =	simm.s32 $0xE  }
0x304: {  	_ =	swait.ge [sflag:s1], $0x4000  }
0x305: {  	s9 =	sld [smem:$0x7D4]  }
0x306: {  	[sflag:s1] =	ssyncset.done $0x0  }
0x307: {  	[sflag:s1] =	ssyncadd.s32 $0xFFFFC000  }
0x308: {  	[tilespmem:s10], [sflag:$0x7] =	stream.linear.gather [hbm4b:s9+s3], $0x4000, $0x38;
	[tilespmem:$0x1F2E8] =	vst v63  }
0x309: {  	_ =	swait.ge [sflag:s14], $0x4000  }
0x30a: {  	[sflag:s14] =	ssyncset.done $0x0  }
0x30b: {  	s0 =	simm.s32 $0x580;
	[sflag:s14] =	ssyncadd.s32 $0xFFFFC000  }
0x30c: {  	[spmem:s2] =	stream.indirect.scatter.add.f32 [tilespmem:s30], [sflag:$0xC], $0x80, s0, s8, $0xb8;
	[tilespmem:$0x1F2E8] =	vst v63  }
0x30d: {  	_ =	swait.ge [sflag:s25], $0x4000  }
0x30e: {  	s9 =	sld [smem:$0x7D5]  }
0x30f: {  	[sflag:s25] =	ssyncset.done $0x0  }
0x310: {  	[sflag:s25] =	ssyncadd.s32 $0xFFFFC000  }
0x311: {  	[tilespmem:s15], [sflag:$0x1] =	stream.linear.gather [hbm4b:s9+s3], $0x4000, $0x38;
	[tilespmem:$0x1F2E8] =	vst v63  }
0x312: {  	_ =	swait.ge [sflag:s28], $0x4000  }
0x313: {  	[sflag:s28] =	ssyncset.done $0x0  }
0x314: {  	s0 =	simm.s32 $0x600;
	[sflag:s28] =	ssyncadd.s32 $0xFFFFC000  }
0x315: {  	[spmem:s2] =	stream.indirect.scatter.add.f32 [tilespmem:s31], [sflag:$0xD], $0x80, s0, s8, $0xb8;
	[tilespmem:$0x1F2E8] =	vst v63  }
0x316: {  	_ =	swait.ge [sflag:s29], $0x4000  }
0x317: {  	s9 =	sld [smem:$0x7D6]  }
0x318: {  	[sflag:s29] =	ssyncset.done $0x0  }
0x319: {  	[sflag:s29] =	ssyncadd.s32 $0xFFFFC000  }
0x31a: {  	[tilespmem:s11], [sflag:$0x2] =	stream.linear.gather [hbm4b:s9+s3], $0x4000, $0x38;
	[tilespmem:$0x1F2E8] =	vst v63  }
0x31b: {  	_ =	swait.ge [sflag:s6], $0x4000  }
0x31c: {  	[sflag:s6] =	ssyncset.done $0x0  }
0x31d: {  	s19 =	simm.s32 $0x680;
	[sflag:s6] =	ssyncadd.s32 $0xFFFFC000  }
0x31e: {  	[spmem:s2] =	stream.indirect.scatter.add.f32 [tilespmem:s10], [sflag:$0xE], $0x80, s19, s8, $0xb8;
	[tilespmem:$0x1F2E8] =	vst v63  }
0x31f: {  	_ =	swait.ge [sflag:s26], $0x4000  }
0x320: {  	s0 =	sld [smem:$0x7D7]  }
0x321: {  	[sflag:s26] =	ssyncset.done $0x0  }
0x322: {  	s9 =	simm.s32 $0xA280;
	[sflag:s26] =	ssyncadd.s32 $0xFFFFC000  }
0x323: {  	[tilespmem:s9], [sflag:$0x3] =	stream.linear.gather [hbm4b:s0+s3], $0x4000, $0x38;
	[tilespmem:$0x1F2E8] =	vst v63  }
0x324: {  	_ =	swait.ge [sflag:s16], $0x4000  }
0x325: {  	[sflag:s16] =	ssyncset.done $0x0  }
0x326: {  	s19 =	simm.s32 $0x700;
	[sflag:s16] =	ssyncadd.s32 $0xFFFFC000  }
0x327: {  	[spmem:s2] =	stream.indirect.scatter.add.f32 [tilespmem:s15], [sflag:$0x8], $0x80, s19, s8, $0xb8;
	[tilespmem:$0x1F2E8] =	vst v63  }
0x328: {  	_ =	swait.ge [sflag:s24], $0x4000  }
0x329: {  	s0 =	sld [smem:$0x7D8]  }
0x32a: {  	[sflag:s24] =	ssyncset.done $0x0  }
0x32b: {  	[sflag:s24] =	ssyncadd.s32 $0xFFFFC000  }
0x32c: {  	[tilespmem:s21], [sflag:$0x4] =	stream.linear.gather [hbm4b:s0+s3], $0x4000, $0x38;
	[tilespmem:$0x1F2E8] =	vst v63  }
0x32d: {  	_ =	swait.ge [sflag:s18], $0x4000  }
0x32e: {  	[sflag:s18] =	ssyncset.done $0x0  }
0x32f: {  	s19 =	simm.s32 $0x780;
	[sflag:s18] =	ssyncadd.s32 $0xFFFFC000  }
0x330: {  	[spmem:s2] =	stream.indirect.scatter.add.f32 [tilespmem:s11], [sflag:$0x9], $0x80, s19, s8, $0xb8;
	[tilespmem:$0x1F2E8] =	vst v63  }
0x331: {  	_ =	swait.ge [sflag:s22], $0x4000  }
0x332: {  	s0 =	sld [smem:$0x7D9]  }
0x333: {  	[sflag:s22] =	ssyncset.done $0x0  }
0x334: {  	[sflag:s22] =	ssyncadd.s32 $0xFFFFC000  }
0x335: {  	[tilespmem:s30], [sflag:$0x5] =	stream.linear.gather [hbm4b:s0+s3], $0x4000, $0x38;
	[tilespmem:$0x1F2E8] =	vst v63  }
0x336: {  	_ =	swait.ge [sflag:s20], $0x4000  }
0x337: {  	[sflag:s20] =	ssyncset.done $0x0  }
0x338: {  	s19 =	simm.s32 $0x800;
	[sflag:s20] =	ssyncadd.s32 $0xFFFFC000  }
0x339: {  	[spmem:s2] =	stream.indirect.scatter.add.f32 [tilespmem:s9], [sflag:$0xA], $0x80, s19, s8, $0xb8;
	[tilespmem:$0x1F2E8] =	vst v63  }
0x33a: {  	_ =	swait.ge [sflag:s12], $0x4000  }
0x33b: {  	s0 =	sld [smem:$0x7DA]  }
0x33c: {  	[sflag:s12] =	ssyncset.done $0x0  }
0x33d: {  	[sflag:s12] =	ssyncadd.s32 $0xFFFFC000  }
0x33e: {  	[tilespmem:s31], [sflag:$0x6] =	stream.linear.gather [hbm4b:s0+s3], $0x4000, $0x38;
	[tilespmem:$0x1F2E8] =	vst v63  }
0x33f: {  	_ =	swait.ge [sflag:s23], $0x4000  }
0x340: {  	[sflag:s23] =	ssyncset.done $0x0  }
0x341: {  	s19 =	simm.s32 $0x880;
	[sflag:s23] =	ssyncadd.s32 $0xFFFFC000  }
0x342: {  	[spmem:s2] =	stream.indirect.scatter.add.f32 [tilespmem:s21], [sflag:$0xB], $0x80, s19, s8, $0xb8;
	[tilespmem:$0x1F2E8] =	vst v63  }
0x343: {  	_ =	swait.ge [sflag:s1], $0x4000  }
0x344: {  	s0 =	sld [smem:$0x7DB]  }
0x345: {  	[sflag:s1] =	ssyncset.done $0x0  }
0x346: {  	[sflag:s1] =	ssyncadd.s32 $0xFFFFC000  }
0x347: {  	[tilespmem:s10], [sflag:$0x7] =	stream.linear.gather [hbm4b:s0+s3], $0x4000, $0x38;
	[tilespmem:$0x1F2E8] =	vst v63  }
0x348: {  	_ =	swait.ge [sflag:s14], $0x4000  }
0x349: {  	[sflag:s14] =	ssyncset.done $0x0  }
0x34a: {  	s19 =	simm.s32 $0x900;
	[sflag:s14] =	ssyncadd.s32 $0xFFFFC000  }
0x34b: {  	[spmem:s2] =	stream.indirect.scatter.add.f32 [tilespmem:s30], [sflag:$0xC], $0x80, s19, s8, $0xb8;
	[tilespmem:$0x1F2E8] =	vst v63  }
0x34c: {  	_ =	swait.ge [sflag:s25], $0x4000  }
0x34d: {  	s14 =	sld [smem:$0x7DC]  }
0x34e: {  	[sflag:s25] =	ssyncset.done $0x0  }
0x34f: {  	[sflag:s25] =	ssyncadd.s32 $0xFFFFC000  }
0x350: {  	[tilespmem:s15], [sflag:$0x1] =	stream.linear.gather [hbm4b:s14+s3], $0x4000, $0x38;
	[tilespmem:$0x1F2E8] =	vst v63  }
0x351: {  	_ =	swait.ge [sflag:s28], $0x4000  }
0x352: {  	[sflag:s28] =	ssyncset.done $0x0  }
0x353: {  	s30 =	simm.s32 $0x980;
	[sflag:s28] =	ssyncadd.s32 $0xFFFFC000  }
0x354: {  	[spmem:s2] =	stream.indirect.scatter.add.f32 [tilespmem:s31], [sflag:$0xD], $0x80, s30, s8, $0xb8;
	[tilespmem:$0x1F2E8] =	vst v63  }
0x355: {  	_ =	swait.ge [sflag:s29], $0x4000  }
0x356: {  	s0 =	sld [smem:$0x7DD]  }
0x357: {  	[sflag:s29] =	ssyncset.done $0x0  }
0x358: {  	[sflag:s29] =	ssyncadd.s32 $0xFFFFC000  }
0x359: {  	[tilespmem:s11], [sflag:$0x2] =	stream.linear.gather [hbm4b:s0+s3], $0x4000, $0x38;
	[tilespmem:$0x1F2E8] =	vst v63  }
0x35a: {  	_ =	swait.ge [sflag:s6], $0x4000  }
0x35b: {  	[sflag:s6] =	ssyncset.done $0x0  }
0x35c: {  	[sflag:s6] =	ssyncadd.s32 $0xFFFFC000;
	s6 =	simm.s32 $0xA00  }
0x35d: {  	[spmem:s2] =	stream.indirect.scatter.add.f32 [tilespmem:s10], [sflag:$0xE], $0x80, s6, s8, $0xb8;
	[tilespmem:$0x1F2E8] =	vst v63  }
0x35e: {  	_ =	swait.ge [sflag:s26], $0x4000  }
0x35f: {  	s10 =	sld [smem:$0x7DF]  }
0x360: {  	[sflag:s26] =	ssyncset.done $0x0  }
0x361: {  	s9 =	simm.s32 $0xA280;
	[sflag:s26] =	ssyncadd.s32 $0xFFFFC000  }
0x362: {  	[tilespmem:s9], [sflag:$0x3] =	stream.linear.gather [hbm4b:s10+s3], $0x4000, $0x38;
	[tilespmem:$0x1F2E8] =	vst v63  }
0x363: {  	_ =	swait.ge [sflag:s16], $0x4000  }
0x364: {  	[sflag:s16] =	ssyncset.done $0x0  }
0x365: {  	s14 =	simm.s32 $0xA80;
	[sflag:s16] =	ssyncadd.s32 $0xFFFFC000  }
0x366: {  	[spmem:s2] =	stream.indirect.scatter.add.f32 [tilespmem:s15], [sflag:$0x8], $0x80, s14, s8, $0xb8;
	[tilespmem:$0x1F2E8] =	vst v63  }
0x367: {  	_ =	swait.ge [sflag:s24], $0x4000  }
0x368: {  	s16 =	sld [smem:$0x7E1]  }
0x369: {  	[sflag:s24] =	ssyncset.done $0x0  }
0x36a: {  	[sflag:s24] =	ssyncadd.s32 $0xFFFFC000  }
0x36b: {  	[tilespmem:s21], [sflag:$0x4] =	stream.linear.gather [hbm4b:s16+s3], $0x4000, $0x38;
	[tilespmem:$0x1F2E8] =	vst v63  }
0x36c: {  	_ =	swait.ge [sflag:s18], $0x4000  }
0x36d: {  	[sflag:s18] =	ssyncset.done $0x0  }
0x36e: {  	s19 =	simm.s32 $0xB00;
	[sflag:s18] =	ssyncadd.s32 $0xFFFFC000  }
0x36f: {  	[spmem:s2] =	stream.indirect.scatter.add.f32 [tilespmem:s11], [sflag:$0x9], $0x80, s19, s8, $0xb8;
	[tilespmem:$0x1F2E8] =	vst v63  }
0x370: {  	_ =	swait.ge [sflag:s20], $0x4000  }
0x371: {  	[sflag:s20] =	ssyncset.done $0x0  }
0x372: {  	[sflag:s20] =	ssyncadd.s32 $0xFFFFC000;
	s20 =	simm.s32 $0xB80  }
0x373: {  	[spmem:s2] =	stream.indirect.scatter.add.f32 [tilespmem:s9], [sflag:$0xA], $0x80, s20, s8, $0xb8;
	[tilespmem:$0x1F2E8] =	vst v63  }
0x374: {  	_ =	swait.ge [sflag:s23], $0x4000  }
0x375: {  	[sflag:s23] =	ssyncset.done $0x0  }
0x376: {  	[sflag:s23] =	ssyncadd.s32 $0xFFFFC000;
	s23 =	simm.s32 $0xC00  }
0x377: {  	[spmem:s2] =	stream.indirect.scatter.add.f32 [tilespmem:s21], [sflag:$0xB], $0x80, s23, s8, $0xb8;
	[tilespmem:$0x1F2E8] =	vst v63  }
0x378: {  	_ =	swait.ge [sflag:s22], $0x4000  }
0x379: {  	[sflag:s22] =	ssyncset.done $0x0  }
0x37a: {  	[sflag:s22] =	ssyncadd.s32 $0xFFFFC000  }
0x37b: {  	_ =	swait.ge [sflag:s12], $0x4000  }
0x37c: {  	[sflag:s12] =	ssyncset.done $0x0  }
0x37d: {  	[sflag:s12] =	ssyncadd.s32 $0xFFFFC000  }
0x37e: {  	_ =	swait.ge [sflag:s1], $0x4000  }
0x37f: {  	[sflag:s1] =	ssyncset.done $0x0  }
0x380: {  	[sflag:s1] =	ssyncadd.s32 $0xFFFFC000  }
0x381: {  	_ =	swait.ge [sflag:s25], $0x4000  }
0x382: {  	[sflag:s25] =	ssyncset.done $0x0  }
0x383: {  	[sflag:s25] =	ssyncadd.s32 $0xFFFFC000  }
0x384: {  	_ =	swait.ge [sflag:s29], $0x4000  }
0x385: {  	[sflag:s29] =	ssyncset.done $0x0  }
0x386: {  	[sflag:s29] =	ssyncadd.s32 $0xFFFFC000  }
0x387: {  	_ =	swait.ge [sflag:s26], $0x4000  }
0x388: {  	[sflag:s26] =	ssyncset.done $0x0  }
0x389: {  	[sflag:s26] =	ssyncadd.s32 $0xFFFFC000  }
0x38a: {  	_ =	swait.ge [sflag:s24], $0x4000  }
0x38b: {  	[sflag:s24] =	ssyncset.done $0x0  }
0x38c: {  	[sflag:s24] =	ssyncadd.s32 $0xFFFFC000  }
0x38d: {  	_ =	swait.ge [sflag:s5], $0x80  }
0x38e: {  	[sflag:s5] =	ssyncset.done $0x0  }
0x38f: {  	[sflag:s5] =	ssyncadd.s32 $0xFFFFFF80  }
0x390: {  	_ =	swait.ge [sflag:s5], $0x80  }
0x391: {  	[sflag:s5] =	ssyncset.done $0x0  }
0x392: {  	[sflag:s5] =	ssyncadd.s32 $0xFFFFFF80  }
0x393: {  	_ =	swait.ge [sflag:s5], $0x80  }
0x394: {  	[sflag:s5] =	ssyncset.done $0x0  }
0x395: {  	[sflag:s5] =	ssyncadd.s32 $0xFFFFFF80  }
0x396: {  	_ =	swait.ge [sflag:s5], $0x80  }
0x397: {  	[sflag:s5] =	ssyncset.done $0x0  }
0x398: {  	[sflag:s5] =	ssyncadd.s32 $0xFFFFFF80  }
0x399: {  	_ =	swait.ge [sflag:s5], $0x80  }
0x39a: {  	[sflag:s5] =	ssyncset.done $0x0  }
0x39b: {  	[sflag:s5] =	ssyncadd.s32 $0xFFFFFF80  }
0x39c: {  	_ =	swait.ge [sflag:s5], $0x80  }
0x39d: {  	[sflag:s5] =	ssyncset.done $0x0  }
0x39e: {  	[sflag:s5] =	ssyncadd.s32 $0xFFFFFF80  }
0x39f: {  	_ =	swait.ge [sflag:s5], $0x80  }
0x3a0: {  	[sflag:s5] =	ssyncset.done $0x0  }
0x3a1: {  	[sflag:s5] =	ssyncadd.s32 $0xFFFFFF80  }
0x3a2: {  	_ =	swait.ge [sflag:s5], $0x80  }
0x3a3: {  	[sflag:s5] =	ssyncset.done $0x0  }
0x3a4: {  	[sflag:s5] =	ssyncadd.s32 $0xFFFFFF80  }
0x3a5: {  	_ =	swait.ge [sflag:s5], $0x80  }
0x3a6: {  	[sflag:s5] =	ssyncset.done $0x0  }
0x3a7: {  	[sflag:s5] =	ssyncadd.s32 $0xFFFFFF80  }
0x3a8: {  	_ =	swait.ge [sflag:s5], $0x80  }
0x3a9: {  	[sflag:s5] =	ssyncset.done $0x0  }
0x3aa: {  	[sflag:s5] =	ssyncadd.s32 $0xFFFFFF80  }
0x3ab: {  	_ =	swait.ge [sflag:s5], $0x80  }
0x3ac: {  	[sflag:s5] =	ssyncset.done $0x0  }
0x3ad: {  	[sflag:s5] =	ssyncadd.s32 $0xFFFFFF80  }
0x3ae: {  	_ =	swait.ge [sflag:s5], $0x80  }
0x3af: {  	[sflag:s5] =	ssyncset.done $0x0  }
0x3b0: {  	[sflag:s5] =	ssyncadd.s32 $0xFFFFFF80  }
0x3b1: {  	_ =	swait.ge [sflag:s5], $0x80  }
0x3b2: {  	[sflag:s5] =	ssyncset.done $0x0  }
0x3b3: {  	[sflag:s5] =	ssyncadd.s32 $0xFFFFFF80  }
0x3b4: {  	_ =	swait.ge [sflag:s5], $0x80  }
0x3b5: {  	[sflag:s5] =	ssyncset.done $0x0  }
0x3b6: {  	[sflag:s5] =	ssyncadd.s32 $0xFFFFFF80  }
0x3b7: {  	_ =	swait.ge [sflag:s5], $0x80  }
0x3b8: {  	[sflag:s5] =	ssyncset.done $0x0  }
0x3b9: {  	[sflag:s5] =	ssyncadd.s32 $0xFFFFFF80  }
0x3ba: {  	_ =	swait.ge [sflag:s5], $0x80  }
0x3bb: {  	[sflag:s5] =	ssyncset.done $0x0  }
0x3bc: {  	[sflag:s5] =	ssyncadd.s32 $0xFFFFFF80  }
0x3bd: {  	_ =	swait.ge [sflag:s5], $0x80  }
0x3be: {  	[sflag:s5] =	ssyncset.done $0x0  }
0x3bf: {  	[sflag:s5] =	ssyncadd.s32 $0xFFFFFF80  }
0x3c0: {  	_ =	swait.ge [sflag:s5], $0x80  }
0x3c1: {  	[sflag:s5] =	ssyncset.done $0x0  }
0x3c2: {  	[sflag:s5] =	ssyncadd.s32 $0xFFFFFF80  }
0x3c3: {  	_ =	swait.ge [sflag:s5], $0x80  }
0x3c4: {  	[sflag:s5] =	ssyncset.done $0x0  }
0x3c5: {  	[sflag:s5] =	ssyncadd.s32 $0xFFFFFF80  }
0x3c6: {  	_ =	swait.ge [sflag:s5], $0x80  }
0x3c7: {  	[sflag:s5] =	ssyncset.done $0x0  }
0x3c8: {  	[sflag:s5] =	ssyncadd.s32 $0xFFFFFF80  }
0x3c9: {  	_ =	swait.ge [sflag:s5], $0x80  }
0x3ca: {  	[sflag:s5] =	ssyncset.done $0x0  }
0x3cb: {  	[sflag:s5] =	ssyncadd.s32 $0xFFFFFF80  }
0x3cc: {  	_ =	swait.ge [sflag:s5], $0x80  }
0x3cd: {  	[sflag:s5] =	ssyncset.done $0x0  }
0x3ce: {  	[sflag:s5] =	ssyncadd.s32 $0xFFFFFF80  }
0x3cf: {  	_ =	swait.ge [sflag:s5], $0x80  }
0x3d0: {  	[sflag:s5] =	ssyncset.done $0x0  }
0x3d1: {  	[sflag:s5] =	ssyncadd.s32 $0xFFFFFF80  }
0x3d2: {  	_ =	swait.ge [sflag:s5], $0x80  }
0x3d3: {  	[sflag:s5] =	ssyncset.done $0x0  }
0x3d4: {  	[sflag:s5] =	ssyncadd.s32 $0xFFFFFF80  }
0x3d5: {  	_ =	swait.ge [sflag:s5], $0x80  }
0x3d6: {  	[sflag:s5] =	ssyncset.done $0x0  }
0x3d7: {  	[sflag:s5] =	ssyncadd.s32 $0xFFFFFF80  }
0x3d8: {  	[bflag:$0x0] =	sbarrier.arrive $0xFFFF  }
0x3d9: {  	s28 =	sld [smem:$0x7FC]  }
0x3da: {  	s25 =	stileid.u32;
	s24 =	sld [smem:$0x7E2]  }
0x3db: {  	s17 =	sadd.s32 $0xFFFFFFFF, s17;
	s26 =	sshll.u32 s25, $0x6  }
0x3dc: {  	s30 =	simm.s32 $0x11;
	s21 =	sor.u32 $0x1C11, s26;
	s29 =	sshrl.u32 s28, $0x3  }
0x3dd: {  	[hbm:s24], [sflag:s21] =	dma.local [spmem:s29], $0x200  }
0x3de: {  	p5 =	sne.s32 s17, $0x0;
	s31 =	simm.s32 $0x11;
	_ =	swait.ge [sflag:s30], $0x200  }
0x3df: {  	s0 =	simm.s32 @!p4 $0x11;
	s10 =	simm.s32 @!p4 $0x1;
	s9 =	sld [smem:$0x7E5]  }
0x3e0: {  	s15 =	simm.s32 @!p4 $0x10;
	s19 =	sshrl.u32 @!p4 s4, $0x3;
	[sflag:s30] =	ssyncset.done $0x0  }
.Ltmp0:
0x3e1: {  	s11 =	simm.s32 @!p4 $0x20;
	[sflag:s31] =	ssyncadd.s32 $0xFFFFFE00;
	(pc) =	sbr.rel @p5 .LBB2_1-.Ltmp0, $4  }
0x3e2: {  	[hbm:s9@s11], [sflag:s21] =	dma.strided @!p4 [spmem:s19@s15], $0x40, s10, $0x10   }
0x3e3: {  	_ =	swait.ge @!p4 [sflag:s0], $0x40  }
0x3e4: {  	[sflag:s0] =	ssyncset.done @!p4 $0x0;
	s0 =	simm.s32 @!p4 $0x11  }
0x3e5: {  	s26 =	smov.u32 s17;
	[sflag:s0] =	ssyncadd.s32 @!p4 $0xFFFFFFC0  }
0x3e6: {  	_ =	sfence.sel $0x180000  }
0x3e7: {  	[bflag:$0x0] =	sbarrier.arrive $0xFFFF  }
0x3e8: {  	_ =	strace $0x90000047  }
0x3e9: {  	[bflag:$0x2] =	sbarrier.arrive $0xFFFF  }
0x3ea: {  	s0 =	rddreg [dreg:$0x6]  }
0x3eb: {  	s0 =	sadd.s32 @!p4 $0x100000, s0  }
0x3ec: {  	[sflag:s0] =	ssyncadd.tile.s32 @!p4 $0x1;
	_ =	shalt  }
.Lfunc_end2:
_tile_overlayer_lowered:
.L_overlay_start_2:
0x3ed: {  	(tag) =	ssettag $0x2  }
0x3ee: {  	s0 =	rddreg [dreg:$0x0];
	s2 =	stileid.u32  }
0x3ef: {  	s1 =	rddreg [dreg:$0x1];
	p0 =	sne.s32 s2, $0x0  }
0x3f0: {  	s3 =	rddreg [dreg:$0x2];
	[bflag:$0x3] =	sbarrier.arrive $0xFFFF;
	s2 =	simm.s32 @!p0 $0x1C11  }
0x3f1: {  	[timem:s3], [sflag:s2] =	dma.local @!p0 [hbm:s0], s1  }
0x3f2: {  	s0 =	simm.s32 @!p0 $0x11  }
0x3f3: {  	_ =	swait.ge @!p0 [sflag:s0], s1  }
0x3f4: {  	s1 =	ssub.s32 @!p0 $0x0, s1;
	[sflag:s0] =	ssyncset.done @!p0 $0x0  }
0x3f5: {  	[sflag:s0] =	ssyncadd.s32 @!p0 s1  }
0x3f6: {  	[bflag:$0x3] =	sbarrier.arrive $0xFFFF  }
0x3f7: {  	_ =	shalt  }

</sc_bundles>
